<compile_context>
chip_gen: v7x
topology: tpu7x:2x2x1
jax: 0.10.2.dev20260603
libtpu: 0.0.44.dev20260713+nightly
codegen_flags: <defaults>
</compile_context>

<pallas_src>
import functools

import jax
import jax.numpy as jnp
from jax import lax
from jax.experimental import pallas as pl
from jax.experimental.pallas import tpu as pltpu
from jax.experimental.pallas import tpu_sc as plsc

_NB = 16384
_NS = 50
_D = 32
_V = 1000000
_NW = 32
_BT = _NB // 128
_N_BLOCKS = _NS * _BT
_PER_W = _N_BLOCKS // _NW
_IDX_PER_W = _PER_W * 128


def _make_sc_gather():
  mesh = plsc.VectorSubcoreMesh(core_axis_name="c", subcore_axis_name="s")

  @functools.partial(
      pl.kernel,
      mesh=mesh,
      out_type=jax.ShapeDtypeStruct((_NS, _D // 8, _BT, 8, 128), jnp.float32),
      compiler_params=pltpu.CompilerParams(
          use_tc_tiling_on_sc=False, needs_layout_passes=False),
      scratch_types=[
          pltpu.VMEM((_IDX_PER_W,), jnp.int32),
          pltpu.VMEM((4, 128, _D), jnp.float32),
          pltpu.VMEM((2, _D, 129), jnp.float32),
          pltpu.SemaphoreType.DMA,
          pltpu.SemaphoreType.DMA((2,)),
      ],
  )
  def gather_kernel(table_hbm, idx_hbm, out_hbm, idx_v, rows_v, tiles_v,
                    gsem, ssem):
    wid = lax.axis_index("s") * 2 + lax.axis_index("c")
    pltpu.sync_copy(idx_hbm.at[wid], idx_v)
    k_base = wid * _PER_W

    def gather_desc(g, buf):
      return pltpu.make_async_copy(
          table_hbm.at[idx_v.at[pl.ds(g * 128, 128)]],
          rows_v.at[buf],
          gsem,
      )

    def store_descs(g, buf):
      k = k_base + g
      s = k // _BT
      bt = k % _BT
      return [
          pltpu.make_async_copy(
              tiles_v.at[buf, pl.ds(dt * 8, 8), pl.ds(0, 128)],
              out_hbm.at[s, dt, bt],
              ssem.at[buf],
          )
          for dt in range(_D // 8)
      ]

    for p in range(3):
      gather_desc(p, p % 4).start()

    def body(g, carry):
      rbuf = g % 4
      buf = g % 2
      gather_desc(g, rbuf).wait()
      @pl.when(g + 3 < _PER_W)
      def _():
        gather_desc(g + 3, (g + 3) % 4).start()
      @pl.when(g >= 2)
      def _():
        for c in store_descs(g - 2, buf):
          c.wait()

      lanes = lax.iota(jnp.int32, 16)
      for j in range(128):
        col = jnp.full((16,), j, jnp.int32)
        for dd in range(2):
          vals = rows_v[rbuf, j, pl.ds(16 * dd, 16)]
          plsc.store_scatter(tiles_v.at[buf], [lanes + (16 * dd), col], vals)

      for c in store_descs(g, buf):
        c.start()
      return carry

    lax.fori_loop(0, _PER_W, body, 0)

    for g in (_PER_W - 2, _PER_W - 1):
      for c in store_descs(g, g % 2):
        c.wait()

  return gather_kernel


_sc_gather = _make_sc_gather()


def kernel(indices, word_vectors):
  idx_t = indices.astype(jnp.int32).T.reshape(_NW, _IDX_PER_W)
  y5 = _sc_gather(word_vectors, idx_t)
  out = jnp.transpose(y5, (2, 4, 0, 1, 3)).reshape(_NB, _NS, _D)
  return out

# --- scband reference (transcript-rebuilt; emitter-appended) ---
"""Pipeline reference for scband-pretrained-word-embeddings-67310727463016 (READ-ONLY COPY).

The authoritative reference and input builder live on the scoring server;
editing this copy changes nothing except your own understanding.
"""

import jax, jax.numpy as jnp
import numpy as np


def setup_inputs(seed: int = 0) -> dict:
    key = jax.random.key(seed)
    k1, k2 = jax.random.split(key)
    indices = jax.random.randint(k1, (16384, 50), 0, 1000000, dtype=jnp.int64)
    word_vectors = jax.random.normal(k2, (1000000, 32), dtype=jnp.float32)
    return {"indices": indices, "word_vectors": word_vectors}


def reference(indices, word_vectors):
    # nn.Embedding.from_pretrained(word_vectors)(indices) -> gather rows
    return jnp.take(word_vectors, indices, axis=0)

if __name__ == "__main__":
    import jax
    _d = setup_inputs()
    print(jax.jit(kernel)(*tuple(_d.values())))

</pallas_src>

<mosaic_0001>
#map = affine_map<(d0, d1) -> (0, 0)>
#map1 = affine_map<(d0, d1) -> (0, 0, 0, 0, 0)>
module attributes {stable_mosaic.version = 14 : i64} {
  func.func @gather_kernel(%arg0: i32, %arg1: i32, %arg2: memref<1000000x32xf32, #tpu.memory_space<hbm>>, %arg3: memref<32x25600xi32, #tpu.memory_space<hbm>>, %arg4: memref<50x4x128x8x128xf32, #tpu.memory_space<hbm>>, %arg5: memref<25600xi32, #tpu.memory_space<vmem>>, %arg6: memref<4x128x32xf32, #tpu.memory_space<vmem>>, %arg7: memref<2x32x129xf32, #tpu.memory_space<vmem>>, %arg8: memref<!tpu.dma_semaphore, #tpu.memory_space<semaphore_mem>>, %arg9: memref<2x!tpu.dma_semaphore, #tpu.memory_space<semaphore_mem>>) attributes {dimension_semantics = [#tpu.dimension_semantics<core_parallel>, #tpu.dimension_semantics<subcore_parallel>], iteration_bounds = array<i64: 2, 16>, scalar_prefetch = 0 : i64, scratch_operands = 5 : i64, tpu.core_type = #tpu.core_type<sc_vector_subcore>, window_params = [{transform_indices = #map}, {transform_indices = #map}, {transform_indices = #map1}]} {
    %mul3A = arith.constant 2 : i32
    %mul3A_0 = arith.muli %arg1, %mul3A : i32
    %add3A = arith.addi %mul3A_0, %arg0 : i32
    "tpu.region"() ({
      %run_scoped3A = tpu.sem_alloc : memref<!tpu.dma_semaphore, #tpu.memory_space<semaphore_mem>>
      %dma_start3A_278 = arith.constant 0 : i32
      %dma_start3A_279 = tpu.memref_slice %arg3[%add3A, %dma_start3A_278] : memref<32x25600xi32, #tpu.memory_space<hbm>> -> memref<1x25600xi32, #tpu.memory_space<hbm>>
      %dma_start3A_280 = tpu.memref_squeeze %dma_start3A_279 : memref<1x25600xi32, #tpu.memory_space<hbm>> -> memref<25600xi32, #tpu.memory_space<hbm>>
      %dma_start3A_281 = arith.constant 0 : i32
      %dma_start3A_282 = tpu.memref_slice %arg3[%add3A, %dma_start3A_281] : memref<32x25600xi32, #tpu.memory_space<hbm>> -> memref<1x25600xi32, #tpu.memory_space<hbm>>
      %dma_start3A_283 = tpu.memref_squeeze %dma_start3A_282 : memref<1x25600xi32, #tpu.memory_space<hbm>> -> memref<25600xi32, #tpu.memory_space<hbm>>
      tpu.enqueue_dma source(%dma_start3A_283 : memref<25600xi32, #tpu.memory_space<hbm>>) target(%arg5 : memref<25600xi32, #tpu.memory_space<vmem>>) target_semaphore(%run_scoped3A : memref<!tpu.dma_semaphore, #tpu.memory_space<semaphore_mem>>)
      %dma_wait3A_284 = arith.constant 0 : i32
      %dma_wait3A_285 = tpu.memref_slice %arg3[%add3A, %dma_wait3A_284] : memref<32x25600xi32, #tpu.memory_space<hbm>> -> memref<1x25600xi32, #tpu.memory_space<hbm>>
      %dma_wait3A_286 = tpu.memref_squeeze %dma_wait3A_285 : memref<1x25600xi32, #tpu.memory_space<hbm>> -> memref<25600xi32, #tpu.memory_space<hbm>>
      %dma_wait3A_287 = arith.constant 0 : i32
      %dma_wait3A_288 = tpu.memref_slice %arg3[%add3A, %dma_wait3A_287] : memref<32x25600xi32, #tpu.memory_space<hbm>> -> memref<1x25600xi32, #tpu.memory_space<hbm>>
      %dma_wait3A_289 = tpu.memref_squeeze %dma_wait3A_288 : memref<1x25600xi32, #tpu.memory_space<hbm>> -> memref<25600xi32, #tpu.memory_space<hbm>>
      tpu.wait_dma2 semaphore(%run_scoped3A : memref<!tpu.dma_semaphore, #tpu.memory_space<semaphore_mem>>) src(%dma_wait3A_289 : memref<25600xi32, #tpu.memory_space<hbm>>) dst(%arg5 : memref<25600xi32, #tpu.memory_space<vmem>>)
      tpu.yield
    }) : () -> ()
    %mul3A_1 = arith.constant 200 : i32
    %mul3A_2 = arith.muli %add3A, %mul3A_1 : i32
    %dma_start3A = arith.constant 0 : i32
    %dma_start3A_3 = arith.constant 0 : i32
    %dma_start3A_4 = arith.constant 0 : i32
    %dma_start3A_5 = tpu.memref_slice %arg6[%dma_start3A, %dma_start3A_3, %dma_start3A_4] : memref<4x128x32xf32, #tpu.memory_space<vmem>> -> memref<1x128x32xf32, #tpu.memory_space<vmem>>
    %dma_start3A_6 = tpu.memref_squeeze %dma_start3A_5 : memref<1x128x32xf32, #tpu.memory_space<vmem>> -> memref<128x32xf32, #tpu.memory_space<vmem>>
    %dma_start3A_7 = arith.constant 0 : i32
    %dma_start3A_8 = tpu.memref_slice %arg5[%dma_start3A_7] : memref<25600xi32, #tpu.memory_space<vmem>> -> memref<128xi32, #tpu.memory_space<vmem>>
    %dma_start3A_9 = arith.constant 0 : i32
    %dma_start3A_10 = arith.constant 0 : i32
    %dma_start3A_11 = tpu.memref_slice %arg2[%dma_start3A_9, %dma_start3A_10] : memref<1000000x32xf32, #tpu.memory_space<hbm>> -> memref<1000000x32xf32, #tpu.memory_space<hbm>>
    tpu.enqueue_indirect_dma source(%dma_start3A_11 : memref<1000000x32xf32, #tpu.memory_space<hbm>>) target(%dma_start3A_6 : memref<128x32xf32, #tpu.memory_space<vmem>>) offsets(%dma_start3A_8 : memref<128xi32, #tpu.memory_space<vmem>>) semaphore(%arg8 : memref<!tpu.dma_semaphore, #tpu.memory_space<semaphore_mem>>)
    %dma_start3A_12 = arith.constant 1 : i32
    %dma_start3A_13 = arith.constant 0 : i32
    %dma_start3A_14 = arith.constant 0 : i32
    %dma_start3A_15 = tpu.memref_slice %arg6[%dma_start3A_12, %dma_start3A_13, %dma_start3A_14] : memref<4x128x32xf32, #tpu.memory_space<vmem>> -> memref<1x128x32xf32, #tpu.memory_space<vmem>>
    %dma_start3A_16 = tpu.memref_squeeze %dma_start3A_15 : memref<1x128x32xf32, #tpu.memory_space<vmem>> -> memref<128x32xf32, #tpu.memory_space<vmem>>
    %dma_start3A_17 = arith.constant 128 : i32
    %dma_start3A_18 = tpu.memref_slice %arg5[%dma_start3A_17] : memref<25600xi32, #tpu.memory_space<vmem>> -> memref<128xi32, #tpu.memory_space<vmem>>
    %dma_start3A_19 = arith.constant 0 : i32
    %dma_start3A_20 = arith.constant 0 : i32
    %dma_start3A_21 = tpu.memref_slice %arg2[%dma_start3A_19, %dma_start3A_20] : memref<1000000x32xf32, #tpu.memory_space<hbm>> -> memref<1000000x32xf32, #tpu.memory_space<hbm>>
    tpu.enqueue_indirect_dma source(%dma_start3A_21 : memref<1000000x32xf32, #tpu.memory_space<hbm>>) target(%dma_start3A_16 : memref<128x32xf32, #tpu.memory_space<vmem>>) offsets(%dma_start3A_18 : memref<128xi32, #tpu.memory_space<vmem>>) semaphore(%arg8 : memref<!tpu.dma_semaphore, #tpu.memory_space<semaphore_mem>>)
    %dma_start3A_22 = arith.constant 2 : i32
    %dma_start3A_23 = arith.constant 0 : i32
    %dma_start3A_24 = arith.constant 0 : i32
    %dma_start3A_25 = tpu.memref_slice %arg6[%dma_start3A_22, %dma_start3A_23, %dma_start3A_24] : memref<4x128x32xf32, #tpu.memory_space<vmem>> -> memref<1x128x32xf32, #tpu.memory_space<vmem>>
    %dma_start3A_26 = tpu.memref_squeeze %dma_start3A_25 : memref<1x128x32xf32, #tpu.memory_space<vmem>> -> memref<128x32xf32, #tpu.memory_space<vmem>>
    %dma_start3A_27 = arith.constant 256 : i32
    %dma_start3A_28 = tpu.memref_slice %arg5[%dma_start3A_27] : memref<25600xi32, #tpu.memory_space<vmem>> -> memref<128xi32, #tpu.memory_space<vmem>>
    %dma_start3A_29 = arith.constant 0 : i32
    %dma_start3A_30 = arith.constant 0 : i32
    %dma_start3A_31 = tpu.memref_slice %arg2[%dma_start3A_29, %dma_start3A_30] : memref<1000000x32xf32, #tpu.memory_space<hbm>> -> memref<1000000x32xf32, #tpu.memory_space<hbm>>
    tpu.enqueue_indirect_dma source(%dma_start3A_31 : memref<1000000x32xf32, #tpu.memory_space<hbm>>) target(%dma_start3A_26 : memref<128x32xf32, #tpu.memory_space<vmem>>) offsets(%dma_start3A_28 : memref<128xi32, #tpu.memory_space<vmem>>) semaphore(%arg8 : memref<!tpu.dma_semaphore, #tpu.memory_space<semaphore_mem>>)
    %scan3A = arith.constant 0 : i32
    %scan3A_32 = arith.constant 0 : i32
    %scan3A_33 = arith.constant 200 : i32
    %scan3A_34 = arith.addi %scan3A_32, %scan3A_33 : i32
    %scan3A_35 = arith.constant 1 : i32
    scf.for %scan3A_278 = %scan3A_32 to %scan3A_34 step %scan3A_35  : i32 {
      %jit3A_279 = arith.constant 4 : i32
      %eq3A_280 = arith.constant 0 : i32
      %eq3A_281 = arith.cmpi eq, %jit3A_279, %eq3A_280 : i32
      %jit3A_282 = arith.constant 1 : i32
      %select_n3A_283 = arith.select %eq3A_281, %jit3A_282, %jit3A_279 : i32
      %rem3A_284 = arith.remsi %scan3A_278, %select_n3A_283 : i32
      %ne3A_285 = arith.constant 0 : i32
      %ne3A_286 = arith.cmpi ne, %rem3A_284, %ne3A_285 : i32
      %lt3A_287 = arith.constant 0 : i32
      %lt3A_288 = arith.cmpi slt, %rem3A_284, %lt3A_287 : i32
      %lt3A_289 = arith.constant 0 : i32
      %lt3A_290 = arith.cmpi slt, %select_n3A_283, %lt3A_289 : i32
      %ne3A_291 = arith.xori %lt3A_288, %lt3A_290 : i1
      %and3A_292 = arith.andi %ne3A_291, %ne3A_286 : i1
      %add3A_293 = arith.addi %rem3A_284, %select_n3A_283 : i32
      %select_n3A_294 = arith.select %and3A_292, %add3A_293, %rem3A_284 : i32
      %jit3A_295 = arith.constant 2 : i32
      %eq3A_296 = arith.constant 0 : i32
      %eq3A_297 = arith.cmpi eq, %jit3A_295, %eq3A_296 : i32
      %jit3A_298 = arith.constant 1 : i32
      %select_n3A_299 = arith.select %eq3A_297, %jit3A_298, %jit3A_295 : i32
      %rem3A_300 = arith.remsi %scan3A_278, %select_n3A_299 : i32
      %ne3A_301 = arith.constant 0 : i32
      %ne3A_302 = arith.cmpi ne, %rem3A_300, %ne3A_301 : i32
      %lt3A_303 = arith.constant 0 : i32
      %lt3A_304 = arith.cmpi slt, %rem3A_300, %lt3A_303 : i32
      %lt3A_305 = arith.constant 0 : i32
      %lt3A_306 = arith.cmpi slt, %select_n3A_299, %lt3A_305 : i32
      %ne3A_307 = arith.xori %lt3A_304, %lt3A_306 : i1
      %and3A_308 = arith.andi %ne3A_307, %ne3A_302 : i1
      %add3A_309 = arith.addi %rem3A_300, %select_n3A_299 : i32
      %select_n3A_310 = arith.select %and3A_308, %add3A_309, %rem3A_300 : i32
      %mul3A_311 = arith.constant 128 : i32
      %mul3A_312 = arith.muli %scan3A_278, %mul3A_311 : i32
      %dma_wait3A_313 = arith.constant 0 : i32
      %dma_wait3A_314 = arith.constant 0 : i32
      %dma_wait3A_315 = tpu.memref_slice %arg6[%select_n3A_294, %dma_wait3A_313, %dma_wait3A_314] : memref<4x128x32xf32, #tpu.memory_space<vmem>> -> memref<1x128x32xf32, #tpu.memory_space<vmem>>
      %dma_wait3A_316 = tpu.memref_squeeze %dma_wait3A_315 : memref<1x128x32xf32, #tpu.memory_space<vmem>> -> memref<128x32xf32, #tpu.memory_space<vmem>>
      %dma_wait3A_317 = tpu.memref_slice %arg5[%mul3A_312] : memref<25600xi32, #tpu.memory_space<vmem>> -> memref<128xi32, #tpu.memory_space<vmem>>
      %dma_wait3A_318 = arith.constant 0 : i32
      %dma_wait3A_319 = arith.constant 0 : i32
      %dma_wait3A_320 = tpu.memref_slice %arg2[%dma_wait3A_318, %dma_wait3A_319] : memref<1000000x32xf32, #tpu.memory_space<hbm>> -> memref<1000000x32xf32, #tpu.memory_space<hbm>>
      tpu.wait_indirect_dma semaphore(%arg8 : memref<!tpu.dma_semaphore, #tpu.memory_space<semaphore_mem>>) src(%dma_wait3A_320 : memref<1000000x32xf32, #tpu.memory_space<hbm>>) dst(%dma_wait3A_316 : memref<128x32xf32, #tpu.memory_space<vmem>>)
      %add3A_321 = arith.constant 3 : i32
      %add3A_322 = arith.addi %scan3A_278, %add3A_321 : i32
      %lt3A_323 = arith.constant 200 : i32
      %lt3A_324 = arith.cmpi slt, %add3A_322, %lt3A_323 : i32
      %convert_element_type3A = arith.extui %lt3A_324 : i1 to i32
      %cond3A = arith.constant 0 : i32
      %cond3A_325 = arith.cmpi ne, %convert_element_type3A, %cond3A : i32
      scf.if %cond3A_325 {
        %add3A_3772 = arith.constant 3 : i32
        %add3A_3773 = arith.addi %scan3A_278, %add3A_3772 : i32
        %add3A_3774 = arith.constant 3 : i32
        %add3A_3775 = arith.addi %scan3A_278, %add3A_3774 : i32
        %jit3A_3776 = arith.constant 4 : i32
        %eq3A_3777 = arith.constant 0 : i32
        %eq3A_3778 = arith.cmpi eq, %jit3A_3776, %eq3A_3777 : i32
        %jit3A_3779 = arith.constant 1 : i32
        %select_n3A_3780 = arith.select %eq3A_3778, %jit3A_3779, %jit3A_3776 : i32
        %rem3A_3781 = arith.remsi %add3A_3775, %select_n3A_3780 : i32
        %ne3A_3782 = arith.constant 0 : i32
        %ne3A_3783 = arith.cmpi ne, %rem3A_3781, %ne3A_3782 : i32
        %lt3A_3784 = arith.constant 0 : i32
        %lt3A_3785 = arith.cmpi slt, %rem3A_3781, %lt3A_3784 : i32
        %lt3A_3786 = arith.constant 0 : i32
        %lt3A_3787 = arith.cmpi slt, %select_n3A_3780, %lt3A_3786 : i32
        %ne3A_3788 = arith.xori %lt3A_3785, %lt3A_3787 : i1
        %and3A_3789 = arith.andi %ne3A_3788, %ne3A_3783 : i1
        %add3A_3790 = arith.addi %rem3A_3781, %select_n3A_3780 : i32
        %select_n3A_3791 = arith.select %and3A_3789, %add3A_3790, %rem3A_3781 : i32
        %mul3A_3792 = arith.constant 128 : i32
        %mul3A_3793 = arith.muli %add3A_3773, %mul3A_3792 : i32
        %dma_start3A_3794 = arith.constant 0 : i32
        %dma_start3A_3795 = arith.constant 0 : i32
        %dma_start3A_3796 = tpu.memref_slice %arg6[%select_n3A_3791, %dma_start3A_3794, %dma_start3A_3795] : memref<4x128x32xf32, #tpu.memory_space<vmem>> -> memref<1x128x32xf32, #tpu.memory_space<vmem>>
        %dma_start3A_3797 = tpu.memref_squeeze %dma_start3A_3796 : memref<1x128x32xf32, #tpu.memory_space<vmem>> -> memref<128x32xf32, #tpu.memory_space<vmem>>
        %dma_start3A_3798 = tpu.memref_slice %arg5[%mul3A_3793] : memref<25600xi32, #tpu.memory_space<vmem>> -> memref<128xi32, #tpu.memory_space<vmem>>
        %dma_start3A_3799 = arith.constant 0 : i32
        %dma_start3A_3800 = arith.constant 0 : i32
        %dma_start3A_3801 = tpu.memref_slice %arg2[%dma_start3A_3799, %dma_start3A_3800] : memref<1000000x32xf32, #tpu.memory_space<hbm>> -> memref<1000000x32xf32, #tpu.memory_space<hbm>>
        tpu.enqueue_indirect_dma source(%dma_start3A_3801 : memref<1000000x32xf32, #tpu.memory_space<hbm>>) target(%dma_start3A_3797 : memref<128x32xf32, #tpu.memory_space<vmem>>) offsets(%dma_start3A_3798 : memref<128xi32, #tpu.memory_space<vmem>>) semaphore(%arg8 : memref<!tpu.dma_semaphore, #tpu.memory_space<semaphore_mem>>)
      } else {
      }
      %ge3A = arith.constant 2 : i32
      %ge3A_326 = arith.cmpi sge, %scan3A_278, %ge3A : i32
      %convert_element_type3A_327 = arith.extui %ge3A_326 : i1 to i32
      %cond3A_328 = arith.constant 0 : i32
      %cond3A_329 = arith.cmpi ne, %convert_element_type3A_327, %cond3A_328 : i32
      scf.if %cond3A_329 {
        %sub3A_3772 = arith.constant 2 : i32
        %sub3A_3773 = arith.subi %scan3A_278, %sub3A_3772 : i32
        %add3A_3774 = arith.addi %mul3A_2, %sub3A_3773 : i32
        %jit3A_3775 = arith.constant 128 : i32
        %div3A_3776 = arith.divsi %add3A_3774, %jit3A_3775 : i32
        %sign3A_3777 = arith.constant 0 : i32
        %sign3A_3778 = arith.cmpi sgt, %add3A_3774, %sign3A_3777 : i32
        %sign3A_3779 = arith.extui %sign3A_3778 : i1 to i32
        %sign3A_3780 = arith.constant 0 : i32
        %sign3A_3781 = arith.cmpi slt, %add3A_3774, %sign3A_3780 : i32
        %sign3A_3782 = arith.extui %sign3A_3781 : i1 to i32
        %sign3A_3783 = arith.subi %sign3A_3779, %sign3A_3782 : i32
        %sign3A_3784 = arith.constant 0 : i32
        %sign3A_3785 = arith.cmpi sgt, %jit3A_3775, %sign3A_3784 : i32
        %sign3A_3786 = arith.extui %sign3A_3785 : i1 to i32
        %sign3A_3787 = arith.constant 0 : i32
        %sign3A_3788 = arith.cmpi slt, %jit3A_3775, %sign3A_3787 : i32
        %sign3A_3789 = arith.extui %sign3A_3788 : i1 to i32
        %sign3A_3790 = arith.subi %sign3A_3786, %sign3A_3789 : i32
        %ne3A_3791 = arith.cmpi ne, %sign3A_3783, %sign3A_3790 : i32
        %rem3A_3792 = arith.remsi %add3A_3774, %jit3A_3775 : i32
        %ne3A_3793 = arith.constant 0 : i32
        %ne3A_3794 = arith.cmpi ne, %rem3A_3792, %ne3A_3793 : i32
        %and3A_3795 = arith.andi %ne3A_3791, %ne3A_3794 : i1
        %sub3A_3796 = arith.constant 1 : i32
        %sub3A_3797 = arith.subi %div3A_3776, %sub3A_3796 : i32
        %select_n3A_3798 = arith.select %and3A_3795, %sub3A_3797, %div3A_3776 : i32
        %jit3A_3799 = arith.constant 128 : i32
        %eq3A_3800 = arith.constant 0 : i32
        %eq3A_3801 = arith.cmpi eq, %jit3A_3799, %eq3A_3800 : i32
        %jit3A_3802 = arith.constant 1 : i32
        %select_n3A_3803 = arith.select %eq3A_3801, %jit3A_3802, %jit3A_3799 : i32
        %rem3A_3804 = arith.remsi %add3A_3774, %select_n3A_3803 : i32
        %ne3A_3805 = arith.constant 0 : i32
        %ne3A_3806 = arith.cmpi ne, %rem3A_3804, %ne3A_3805 : i32
        %lt3A_3807 = arith.constant 0 : i32
        %lt3A_3808 = arith.cmpi slt, %rem3A_3804, %lt3A_3807 : i32
        %lt3A_3809 = arith.constant 0 : i32
        %lt3A_3810 = arith.cmpi slt, %select_n3A_3803, %lt3A_3809 : i32
        %ne3A_3811 = arith.xori %lt3A_3808, %lt3A_3810 : i1
        %and3A_3812 = arith.andi %ne3A_3811, %ne3A_3806 : i1
        %add3A_3813 = arith.addi %rem3A_3804, %select_n3A_3803 : i32
        %select_n3A_3814 = arith.select %and3A_3812, %add3A_3813, %rem3A_3804 : i32
        %dma_wait3A_3815 = arith.constant 0 : i32
        %dma_wait3A_3816 = arith.constant 0 : i32
        %dma_wait3A_3817 = arith.constant 0 : i32
        %dma_wait3A_3818 = tpu.memref_slice %arg7[%select_n3A_310, %dma_wait3A_3816, %dma_wait3A_3817] : memref<2x32x129xf32, #tpu.memory_space<vmem>> -> memref<1x8x128xf32, #tpu.memory_space<vmem>>
        %dma_wait3A_3819 = tpu.memref_squeeze %dma_wait3A_3818 : memref<1x8x128xf32, #tpu.memory_space<vmem>> -> memref<8x128xf32, #tpu.memory_space<vmem>>
        %dma_wait3A_3820 = arith.constant 0 : i32
        %dma_wait3A_3821 = arith.constant 0 : i32
        %dma_wait3A_3822 = tpu.memref_slice %arg4[%select_n3A_3798, %dma_wait3A_3815, %select_n3A_3814, %dma_wait3A_3820, %dma_wait3A_3821] : memref<50x4x128x8x128xf32, #tpu.memory_space<hbm>> -> memref<1x1x1x8x128xf32, #tpu.memory_space<hbm>>
        %dma_wait3A_3823 = tpu.memref_squeeze %dma_wait3A_3822 : memref<1x1x1x8x128xf32, #tpu.memory_space<hbm>> -> memref<8x128xf32, #tpu.memory_space<hbm>>
        %dma_wait3A_3824 = tpu.memref_slice %arg9[%select_n3A_310] : memref<2x!tpu.dma_semaphore, #tpu.memory_space<semaphore_mem>> -> memref<1x!tpu.dma_semaphore, #tpu.memory_space<semaphore_mem>>
        %dma_wait3A_3825 = tpu.memref_squeeze %dma_wait3A_3824 : memref<1x!tpu.dma_semaphore, #tpu.memory_space<semaphore_mem>> -> memref<!tpu.dma_semaphore, #tpu.memory_space<semaphore_mem>>
        %dma_wait3A_3826 = arith.constant 0 : i32
        %dma_wait3A_3827 = arith.constant 0 : i32
        %dma_wait3A_3828 = tpu.memref_slice %arg4[%select_n3A_3798, %dma_wait3A_3815, %select_n3A_3814, %dma_wait3A_3826, %dma_wait3A_3827] : memref<50x4x128x8x128xf32, #tpu.memory_space<hbm>> -> memref<1x1x1x8x128xf32, #tpu.memory_space<hbm>>
        %dma_wait3A_3829 = tpu.memref_squeeze %dma_wait3A_3828 : memref<1x1x1x8x128xf32, #tpu.memory_space<hbm>> -> memref<8x128xf32, #tpu.memory_space<hbm>>
        %dma_wait3A_3830 = arith.constant 0 : i32
        %dma_wait3A_3831 = arith.constant 0 : i32
        %dma_wait3A_3832 = tpu.memref_slice %arg7[%select_n3A_310, %dma_wait3A_3830, %dma_wait3A_3831] : memref<2x32x129xf32, #tpu.memory_space<vmem>> -> memref<1x8x128xf32, #tpu.memory_space<vmem>>
        %dma_wait3A_3833 = tpu.memref_squeeze %dma_wait3A_3832 : memref<1x8x128xf32, #tpu.memory_space<vmem>> -> memref<8x128xf32, #tpu.memory_space<vmem>>
        tpu.wait_dma2 semaphore(%dma_wait3A_3825 : memref<!tpu.dma_semaphore, #tpu.memory_space<semaphore_mem>>) src(%dma_wait3A_3833 : memref<8x128xf32, #tpu.memory_space<vmem>>) dst(%dma_wait3A_3829 : memref<8x128xf32, #tpu.memory_space<hbm>>)
        %dma_wait3A_3834 = arith.constant 1 : i32
        %dma_wait3A_3835 = arith.constant 8 : i32
        %dma_wait3A_3836 = arith.constant 0 : i32
        %dma_wait3A_3837 = tpu.memref_slice %arg7[%select_n3A_310, %dma_wait3A_3835, %dma_wait3A_3836] : memref<2x32x129xf32, #tpu.memory_space<vmem>> -> memref<1x8x128xf32, #tpu.memory_space<vmem>>
        %dma_wait3A_3838 = tpu.memref_squeeze %dma_wait3A_3837 : memref<1x8x128xf32, #tpu.memory_space<vmem>> -> memref<8x128xf32, #tpu.memory_space<vmem>>
        %dma_wait3A_3839 = arith.constant 0 : i32
        %dma_wait3A_3840 = arith.constant 0 : i32
        %dma_wait3A_3841 = tpu.memref_slice %arg4[%select_n3A_3798, %dma_wait3A_3834, %select_n3A_3814, %dma_wait3A_3839, %dma_wait3A_3840] : memref<50x4x128x8x128xf32, #tpu.memory_space<hbm>> -> memref<1x1x1x8x128xf32, #tpu.memory_space<hbm>>
        %dma_wait3A_3842 = tpu.memref_squeeze %dma_wait3A_3841 : memref<1x1x1x8x128xf32, #tpu.memory_space<hbm>> -> memref<8x128xf32, #tpu.memory_space<hbm>>
        %dma_wait3A_3843 = tpu.memref_slice %arg9[%select_n3A_310] : memref<2x!tpu.dma_semaphore, #tpu.memory_space<semaphore_mem>> -> memref<1x!tpu.dma_semaphore, #tpu.memory_space<semaphore_mem>>
        %dma_wait3A_3844 = tpu.memref_squeeze %dma_wait3A_3843 : memref<1x!tpu.dma_semaphore, #tpu.memory_space<semaphore_mem>> -> memref<!tpu.dma_semaphore, #tpu.memory_space<semaphore_mem>>
        %dma_wait3A_3845 = arith.constant 0 : i32
        %dma_wait3A_3846 = arith.constant 0 : i32
        %dma_wait3A_3847 = tpu.memref_slice %arg4[%select_n3A_3798, %dma_wait3A_3834, %select_n3A_3814, %dma_wait3A_3845, %dma_wait3A_3846] : memref<50x4x128x8x128xf32, #tpu.memory_space<hbm>> -> memref<1x1x1x8x128xf32, #tpu.memory_space<hbm>>
        %dma_wait3A_3848 = tpu.memref_squeeze %dma_wait3A_3847 : memref<1x1x1x8x128xf32, #tpu.memory_space<hbm>> -> memref<8x128xf32, #tpu.memory_space<hbm>>
        %dma_wait3A_3849 = arith.constant 8 : i32
        %dma_wait3A_3850 = arith.constant 0 : i32
        %dma_wait3A_3851 = tpu.memref_slice %arg7[%select_n3A_310, %dma_wait3A_3849, %dma_wait3A_3850] : memref<2x32x129xf32, #tpu.memory_space<vmem>> -> memref<1x8x128xf32, #tpu.memory_space<vmem>>
        %dma_wait3A_3852 = tpu.memref_squeeze %dma_wait3A_3851 : memref<1x8x128xf32, #tpu.memory_space<vmem>> -> memref<8x128xf32, #tpu.memory_space<vmem>>
        tpu.wait_dma2 semaphore(%dma_wait3A_3844 : memref<!tpu.dma_semaphore, #tpu.memory_space<semaphore_mem>>) src(%dma_wait3A_3852 : memref<8x128xf32, #tpu.memory_space<vmem>>) dst(%dma_wait3A_3848 : memref<8x128xf32, #tpu.memory_space<hbm>>)
        %dma_wait3A_3853 = arith.constant 2 : i32
        %dma_wait3A_3854 = arith.constant 16 : i32
        %dma_wait3A_3855 = arith.constant 0 : i32
        %dma_wait3A_3856 = tpu.memref_slice %arg7[%select_n3A_310, %dma_wait3A_3854, %dma_wait3A_3855] : memref<2x32x129xf32, #tpu.memory_space<vmem>> -> memref<1x8x128xf32, #tpu.memory_space<vmem>>
        %dma_wait3A_3857 = tpu.memref_squeeze %dma_wait3A_3856 : memref<1x8x128xf32, #tpu.memory_space<vmem>> -> memref<8x128xf32, #tpu.memory_space<vmem>>
        %dma_wait3A_3858 = arith.constant 0 : i32
        %dma_wait3A_3859 = arith.constant 0 : i32
        %dma_wait3A_3860 = tpu.memref_slice %arg4[%select_n3A_3798, %dma_wait3A_3853, %select_n3A_3814, %dma_wait3A_3858, %dma_wait3A_3859] : memref<50x4x128x8x128xf32, #tpu.memory_space<hbm>> -> memref<1x1x1x8x128xf32, #tpu.memory_space<hbm>>
        %dma_wait3A_3861 = tpu.memref_squeeze %dma_wait3A_3860 : memref<1x1x1x8x128xf32, #tpu.memory_space<hbm>> -> memref<8x128xf32, #tpu.memory_space<hbm>>
        %dma_wait3A_3862 = tpu.memref_slice %arg9[%select_n3A_310] : memref<2x!tpu.dma_semaphore, #tpu.memory_space<semaphore_mem>> -> memref<1x!tpu.dma_semaphore, #tpu.memory_space<semaphore_mem>>
        %dma_wait3A_3863 = tpu.memref_squeeze %dma_wait3A_3862 : memref<1x!tpu.dma_semaphore, #tpu.memory_space<semaphore_mem>> -> memref<!tpu.dma_semaphore, #tpu.memory_space<semaphore_mem>>
        %dma_wait3A_3864 = arith.constant 0 : i32
        %dma_wait3A_3865 = arith.constant 0 : i32
        %dma_wait3A_3866 = tpu.memref_slice %arg4[%select_n3A_3798, %dma_wait3A_3853, %select_n3A_3814, %dma_wait3A_3864, %dma_wait3A_3865] : memref<50x4x128x8x128xf32, #tpu.memory_space<hbm>> -> memref<1x1x1x8x128xf32, #tpu.memory_space<hbm>>
        %dma_wait3A_3867 = tpu.memref_squeeze %dma_wait3A_3866 : memref<1x1x1x8x128xf32, #tpu.memory_space<hbm>> -> memref<8x128xf32, #tpu.memory_space<hbm>>
        %dma_wait3A_3868 = arith.constant 16 : i32
        %dma_wait3A_3869 = arith.constant 0 : i32
        %dma_wait3A_3870 = tpu.memref_slice %arg7[%select_n3A_310, %dma_wait3A_3868, %dma_wait3A_3869] : memref<2x32x129xf32, #tpu.memory_space<vmem>> -> memref<1x8x128xf32, #tpu.memory_space<vmem>>
        %dma_wait3A_3871 = tpu.memref_squeeze %dma_wait3A_3870 : memref<1x8x128xf32, #tpu.memory_space<vmem>> -> memref<8x128xf32, #tpu.memory_space<vmem>>
        tpu.wait_dma2 semaphore(%dma_wait3A_3863 : memref<!tpu.dma_semaphore, #tpu.memory_space<semaphore_mem>>) src(%dma_wait3A_3871 : memref<8x128xf32, #tpu.memory_space<vmem>>) dst(%dma_wait3A_3867 : memref<8x128xf32, #tpu.memory_space<hbm>>)
        %dma_wait3A_3872 = arith.constant 3 : i32
        %dma_wait3A_3873 = arith.constant 24 : i32
        %dma_wait3A_3874 = arith.constant 0 : i32
        %dma_wait3A_3875 = tpu.memref_slice %arg7[%select_n3A_310, %dma_wait3A_3873, %dma_wait3A_3874] : memref<2x32x129xf32, #tpu.memory_space<vmem>> -> memref<1x8x128xf32, #tpu.memory_space<vmem>>
        %dma_wait3A_3876 = tpu.memref_squeeze %dma_wait3A_3875 : memref<1x8x128xf32, #tpu.memory_space<vmem>> -> memref<8x128xf32, #tpu.memory_space<vmem>>
        %dma_wait3A_3877 = arith.constant 0 : i32
        %dma_wait3A_3878 = arith.constant 0 : i32
        %dma_wait3A_3879 = tpu.memref_slice %arg4[%select_n3A_3798, %dma_wait3A_3872, %select_n3A_3814, %dma_wait3A_3877, %dma_wait3A_3878] : memref<50x4x128x8x128xf32, #tpu.memory_space<hbm>> -> memref<1x1x1x8x128xf32, #tpu.memory_space<hbm>>
        %dma_wait3A_3880 = tpu.memref_squeeze %dma_wait3A_3879 : memref<1x1x1x8x128xf32, #tpu.memory_space<hbm>> -> memref<8x128xf32, #tpu.memory_space<hbm>>
        %dma_wait3A_3881 = tpu.memref_slice %arg9[%select_n3A_310] : memref<2x!tpu.dma_semaphore, #tpu.memory_space<semaphore_mem>> -> memref<1x!tpu.dma_semaphore, #tpu.memory_space<semaphore_mem>>
        %dma_wait3A_3882 = tpu.memref_squeeze %dma_wait3A_3881 : memref<1x!tpu.dma_semaphore, #tpu.memory_space<semaphore_mem>> -> memref<!tpu.dma_semaphore, #tpu.memory_space<semaphore_mem>>
        %dma_wait3A_3883 = arith.constant 0 : i32
        %dma_wait3A_3884 = arith.constant 0 : i32
        %dma_wait3A_3885 = tpu.memref_slice %arg4[%select_n3A_3798, %dma_wait3A_3872, %select_n3A_3814, %dma_wait3A_3883, %dma_wait3A_3884] : memref<50x4x128x8x128xf32, #tpu.memory_space<hbm>> -> memref<1x1x1x8x128xf32, #tpu.memory_space<hbm>>
        %dma_wait3A_3886 = tpu.memref_squeeze %dma_wait3A_3885 : memref<1x1x1x8x128xf32, #tpu.memory_space<hbm>> -> memref<8x128xf32, #tpu.memory_space<hbm>>
        %dma_wait3A_3887 = arith.constant 24 : i32
        %dma_wait3A_3888 = arith.constant 0 : i32
        %dma_wait3A_3889 = tpu.memref_slice %arg7[%select_n3A_310, %dma_wait3A_3887, %dma_wait3A_3888] : memref<2x32x129xf32, #tpu.memory_space<vmem>> -> memref<1x8x128xf32, #tpu.memory_space<vmem>>
        %dma_wait3A_3890 = tpu.memref_squeeze %dma_wait3A_3889 : memref<1x8x128xf32, #tpu.memory_space<vmem>> -> memref<8x128xf32, #tpu.memory_space<vmem>>
        tpu.wait_dma2 semaphore(%dma_wait3A_3882 : memref<!tpu.dma_semaphore, #tpu.memory_space<semaphore_mem>>) src(%dma_wait3A_3890 : memref<8x128xf32, #tpu.memory_space<vmem>>) dst(%dma_wait3A_3886 : memref<8x128xf32, #tpu.memory_space<hbm>>)
      } else {
      }
      %iota3A = tpu.iota {dimensions = array<i32: 0>} : vector<16xi32>
      %broadcast_in_dim3A = arith.constant 0 : i32
      %broadcast_in_dim3A_330 = vector.broadcast %broadcast_in_dim3A : i32 to vector<16xi32>
      %get3A = arith.constant 0 : i32
      %get3A_331 = arith.index_cast %select_n3A_294 : i32 to index
      %get3A_332 = arith.index_cast %get3A : i32 to index
      %get3A_333 = arith.constant 0 : index
      %get3A_334 = tpu.vector_load %arg6[%get3A_331, %get3A_332, %get3A_333] {strides = array<i32>} : memref<4x128x32xf32, #tpu.memory_space<vmem>>, vector<16xf32>,
      %add3A_335 = arith.constant 0 : i32
      %add3A_336 = vector.broadcast %add3A_335 : i32 to vector<16xi32>
      %add3A_337 = arith.addi %iota3A, %add3A_336 : vector<16xi32>
      %scatter3A = arith.constant 0 : i32
      %scatter3A_338 = arith.constant 0 : i32
      %scatter3A_339 = tpu.memref_slice %arg7[%select_n3A_310, %scatter3A, %scatter3A_338] : memref<2x32x129xf32, #tpu.memory_space<vmem>> -> memref<1x32x129xf32, #tpu.memory_space<vmem>>
      %scatter3A_340 = tpu.memref_squeeze %scatter3A_339 : memref<1x32x129xf32, #tpu.memory_space<vmem>> -> memref<32x129xf32, #tpu.memory_space<vmem>>
      tpu.vector_store_idx %scatter3A_340[%add3A_337, %broadcast_in_dim3A_330], %get3A_334 : memref<32x129xf32, #tpu.memory_space<vmem>>[vector<16xi32>, vector<16xi32>], vector<16xf32>,
      %get3A_341 = arith.constant 0 : i32
      %get3A_342 = arith.index_cast %select_n3A_294 : i32 to index
      %get3A_343 = arith.index_cast %get3A_341 : i32 to index
      %get3A_344 = arith.constant 16 : index
      %get3A_345 = tpu.vector_load %arg6[%get3A_342, %get3A_343, %get3A_344] {strides = array<i32>} : memref<4x128x32xf32, #tpu.memory_space<vmem>>, vector<16xf32>,
      %add3A_346 = arith.constant 16 : i32
      %add3A_347 = vector.broadcast %add3A_346 : i32 to vector<16xi32>
      %add3A_348 = arith.addi %iota3A, %add3A_347 : vector<16xi32>
      %scatter3A_349 = arith.constant 0 : i32
      %scatter3A_350 = arith.constant 0 : i32
      %scatter3A_351 = tpu.memref_slice %arg7[%select_n3A_310, %scatter3A_349, %scatter3A_350] : memref<2x32x129xf32, #tpu.memory_space<vmem>> -> memref<1x32x129xf32, #tpu.memory_space<vmem>>
      %scatter3A_352 = tpu.memref_squeeze %scatter3A_351 : memref<1x32x129xf32, #tpu.memory_space<vmem>> -> memref<32x129xf32, #tpu.memory_space<vmem>>
      tpu.vector_store_idx %scatter3A_352[%add3A_348, %broadcast_in_dim3A_330], %get3A_345 : memref<32x129xf32, #tpu.memory_space<vmem>>[vector<16xi32>, vector<16xi32>], vector<16xf32>,
      %broadcast_in_dim3A_353 = arith.constant 1 : i32
      %broadcast_in_dim3A_354 = vector.broadcast %broadcast_in_dim3A_353 : i32 to vector<16xi32>
      %get3A_355 = arith.constant 1 : i32
      %get3A_356 = arith.index_cast %select_n3A_294 : i32 to index
      %get3A_357 = arith.index_cast %get3A_355 : i32 to index
      %get3A_358 = arith.constant 0 : index
      %get3A_359 = tpu.vector_load %arg6[%get3A_356, %get3A_357, %get3A_358] {strides = array<i32>} : memref<4x128x32xf32, #tpu.memory_space<vmem>>, vector<16xf32>,
      %add3A_360 = arith.constant 0 : i32
      %add3A_361 = vector.broadcast %add3A_360 : i32 to vector<16xi32>
      %add3A_362 = arith.addi %iota3A, %add3A_361 : vector<16xi32>
      %scatter3A_363 = arith.constant 0 : i32
      %scatter3A_364 = arith.constant 0 : i32
      %scatter3A_365 = tpu.memref_slice %arg7[%select_n3A_310, %scatter3A_363, %scatter3A_364] : memref<2x32x129xf32, #tpu.memory_space<vmem>> -> memref<1x32x129xf32, #tpu.memory_space<vmem>>
      %scatter3A_366 = tpu.memref_squeeze %scatter3A_365 : memref<1x32x129xf32, #tpu.memory_space<vmem>> -> memref<32x129xf32, #tpu.memory_space<vmem>>
      tpu.vector_store_idx %scatter3A_366[%add3A_362, %broadcast_in_dim3A_354], %get3A_359 : memref<32x129xf32, #tpu.memory_space<vmem>>[vector<16xi32>, vector<16xi32>], vector<16xf32>,
      %get3A_367 = arith.constant 1 : i32
      %get3A_368 = arith.index_cast %select_n3A_294 : i32 to index
      %get3A_369 = arith.index_cast %get3A_367 : i32 to index
      %get3A_370 = arith.constant 16 : index
      %get3A_371 = tpu.vector_load %arg6[%get3A_368, %get3A_369, %get3A_370] {strides = array<i32>} : memref<4x128x32xf32, #tpu.memory_space<vmem>>, vector<16xf32>,
      %add3A_372 = arith.constant 16 : i32
      %add3A_373 = vector.broadcast %add3A_372 : i32 to vector<16xi32>
      %add3A_374 = arith.addi %iota3A, %add3A_373 : vector<16xi32>
      %scatter3A_375 = arith.constant 0 : i32
      %scatter3A_376 = arith.constant 0 : i32
      %scatter3A_377 = tpu.memref_slice %arg7[%select_n3A_310, %scatter3A_375, %scatter3A_376] : memref<2x32x129xf32, #tpu.memory_space<vmem>> -> memref<1x32x129xf32, #tpu.memory_space<vmem>>
      %scatter3A_378 = tpu.memref_squeeze %scatter3A_377 : memref<1x32x129xf32, #tpu.memory_space<vmem>> -> memref<32x129xf32, #tpu.memory_space<vmem>>
      tpu.vector_store_idx %scatter3A_378[%add3A_374, %broadcast_in_dim3A_354], %get3A_371 : memref<32x129xf32, #tpu.memory_space<vmem>>[vector<16xi32>, vector<16xi32>], vector<16xf32>,
      %broadcast_in_dim3A_379 = arith.constant 2 : i32
      %broadcast_in_dim3A_380 = vector.broadcast %broadcast_in_dim3A_379 : i32 to vector<16xi32>
      %get3A_381 = arith.constant 2 : i32
      %get3A_382 = arith.index_cast %select_n3A_294 : i32 to index
      %get3A_383 = arith.index_cast %get3A_381 : i32 to index
      %get3A_384 = arith.constant 0 : index
      %get3A_385 = tpu.vector_load %arg6[%get3A_382, %get3A_383, %get3A_384] {strides = array<i32>} : memref<4x128x32xf32, #tpu.memory_space<vmem>>, vector<16xf32>,
      %add3A_386 = arith.constant 0 : i32
      %add3A_387 = vector.broadcast %add3A_386 : i32 to vector<16xi32>
      %add3A_388 = arith.addi %iota3A, %add3A_387 : vector<16xi32>
      %scatter3A_389 = arith.constant 0 : i32
      %scatter3A_390 = arith.constant 0 : i32
      %scatter3A_391 = tpu.memref_slice %arg7[%select_n3A_310, %scatter3A_389, %scatter3A_390] : memref<2x32x129xf32, #tpu.memory_space<vmem>> -> memref<1x32x129xf32, #tpu.memory_space<vmem>>
      %scatter3A_392 = tpu.memref_squeeze %scatter3A_391 : memref<1x32x129xf32, #tpu.memory_space<vmem>> -> memref<32x129xf32, #tpu.memory_space<vmem>>
      tpu.vector_store_idx %scatter3A_392[%add3A_388, %broadcast_in_dim3A_380], %get3A_385 : memref<32x129xf32, #tpu.memory_space<vmem>>[vector<16xi32>, vector<16xi32>], vector<16xf32>,
      %get3A_393 = arith.constant 2 : i32
      %get3A_394 = arith.index_cast %select_n3A_294 : i32 to index
      %get3A_395 = arith.index_cast %get3A_393 : i32 to index
      %get3A_396 = arith.constant 16 : index
      %get3A_397 = tpu.vector_load %arg6[%get3A_394, %get3A_395, %get3A_396] {strides = array<i32>} : memref<4x128x32xf32, #tpu.memory_space<vmem>>, vector<16xf32>,
      %add3A_398 = arith.constant 16 : i32
      %add3A_399 = vector.broadcast %add3A_398 : i32 to vector<16xi32>
      %add3A_400 = arith.addi %iota3A, %add3A_399 : vector<16xi32>
      %scatter3A_401 = arith.constant 0 : i32
      %scatter3A_402 = arith.constant 0 : i32
      %scatter3A_403 = tpu.memref_slice %arg7[%select_n3A_310, %scatter3A_401, %scatter3A_402] : memref<2x32x129xf32, #tpu.memory_space<vmem>> -> memref<1x32x129xf32, #tpu.memory_space<vmem>>
      %scatter3A_404 = tpu.memref_squeeze %scatter3A_403 : memref<1x32x129xf32, #tpu.memory_space<vmem>> -> memref<32x129xf32, #tpu.memory_space<vmem>>
      tpu.vector_store_idx %scatter3A_404[%add3A_400, %broadcast_in_dim3A_380], %get3A_397 : memref<32x129xf32, #tpu.memory_space<vmem>>[vector<16xi32>, vector<16xi32>], vector<16xf32>,
      %broadcast_in_dim3A_405 = arith.constant 3 : i32
      %broadcast_in_dim3A_406 = vector.broadcast %broadcast_in_dim3A_405 : i32 to vector<16xi32>
      %get3A_407 = arith.constant 3 : i32
      %get3A_408 = arith.index_cast %select_n3A_294 : i32 to index
      %get3A_409 = arith.index_cast %get3A_407 : i32 to index
      %get3A_410 = arith.constant 0 : index
      %get3A_411 = tpu.vector_load %arg6[%get3A_408, %get3A_409, %get3A_410] {strides = array<i32>} : memref<4x128x32xf32, #tpu.memory_space<vmem>>, vector<16xf32>,
      %add3A_412 = arith.constant 0 : i32
      %add3A_413 = vector.broadcast %add3A_412 : i32 to vector<16xi32>
      %add3A_414 = arith.addi %iota3A, %add3A_413 : vector<16xi32>
      %scatter3A_415 = arith.constant 0 : i32
      %scatter3A_416 = arith.constant 0 : i32
      %scatter3A_417 = tpu.memref_slice %arg7[%select_n3A_310, %scatter3A_415, %scatter3A_416] : memref<2x32x129xf32, #tpu.memory_space<vmem>> -> memref<1x32x129xf32, #tpu.memory_space<vmem>>
      %scatter3A_418 = tpu.memref_squeeze %scatter3A_417 : memref<1x32x129xf32, #tpu.memory_space<vmem>> -> memref<32x129xf32, #tpu.memory_space<vmem>>
      tpu.vector_store_idx %scatter3A_418[%add3A_414, %broadcast_in_dim3A_406], %get3A_411 : memref<32x129xf32, #tpu.memory_space<vmem>>[vector<16xi32>, vector<16xi32>], vector<16xf32>,
      %get3A_419 = arith.constant 3 : i32
      %get3A_420 = arith.index_cast %select_n3A_294 : i32 to index
      %get3A_421 = arith.index_cast %get3A_419 : i32 to index
      %get3A_422 = arith.constant 16 : index
      %get3A_423 = tpu.vector_load %arg6[%get3A_420, %get3A_421, %get3A_422] {strides = array<i32>} : memref<4x128x32xf32, #tpu.memory_space<vmem>>, vector<16xf32>,
      %add3A_424 = arith.constant 16 : i32
      %add3A_425 = vector.broadcast %add3A_424 : i32 to vector<16xi32>
      %add3A_426 = arith.addi %iota3A, %add3A_425 : vector<16xi32>
      %scatter3A_427 = arith.constant 0 : i32
      %scatter3A_428 = arith.constant 0 : i32
      %scatter3A_429 = tpu.memref_slice %arg7[%select_n3A_310, %scatter3A_427, %scatter3A_428] : memref<2x32x129xf32, #tpu.memory_space<vmem>> -> memref<1x32x129xf32, #tpu.memory_space<vmem>>
      %scatter3A_430 = tpu.memref_squeeze %scatter3A_429 : memref<1x32x129xf32, #tpu.memory_space<vmem>> -> memref<32x129xf32, #tpu.memory_space<vmem>>
      tpu.vector_store_idx %scatter3A_430[%add3A_426, %broadcast_in_dim3A_406], %get3A_423 : memref<32x129xf32, #tpu.memory_space<vmem>>[vector<16xi32>, vector<16xi32>], vector<16xf32>,
      %broadcast_in_dim3A_431 = arith.constant 4 : i32
      %broadcast_in_dim3A_432 = vector.broadcast %broadcast_in_dim3A_431 : i32 to vector<16xi32>
      %get3A_433 = arith.constant 4 : i32
      %get3A_434 = arith.index_cast %select_n3A_294 : i32 to index
      %get3A_435 = arith.index_cast %get3A_433 : i32 to index
      %get3A_436 = arith.constant 0 : index
      %get3A_437 = tpu.vector_load %arg6[%get3A_434, %get3A_435, %get3A_436] {strides = array<i32>} : memref<4x128x32xf32, #tpu.memory_space<vmem>>, vector<16xf32>,
      %add3A_438 = arith.constant 0 : i32
      %add3A_439 = vector.broadcast %add3A_438 : i32 to vector<16xi32>
      %add3A_440 = arith.addi %iota3A, %add3A_439 : vector<16xi32>
      %scatter3A_441 = arith.constant 0 : i32
      %scatter3A_442 = arith.constant 0 : i32
      %scatter3A_443 = tpu.memref_slice %arg7[%select_n3A_310, %scatter3A_441, %scatter3A_442] : memref<2x32x129xf32, #tpu.memory_space<vmem>> -> memref<1x32x129xf32, #tpu.memory_space<vmem>>
      %scatter3A_444 = tpu.memref_squeeze %scatter3A_443 : memref<1x32x129xf32, #tpu.memory_space<vmem>> -> memref<32x129xf32, #tpu.memory_space<vmem>>
      tpu.vector_store_idx %scatter3A_444[%add3A_440, %broadcast_in_dim3A_432], %get3A_437 : memref<32x129xf32, #tpu.memory_space<vmem>>[vector<16xi32>, vector<16xi32>], vector<16xf32>,
      %get3A_445 = arith.constant 4 : i32
      %get3A_446 = arith.index_cast %select_n3A_294 : i32 to index
      %get3A_447 = arith.index_cast %get3A_445 : i32 to index
      %get3A_448 = arith.constant 16 : index
      %get3A_449 = tpu.vector_load %arg6[%get3A_446, %get3A_447, %get3A_448] {strides = array<i32>} : memref<4x128x32xf32, #tpu.memory_space<vmem>>, vector<16xf32>,
      %add3A_450 = arith.constant 16 : i32
      %add3A_451 = vector.broadcast %add3A_450 : i32 to vector<16xi32>
      %add3A_452 = arith.addi %iota3A, %add3A_451 : vector<16xi32>
      %scatter3A_453 = arith.constant 0 : i32
      %scatter3A_454 = arith.constant 0 : i32
      %scatter3A_455 = tpu.memref_slice %arg7[%select_n3A_310, %scatter3A_453, %scatter3A_454] : memref<2x32x129xf32, #tpu.memory_space<vmem>> -> memref<1x32x129xf32, #tpu.memory_space<vmem>>
      %scatter3A_456 = tpu.memref_squeeze %scatter3A_455 : memref<1x32x129xf32, #tpu.memory_space<vmem>> -> memref<32x129xf32, #tpu.memory_space<vmem>>
      tpu.vector_store_idx %scatter3A_456[%add3A_452, %broadcast_in_dim3A_432], %get3A_449 : memref<32x129xf32, #tpu.memory_space<vmem>>[vector<16xi32>, vector<16xi32>], vector<16xf32>,
      %broadcast_in_dim3A_457 = arith.constant 5 : i32
      %broadcast_in_dim3A_458 = vector.broadcast %broadcast_in_dim3A_457 : i32 to vector<16xi32>
      %get3A_459 = arith.constant 5 : i32
      %get3A_460 = arith.index_cast %select_n3A_294 : i32 to index
      %get3A_461 = arith.index_cast %get3A_459 : i32 to index
      %get3A_462 = arith.constant 0 : index
      %get3A_463 = tpu.vector_load %arg6[%get3A_460, %get3A_461, %get3A_462] {strides = array<i32>} : memref<4x128x32xf32, #tpu.memory_space<vmem>>, vector<16xf32>,
      %add3A_464 = arith.constant 0 : i32
      %add3A_465 = vector.broadcast %add3A_464 : i32 to vector<16xi32>
      %add3A_466 = arith.addi %iota3A, %add3A_465 : vector<16xi32>
      %scatter3A_467 = arith.constant 0 : i32
      %scatter3A_468 = arith.constant 0 : i32
      %scatter3A_469 = tpu.memref_slice %arg7[%select_n3A_310, %scatter3A_467, %scatter3A_468] : memref<2x32x129xf32, #tpu.memory_space<vmem>> -> memref<1x32x129xf32, #tpu.memory_space<vmem>>
      %scatter3A_470 = tpu.memref_squeeze %scatter3A_469 : memref<1x32x129xf32, #tpu.memory_space<vmem>> -> memref<32x129xf32, #tpu.memory_space<vmem>>
      tpu.vector_store_idx %scatter3A_470[%add3A_466, %broadcast_in_dim3A_458], %get3A_463 : memref<32x129xf32, #tpu.memory_space<vmem>>[vector<16xi32>, vector<16xi32>], vector<16xf32>,
      %get3A_471 = arith.constant 5 : i32
      %get3A_472 = arith.index_cast %select_n3A_294 : i32 to index
      %get3A_473 = arith.index_cast %get3A_471 : i32 to index
      %get3A_474 = arith.constant 16 : index
      %get3A_475 = tpu.vector_load %arg6[%get3A_472, %get3A_473, %get3A_474] {strides = array<i32>} : memref<4x128x32xf32, #tpu.memory_space<vmem>>, vector<16xf32>,
      %add3A_476 = arith.constant 16 : i32
      %add3A_477 = vector.broadcast %add3A_476 : i32 to vector<16xi32>
      %add3A_478 = arith.addi %iota3A, %add3A_477 : vector<16xi32>
      %scatter3A_479 = arith.constant 0 : i32
      %scatter3A_480 = arith.constant 0 : i32
      %scatter3A_481 = tpu.memref_slice %arg7[%select_n3A_310, %scatter3A_479, %scatter3A_480] : memref<2x32x129xf32, #tpu.memory_space<vmem>> -> memref<1x32x129xf32, #tpu.memory_space<vmem>>
      %scatter3A_482 = tpu.memref_squeeze %scatter3A_481 : memref<1x32x129xf32, #tpu.memory_space<vmem>> -> memref<32x129xf32, #tpu.memory_space<vmem>>
      tpu.vector_store_idx %scatter3A_482[%add3A_478, %broadcast_in_dim3A_458], %get3A_475 : memref<32x129xf32, #tpu.memory_space<vmem>>[vector<16xi32>, vector<16xi32>], vector<16xf32>,
      %broadcast_in_dim3A_483 = arith.constant 6 : i32
      %broadcast_in_dim3A_484 = vector.broadcast %broadcast_in_dim3A_483 : i32 to vector<16xi32>
      %get3A_485 = arith.constant 6 : i32
      %get3A_486 = arith.index_cast %select_n3A_294 : i32 to index
      %get3A_487 = arith.index_cast %get3A_485 : i32 to index
      %get3A_488 = arith.constant 0 : index
      %get3A_489 = tpu.vector_load %arg6[%get3A_486, %get3A_487, %get3A_488] {strides = array<i32>} : memref<4x128x32xf32, #tpu.memory_space<vmem>>, vector<16xf32>,
      %add3A_490 = arith.constant 0 : i32
      %add3A_491 = vector.broadcast %add3A_490 : i32 to vector<16xi32>
      %add3A_492 = arith.addi %iota3A, %add3A_491 : vector<16xi32>
      %scatter3A_493 = arith.constant 0 : i32
      %scatter3A_494 = arith.constant 0 : i32
      %scatter3A_495 = tpu.memref_slice %arg7[%select_n3A_310, %scatter3A_493, %scatter3A_494] : memref<2x32x129xf32, #tpu.memory_space<vmem>> -> memref<1x32x129xf32, #tpu.memory_space<vmem>>
      %scatter3A_496 = tpu.memref_squeeze %scatter3A_495 : memref<1x32x129xf32, #tpu.memory_space<vmem>> -> memref<32x129xf32, #tpu.memory_space<vmem>>
      tpu.vector_store_idx %scatter3A_496[%add3A_492, %broadcast_in_dim3A_484], %get3A_489 : memref<32x129xf32, #tpu.memory_space<vmem>>[vector<16xi32>, vector<16xi32>], vector<16xf32>,
      %get3A_497 = arith.constant 6 : i32
      %get3A_498 = arith.index_cast %select_n3A_294 : i32 to index
      %get3A_499 = arith.index_cast %get3A_497 : i32 to index
      %get3A_500 = arith.constant 16 : index
      %get3A_501 = tpu.vector_load %arg6[%get3A_498, %get3A_499, %get3A_500] {strides = array<i32>} : memref<4x128x32xf32, #tpu.memory_space<vmem>>, vector<16xf32>,
      %add3A_502 = arith.constant 16 : i32
      %add3A_503 = vector.broadcast %add3A_502 : i32 to vector<16xi32>
      %add3A_504 = arith.addi %iota3A, %add3A_503 : vector<16xi32>
      %scatter3A_505 = arith.constant 0 : i32
      %scatter3A_506 = arith.constant 0 : i32
      %scatter3A_507 = tpu.memref_slice %arg7[%select_n3A_310, %scatter3A_505, %scatter3A_506] : memref<2x32x129xf32, #tpu.memory_space<vmem>> -> memref<1x32x129xf32, #tpu.memory_space<vmem>>
      %scatter3A_508 = tpu.memref_squeeze %scatter3A_507 : memref<1x32x129xf32, #tpu.memory_space<vmem>> -> memref<32x129xf32, #tpu.memory_space<vmem>>
      tpu.vector_store_idx %scatter3A_508[%add3A_504, %broadcast_in_dim3A_484], %get3A_501 : memref<32x129xf32, #tpu.memory_space<vmem>>[vector<16xi32>, vector<16xi32>], vector<16xf32>,
      %broadcast_in_dim3A_509 = arith.constant 7 : i32
      %broadcast_in_dim3A_510 = vector.broadcast %broadcast_in_dim3A_509 : i32 to vector<16xi32>
      %get3A_511 = arith.constant 7 : i32
      %get3A_512 = arith.index_cast %select_n3A_294 : i32 to index
      %get3A_513 = arith.index_cast %get3A_511 : i32 to index
      %get3A_514 = arith.constant 0 : index
      %get3A_515 = tpu.vector_load %arg6[%get3A_512, %get3A_513, %get3A_514] {strides = array<i32>} : memref<4x128x32xf32, #tpu.memory_space<vmem>>, vector<16xf32>,
      %add3A_516 = arith.constant 0 : i32
      %add3A_517 = vector.broadcast %add3A_516 : i32 to vector<16xi32>
      %add3A_518 = arith.addi %iota3A, %add3A_517 : vector<16xi32>
      %scatter3A_519 = arith.constant 0 : i32
      %scatter3A_520 = arith.constant 0 : i32
      %scatter3A_521 = tpu.memref_slice %arg7[%select_n3A_310, %scatter3A_519, %scatter3A_520] : memref<2x32x129xf32, #tpu.memory_space<vmem>> -> memref<1x32x129xf32, #tpu.memory_space<vmem>>
      %scatter3A_522 = tpu.memref_squeeze %scatter3A_521 : memref<1x32x129xf32, #tpu.memory_space<vmem>> -> memref<32x129xf32, #tpu.memory_space<vmem>>
      tpu.vector_store_idx %scatter3A_522[%add3A_518, %broadcast_in_dim3A_510], %get3A_515 : memref<32x129xf32, #tpu.memory_space<vmem>>[vector<16xi32>, vector<16xi32>], vector<16xf32>,
      %get3A_523 = arith.constant 7 : i32
      %get3A_524 = arith.index_cast %select_n3A_294 : i32 to index
      %get3A_525 = arith.index_cast %get3A_523 : i32 to index
      %get3A_526 = arith.constant 16 : index
      %get3A_527 = tpu.vector_load %arg6[%get3A_524, %get3A_525, %get3A_526] {strides = array<i32>} : memref<4x128x32xf32, #tpu.memory_space<vmem>>, vector<16xf32>,
      %add3A_528 = arith.constant 16 : i32
      %add3A_529 = vector.broadcast %add3A_528 : i32 to vector<16xi32>
      %add3A_530 = arith.addi %iota3A, %add3A_529 : vector<16xi32>
      %scatter3A_531 = arith.constant 0 : i32
      %scatter3A_532 = arith.constant 0 : i32
      %scatter3A_533 = tpu.memref_slice %arg7[%select_n3A_310, %scatter3A_531, %scatter3A_532] : memref<2x32x129xf32, #tpu.memory_space<vmem>> -> memref<1x32x129xf32, #tpu.memory_space<vmem>>
      %scatter3A_534 = tpu.memref_squeeze %scatter3A_533 : memref<1x32x129xf32, #tpu.memory_space<vmem>> -> memref<32x129xf32, #tpu.memory_space<vmem>>
      tpu.vector_store_idx %scatter3A_534[%add3A_530, %broadcast_in_dim3A_510], %get3A_527 : memref<32x129xf32, #tpu.memory_space<vmem>>[vector<16xi32>, vector<16xi32>], vector<16xf32>,
      %broadcast_in_dim3A_535 = arith.constant 8 : i32
      %broadcast_in_dim3A_536 = vector.broadcast %broadcast_in_dim3A_535 : i32 to vector<16xi32>
      %get3A_537 = arith.constant 8 : i32
      %get3A_538 = arith.index_cast %select_n3A_294 : i32 to index
      %get3A_539 = arith.index_cast %get3A_537 : i32 to index
      %get3A_540 = arith.constant 0 : index
      %get3A_541 = tpu.vector_load %arg6[%get3A_538, %get3A_539, %get3A_540] {strides = array<i32>} : memref<4x128x32xf32, #tpu.memory_space<vmem>>, vector<16xf32>,
      %add3A_542 = arith.constant 0 : i32
      %add3A_543 = vector.broadcast %add3A_542 : i32 to vector<16xi32>
      %add3A_544 = arith.addi %iota3A, %add3A_543 : vector<16xi32>
      %scatter3A_545 = arith.constant 0 : i32
      %scatter3A_546 = arith.constant 0 : i32
      %scatter3A_547 = tpu.memref_slice %arg7[%select_n3A_310, %scatter3A_545, %scatter3A_546] : memref<2x32x129xf32, #tpu.memory_space<vmem>> -> memref<1x32x129xf32, #tpu.memory_space<vmem>>
      %scatter3A_548 = tpu.memref_squeeze %scatter3A_547 : memref<1x32x129xf32, #tpu.memory_space<vmem>> -> memref<32x129xf32, #tpu.memory_space<vmem>>
      tpu.vector_store_idx %scatter3A_548[%add3A_544, %broadcast_in_dim3A_536], %get3A_541 : memref<32x129xf32, #tpu.memory_space<vmem>>[vector<16xi32>, vector<16xi32>], vector<16xf32>,
      %get3A_549 = arith.constant 8 : i32
      %get3A_550 = arith.index_cast %select_n3A_294 : i32 to index
      %get3A_551 = arith.index_cast %get3A_549 : i32 to index
      %get3A_552 = arith.constant 16 : index
      %get3A_553 = tpu.vector_load %arg6[%get3A_550, %get3A_551, %get3A_552] {strides = array<i32>} : memref<4x128x32xf32, #tpu.memory_space<vmem>>, vector<16xf32>,
      %add3A_554 = arith.constant 16 : i32
      %add3A_555 = vector.broadcast %add3A_554 : i32 to vector<16xi32>
      %add3A_556 = arith.addi %iota3A, %add3A_555 : vector<16xi32>
      %scatter3A_557 = arith.constant 0 : i32
      %scatter3A_558 = arith.constant 0 : i32
      %scatter3A_559 = tpu.memref_slice %arg7[%select_n3A_310, %scatter3A_557, %scatter3A_558] : memref<2x32x129xf32, #tpu.memory_space<vmem>> -> memref<1x32x129xf32, #tpu.memory_space<vmem>>
      %scatter3A_560 = tpu.memref_squeeze %scatter3A_559 : memref<1x32x129xf32, #tpu.memory_space<vmem>> -> memref<32x129xf32, #tpu.memory_space<vmem>>
      tpu.vector_store_idx %scatter3A_560[%add3A_556, %broadcast_in_dim3A_536], %get3A_553 : memref<32x129xf32, #tpu.memory_space<vmem>>[vector<16xi32>, vector<16xi32>], vector<16xf32>,
      %broadcast_in_dim3A_561 = arith.constant 9 : i32
      %broadcast_in_dim3A_562 = vector.broadcast %broadcast_in_dim3A_561 : i32 to vector<16xi32>
      %get3A_563 = arith.constant 9 : i32
      %get3A_564 = arith.index_cast %select_n3A_294 : i32 to index
      %get3A_565 = arith.index_cast %get3A_563 : i32 to index
      %get3A_566 = arith.constant 0 : index
      %get3A_567 = tpu.vector_load %arg6[%get3A_564, %get3A_565, %get3A_566] {strides = array<i32>} : memref<4x128x32xf32, #tpu.memory_space<vmem>>, vector<16xf32>,
      %add3A_568 = arith.constant 0 : i32
      %add3A_569 = vector.broadcast %add3A_568 : i32 to vector<16xi32>
      %add3A_570 = arith.addi %iota3A, %add3A_569 : vector<16xi32>
      %scatter3A_571 = arith.constant 0 : i32
      %scatter3A_572 = arith.constant 0 : i32
      %scatter3A_573 = tpu.memref_slice %arg7[%select_n3A_310, %scatter3A_571, %scatter3A_572] : memref<2x32x129xf32, #tpu.memory_space<vmem>> -> memref<1x32x129xf32, #tpu.memory_space<vmem>>
      %scatter3A_574 = tpu.memref_squeeze %scatter3A_573 : memref<1x32x129xf32, #tpu.memory_space<vmem>> -> memref<32x129xf32, #tpu.memory_space<vmem>>
      tpu.vector_store_idx %scatter3A_574[%add3A_570, %broadcast_in_dim3A_562], %get3A_567 : memref<32x129xf32, #tpu.memory_space<vmem>>[vector<16xi32>, vector<16xi32>], vector<16xf32>,
      %get3A_575 = arith.constant 9 : i32
      %get3A_576 = arith.index_cast %select_n3A_294 : i32 to index
      %get3A_577 = arith.index_cast %get3A_575 : i32 to index
      %get3A_578 = arith.constant 16 : index
      %get3A_579 = tpu.vector_load %arg6[%get3A_576, %get3A_577, %get3A_578] {strides = array<i32>} : memref<4x128x32xf32, #tpu.memory_space<vmem>>, vector<16xf32>,
      %add3A_580 = arith.constant 16 : i32
      %add3A_581 = vector.broadcast %add3A_580 : i32 to vector<16xi32>
      %add3A_582 = arith.addi %iota3A, %add3A_581 : vector<16xi32>
      %scatter3A_583 = arith.constant 0 : i32
      %scatter3A_584 = arith.constant 0 : i32
      %scatter3A_585 = tpu.memref_slice %arg7[%select_n3A_310, %scatter3A_583, %scatter3A_584] : memref<2x32x129xf32, #tpu.memory_space<vmem>> -> memref<1x32x129xf32, #tpu.memory_space<vmem>>
      %scatter3A_586 = tpu.memref_squeeze %scatter3A_585 : memref<1x32x129xf32, #tpu.memory_space<vmem>> -> memref<32x129xf32, #tpu.memory_space<vmem>>
      tpu.vector_store_idx %scatter3A_586[%add3A_582, %broadcast_in_dim3A_562], %get3A_579 : memref<32x129xf32, #tpu.memory_space<vmem>>[vector<16xi32>, vector<16xi32>], vector<16xf32>,
      %broadcast_in_dim3A_587 = arith.constant 10 : i32
      %broadcast_in_dim3A_588 = vector.broadcast %broadcast_in_dim3A_587 : i32 to vector<16xi32>
      %get3A_589 = arith.constant 10 : i32
      %get3A_590 = arith.index_cast %select_n3A_294 : i32 to index
      %get3A_591 = arith.index_cast %get3A_589 : i32 to index
      %get3A_592 = arith.constant 0 : index
      %get3A_593 = tpu.vector_load %arg6[%get3A_590, %get3A_591, %get3A_592] {strides = array<i32>} : memref<4x128x32xf32, #tpu.memory_space<vmem>>, vector<16xf32>,
      %add3A_594 = arith.constant 0 : i32
      %add3A_595 = vector.broadcast %add3A_594 : i32 to vector<16xi32>
      %add3A_596 = arith.addi %iota3A, %add3A_595 : vector<16xi32>
      %scatter3A_597 = arith.constant 0 : i32
      %scatter3A_598 = arith.constant 0 : i32
      %scatter3A_599 = tpu.memref_slice %arg7[%select_n3A_310, %scatter3A_597, %scatter3A_598] : memref<2x32x129xf32, #tpu.memory_space<vmem>> -> memref<1x32x129xf32, #tpu.memory_space<vmem>>
      %scatter3A_600 = tpu.memref_squeeze %scatter3A_599 : memref<1x32x129xf32, #tpu.memory_space<vmem>> -> memref<32x129xf32, #tpu.memory_space<vmem>>
      tpu.vector_store_idx %scatter3A_600[%add3A_596, %broadcast_in_dim3A_588], %get3A_593 : memref<32x129xf32, #tpu.memory_space<vmem>>[vector<16xi32>, vector<16xi32>], vector<16xf32>,
      %get3A_601 = arith.constant 10 : i32
      %get3A_602 = arith.index_cast %select_n3A_294 : i32 to index
      %get3A_603 = arith.index_cast %get3A_601 : i32 to index
      %get3A_604 = arith.constant 16 : index
      %get3A_605 = tpu.vector_load %arg6[%get3A_602, %get3A_603, %get3A_604] {strides = array<i32>} : memref<4x128x32xf32, #tpu.memory_space<vmem>>, vector<16xf32>,
      %add3A_606 = arith.constant 16 : i32
      %add3A_607 = vector.broadcast %add3A_606 : i32 to vector<16xi32>
      %add3A_608 = arith.addi %iota3A, %add3A_607 : vector<16xi32>
      %scatter3A_609 = arith.constant 0 : i32
      %scatter3A_610 = arith.constant 0 : i32
      %scatter3A_611 = tpu.memref_slice %arg7[%select_n3A_310, %scatter3A_609, %scatter3A_610] : memref<2x32x129xf32, #tpu.memory_space<vmem>> -> memref<1x32x129xf32, #tpu.memory_space<vmem>>
      %scatter3A_612 = tpu.memref_squeeze %scatter3A_611 : memref<1x32x129xf32, #tpu.memory_space<vmem>> -> memref<32x129xf32, #tpu.memory_space<vmem>>
      tpu.vector_store_idx %scatter3A_612[%add3A_608, %broadcast_in_dim3A_588], %get3A_605 : memref<32x129xf32, #tpu.memory_space<vmem>>[vector<16xi32>, vector<16xi32>], vector<16xf32>,
      %broadcast_in_dim3A_613 = arith.constant 11 : i32
      %broadcast_in_dim3A_614 = vector.broadcast %broadcast_in_dim3A_613 : i32 to vector<16xi32>
      %get3A_615 = arith.constant 11 : i32
      %get3A_616 = arith.index_cast %select_n3A_294 : i32 to index
      %get3A_617 = arith.index_cast %get3A_615 : i32 to index
      %get3A_618 = arith.constant 0 : index
      %get3A_619 = tpu.vector_load %arg6[%get3A_616, %get3A_617, %get3A_618] {strides = array<i32>} : memref<4x128x32xf32, #tpu.memory_space<vmem>>, vector<16xf32>,
      %add3A_620 = arith.constant 0 : i32
      %add3A_621 = vector.broadcast %add3A_620 : i32 to vector<16xi32>
      %add3A_622 = arith.addi %iota3A, %add3A_621 : vector<16xi32>
      %scatter3A_623 = arith.constant 0 : i32
      %scatter3A_624 = arith.constant 0 : i32
      %scatter3A_625 = tpu.memref_slice %arg7[%select_n3A_310, %scatter3A_623, %scatter3A_624] : memref<2x32x129xf32, #tpu.memory_space<vmem>> -> memref<1x32x129xf32, #tpu.memory_space<vmem>>
      %scatter3A_626 = tpu.memref_squeeze %scatter3A_625 : memref<1x32x129xf32, #tpu.memory_space<vmem>> -> memref<32x129xf32, #tpu.memory_space<vmem>>
      tpu.vector_store_idx %scatter3A_626[%add3A_622, %broadcast_in_dim3A_614], %get3A_619 : memref<32x129xf32, #tpu.memory_space<vmem>>[vector<16xi32>, vector<16xi32>], vector<16xf32>,
      %get3A_627 = arith.constant 11 : i32
      %get3A_628 = arith.index_cast %select_n3A_294 : i32 to index
      %get3A_629 = arith.index_cast %get3A_627 : i32 to index
      %get3A_630 = arith.constant 16 : index
      %get3A_631 = tpu.vector_load %arg6[%get3A_628, %get3A_629, %get3A_630] {strides = array<i32>} : memref<4x128x32xf32, #tpu.memory_space<vmem>>, vector<16xf32>,
      %add3A_632 = arith.constant 16 : i32
      %add3A_633 = vector.broadcast %add3A_632 : i32 to vector<16xi32>
      %add3A_634 = arith.addi %iota3A, %add3A_633 : vector<16xi32>
      %scatter3A_635 = arith.constant 0 : i32
      %scatter3A_636 = arith.constant 0 : i32
      %scatter3A_637 = tpu.memref_slice %arg7[%select_n3A_310, %scatter3A_635, %scatter3A_636] : memref<2x32x129xf32, #tpu.memory_space<vmem>> -> memref<1x32x129xf32, #tpu.memory_space<vmem>>
      %scatter3A_638 = tpu.memref_squeeze %scatter3A_637 : memref<1x32x129xf32, #tpu.memory_space<vmem>> -> memref<32x129xf32, #tpu.memory_space<vmem>>
      tpu.vector_store_idx %scatter3A_638[%add3A_634, %broadcast_in_dim3A_614], %get3A_631 : memref<32x129xf32, #tpu.memory_space<vmem>>[vector<16xi32>, vector<16xi32>], vector<16xf32>,
      %broadcast_in_dim3A_639 = arith.constant 12 : i32
      %broadcast_in_dim3A_640 = vector.broadcast %broadcast_in_dim3A_639 : i32 to vector<16xi32>
      %get3A_641 = arith.constant 12 : i32
      %get3A_642 = arith.index_cast %select_n3A_294 : i32 to index
      %get3A_643 = arith.index_cast %get3A_641 : i32 to index
      %get3A_644 = arith.constant 0 : index
      %get3A_645 = tpu.vector_load %arg6[%get3A_642, %get3A_643, %get3A_644] {strides = array<i32>} : memref<4x128x32xf32, #tpu.memory_space<vmem>>, vector<16xf32>,
      %add3A_646 = arith.constant 0 : i32
      %add3A_647 = vector.broadcast %add3A_646 : i32 to vector<16xi32>
      %add3A_648 = arith.addi %iota3A, %add3A_647 : vector<16xi32>
      %scatter3A_649 = arith.constant 0 : i32
      %scatter3A_650 = arith.constant 0 : i32
      %scatter3A_651 = tpu.memref_slice %arg7[%select_n3A_310, %scatter3A_649, %scatter3A_650] : memref<2x32x129xf32, #tpu.memory_space<vmem>> -> memref<1x32x129xf32, #tpu.memory_space<vmem>>
      %scatter3A_652 = tpu.memref_squeeze %scatter3A_651 : memref<1x32x129xf32, #tpu.memory_space<vmem>> -> memref<32x129xf32, #tpu.memory_space<vmem>>
      tpu.vector_store_idx %scatter3A_652[%add3A_648, %broadcast_in_dim3A_640], %get3A_645 : memref<32x129xf32, #tpu.memory_space<vmem>>[vector<16xi32>, vector<16xi32>], vector<16xf32>,
      %get3A_653 = arith.constant 12 : i32
      %get3A_654 = arith.index_cast %select_n3A_294 : i32 to index
      %get3A_655 = arith.index_cast %get3A_653 : i32 to index
      %get3A_656 = arith.constant 16 : index
      %get3A_657 = tpu.vector_load %arg6[%get3A_654, %get3A_655, %get3A_656] {strides = array<i32>} : memref<4x128x32xf32, #tpu.memory_space<vmem>>, vector<16xf32>,
      %add3A_658 = arith.constant 16 : i32
      %add3A_659 = vector.broadcast %add3A_658 : i32 to vector<16xi32>
      %add3A_660 = arith.addi %iota3A, %add3A_659 : vector<16xi32>
      %scatter3A_661 = arith.constant 0 : i32
      %scatter3A_662 = arith.constant 0 : i32
      %scatter3A_663 = tpu.memref_slice %arg7[%select_n3A_310, %scatter3A_661, %scatter3A_662] : memref<2x32x129xf32, #tpu.memory_space<vmem>> -> memref<1x32x129xf32, #tpu.memory_space<vmem>>
      %scatter3A_664 = tpu.memref_squeeze %scatter3A_663 : memref<1x32x129xf32, #tpu.memory_space<vmem>> -> memref<32x129xf32, #tpu.memory_space<vmem>>
      tpu.vector_store_idx %scatter3A_664[%add3A_660, %broadcast_in_dim3A_640], %get3A_657 : memref<32x129xf32, #tpu.memory_space<vmem>>[vector<16xi32>, vector<16xi32>], vector<16xf32>,
      %broadcast_in_dim3A_665 = arith.constant 13 : i32
      %broadcast_in_dim3A_666 = vector.broadcast %broadcast_in_dim3A_665 : i32 to vector<16xi32>
      %get3A_667 = arith.constant 13 : i32
      %get3A_668 = arith.index_cast %select_n3A_294 : i32 to index
      %get3A_669 = arith.index_cast %get3A_667 : i32 to index
      %get3A_670 = arith.constant 0 : index
      %get3A_671 = tpu.vector_load %arg6[%get3A_668, %get3A_669, %get3A_670] {strides = array<i32>} : memref<4x128x32xf32, #tpu.memory_space<vmem>>, vector<16xf32>,
      %add3A_672 = arith.constant 0 : i32
      %add3A_673 = vector.broadcast %add3A_672 : i32 to vector<16xi32>
      %add3A_674 = arith.addi %iota3A, %add3A_673 : vector<16xi32>
      %scatter3A_675 = arith.constant 0 : i32
      %scatter3A_676 = arith.constant 0 : i32
      %scatter3A_677 = tpu.memref_slice %arg7[%select_n3A_310, %scatter3A_675, %scatter3A_676] : memref<2x32x129xf32, #tpu.memory_space<vmem>> -> memref<1x32x129xf32, #tpu.memory_space<vmem>>
      %scatter3A_678 = tpu.memref_squeeze %scatter3A_677 : memref<1x32x129xf32, #tpu.memory_space<vmem>> -> memref<32x129xf32, #tpu.memory_space<vmem>>
      tpu.vector_store_idx %scatter3A_678[%add3A_674, %broadcast_in_dim3A_666], %get3A_671 : memref<32x129xf32, #tpu.memory_space<vmem>>[vector<16xi32>, vector<16xi32>], vector<16xf32>,
      %get3A_679 = arith.constant 13 : i32
      %get3A_680 = arith.index_cast %select_n3A_294 : i32 to index
      %get3A_681 = arith.index_cast %get3A_679 : i32 to index
      %get3A_682 = arith.constant 16 : index
      %get3A_683 = tpu.vector_load %arg6[%get3A_680, %get3A_681, %get3A_682] {strides = array<i32>} : memref<4x128x32xf32, #tpu.memory_space<vmem>>, vector<16xf32>,
      %add3A_684 = arith.constant 16 : i32
      %add3A_685 = vector.broadcast %add3A_684 : i32 to vector<16xi32>
      %add3A_686 = arith.addi %iota3A, %add3A_685 : vector<16xi32>
      %scatter3A_687 = arith.constant 0 : i32
      %scatter3A_688 = arith.constant 0 : i32
      %scatter3A_689 = tpu.memref_slice %arg7[%select_n3A_310, %scatter3A_687, %scatter3A_688] : memref<2x32x129xf32, #tpu.memory_space<vmem>> -> memref<1x32x129xf32, #tpu.memory_space<vmem>>
      %scatter3A_690 = tpu.memref_squeeze %scatter3A_689 : memref<1x32x129xf32, #tpu.memory_space<vmem>> -> memref<32x129xf32, #tpu.memory_space<vmem>>
      tpu.vector_store_idx %scatter3A_690[%add3A_686, %broadcast_in_dim3A_666], %get3A_683 : memref<32x129xf32, #tpu.memory_space<vmem>>[vector<16xi32>, vector<16xi32>], vector<16xf32>,
      %broadcast_in_dim3A_691 = arith.constant 14 : i32
      %broadcast_in_dim3A_692 = vector.broadcast %broadcast_in_dim3A_691 : i32 to vector<16xi32>
      %get3A_693 = arith.constant 14 : i32
      %get3A_694 = arith.index_cast %select_n3A_294 : i32 to index
      %get3A_695 = arith.index_cast %get3A_693 : i32 to index
      %get3A_696 = arith.constant 0 : index
      %get3A_697 = tpu.vector_load %arg6[%get3A_694, %get3A_695, %get3A_696] {strides = array<i32>} : memref<4x128x32xf32, #tpu.memory_space<vmem>>, vector<16xf32>,
      %add3A_698 = arith.constant 0 : i32
      %add3A_699 = vector.broadcast %add3A_698 : i32 to vector<16xi32>
      %add3A_700 = arith.addi %iota3A, %add3A_699 : vector<16xi32>
      %scatter3A_701 = arith.constant 0 : i32
      %scatter3A_702 = arith.constant 0 : i32
      %scatter3A_703 = tpu.memref_slice %arg7[%select_n3A_310, %scatter3A_701, %scatter3A_702] : memref<2x32x129xf32, #tpu.memory_space<vmem>> -> memref<1x32x129xf32, #tpu.memory_space<vmem>>
      %scatter3A_704 = tpu.memref_squeeze %scatter3A_703 : memref<1x32x129xf32, #tpu.memory_space<vmem>> -> memref<32x129xf32, #tpu.memory_space<vmem>>
      tpu.vector_store_idx %scatter3A_704[%add3A_700, %broadcast_in_dim3A_692], %get3A_697 : memref<32x129xf32, #tpu.memory_space<vmem>>[vector<16xi32>, vector<16xi32>], vector<16xf32>,
      %get3A_705 = arith.constant 14 : i32
      %get3A_706 = arith.index_cast %select_n3A_294 : i32 to index
      %get3A_707 = arith.index_cast %get3A_705 : i32 to index
      %get3A_708 = arith.constant 16 : index
      %get3A_709 = tpu.vector_load %arg6[%get3A_706, %get3A_707, %get3A_708] {strides = array<i32>} : memref<4x128x32xf32, #tpu.memory_space<vmem>>, vector<16xf32>,
      %add3A_710 = arith.constant 16 : i32
      %add3A_711 = vector.broadcast %add3A_710 : i32 to vector<16xi32>
      %add3A_712 = arith.addi %iota3A, %add3A_711 : vector<16xi32>
      %scatter3A_713 = arith.constant 0 : i32
      %scatter3A_714 = arith.constant 0 : i32
      %scatter3A_715 = tpu.memref_slice %arg7[%select_n3A_310, %scatter3A_713, %scatter3A_714] : memref<2x32x129xf32, #tpu.memory_space<vmem>> -> memref<1x32x129xf32, #tpu.memory_space<vmem>>
      %scatter3A_716 = tpu.memref_squeeze %scatter3A_715 : memref<1x32x129xf32, #tpu.memory_space<vmem>> -> memref<32x129xf32, #tpu.memory_space<vmem>>
      tpu.vector_store_idx %scatter3A_716[%add3A_712, %broadcast_in_dim3A_692], %get3A_709 : memref<32x129xf32, #tpu.memory_space<vmem>>[vector<16xi32>, vector<16xi32>], vector<16xf32>,
      %broadcast_in_dim3A_717 = arith.constant 15 : i32
      %broadcast_in_dim3A_718 = vector.broadcast %broadcast_in_dim3A_717 : i32 to vector<16xi32>
      %get3A_719 = arith.constant 15 : i32
      %get3A_720 = arith.index_cast %select_n3A_294 : i32 to index
      %get3A_721 = arith.index_cast %get3A_719 : i32 to index
      %get3A_722 = arith.constant 0 : index
      %get3A_723 = tpu.vector_load %arg6[%get3A_720, %get3A_721, %get3A_722] {strides = array<i32>} : memref<4x128x32xf32, #tpu.memory_space<vmem>>, vector<16xf32>,
      %add3A_724 = arith.constant 0 : i32
      %add3A_725 = vector.broadcast %add3A_724 : i32 to vector<16xi32>
      %add3A_726 = arith.addi %iota3A, %add3A_725 : vector<16xi32>
      %scatter3A_727 = arith.constant 0 : i32
      %scatter3A_728 = arith.constant 0 : i32
      %scatter3A_729 = tpu.memref_slice %arg7[%select_n3A_310, %scatter3A_727, %scatter3A_728] : memref<2x32x129xf32, #tpu.memory_space<vmem>> -> memref<1x32x129xf32, #tpu.memory_space<vmem>>
      %scatter3A_730 = tpu.memref_squeeze %scatter3A_729 : memref<1x32x129xf32, #tpu.memory_space<vmem>> -> memref<32x129xf32, #tpu.memory_space<vmem>>
      tpu.vector_store_idx %scatter3A_730[%add3A_726, %broadcast_in_dim3A_718], %get3A_723 : memref<32x129xf32, #tpu.memory_space<vmem>>[vector<16xi32>, vector<16xi32>], vector<16xf32>,
      %get3A_731 = arith.constant 15 : i32
      %get3A_732 = arith.index_cast %select_n3A_294 : i32 to index
      %get3A_733 = arith.index_cast %get3A_731 : i32 to index
      %get3A_734 = arith.constant 16 : index
      %get3A_735 = tpu.vector_load %arg6[%get3A_732, %get3A_733, %get3A_734] {strides = array<i32>} : memref<4x128x32xf32, #tpu.memory_space<vmem>>, vector<16xf32>,
      %add3A_736 = arith.constant 16 : i32
      %add3A_737 = vector.broadcast %add3A_736 : i32 to vector<16xi32>
      %add3A_738 = arith.addi %iota3A, %add3A_737 : vector<16xi32>
      %scatter3A_739 = arith.constant 0 : i32
      %scatter3A_740 = arith.constant 0 : i32
      %scatter3A_741 = tpu.memref_slice %arg7[%select_n3A_310, %scatter3A_739, %scatter3A_740] : memref<2x32x129xf32, #tpu.memory_space<vmem>> -> memref<1x32x129xf32, #tpu.memory_space<vmem>>
      %scatter3A_742 = tpu.memref_squeeze %scatter3A_741 : memref<1x32x129xf32, #tpu.memory_space<vmem>> -> memref<32x129xf32, #tpu.memory_space<vmem>>
      tpu.vector_store_idx %scatter3A_742[%add3A_738, %broadcast_in_dim3A_718], %get3A_735 : memref<32x129xf32, #tpu.memory_space<vmem>>[vector<16xi32>, vector<16xi32>], vector<16xf32>,
      %broadcast_in_dim3A_743 = arith.constant 16 : i32
      %broadcast_in_dim3A_744 = vector.broadcast %broadcast_in_dim3A_743 : i32 to vector<16xi32>
      %get3A_745 = arith.constant 16 : i32
      %get3A_746 = arith.index_cast %select_n3A_294 : i32 to index
      %get3A_747 = arith.index_cast %get3A_745 : i32 to index
      %get3A_748 = arith.constant 0 : index
      %get3A_749 = tpu.vector_load %arg6[%get3A_746, %get3A_747, %get3A_748] {strides = array<i32>} : memref<4x128x32xf32, #tpu.memory_space<vmem>>, vector<16xf32>,
      %add3A_750 = arith.constant 0 : i32
      %add3A_751 = vector.broadcast %add3A_750 : i32 to vector<16xi32>
      %add3A_752 = arith.addi %iota3A, %add3A_751 : vector<16xi32>
      %scatter3A_753 = arith.constant 0 : i32
      %scatter3A_754 = arith.constant 0 : i32
      %scatter3A_755 = tpu.memref_slice %arg7[%select_n3A_310, %scatter3A_753, %scatter3A_754] : memref<2x32x129xf32, #tpu.memory_space<vmem>> -> memref<1x32x129xf32, #tpu.memory_space<vmem>>
      %scatter3A_756 = tpu.memref_squeeze %scatter3A_755 : memref<1x32x129xf32, #tpu.memory_space<vmem>> -> memref<32x129xf32, #tpu.memory_space<vmem>>
      tpu.vector_store_idx %scatter3A_756[%add3A_752, %broadcast_in_dim3A_744], %get3A_749 : memref<32x129xf32, #tpu.memory_space<vmem>>[vector<16xi32>, vector<16xi32>], vector<16xf32>,
      %get3A_757 = arith.constant 16 : i32
      %get3A_758 = arith.index_cast %select_n3A_294 : i32 to index
      %get3A_759 = arith.index_cast %get3A_757 : i32 to index
      %get3A_760 = arith.constant 16 : index
      %get3A_761 = tpu.vector_load %arg6[%get3A_758, %get3A_759, %get3A_760] {strides = array<i32>} : memref<4x128x32xf32, #tpu.memory_space<vmem>>, vector<16xf32>,
      %add3A_762 = arith.constant 16 : i32
      %add3A_763 = vector.broadcast %add3A_762 : i32 to vector<16xi32>
      %add3A_764 = arith.addi %iota3A, %add3A_763 : vector<16xi32>
      %scatter3A_765 = arith.constant 0 : i32
      %scatter3A_766 = arith.constant 0 : i32
      %scatter3A_767 = tpu.memref_slice %arg7[%select_n3A_310, %scatter3A_765, %scatter3A_766] : memref<2x32x129xf32, #tpu.memory_space<vmem>> -> memref<1x32x129xf32, #tpu.memory_space<vmem>>
      %scatter3A_768 = tpu.memref_squeeze %scatter3A_767 : memref<1x32x129xf32, #tpu.memory_space<vmem>> -> memref<32x129xf32, #tpu.memory_space<vmem>>
      tpu.vector_store_idx %scatter3A_768[%add3A_764, %broadcast_in_dim3A_744], %get3A_761 : memref<32x129xf32, #tpu.memory_space<vmem>>[vector<16xi32>, vector<16xi32>], vector<16xf32>,
      %broadcast_in_dim3A_769 = arith.constant 17 : i32
      %broadcast_in_dim3A_770 = vector.broadcast %broadcast_in_dim3A_769 : i32 to vector<16xi32>
      %get3A_771 = arith.constant 17 : i32
      %get3A_772 = arith.index_cast %select_n3A_294 : i32 to index
      %get3A_773 = arith.index_cast %get3A_771 : i32 to index
      %get3A_774 = arith.constant 0 : index
      %get3A_775 = tpu.vector_load %arg6[%get3A_772, %get3A_773, %get3A_774] {strides = array<i32>} : memref<4x128x32xf32, #tpu.memory_space<vmem>>, vector<16xf32>,
      %add3A_776 = arith.constant 0 : i32
      %add3A_777 = vector.broadcast %add3A_776 : i32 to vector<16xi32>
      %add3A_778 = arith.addi %iota3A, %add3A_777 : vector<16xi32>
      %scatter3A_779 = arith.constant 0 : i32
      %scatter3A_780 = arith.constant 0 : i32
      %scatter3A_781 = tpu.memref_slice %arg7[%select_n3A_310, %scatter3A_779, %scatter3A_780] : memref<2x32x129xf32, #tpu.memory_space<vmem>> -> memref<1x32x129xf32, #tpu.memory_space<vmem>>
      %scatter3A_782 = tpu.memref_squeeze %scatter3A_781 : memref<1x32x129xf32, #tpu.memory_space<vmem>> -> memref<32x129xf32, #tpu.memory_space<vmem>>
      tpu.vector_store_idx %scatter3A_782[%add3A_778, %broadcast_in_dim3A_770], %get3A_775 : memref<32x129xf32, #tpu.memory_space<vmem>>[vector<16xi32>, vector<16xi32>], vector<16xf32>,
      %get3A_783 = arith.constant 17 : i32
      %get3A_784 = arith.index_cast %select_n3A_294 : i32 to index
      %get3A_785 = arith.index_cast %get3A_783 : i32 to index
      %get3A_786 = arith.constant 16 : index
      %get3A_787 = tpu.vector_load %arg6[%get3A_784, %get3A_785, %get3A_786] {strides = array<i32>} : memref<4x128x32xf32, #tpu.memory_space<vmem>>, vector<16xf32>,
      %add3A_788 = arith.constant 16 : i32
      %add3A_789 = vector.broadcast %add3A_788 : i32 to vector<16xi32>
      %add3A_790 = arith.addi %iota3A, %add3A_789 : vector<16xi32>
      %scatter3A_791 = arith.constant 0 : i32
      %scatter3A_792 = arith.constant 0 : i32
      %scatter3A_793 = tpu.memref_slice %arg7[%select_n3A_310, %scatter3A_791, %scatter3A_792] : memref<2x32x129xf32, #tpu.memory_space<vmem>> -> memref<1x32x129xf32, #tpu.memory_space<vmem>>
      %scatter3A_794 = tpu.memref_squeeze %scatter3A_793 : memref<1x32x129xf32, #tpu.memory_space<vmem>> -> memref<32x129xf32, #tpu.memory_space<vmem>>
      tpu.vector_store_idx %scatter3A_794[%add3A_790, %broadcast_in_dim3A_770], %get3A_787 : memref<32x129xf32, #tpu.memory_space<vmem>>[vector<16xi32>, vector<16xi32>], vector<16xf32>,
      %broadcast_in_dim3A_795 = arith.constant 18 : i32
      %broadcast_in_dim3A_796 = vector.broadcast %broadcast_in_dim3A_795 : i32 to vector<16xi32>
      %get3A_797 = arith.constant 18 : i32
      %get3A_798 = arith.index_cast %select_n3A_294 : i32 to index
      %get3A_799 = arith.index_cast %get3A_797 : i32 to index
      %get3A_800 = arith.constant 0 : index
      %get3A_801 = tpu.vector_load %arg6[%get3A_798, %get3A_799, %get3A_800] {strides = array<i32>} : memref<4x128x32xf32, #tpu.memory_space<vmem>>, vector<16xf32>,
      %add3A_802 = arith.constant 0 : i32
      %add3A_803 = vector.broadcast %add3A_802 : i32 to vector<16xi32>
      %add3A_804 = arith.addi %iota3A, %add3A_803 : vector<16xi32>
      %scatter3A_805 = arith.constant 0 : i32
      %scatter3A_806 = arith.constant 0 : i32
      %scatter3A_807 = tpu.memref_slice %arg7[%select_n3A_310, %scatter3A_805, %scatter3A_806] : memref<2x32x129xf32, #tpu.memory_space<vmem>> -> memref<1x32x129xf32, #tpu.memory_space<vmem>>
      %scatter3A_808 = tpu.memref_squeeze %scatter3A_807 : memref<1x32x129xf32, #tpu.memory_space<vmem>> -> memref<32x129xf32, #tpu.memory_space<vmem>>
      tpu.vector_store_idx %scatter3A_808[%add3A_804, %broadcast_in_dim3A_796], %get3A_801 : memref<32x129xf32, #tpu.memory_space<vmem>>[vector<16xi32>, vector<16xi32>], vector<16xf32>,
      %get3A_809 = arith.constant 18 : i32
      %get3A_810 = arith.index_cast %select_n3A_294 : i32 to index
      %get3A_811 = arith.index_cast %get3A_809 : i32 to index
      %get3A_812 = arith.constant 16 : index
      %get3A_813 = tpu.vector_load %arg6[%get3A_810, %get3A_811, %get3A_812] {strides = array<i32>} : memref<4x128x32xf32, #tpu.memory_space<vmem>>, vector<16xf32>,
      %add3A_814 = arith.constant 16 : i32
      %add3A_815 = vector.broadcast %add3A_814 : i32 to vector<16xi32>
      %add3A_816 = arith.addi %iota3A, %add3A_815 : vector<16xi32>
      %scatter3A_817 = arith.constant 0 : i32
      %scatter3A_818 = arith.constant 0 : i32
      %scatter3A_819 = tpu.memref_slice %arg7[%select_n3A_310, %scatter3A_817, %scatter3A_818] : memref<2x32x129xf32, #tpu.memory_space<vmem>> -> memref<1x32x129xf32, #tpu.memory_space<vmem>>
      %scatter3A_820 = tpu.memref_squeeze %scatter3A_819 : memref<1x32x129xf32, #tpu.memory_space<vmem>> -> memref<32x129xf32, #tpu.memory_space<vmem>>
      tpu.vector_store_idx %scatter3A_820[%add3A_816, %broadcast_in_dim3A_796], %get3A_813 : memref<32x129xf32, #tpu.memory_space<vmem>>[vector<16xi32>, vector<16xi32>], vector<16xf32>,
      %broadcast_in_dim3A_821 = arith.constant 19 : i32
      %broadcast_in_dim3A_822 = vector.broadcast %broadcast_in_dim3A_821 : i32 to vector<16xi32>
      %get3A_823 = arith.constant 19 : i32
      %get3A_824 = arith.index_cast %select_n3A_294 : i32 to index
      %get3A_825 = arith.index_cast %get3A_823 : i32 to index
      %get3A_826 = arith.constant 0 : index
      %get3A_827 = tpu.vector_load %arg6[%get3A_824, %get3A_825, %get3A_826] {strides = array<i32>} : memref<4x128x32xf32, #tpu.memory_space<vmem>>, vector<16xf32>,
      %add3A_828 = arith.constant 0 : i32
      %add3A_829 = vector.broadcast %add3A_828 : i32 to vector<16xi32>
      %add3A_830 = arith.addi %iota3A, %add3A_829 : vector<16xi32>
      %scatter3A_831 = arith.constant 0 : i32
      %scatter3A_832 = arith.constant 0 : i32
      %scatter3A_833 = tpu.memref_slice %arg7[%select_n3A_310, %scatter3A_831, %scatter3A_832] : memref<2x32x129xf32, #tpu.memory_space<vmem>> -> memref<1x32x129xf32, #tpu.memory_space<vmem>>
      %scatter3A_834 = tpu.memref_squeeze %scatter3A_833 : memref<1x32x129xf32, #tpu.memory_space<vmem>> -> memref<32x129xf32, #tpu.memory_space<vmem>>
      tpu.vector_store_idx %scatter3A_834[%add3A_830, %broadcast_in_dim3A_822], %get3A_827 : memref<32x129xf32, #tpu.memory_space<vmem>>[vector<16xi32>, vector<16xi32>], vector<16xf32>,
      %get3A_835 = arith.constant 19 : i32
      %get3A_836 = arith.index_cast %select_n3A_294 : i32 to index
      %get3A_837 = arith.index_cast %get3A_835 : i32 to index
      %get3A_838 = arith.constant 16 : index
      %get3A_839 = tpu.vector_load %arg6[%get3A_836, %get3A_837, %get3A_838] {strides = array<i32>} : memref<4x128x32xf32, #tpu.memory_space<vmem>>, vector<16xf32>,
      %add3A_840 = arith.constant 16 : i32
      %add3A_841 = vector.broadcast %add3A_840 : i32 to vector<16xi32>
      %add3A_842 = arith.addi %iota3A, %add3A_841 : vector<16xi32>
      %scatter3A_843 = arith.constant 0 : i32
      %scatter3A_844 = arith.constant 0 : i32
      %scatter3A_845 = tpu.memref_slice %arg7[%select_n3A_310, %scatter3A_843, %scatter3A_844] : memref<2x32x129xf32, #tpu.memory_space<vmem>> -> memref<1x32x129xf32, #tpu.memory_space<vmem>>
      %scatter3A_846 = tpu.memref_squeeze %scatter3A_845 : memref<1x32x129xf32, #tpu.memory_space<vmem>> -> memref<32x129xf32, #tpu.memory_space<vmem>>
      tpu.vector_store_idx %scatter3A_846[%add3A_842, %broadcast_in_dim3A_822], %get3A_839 : memref<32x129xf32, #tpu.memory_space<vmem>>[vector<16xi32>, vector<16xi32>], vector<16xf32>,
      %broadcast_in_dim3A_847 = arith.constant 20 : i32
      %broadcast_in_dim3A_848 = vector.broadcast %broadcast_in_dim3A_847 : i32 to vector<16xi32>
      %get3A_849 = arith.constant 20 : i32
      %get3A_850 = arith.index_cast %select_n3A_294 : i32 to index
      %get3A_851 = arith.index_cast %get3A_849 : i32 to index
      %get3A_852 = arith.constant 0 : index
      %get3A_853 = tpu.vector_load %arg6[%get3A_850, %get3A_851, %get3A_852] {strides = array<i32>} : memref<4x128x32xf32, #tpu.memory_space<vmem>>, vector<16xf32>,
      %add3A_854 = arith.constant 0 : i32
      %add3A_855 = vector.broadcast %add3A_854 : i32 to vector<16xi32>
      %add3A_856 = arith.addi %iota3A, %add3A_855 : vector<16xi32>
      %scatter3A_857 = arith.constant 0 : i32
      %scatter3A_858 = arith.constant 0 : i32
      %scatter3A_859 = tpu.memref_slice %arg7[%select_n3A_310, %scatter3A_857, %scatter3A_858] : memref<2x32x129xf32, #tpu.memory_space<vmem>> -> memref<1x32x129xf32, #tpu.memory_space<vmem>>
      %scatter3A_860 = tpu.memref_squeeze %scatter3A_859 : memref<1x32x129xf32, #tpu.memory_space<vmem>> -> memref<32x129xf32, #tpu.memory_space<vmem>>
      tpu.vector_store_idx %scatter3A_860[%add3A_856, %broadcast_in_dim3A_848], %get3A_853 : memref<32x129xf32, #tpu.memory_space<vmem>>[vector<16xi32>, vector<16xi32>], vector<16xf32>,
      %get3A_861 = arith.constant 20 : i32
      %get3A_862 = arith.index_cast %select_n3A_294 : i32 to index
      %get3A_863 = arith.index_cast %get3A_861 : i32 to index
      %get3A_864 = arith.constant 16 : index
      %get3A_865 = tpu.vector_load %arg6[%get3A_862, %get3A_863, %get3A_864] {strides = array<i32>} : memref<4x128x32xf32, #tpu.memory_space<vmem>>, vector<16xf32>,
      %add3A_866 = arith.constant 16 : i32
      %add3A_867 = vector.broadcast %add3A_866 : i32 to vector<16xi32>
      %add3A_868 = arith.addi %iota3A, %add3A_867 : vector<16xi32>
      %scatter3A_869 = arith.constant 0 : i32
      %scatter3A_870 = arith.constant 0 : i32
      %scatter3A_871 = tpu.memref_slice %arg7[%select_n3A_310, %scatter3A_869, %scatter3A_870] : memref<2x32x129xf32, #tpu.memory_space<vmem>> -> memref<1x32x129xf32, #tpu.memory_space<vmem>>
      %scatter3A_872 = tpu.memref_squeeze %scatter3A_871 : memref<1x32x129xf32, #tpu.memory_space<vmem>> -> memref<32x129xf32, #tpu.memory_space<vmem>>
      tpu.vector_store_idx %scatter3A_872[%add3A_868, %broadcast_in_dim3A_848], %get3A_865 : memref<32x129xf32, #tpu.memory_space<vmem>>[vector<16xi32>, vector<16xi32>], vector<16xf32>,
      %broadcast_in_dim3A_873 = arith.constant 21 : i32
      %broadcast_in_dim3A_874 = vector.broadcast %broadcast_in_dim3A_873 : i32 to vector<16xi32>
      %get3A_875 = arith.constant 21 : i32
      %get3A_876 = arith.index_cast %select_n3A_294 : i32 to index
      %get3A_877 = arith.index_cast %get3A_875 : i32 to index
      %get3A_878 = arith.constant 0 : index
      %get3A_879 = tpu.vector_load %arg6[%get3A_876, %get3A_877, %get3A_878] {strides = array<i32>} : memref<4x128x32xf32, #tpu.memory_space<vmem>>, vector<16xf32>,
      %add3A_880 = arith.constant 0 : i32
      %add3A_881 = vector.broadcast %add3A_880 : i32 to vector<16xi32>
      %add3A_882 = arith.addi %iota3A, %add3A_881 : vector<16xi32>
      %scatter3A_883 = arith.constant 0 : i32
      %scatter3A_884 = arith.constant 0 : i32
      %scatter3A_885 = tpu.memref_slice %arg7[%select_n3A_310, %scatter3A_883, %scatter3A_884] : memref<2x32x129xf32, #tpu.memory_space<vmem>> -> memref<1x32x129xf32, #tpu.memory_space<vmem>>
      %scatter3A_886 = tpu.memref_squeeze %scatter3A_885 : memref<1x32x129xf32, #tpu.memory_space<vmem>> -> memref<32x129xf32, #tpu.memory_space<vmem>>
      tpu.vector_store_idx %scatter3A_886[%add3A_882, %broadcast_in_dim3A_874], %get3A_879 : memref<32x129xf32, #tpu.memory_space<vmem>>[vector<16xi32>, vector<16xi32>], vector<16xf32>,
      %get3A_887 = arith.constant 21 : i32
      %get3A_888 = arith.index_cast %select_n3A_294 : i32 to index
      %get3A_889 = arith.index_cast %get3A_887 : i32 to index
      %get3A_890 = arith.constant 16 : index
      %get3A_891 = tpu.vector_load %arg6[%get3A_888, %get3A_889, %get3A_890] {strides = array<i32>} : memref<4x128x32xf32, #tpu.memory_space<vmem>>, vector<16xf32>,
      %add3A_892 = arith.constant 16 : i32
      %add3A_893 = vector.broadcast %add3A_892 : i32 to vector<16xi32>
      %add3A_894 = arith.addi %iota3A, %add3A_893 : vector<16xi32>
      %scatter3A_895 = arith.constant 0 : i32
      %scatter3A_896 = arith.constant 0 : i32
      %scatter3A_897 = tpu.memref_slice %arg7[%select_n3A_310, %scatter3A_895, %scatter3A_896] : memref<2x32x129xf32, #tpu.memory_space<vmem>> -> memref<1x32x129xf32, #tpu.memory_space<vmem>>
      %scatter3A_898 = tpu.memref_squeeze %scatter3A_897 : memref<1x32x129xf32, #tpu.memory_space<vmem>> -> memref<32x129xf32, #tpu.memory_space<vmem>>
      tpu.vector_store_idx %scatter3A_898[%add3A_894, %broadcast_in_dim3A_874], %get3A_891 : memref<32x129xf32, #tpu.memory_space<vmem>>[vector<16xi32>, vector<16xi32>], vector<16xf32>,
      %broadcast_in_dim3A_899 = arith.constant 22 : i32
      %broadcast_in_dim3A_900 = vector.broadcast %broadcast_in_dim3A_899 : i32 to vector<16xi32>
      %get3A_901 = arith.constant 22 : i32
      %get3A_902 = arith.index_cast %select_n3A_294 : i32 to index
      %get3A_903 = arith.index_cast %get3A_901 : i32 to index
      %get3A_904 = arith.constant 0 : index
      %get3A_905 = tpu.vector_load %arg6[%get3A_902, %get3A_903, %get3A_904] {strides = array<i32>} : memref<4x128x32xf32, #tpu.memory_space<vmem>>, vector<16xf32>,
      %add3A_906 = arith.constant 0 : i32
      %add3A_907 = vector.broadcast %add3A_906 : i32 to vector<16xi32>
      %add3A_908 = arith.addi %iota3A, %add3A_907 : vector<16xi32>
      %scatter3A_909 = arith.constant 0 : i32
      %scatter3A_910 = arith.constant 0 : i32
      %scatter3A_911 = tpu.memref_slice %arg7[%select_n3A_310, %scatter3A_909, %scatter3A_910] : memref<2x32x129xf32, #tpu.memory_space<vmem>> -> memref<1x32x129xf32, #tpu.memory_space<vmem>>
      %scatter3A_912 = tpu.memref_squeeze %scatter3A_911 : memref<1x32x129xf32, #tpu.memory_space<vmem>> -> memref<32x129xf32, #tpu.memory_space<vmem>>
      tpu.vector_store_idx %scatter3A_912[%add3A_908, %broadcast_in_dim3A_900], %get3A_905 : memref<32x129xf32, #tpu.memory_space<vmem>>[vector<16xi32>, vector<16xi32>], vector<16xf32>,
      %get3A_913 = arith.constant 22 : i32
      %get3A_914 = arith.index_cast %select_n3A_294 : i32 to index
      %get3A_915 = arith.index_cast %get3A_913 : i32 to index
      %get3A_916 = arith.constant 16 : index
      %get3A_917 = tpu.vector_load %arg6[%get3A_914, %get3A_915, %get3A_916] {strides = array<i32>} : memref<4x128x32xf32, #tpu.memory_space<vmem>>, vector<16xf32>,
      %add3A_918 = arith.constant 16 : i32
      %add3A_919 = vector.broadcast %add3A_918 : i32 to vector<16xi32>
      %add3A_920 = arith.addi %iota3A, %add3A_919 : vector<16xi32>
      %scatter3A_921 = arith.constant 0 : i32
      %scatter3A_922 = arith.constant 0 : i32
      %scatter3A_923 = tpu.memref_slice %arg7[%select_n3A_310, %scatter3A_921, %scatter3A_922] : memref<2x32x129xf32, #tpu.memory_space<vmem>> -> memref<1x32x129xf32, #tpu.memory_space<vmem>>
      %scatter3A_924 = tpu.memref_squeeze %scatter3A_923 : memref<1x32x129xf32, #tpu.memory_space<vmem>> -> memref<32x129xf32, #tpu.memory_space<vmem>>
      tpu.vector_store_idx %scatter3A_924[%add3A_920, %broadcast_in_dim3A_900], %get3A_917 : memref<32x129xf32, #tpu.memory_space<vmem>>[vector<16xi32>, vector<16xi32>], vector<16xf32>,
      %broadcast_in_dim3A_925 = arith.constant 23 : i32
      %broadcast_in_dim3A_926 = vector.broadcast %broadcast_in_dim3A_925 : i32 to vector<16xi32>
      %get3A_927 = arith.constant 23 : i32
      %get3A_928 = arith.index_cast %select_n3A_294 : i32 to index
      %get3A_929 = arith.index_cast %get3A_927 : i32 to index
      %get3A_930 = arith.constant 0 : index
      %get3A_931 = tpu.vector_load %arg6[%get3A_928, %get3A_929, %get3A_930] {strides = array<i32>} : memref<4x128x32xf32, #tpu.memory_space<vmem>>, vector<16xf32>,
      %add3A_932 = arith.constant 0 : i32
      %add3A_933 = vector.broadcast %add3A_932 : i32 to vector<16xi32>
      %add3A_934 = arith.addi %iota3A, %add3A_933 : vector<16xi32>
      %scatter3A_935 = arith.constant 0 : i32
      %scatter3A_936 = arith.constant 0 : i32
      %scatter3A_937 = tpu.memref_slice %arg7[%select_n3A_310, %scatter3A_935, %scatter3A_936] : memref<2x32x129xf32, #tpu.memory_space<vmem>> -> memref<1x32x129xf32, #tpu.memory_space<vmem>>
      %scatter3A_938 = tpu.memref_squeeze %scatter3A_937 : memref<1x32x129xf32, #tpu.memory_space<vmem>> -> memref<32x129xf32, #tpu.memory_space<vmem>>
      tpu.vector_store_idx %scatter3A_938[%add3A_934, %broadcast_in_dim3A_926], %get3A_931 : memref<32x129xf32, #tpu.memory_space<vmem>>[vector<16xi32>, vector<16xi32>], vector<16xf32>,
      %get3A_939 = arith.constant 23 : i32
      %get3A_940 = arith.index_cast %select_n3A_294 : i32 to index
      %get3A_941 = arith.index_cast %get3A_939 : i32 to index
      %get3A_942 = arith.constant 16 : index
      %get3A_943 = tpu.vector_load %arg6[%get3A_940, %get3A_941, %get3A_942] {strides = array<i32>} : memref<4x128x32xf32, #tpu.memory_space<vmem>>, vector<16xf32>,
      %add3A_944 = arith.constant 16 : i32
      %add3A_945 = vector.broadcast %add3A_944 : i32 to vector<16xi32>
      %add3A_946 = arith.addi %iota3A, %add3A_945 : vector<16xi32>
      %scatter3A_947 = arith.constant 0 : i32
      %scatter3A_948 = arith.constant 0 : i32
      %scatter3A_949 = tpu.memref_slice %arg7[%select_n3A_310, %scatter3A_947, %scatter3A_948] : memref<2x32x129xf32, #tpu.memory_space<vmem>> -> memref<1x32x129xf32, #tpu.memory_space<vmem>>
      %scatter3A_950 = tpu.memref_squeeze %scatter3A_949 : memref<1x32x129xf32, #tpu.memory_space<vmem>> -> memref<32x129xf32, #tpu.memory_space<vmem>>
      tpu.vector_store_idx %scatter3A_950[%add3A_946, %broadcast_in_dim3A_926], %get3A_943 : memref<32x129xf32, #tpu.memory_space<vmem>>[vector<16xi32>, vector<16xi32>], vector<16xf32>,
      %broadcast_in_dim3A_951 = arith.constant 24 : i32
      %broadcast_in_dim3A_952 = vector.broadcast %broadcast_in_dim3A_951 : i32 to vector<16xi32>
      %get3A_953 = arith.constant 24 : i32
      %get3A_954 = arith.index_cast %select_n3A_294 : i32 to index
      %get3A_955 = arith.index_cast %get3A_953 : i32 to index
      %get3A_956 = arith.constant 0 : index
      %get3A_957 = tpu.vector_load %arg6[%get3A_954, %get3A_955, %get3A_956] {strides = array<i32>} : memref<4x128x32xf32, #tpu.memory_space<vmem>>, vector<16xf32>,
      %add3A_958 = arith.constant 0 : i32
      %add3A_959 = vector.broadcast %add3A_958 : i32 to vector<16xi32>
      %add3A_960 = arith.addi %iota3A, %add3A_959 : vector<16xi32>
      %scatter3A_961 = arith.constant 0 : i32
      %scatter3A_962 = arith.constant 0 : i32
      %scatter3A_963 = tpu.memref_slice %arg7[%select_n3A_310, %scatter3A_961, %scatter3A_962] : memref<2x32x129xf32, #tpu.memory_space<vmem>> -> memref<1x32x129xf32, #tpu.memory_space<vmem>>
      %scatter3A_964 = tpu.memref_squeeze %scatter3A_963 : memref<1x32x129xf32, #tpu.memory_space<vmem>> -> memref<32x129xf32, #tpu.memory_space<vmem>>
      tpu.vector_store_idx %scatter3A_964[%add3A_960, %broadcast_in_dim3A_952], %get3A_957 : memref<32x129xf32, #tpu.memory_space<vmem>>[vector<16xi32>, vector<16xi32>], vector<16xf32>,
      %get3A_965 = arith.constant 24 : i32
      %get3A_966 = arith.index_cast %select_n3A_294 : i32 to index
      %get3A_967 = arith.index_cast %get3A_965 : i32 to index
      %get3A_968 = arith.constant 16 : index
      %get3A_969 = tpu.vector_load %arg6[%get3A_966, %get3A_967, %get3A_968] {strides = array<i32>} : memref<4x128x32xf32, #tpu.memory_space<vmem>>, vector<16xf32>,
      %add3A_970 = arith.constant 16 : i32
      %add3A_971 = vector.broadcast %add3A_970 : i32 to vector<16xi32>
      %add3A_972 = arith.addi %iota3A, %add3A_971 : vector<16xi32>
      %scatter3A_973 = arith.constant 0 : i32
      %scatter3A_974 = arith.constant 0 : i32
      %scatter3A_975 = tpu.memref_slice %arg7[%select_n3A_310, %scatter3A_973, %scatter3A_974] : memref<2x32x129xf32, #tpu.memory_space<vmem>> -> memref<1x32x129xf32, #tpu.memory_space<vmem>>
      %scatter3A_976 = tpu.memref_squeeze %scatter3A_975 : memref<1x32x129xf32, #tpu.memory_space<vmem>> -> memref<32x129xf32, #tpu.memory_space<vmem>>
      tpu.vector_store_idx %scatter3A_976[%add3A_972, %broadcast_in_dim3A_952], %get3A_969 : memref<32x129xf32, #tpu.memory_space<vmem>>[vector<16xi32>, vector<16xi32>], vector<16xf32>,
      %broadcast_in_dim3A_977 = arith.constant 25 : i32
      %broadcast_in_dim3A_978 = vector.broadcast %broadcast_in_dim3A_977 : i32 to vector<16xi32>
      %get3A_979 = arith.constant 25 : i32
      %get3A_980 = arith.index_cast %select_n3A_294 : i32 to index
      %get3A_981 = arith.index_cast %get3A_979 : i32 to index
      %get3A_982 = arith.constant 0 : index
      %get3A_983 = tpu.vector_load %arg6[%get3A_980, %get3A_981, %get3A_982] {strides = array<i32>} : memref<4x128x32xf32, #tpu.memory_space<vmem>>, vector<16xf32>,
      %add3A_984 = arith.constant 0 : i32
      %add3A_985 = vector.broadcast %add3A_984 : i32 to vector<16xi32>
      %add3A_986 = arith.addi %iota3A, %add3A_985 : vector<16xi32>
      %scatter3A_987 = arith.constant 0 : i32
      %scatter3A_988 = arith.constant 0 : i32
      %scatter3A_989 = tpu.memref_slice %arg7[%select_n3A_310, %scatter3A_987, %scatter3A_988] : memref<2x32x129xf32, #tpu.memory_space<vmem>> -> memref<1x32x129xf32, #tpu.memory_space<vmem>>
      %scatter3A_990 = tpu.memref_squeeze %scatter3A_989 : memref<1x32x129xf32, #tpu.memory_space<vmem>> -> memref<32x129xf32, #tpu.memory_space<vmem>>
      tpu.vector_store_idx %scatter3A_990[%add3A_986, %broadcast_in_dim3A_978], %get3A_983 : memref<32x129xf32, #tpu.memory_space<vmem>>[vector<16xi32>, vector<16xi32>], vector<16xf32>,
      %get3A_991 = arith.constant 25 : i32
      %get3A_992 = arith.index_cast %select_n3A_294 : i32 to index
      %get3A_993 = arith.index_cast %get3A_991 : i32 to index
      %get3A_994 = arith.constant 16 : index
      %get3A_995 = tpu.vector_load %arg6[%get3A_992, %get3A_993, %get3A_994] {strides = array<i32>} : memref<4x128x32xf32, #tpu.memory_space<vmem>>, vector<16xf32>,
      %add3A_996 = arith.constant 16 : i32
      %add3A_997 = vector.broadcast %add3A_996 : i32 to vector<16xi32>
      %add3A_998 = arith.addi %iota3A, %add3A_997 : vector<16xi32>
      %scatter3A_999 = arith.constant 0 : i32
      %scatter3A_1000 = arith.constant 0 : i32
      %scatter3A_1001 = tpu.memref_slice %arg7[%select_n3A_310, %scatter3A_999, %scatter3A_1000] : memref<2x32x129xf32, #tpu.memory_space<vmem>> -> memref<1x32x129xf32, #tpu.memory_space<vmem>>
      %scatter3A_1002 = tpu.memref_squeeze %scatter3A_1001 : memref<1x32x129xf32, #tpu.memory_space<vmem>> -> memref<32x129xf32, #tpu.memory_space<vmem>>
      tpu.vector_store_idx %scatter3A_1002[%add3A_998, %broadcast_in_dim3A_978], %get3A_995 : memref<32x129xf32, #tpu.memory_space<vmem>>[vector<16xi32>, vector<16xi32>], vector<16xf32>,
      %broadcast_in_dim3A_1003 = arith.constant 26 : i32
      %broadcast_in_dim3A_1004 = vector.broadcast %broadcast_in_dim3A_1003 : i32 to vector<16xi32>
      %get3A_1005 = arith.constant 26 : i32
      %get3A_1006 = arith.index_cast %select_n3A_294 : i32 to index
      %get3A_1007 = arith.index_cast %get3A_1005 : i32 to index
      %get3A_1008 = arith.constant 0 : index
      %get3A_1009 = tpu.vector_load %arg6[%get3A_1006, %get3A_1007, %get3A_1008] {strides = array<i32>} : memref<4x128x32xf32, #tpu.memory_space<vmem>>, vector<16xf32>,
      %add3A_1010 = arith.constant 0 : i32
      %add3A_1011 = vector.broadcast %add3A_1010 : i32 to vector<16xi32>
      %add3A_1012 = arith.addi %iota3A, %add3A_1011 : vector<16xi32>
      %scatter3A_1013 = arith.constant 0 : i32
      %scatter3A_1014 = arith.constant 0 : i32
      %scatter3A_1015 = tpu.memref_slice %arg7[%select_n3A_310, %scatter3A_1013, %scatter3A_1014] : memref<2x32x129xf32, #tpu.memory_space<vmem>> -> memref<1x32x129xf32, #tpu.memory_space<vmem>>
      %scatter3A_1016 = tpu.memref_squeeze %scatter3A_1015 : memref<1x32x129xf32, #tpu.memory_space<vmem>> -> memref<32x129xf32, #tpu.memory_space<vmem>>
      tpu.vector_store_idx %scatter3A_1016[%add3A_1012, %broadcast_in_dim3A_1004], %get3A_1009 : memref<32x129xf32, #tpu.memory_space<vmem>>[vector<16xi32>, vector<16xi32>], vector<16xf32>,
      %get3A_1017 = arith.constant 26 : i32
      %get3A_1018 = arith.index_cast %select_n3A_294 : i32 to index
      %get3A_1019 = arith.index_cast %get3A_1017 : i32 to index
      %get3A_1020 = arith.constant 16 : index
      %get3A_1021 = tpu.vector_load %arg6[%get3A_1018, %get3A_1019, %get3A_1020] {strides = array<i32>} : memref<4x128x32xf32, #tpu.memory_space<vmem>>, vector<16xf32>,
      %add3A_1022 = arith.constant 16 : i32
      %add3A_1023 = vector.broadcast %add3A_1022 : i32 to vector<16xi32>
      %add3A_1024 = arith.addi %iota3A, %add3A_1023 : vector<16xi32>
      %scatter3A_1025 = arith.constant 0 : i32
      %scatter3A_1026 = arith.constant 0 : i32
      %scatter3A_1027 = tpu.memref_slice %arg7[%select_n3A_310, %scatter3A_1025, %scatter3A_1026] : memref<2x32x129xf32, #tpu.memory_space<vmem>> -> memref<1x32x129xf32, #tpu.memory_space<vmem>>
      %scatter3A_1028 = tpu.memref_squeeze %scatter3A_1027 : memref<1x32x129xf32, #tpu.memory_space<vmem>> -> memref<32x129xf32, #tpu.memory_space<vmem>>
      tpu.vector_store_idx %scatter3A_1028[%add3A_1024, %broadcast_in_dim3A_1004], %get3A_1021 : memref<32x129xf32, #tpu.memory_space<vmem>>[vector<16xi32>, vector<16xi32>], vector<16xf32>,
      %broadcast_in_dim3A_1029 = arith.constant 27 : i32
      %broadcast_in_dim3A_1030 = vector.broadcast %broadcast_in_dim3A_1029 : i32 to vector<16xi32>
      %get3A_1031 = arith.constant 27 : i32
      %get3A_1032 = arith.index_cast %select_n3A_294 : i32 to index
      %get3A_1033 = arith.index_cast %get3A_1031 : i32 to index
      %get3A_1034 = arith.constant 0 : index
      %get3A_1035 = tpu.vector_load %arg6[%get3A_1032, %get3A_1033, %get3A_1034] {strides = array<i32>} : memref<4x128x32xf32, #tpu.memory_space<vmem>>, vector<16xf32>,
      %add3A_1036 = arith.constant 0 : i32
      %add3A_1037 = vector.broadcast %add3A_1036 : i32 to vector<16xi32>
      %add3A_1038 = arith.addi %iota3A, %add3A_1037 : vector<16xi32>
      %scatter3A_1039 = arith.constant 0 : i32
      %scatter3A_1040 = arith.constant 0 : i32
      %scatter3A_1041 = tpu.memref_slice %arg7[%select_n3A_310, %scatter3A_1039, %scatter3A_1040] : memref<2x32x129xf32, #tpu.memory_space<vmem>> -> memref<1x32x129xf32, #tpu.memory_space<vmem>>
      %scatter3A_1042 = tpu.memref_squeeze %scatter3A_1041 : memref<1x32x129xf32, #tpu.memory_space<vmem>> -> memref<32x129xf32, #tpu.memory_space<vmem>>
      tpu.vector_store_idx %scatter3A_1042[%add3A_1038, %broadcast_in_dim3A_1030], %get3A_1035 : memref<32x129xf32, #tpu.memory_space<vmem>>[vector<16xi32>, vector<16xi32>], vector<16xf32>,
      %get3A_1043 = arith.constant 27 : i32
      %get3A_1044 = arith.index_cast %select_n3A_294 : i32 to index
      %get3A_1045 = arith.index_cast %get3A_1043 : i32 to index
      %get3A_1046 = arith.constant 16 : index
      %get3A_1047 = tpu.vector_load %arg6[%get3A_1044, %get3A_1045, %get3A_1046] {strides = array<i32>} : memref<4x128x32xf32, #tpu.memory_space<vmem>>, vector<16xf32>,
      %add3A_1048 = arith.constant 16 : i32
      %add3A_1049 = vector.broadcast %add3A_1048 : i32 to vector<16xi32>
      %add3A_1050 = arith.addi %iota3A, %add3A_1049 : vector<16xi32>
      %scatter3A_1051 = arith.constant 0 : i32
      %scatter3A_1052 = arith.constant 0 : i32
      %scatter3A_1053 = tpu.memref_slice %arg7[%select_n3A_310, %scatter3A_1051, %scatter3A_1052] : memref<2x32x129xf32, #tpu.memory_space<vmem>> -> memref<1x32x129xf32, #tpu.memory_space<vmem>>
      %scatter3A_1054 = tpu.memref_squeeze %scatter3A_1053 : memref<1x32x129xf32, #tpu.memory_space<vmem>> -> memref<32x129xf32, #tpu.memory_space<vmem>>
      tpu.vector_store_idx %scatter3A_1054[%add3A_1050, %broadcast_in_dim3A_1030], %get3A_1047 : memref<32x129xf32, #tpu.memory_space<vmem>>[vector<16xi32>, vector<16xi32>], vector<16xf32>,
      %broadcast_in_dim3A_1055 = arith.constant 28 : i32
      %broadcast_in_dim3A_1056 = vector.broadcast %broadcast_in_dim3A_1055 : i32 to vector<16xi32>
      %get3A_1057 = arith.constant 28 : i32
      %get3A_1058 = arith.index_cast %select_n3A_294 : i32 to index
      %get3A_1059 = arith.index_cast %get3A_1057 : i32 to index
      %get3A_1060 = arith.constant 0 : index
      %get3A_1061 = tpu.vector_load %arg6[%get3A_1058, %get3A_1059, %get3A_1060] {strides = array<i32>} : memref<4x128x32xf32, #tpu.memory_space<vmem>>, vector<16xf32>,
      %add3A_1062 = arith.constant 0 : i32
      %add3A_1063 = vector.broadcast %add3A_1062 : i32 to vector<16xi32>
      %add3A_1064 = arith.addi %iota3A, %add3A_1063 : vector<16xi32>
      %scatter3A_1065 = arith.constant 0 : i32
      %scatter3A_1066 = arith.constant 0 : i32
      %scatter3A_1067 = tpu.memref_slice %arg7[%select_n3A_310, %scatter3A_1065, %scatter3A_1066] : memref<2x32x129xf32, #tpu.memory_space<vmem>> -> memref<1x32x129xf32, #tpu.memory_space<vmem>>
      %scatter3A_1068 = tpu.memref_squeeze %scatter3A_1067 : memref<1x32x129xf32, #tpu.memory_space<vmem>> -> memref<32x129xf32, #tpu.memory_space<vmem>>
      tpu.vector_store_idx %scatter3A_1068[%add3A_1064, %broadcast_in_dim3A_1056], %get3A_1061 : memref<32x129xf32, #tpu.memory_space<vmem>>[vector<16xi32>, vector<16xi32>], vector<16xf32>,
      %get3A_1069 = arith.constant 28 : i32
      %get3A_1070 = arith.index_cast %select_n3A_294 : i32 to index
      %get3A_1071 = arith.index_cast %get3A_1069 : i32 to index
      %get3A_1072 = arith.constant 16 : index
      %get3A_1073 = tpu.vector_load %arg6[%get3A_1070, %get3A_1071, %get3A_1072] {strides = array<i32>} : memref<4x128x32xf32, #tpu.memory_space<vmem>>, vector<16xf32>,
      %add3A_1074 = arith.constant 16 : i32
      %add3A_1075 = vector.broadcast %add3A_1074 : i32 to vector<16xi32>
      %add3A_1076 = arith.addi %iota3A, %add3A_1075 : vector<16xi32>
      %scatter3A_1077 = arith.constant 0 : i32
      %scatter3A_1078 = arith.constant 0 : i32
      %scatter3A_1079 = tpu.memref_slice %arg7[%select_n3A_310, %scatter3A_1077, %scatter3A_1078] : memref<2x32x129xf32, #tpu.memory_space<vmem>> -> memref<1x32x129xf32, #tpu.memory_space<vmem>>
      %scatter3A_1080 = tpu.memref_squeeze %scatter3A_1079 : memref<1x32x129xf32, #tpu.memory_space<vmem>> -> memref<32x129xf32, #tpu.memory_space<vmem>>
      tpu.vector_store_idx %scatter3A_1080[%add3A_1076, %broadcast_in_dim3A_1056], %get3A_1073 : memref<32x129xf32, #tpu.memory_space<vmem>>[vector<16xi32>, vector<16xi32>], vector<16xf32>,
      %broadcast_in_dim3A_1081 = arith.constant 29 : i32
      %broadcast_in_dim3A_1082 = vector.broadcast %broadcast_in_dim3A_1081 : i32 to vector<16xi32>
      %get3A_1083 = arith.constant 29 : i32
      %get3A_1084 = arith.index_cast %select_n3A_294 : i32 to index
      %get3A_1085 = arith.index_cast %get3A_1083 : i32 to index
      %get3A_1086 = arith.constant 0 : index
      %get3A_1087 = tpu.vector_load %arg6[%get3A_1084, %get3A_1085, %get3A_1086] {strides = array<i32>} : memref<4x128x32xf32, #tpu.memory_space<vmem>>, vector<16xf32>,
      %add3A_1088 = arith.constant 0 : i32
      %add3A_1089 = vector.broadcast %add3A_1088 : i32 to vector<16xi32>
      %add3A_1090 = arith.addi %iota3A, %add3A_1089 : vector<16xi32>
      %scatter3A_1091 = arith.constant 0 : i32
      %scatter3A_1092 = arith.constant 0 : i32
      %scatter3A_1093 = tpu.memref_slice %arg7[%select_n3A_310, %scatter3A_1091, %scatter3A_1092] : memref<2x32x129xf32, #tpu.memory_space<vmem>> -> memref<1x32x129xf32, #tpu.memory_space<vmem>>
      %scatter3A_1094 = tpu.memref_squeeze %scatter3A_1093 : memref<1x32x129xf32, #tpu.memory_space<vmem>> -> memref<32x129xf32, #tpu.memory_space<vmem>>
      tpu.vector_store_idx %scatter3A_1094[%add3A_1090, %broadcast_in_dim3A_1082], %get3A_1087 : memref<32x129xf32, #tpu.memory_space<vmem>>[vector<16xi32>, vector<16xi32>], vector<16xf32>,
      %get3A_1095 = arith.constant 29 : i32
      %get3A_1096 = arith.index_cast %select_n3A_294 : i32 to index
      %get3A_1097 = arith.index_cast %get3A_1095 : i32 to index
      %get3A_1098 = arith.constant 16 : index
      %get3A_1099 = tpu.vector_load %arg6[%get3A_1096, %get3A_1097, %get3A_1098] {strides = array<i32>} : memref<4x128x32xf32, #tpu.memory_space<vmem>>, vector<16xf32>,
      %add3A_1100 = arith.constant 16 : i32
      %add3A_1101 = vector.broadcast %add3A_1100 : i32 to vector<16xi32>
      %add3A_1102 = arith.addi %iota3A, %add3A_1101 : vector<16xi32>
      %scatter3A_1103 = arith.constant 0 : i32
      %scatter3A_1104 = arith.constant 0 : i32
      %scatter3A_1105 = tpu.memref_slice %arg7[%select_n3A_310, %scatter3A_1103, %scatter3A_1104] : memref<2x32x129xf32, #tpu.memory_space<vmem>> -> memref<1x32x129xf32, #tpu.memory_space<vmem>>
      %scatter3A_1106 = tpu.memref_squeeze %scatter3A_1105 : memref<1x32x129xf32, #tpu.memory_space<vmem>> -> memref<32x129xf32, #tpu.memory_space<vmem>>
      tpu.vector_store_idx %scatter3A_1106[%add3A_1102, %broadcast_in_dim3A_1082], %get3A_1099 : memref<32x129xf32, #tpu.memory_space<vmem>>[vector<16xi32>, vector<16xi32>], vector<16xf32>,
      %broadcast_in_dim3A_1107 = arith.constant 30 : i32
      %broadcast_in_dim3A_1108 = vector.broadcast %broadcast_in_dim3A_1107 : i32 to vector<16xi32>
      %get3A_1109 = arith.constant 30 : i32
      %get3A_1110 = arith.index_cast %select_n3A_294 : i32 to index
      %get3A_1111 = arith.index_cast %get3A_1109 : i32 to index
      %get3A_1112 = arith.constant 0 : index
      %get3A_1113 = tpu.vector_load %arg6[%get3A_1110, %get3A_1111, %get3A_1112] {strides = array<i32>} : memref<4x128x32xf32, #tpu.memory_space<vmem>>, vector<16xf32>,
      %add3A_1114 = arith.constant 0 : i32
      %add3A_1115 = vector.broadcast %add3A_1114 : i32 to vector<16xi32>
      %add3A_1116 = arith.addi %iota3A, %add3A_1115 : vector<16xi32>
      %scatter3A_1117 = arith.constant 0 : i32
      %scatter3A_1118 = arith.constant 0 : i32
      %scatter3A_1119 = tpu.memref_slice %arg7[%select_n3A_310, %scatter3A_1117, %scatter3A_1118] : memref<2x32x129xf32, #tpu.memory_space<vmem>> -> memref<1x32x129xf32, #tpu.memory_space<vmem>>
      %scatter3A_1120 = tpu.memref_squeeze %scatter3A_1119 : memref<1x32x129xf32, #tpu.memory_space<vmem>> -> memref<32x129xf32, #tpu.memory_space<vmem>>
      tpu.vector_store_idx %scatter3A_1120[%add3A_1116, %broadcast_in_dim3A_1108], %get3A_1113 : memref<32x129xf32, #tpu.memory_space<vmem>>[vector<16xi32>, vector<16xi32>], vector<16xf32>,
      %get3A_1121 = arith.constant 30 : i32
      %get3A_1122 = arith.index_cast %select_n3A_294 : i32 to index
      %get3A_1123 = arith.index_cast %get3A_1121 : i32 to index
      %get3A_1124 = arith.constant 16 : index
      %get3A_1125 = tpu.vector_load %arg6[%get3A_1122, %get3A_1123, %get3A_1124] {strides = array<i32>} : memref<4x128x32xf32, #tpu.memory_space<vmem>>, vector<16xf32>,
      %add3A_1126 = arith.constant 16 : i32
      %add3A_1127 = vector.broadcast %add3A_1126 : i32 to vector<16xi32>
      %add3A_1128 = arith.addi %iota3A, %add3A_1127 : vector<16xi32>
      %scatter3A_1129 = arith.constant 0 : i32
      %scatter3A_1130 = arith.constant 0 : i32
      %scatter3A_1131 = tpu.memref_slice %arg7[%select_n3A_310, %scatter3A_1129, %scatter3A_1130] : memref<2x32x129xf32, #tpu.memory_space<vmem>> -> memref<1x32x129xf32, #tpu.memory_space<vmem>>
      %scatter3A_1132 = tpu.memref_squeeze %scatter3A_1131 : memref<1x32x129xf32, #tpu.memory_space<vmem>> -> memref<32x129xf32, #tpu.memory_space<vmem>>
      tpu.vector_store_idx %scatter3A_1132[%add3A_1128, %broadcast_in_dim3A_1108], %get3A_1125 : memref<32x129xf32, #tpu.memory_space<vmem>>[vector<16xi32>, vector<16xi32>], vector<16xf32>,
      %broadcast_in_dim3A_1133 = arith.constant 31 : i32
      %broadcast_in_dim3A_1134 = vector.broadcast %broadcast_in_dim3A_1133 : i32 to vector<16xi32>
      %get3A_1135 = arith.constant 31 : i32
      %get3A_1136 = arith.index_cast %select_n3A_294 : i32 to index
      %get3A_1137 = arith.index_cast %get3A_1135 : i32 to index
      %get3A_1138 = arith.constant 0 : index
      %get3A_1139 = tpu.vector_load %arg6[%get3A_1136, %get3A_1137, %get3A_1138] {strides = array<i32>} : memref<4x128x32xf32, #tpu.memory_space<vmem>>, vector<16xf32>,
      %add3A_1140 = arith.constant 0 : i32
      %add3A_1141 = vector.broadcast %add3A_1140 : i32 to vector<16xi32>
      %add3A_1142 = arith.addi %iota3A, %add3A_1141 : vector<16xi32>
      %scatter3A_1143 = arith.constant 0 : i32
      %scatter3A_1144 = arith.constant 0 : i32
      %scatter3A_1145 = tpu.memref_slice %arg7[%select_n3A_310, %scatter3A_1143, %scatter3A_1144] : memref<2x32x129xf32, #tpu.memory_space<vmem>> -> memref<1x32x129xf32, #tpu.memory_space<vmem>>
      %scatter3A_1146 = tpu.memref_squeeze %scatter3A_1145 : memref<1x32x129xf32, #tpu.memory_space<vmem>> -> memref<32x129xf32, #tpu.memory_space<vmem>>
      tpu.vector_store_idx %scatter3A_1146[%add3A_1142, %broadcast_in_dim3A_1134], %get3A_1139 : memref<32x129xf32, #tpu.memory_space<vmem>>[vector<16xi32>, vector<16xi32>], vector<16xf32>,
      %get3A_1147 = arith.constant 31 : i32
      %get3A_1148 = arith.index_cast %select_n3A_294 : i32 to index
      %get3A_1149 = arith.index_cast %get3A_1147 : i32 to index
      %get3A_1150 = arith.constant 16 : index
      %get3A_1151 = tpu.vector_load %arg6[%get3A_1148, %get3A_1149, %get3A_1150] {strides = array<i32>} : memref<4x128x32xf32, #tpu.memory_space<vmem>>, vector<16xf32>,
      %add3A_1152 = arith.constant 16 : i32
      %add3A_1153 = vector.broadcast %add3A_1152 : i32 to vector<16xi32>
      %add3A_1154 = arith.addi %iota3A, %add3A_1153 : vector<16xi32>
      %scatter3A_1155 = arith.constant 0 : i32
      %scatter3A_1156 = arith.constant 0 : i32
      %scatter3A_1157 = tpu.memref_slice %arg7[%select_n3A_310, %scatter3A_1155, %scatter3A_1156] : memref<2x32x129xf32, #tpu.memory_space<vmem>> -> memref<1x32x129xf32, #tpu.memory_space<vmem>>
      %scatter3A_1158 = tpu.memref_squeeze %scatter3A_1157 : memref<1x32x129xf32, #tpu.memory_space<vmem>> -> memref<32x129xf32, #tpu.memory_space<vmem>>
      tpu.vector_store_idx %scatter3A_1158[%add3A_1154, %broadcast_in_dim3A_1134], %get3A_1151 : memref<32x129xf32, #tpu.memory_space<vmem>>[vector<16xi32>, vector<16xi32>], vector<16xf32>,
      %broadcast_in_dim3A_1159 = arith.constant 32 : i32
      %broadcast_in_dim3A_1160 = vector.broadcast %broadcast_in_dim3A_1159 : i32 to vector<16xi32>
      %get3A_1161 = arith.constant 32 : i32
      %get3A_1162 = arith.index_cast %select_n3A_294 : i32 to index
      %get3A_1163 = arith.index_cast %get3A_1161 : i32 to index
      %get3A_1164 = arith.constant 0 : index
      %get3A_1165 = tpu.vector_load %arg6[%get3A_1162, %get3A_1163, %get3A_1164] {strides = array<i32>} : memref<4x128x32xf32, #tpu.memory_space<vmem>>, vector<16xf32>,
      %add3A_1166 = arith.constant 0 : i32
      %add3A_1167 = vector.broadcast %add3A_1166 : i32 to vector<16xi32>
      %add3A_1168 = arith.addi %iota3A, %add3A_1167 : vector<16xi32>
      %scatter3A_1169 = arith.constant 0 : i32
      %scatter3A_1170 = arith.constant 0 : i32
      %scatter3A_1171 = tpu.memref_slice %arg7[%select_n3A_310, %scatter3A_1169, %scatter3A_1170] : memref<2x32x129xf32, #tpu.memory_space<vmem>> -> memref<1x32x129xf32, #tpu.memory_space<vmem>>
      %scatter3A_1172 = tpu.memref_squeeze %scatter3A_1171 : memref<1x32x129xf32, #tpu.memory_space<vmem>> -> memref<32x129xf32, #tpu.memory_space<vmem>>
      tpu.vector_store_idx %scatter3A_1172[%add3A_1168, %broadcast_in_dim3A_1160], %get3A_1165 : memref<32x129xf32, #tpu.memory_space<vmem>>[vector<16xi32>, vector<16xi32>], vector<16xf32>,
      %get3A_1173 = arith.constant 32 : i32
      %get3A_1174 = arith.index_cast %select_n3A_294 : i32 to index
      %get3A_1175 = arith.index_cast %get3A_1173 : i32 to index
      %get3A_1176 = arith.constant 16 : index
      %get3A_1177 = tpu.vector_load %arg6[%get3A_1174, %get3A_1175, %get3A_1176] {strides = array<i32>} : memref<4x128x32xf32, #tpu.memory_space<vmem>>, vector<16xf32>,
      %add3A_1178 = arith.constant 16 : i32
      %add3A_1179 = vector.broadcast %add3A_1178 : i32 to vector<16xi32>
      %add3A_1180 = arith.addi %iota3A, %add3A_1179 : vector<16xi32>
      %scatter3A_1181 = arith.constant 0 : i32
      %scatter3A_1182 = arith.constant 0 : i32
      %scatter3A_1183 = tpu.memref_slice %arg7[%select_n3A_310, %scatter3A_1181, %scatter3A_1182] : memref<2x32x129xf32, #tpu.memory_space<vmem>> -> memref<1x32x129xf32, #tpu.memory_space<vmem>>
      %scatter3A_1184 = tpu.memref_squeeze %scatter3A_1183 : memref<1x32x129xf32, #tpu.memory_space<vmem>> -> memref<32x129xf32, #tpu.memory_space<vmem>>
      tpu.vector_store_idx %scatter3A_1184[%add3A_1180, %broadcast_in_dim3A_1160], %get3A_1177 : memref<32x129xf32, #tpu.memory_space<vmem>>[vector<16xi32>, vector<16xi32>], vector<16xf32>,
      %broadcast_in_dim3A_1185 = arith.constant 33 : i32
      %broadcast_in_dim3A_1186 = vector.broadcast %broadcast_in_dim3A_1185 : i32 to vector<16xi32>
      %get3A_1187 = arith.constant 33 : i32
      %get3A_1188 = arith.index_cast %select_n3A_294 : i32 to index
      %get3A_1189 = arith.index_cast %get3A_1187 : i32 to index
      %get3A_1190 = arith.constant 0 : index
      %get3A_1191 = tpu.vector_load %arg6[%get3A_1188, %get3A_1189, %get3A_1190] {strides = array<i32>} : memref<4x128x32xf32, #tpu.memory_space<vmem>>, vector<16xf32>,
      %add3A_1192 = arith.constant 0 : i32
      %add3A_1193 = vector.broadcast %add3A_1192 : i32 to vector<16xi32>
      %add3A_1194 = arith.addi %iota3A, %add3A_1193 : vector<16xi32>
      %scatter3A_1195 = arith.constant 0 : i32
      %scatter3A_1196 = arith.constant 0 : i32
      %scatter3A_1197 = tpu.memref_slice %arg7[%select_n3A_310, %scatter3A_1195, %scatter3A_1196] : memref<2x32x129xf32, #tpu.memory_space<vmem>> -> memref<1x32x129xf32, #tpu.memory_space<vmem>>
      %scatter3A_1198 = tpu.memref_squeeze %scatter3A_1197 : memref<1x32x129xf32, #tpu.memory_space<vmem>> -> memref<32x129xf32, #tpu.memory_space<vmem>>
      tpu.vector_store_idx %scatter3A_1198[%add3A_1194, %broadcast_in_dim3A_1186], %get3A_1191 : memref<32x129xf32, #tpu.memory_space<vmem>>[vector<16xi32>, vector<16xi32>], vector<16xf32>,
      %get3A_1199 = arith.constant 33 : i32
      %get3A_1200 = arith.index_cast %select_n3A_294 : i32 to index
      %get3A_1201 = arith.index_cast %get3A_1199 : i32 to index
      %get3A_1202 = arith.constant 16 : index
      %get3A_1203 = tpu.vector_load %arg6[%get3A_1200, %get3A_1201, %get3A_1202] {strides = array<i32>} : memref<4x128x32xf32, #tpu.memory_space<vmem>>, vector<16xf32>,
      %add3A_1204 = arith.constant 16 : i32
      %add3A_1205 = vector.broadcast %add3A_1204 : i32 to vector<16xi32>
      %add3A_1206 = arith.addi %iota3A, %add3A_1205 : vector<16xi32>
      %scatter3A_1207 = arith.constant 0 : i32
      %scatter3A_1208 = arith.constant 0 : i32
      %scatter3A_1209 = tpu.memref_slice %arg7[%select_n3A_310, %scatter3A_1207, %scatter3A_1208] : memref<2x32x129xf32, #tpu.memory_space<vmem>> -> memref<1x32x129xf32, #tpu.memory_space<vmem>>
      %scatter3A_1210 = tpu.memref_squeeze %scatter3A_1209 : memref<1x32x129xf32, #tpu.memory_space<vmem>> -> memref<32x129xf32, #tpu.memory_space<vmem>>
      tpu.vector_store_idx %scatter3A_1210[%add3A_1206, %broadcast_in_dim3A_1186], %get3A_1203 : memref<32x129xf32, #tpu.memory_space<vmem>>[vector<16xi32>, vector<16xi32>], vector<16xf32>,
      %broadcast_in_dim3A_1211 = arith.constant 34 : i32
      %broadcast_in_dim3A_1212 = vector.broadcast %broadcast_in_dim3A_1211 : i32 to vector<16xi32>
      %get3A_1213 = arith.constant 34 : i32
      %get3A_1214 = arith.index_cast %select_n3A_294 : i32 to index
      %get3A_1215 = arith.index_cast %get3A_1213 : i32 to index
      %get3A_1216 = arith.constant 0 : index
      %get3A_1217 = tpu.vector_load %arg6[%get3A_1214, %get3A_1215, %get3A_1216] {strides = array<i32>} : memref<4x128x32xf32, #tpu.memory_space<vmem>>, vector<16xf32>,
      %add3A_1218 = arith.constant 0 : i32
      %add3A_1219 = vector.broadcast %add3A_1218 : i32 to vector<16xi32>
      %add3A_1220 = arith.addi %iota3A, %add3A_1219 : vector<16xi32>
      %scatter3A_1221 = arith.constant 0 : i32
      %scatter3A_1222 = arith.constant 0 : i32
      %scatter3A_1223 = tpu.memref_slice %arg7[%select_n3A_310, %scatter3A_1221, %scatter3A_1222] : memref<2x32x129xf32, #tpu.memory_space<vmem>> -> memref<1x32x129xf32, #tpu.memory_space<vmem>>
      %scatter3A_1224 = tpu.memref_squeeze %scatter3A_1223 : memref<1x32x129xf32, #tpu.memory_space<vmem>> -> memref<32x129xf32, #tpu.memory_space<vmem>>
      tpu.vector_store_idx %scatter3A_1224[%add3A_1220, %broadcast_in_dim3A_1212], %get3A_1217 : memref<32x129xf32, #tpu.memory_space<vmem>>[vector<16xi32>, vector<16xi32>], vector<16xf32>,
      %get3A_1225 = arith.constant 34 : i32
      %get3A_1226 = arith.index_cast %select_n3A_294 : i32 to index
      %get3A_1227 = arith.index_cast %get3A_1225 : i32 to index
      %get3A_1228 = arith.constant 16 : index
      %get3A_1229 = tpu.vector_load %arg6[%get3A_1226, %get3A_1227, %get3A_1228] {strides = array<i32>} : memref<4x128x32xf32, #tpu.memory_space<vmem>>, vector<16xf32>,
      %add3A_1230 = arith.constant 16 : i32
      %add3A_1231 = vector.broadcast %add3A_1230 : i32 to vector<16xi32>
      %add3A_1232 = arith.addi %iota3A, %add3A_1231 : vector<16xi32>
      %scatter3A_1233 = arith.constant 0 : i32
      %scatter3A_1234 = arith.constant 0 : i32
      %scatter3A_1235 = tpu.memref_slice %arg7[%select_n3A_310, %scatter3A_1233, %scatter3A_1234] : memref<2x32x129xf32, #tpu.memory_space<vmem>> -> memref<1x32x129xf32, #tpu.memory_space<vmem>>
      %scatter3A_1236 = tpu.memref_squeeze %scatter3A_1235 : memref<1x32x129xf32, #tpu.memory_space<vmem>> -> memref<32x129xf32, #tpu.memory_space<vmem>>
      tpu.vector_store_idx %scatter3A_1236[%add3A_1232, %broadcast_in_dim3A_1212], %get3A_1229 : memref<32x129xf32, #tpu.memory_space<vmem>>[vector<16xi32>, vector<16xi32>], vector<16xf32>,
      %broadcast_in_dim3A_1237 = arith.constant 35 : i32
      %broadcast_in_dim3A_1238 = vector.broadcast %broadcast_in_dim3A_1237 : i32 to vector<16xi32>
      %get3A_1239 = arith.constant 35 : i32
      %get3A_1240 = arith.index_cast %select_n3A_294 : i32 to index
      %get3A_1241 = arith.index_cast %get3A_1239 : i32 to index
      %get3A_1242 = arith.constant 0 : index
      %get3A_1243 = tpu.vector_load %arg6[%get3A_1240, %get3A_1241, %get3A_1242] {strides = array<i32>} : memref<4x128x32xf32, #tpu.memory_space<vmem>>, vector<16xf32>,
      %add3A_1244 = arith.constant 0 : i32
      %add3A_1245 = vector.broadcast %add3A_1244 : i32 to vector<16xi32>
      %add3A_1246 = arith.addi %iota3A, %add3A_1245 : vector<16xi32>
      %scatter3A_1247 = arith.constant 0 : i32
      %scatter3A_1248 = arith.constant 0 : i32
      %scatter3A_1249 = tpu.memref_slice %arg7[%select_n3A_310, %scatter3A_1247, %scatter3A_1248] : memref<2x32x129xf32, #tpu.memory_space<vmem>> -> memref<1x32x129xf32, #tpu.memory_space<vmem>>
      %scatter3A_1250 = tpu.memref_squeeze %scatter3A_1249 : memref<1x32x129xf32, #tpu.memory_space<vmem>> -> memref<32x129xf32, #tpu.memory_space<vmem>>
      tpu.vector_store_idx %scatter3A_1250[%add3A_1246, %broadcast_in_dim3A_1238], %get3A_1243 : memref<32x129xf32, #tpu.memory_space<vmem>>[vector<16xi32>, vector<16xi32>], vector<16xf32>,
      %get3A_1251 = arith.constant 35 : i32
      %get3A_1252 = arith.index_cast %select_n3A_294 : i32 to index
      %get3A_1253 = arith.index_cast %get3A_1251 : i32 to index
      %get3A_1254 = arith.constant 16 : index
      %get3A_1255 = tpu.vector_load %arg6[%get3A_1252, %get3A_1253, %get3A_1254] {strides = array<i32>} : memref<4x128x32xf32, #tpu.memory_space<vmem>>, vector<16xf32>,
      %add3A_1256 = arith.constant 16 : i32
      %add3A_1257 = vector.broadcast %add3A_1256 : i32 to vector<16xi32>
      %add3A_1258 = arith.addi %iota3A, %add3A_1257 : vector<16xi32>
      %scatter3A_1259 = arith.constant 0 : i32
      %scatter3A_1260 = arith.constant 0 : i32
      %scatter3A_1261 = tpu.memref_slice %arg7[%select_n3A_310, %scatter3A_1259, %scatter3A_1260] : memref<2x32x129xf32, #tpu.memory_space<vmem>> -> memref<1x32x129xf32, #tpu.memory_space<vmem>>
      %scatter3A_1262 = tpu.memref_squeeze %scatter3A_1261 : memref<1x32x129xf32, #tpu.memory_space<vmem>> -> memref<32x129xf32, #tpu.memory_space<vmem>>
      tpu.vector_store_idx %scatter3A_1262[%add3A_1258, %broadcast_in_dim3A_1238], %get3A_1255 : memref<32x129xf32, #tpu.memory_space<vmem>>[vector<16xi32>, vector<16xi32>], vector<16xf32>,
      %broadcast_in_dim3A_1263 = arith.constant 36 : i32
      %broadcast_in_dim3A_1264 = vector.broadcast %broadcast_in_dim3A_1263 : i32 to vector<16xi32>
      %get3A_1265 = arith.constant 36 : i32
      %get3A_1266 = arith.index_cast %select_n3A_294 : i32 to index
      %get3A_1267 = arith.index_cast %get3A_1265 : i32 to index
      %get3A_1268 = arith.constant 0 : index
      %get3A_1269 = tpu.vector_load %arg6[%get3A_1266, %get3A_1267, %get3A_1268] {strides = array<i32>} : memref<4x128x32xf32, #tpu.memory_space<vmem>>, vector<16xf32>,
      %add3A_1270 = arith.constant 0 : i32
      %add3A_1271 = vector.broadcast %add3A_1270 : i32 to vector<16xi32>
      %add3A_1272 = arith.addi %iota3A, %add3A_1271 : vector<16xi32>
      %scatter3A_1273 = arith.constant 0 : i32
      %scatter3A_1274 = arith.constant 0 : i32
      %scatter3A_1275 = tpu.memref_slice %arg7[%select_n3A_310, %scatter3A_1273, %scatter3A_1274] : memref<2x32x129xf32, #tpu.memory_space<vmem>> -> memref<1x32x129xf32, #tpu.memory_space<vmem>>
      %scatter3A_1276 = tpu.memref_squeeze %scatter3A_1275 : memref<1x32x129xf32, #tpu.memory_space<vmem>> -> memref<32x129xf32, #tpu.memory_space<vmem>>
      tpu.vector_store_idx %scatter3A_1276[%add3A_1272, %broadcast_in_dim3A_1264], %get3A_1269 : memref<32x129xf32, #tpu.memory_space<vmem>>[vector<16xi32>, vector<16xi32>], vector<16xf32>,
      %get3A_1277 = arith.constant 36 : i32
      %get3A_1278 = arith.index_cast %select_n3A_294 : i32 to index
      %get3A_1279 = arith.index_cast %get3A_1277 : i32 to index
      %get3A_1280 = arith.constant 16 : index
      %get3A_1281 = tpu.vector_load %arg6[%get3A_1278, %get3A_1279, %get3A_1280] {strides = array<i32>} : memref<4x128x32xf32, #tpu.memory_space<vmem>>, vector<16xf32>,
      %add3A_1282 = arith.constant 16 : i32
      %add3A_1283 = vector.broadcast %add3A_1282 : i32 to vector<16xi32>
      %add3A_1284 = arith.addi %iota3A, %add3A_1283 : vector<16xi32>
      %scatter3A_1285 = arith.constant 0 : i32
      %scatter3A_1286 = arith.constant 0 : i32
      %scatter3A_1287 = tpu.memref_slice %arg7[%select_n3A_310, %scatter3A_1285, %scatter3A_1286] : memref<2x32x129xf32, #tpu.memory_space<vmem>> -> memref<1x32x129xf32, #tpu.memory_space<vmem>>
      %scatter3A_1288 = tpu.memref_squeeze %scatter3A_1287 : memref<1x32x129xf32, #tpu.memory_space<vmem>> -> memref<32x129xf32, #tpu.memory_space<vmem>>
      tpu.vector_store_idx %scatter3A_1288[%add3A_1284, %broadcast_in_dim3A_1264], %get3A_1281 : memref<32x129xf32, #tpu.memory_space<vmem>>[vector<16xi32>, vector<16xi32>], vector<16xf32>,
      %broadcast_in_dim3A_1289 = arith.constant 37 : i32
      %broadcast_in_dim3A_1290 = vector.broadcast %broadcast_in_dim3A_1289 : i32 to vector<16xi32>
      %get3A_1291 = arith.constant 37 : i32
      %get3A_1292 = arith.index_cast %select_n3A_294 : i32 to index
      %get3A_1293 = arith.index_cast %get3A_1291 : i32 to index
      %get3A_1294 = arith.constant 0 : index
      %get3A_1295 = tpu.vector_load %arg6[%get3A_1292, %get3A_1293, %get3A_1294] {strides = array<i32>} : memref<4x128x32xf32, #tpu.memory_space<vmem>>, vector<16xf32>,
      %add3A_1296 = arith.constant 0 : i32
      %add3A_1297 = vector.broadcast %add3A_1296 : i32 to vector<16xi32>
      %add3A_1298 = arith.addi %iota3A, %add3A_1297 : vector<16xi32>
      %scatter3A_1299 = arith.constant 0 : i32
      %scatter3A_1300 = arith.constant 0 : i32
      %scatter3A_1301 = tpu.memref_slice %arg7[%select_n3A_310, %scatter3A_1299, %scatter3A_1300] : memref<2x32x129xf32, #tpu.memory_space<vmem>> -> memref<1x32x129xf32, #tpu.memory_space<vmem>>
      %scatter3A_1302 = tpu.memref_squeeze %scatter3A_1301 : memref<1x32x129xf32, #tpu.memory_space<vmem>> -> memref<32x129xf32, #tpu.memory_space<vmem>>
      tpu.vector_store_idx %scatter3A_1302[%add3A_1298, %broadcast_in_dim3A_1290], %get3A_1295 : memref<32x129xf32, #tpu.memory_space<vmem>>[vector<16xi32>, vector<16xi32>], vector<16xf32>,
      %get3A_1303 = arith.constant 37 : i32
      %get3A_1304 = arith.index_cast %select_n3A_294 : i32 to index
      %get3A_1305 = arith.index_cast %get3A_1303 : i32 to index
      %get3A_1306 = arith.constant 16 : index
      %get3A_1307 = tpu.vector_load %arg6[%get3A_1304, %get3A_1305, %get3A_1306] {strides = array<i32>} : memref<4x128x32xf32, #tpu.memory_space<vmem>>, vector<16xf32>,
      %add3A_1308 = arith.constant 16 : i32
      %add3A_1309 = vector.broadcast %add3A_1308 : i32 to vector<16xi32>
      %add3A_1310 = arith.addi %iota3A, %add3A_1309 : vector<16xi32>
      %scatter3A_1311 = arith.constant 0 : i32
      %scatter3A_1312 = arith.constant 0 : i32
      %scatter3A_1313 = tpu.memref_slice %arg7[%select_n3A_310, %scatter3A_1311, %scatter3A_1312] : memref<2x32x129xf32, #tpu.memory_space<vmem>> -> memref<1x32x129xf32, #tpu.memory_space<vmem>>
      %scatter3A_1314 = tpu.memref_squeeze %scatter3A_1313 : memref<1x32x129xf32, #tpu.memory_space<vmem>> -> memref<32x129xf32, #tpu.memory_space<vmem>>
      tpu.vector_store_idx %scatter3A_1314[%add3A_1310, %broadcast_in_dim3A_1290], %get3A_1307 : memref<32x129xf32, #tpu.memory_space<vmem>>[vector<16xi32>, vector<16xi32>], vector<16xf32>,
      %broadcast_in_dim3A_1315 = arith.constant 38 : i32
      %broadcast_in_dim3A_1316 = vector.broadcast %broadcast_in_dim3A_1315 : i32 to vector<16xi32>
      %get3A_1317 = arith.constant 38 : i32
      %get3A_1318 = arith.index_cast %select_n3A_294 : i32 to index
      %get3A_1319 = arith.index_cast %get3A_1317 : i32 to index
      %get3A_1320 = arith.constant 0 : index
      %get3A_1321 = tpu.vector_load %arg6[%get3A_1318, %get3A_1319, %get3A_1320] {strides = array<i32>} : memref<4x128x32xf32, #tpu.memory_space<vmem>>, vector<16xf32>,
      %add3A_1322 = arith.constant 0 : i32
      %add3A_1323 = vector.broadcast %add3A_1322 : i32 to vector<16xi32>
      %add3A_1324 = arith.addi %iota3A, %add3A_1323 : vector<16xi32>
      %scatter3A_1325 = arith.constant 0 : i32
      %scatter3A_1326 = arith.constant 0 : i32
      %scatter3A_1327 = tpu.memref_slice %arg7[%select_n3A_310, %scatter3A_1325, %scatter3A_1326] : memref<2x32x129xf32, #tpu.memory_space<vmem>> -> memref<1x32x129xf32, #tpu.memory_space<vmem>>
      %scatter3A_1328 = tpu.memref_squeeze %scatter3A_1327 : memref<1x32x129xf32, #tpu.memory_space<vmem>> -> memref<32x129xf32, #tpu.memory_space<vmem>>
      tpu.vector_store_idx %scatter3A_1328[%add3A_1324, %broadcast_in_dim3A_1316], %get3A_1321 : memref<32x129xf32, #tpu.memory_space<vmem>>[vector<16xi32>, vector<16xi32>], vector<16xf32>,
      %get3A_1329 = arith.constant 38 : i32
      %get3A_1330 = arith.index_cast %select_n3A_294 : i32 to index
      %get3A_1331 = arith.index_cast %get3A_1329 : i32 to index
      %get3A_1332 = arith.constant 16 : index
      %get3A_1333 = tpu.vector_load %arg6[%get3A_1330, %get3A_1331, %get3A_1332] {strides = array<i32>} : memref<4x128x32xf32, #tpu.memory_space<vmem>>, vector<16xf32>,
      %add3A_1334 = arith.constant 16 : i32
      %add3A_1335 = vector.broadcast %add3A_1334 : i32 to vector<16xi32>
      %add3A_1336 = arith.addi %iota3A, %add3A_1335 : vector<16xi32>
      %scatter3A_1337 = arith.constant 0 : i32
      %scatter3A_1338 = arith.constant 0 : i32
      %scatter3A_1339 = tpu.memref_slice %arg7[%select_n3A_310, %scatter3A_1337, %scatter3A_1338] : memref<2x32x129xf32, #tpu.memory_space<vmem>> -> memref<1x32x129xf32, #tpu.memory_space<vmem>>
      %scatter3A_1340 = tpu.memref_squeeze %scatter3A_1339 : memref<1x32x129xf32, #tpu.memory_space<vmem>> -> memref<32x129xf32, #tpu.memory_space<vmem>>
      tpu.vector_store_idx %scatter3A_1340[%add3A_1336, %broadcast_in_dim3A_1316], %get3A_1333 : memref<32x129xf32, #tpu.memory_space<vmem>>[vector<16xi32>, vector<16xi32>], vector<16xf32>,
      %broadcast_in_dim3A_1341 = arith.constant 39 : i32
      %broadcast_in_dim3A_1342 = vector.broadcast %broadcast_in_dim3A_1341 : i32 to vector<16xi32>
      %get3A_1343 = arith.constant 39 : i32
      %get3A_1344 = arith.index_cast %select_n3A_294 : i32 to index
      %get3A_1345 = arith.index_cast %get3A_1343 : i32 to index
      %get3A_1346 = arith.constant 0 : index
      %get3A_1347 = tpu.vector_load %arg6[%get3A_1344, %get3A_1345, %get3A_1346] {strides = array<i32>} : memref<4x128x32xf32, #tpu.memory_space<vmem>>, vector<16xf32>,
      %add3A_1348 = arith.constant 0 : i32
      %add3A_1349 = vector.broadcast %add3A_1348 : i32 to vector<16xi32>
      %add3A_1350 = arith.addi %iota3A, %add3A_1349 : vector<16xi32>
      %scatter3A_1351 = arith.constant 0 : i32
      %scatter3A_1352 = arith.constant 0 : i32
      %scatter3A_1353 = tpu.memref_slice %arg7[%select_n3A_310, %scatter3A_1351, %scatter3A_1352] : memref<2x32x129xf32, #tpu.memory_space<vmem>> -> memref<1x32x129xf32, #tpu.memory_space<vmem>>
      %scatter3A_1354 = tpu.memref_squeeze %scatter3A_1353 : memref<1x32x129xf32, #tpu.memory_space<vmem>> -> memref<32x129xf32, #tpu.memory_space<vmem>>
      tpu.vector_store_idx %scatter3A_1354[%add3A_1350, %broadcast_in_dim3A_1342], %get3A_1347 : memref<32x129xf32, #tpu.memory_space<vmem>>[vector<16xi32>, vector<16xi32>], vector<16xf32>,
      %get3A_1355 = arith.constant 39 : i32
      %get3A_1356 = arith.index_cast %select_n3A_294 : i32 to index
      %get3A_1357 = arith.index_cast %get3A_1355 : i32 to index
      %get3A_1358 = arith.constant 16 : index
      %get3A_1359 = tpu.vector_load %arg6[%get3A_1356, %get3A_1357, %get3A_1358] {strides = array<i32>} : memref<4x128x32xf32, #tpu.memory_space<vmem>>, vector<16xf32>,
      %add3A_1360 = arith.constant 16 : i32
      %add3A_1361 = vector.broadcast %add3A_1360 : i32 to vector<16xi32>
      %add3A_1362 = arith.addi %iota3A, %add3A_1361 : vector<16xi32>
      %scatter3A_1363 = arith.constant 0 : i32
      %scatter3A_1364 = arith.constant 0 : i32
      %scatter3A_1365 = tpu.memref_slice %arg7[%select_n3A_310, %scatter3A_1363, %scatter3A_1364] : memref<2x32x129xf32, #tpu.memory_space<vmem>> -> memref<1x32x129xf32, #tpu.memory_space<vmem>>
      %scatter3A_1366 = tpu.memref_squeeze %scatter3A_1365 : memref<1x32x129xf32, #tpu.memory_space<vmem>> -> memref<32x129xf32, #tpu.memory_space<vmem>>
      tpu.vector_store_idx %scatter3A_1366[%add3A_1362, %broadcast_in_dim3A_1342], %get3A_1359 : memref<32x129xf32, #tpu.memory_space<vmem>>[vector<16xi32>, vector<16xi32>], vector<16xf32>,
      %broadcast_in_dim3A_1367 = arith.constant 40 : i32
      %broadcast_in_dim3A_1368 = vector.broadcast %broadcast_in_dim3A_1367 : i32 to vector<16xi32>
      %get3A_1369 = arith.constant 40 : i32
      %get3A_1370 = arith.index_cast %select_n3A_294 : i32 to index
      %get3A_1371 = arith.index_cast %get3A_1369 : i32 to index
      %get3A_1372 = arith.constant 0 : index
      %get3A_1373 = tpu.vector_load %arg6[%get3A_1370, %get3A_1371, %get3A_1372] {strides = array<i32>} : memref<4x128x32xf32, #tpu.memory_space<vmem>>, vector<16xf32>,
      %add3A_1374 = arith.constant 0 : i32
      %add3A_1375 = vector.broadcast %add3A_1374 : i32 to vector<16xi32>
      %add3A_1376 = arith.addi %iota3A, %add3A_1375 : vector<16xi32>
      %scatter3A_1377 = arith.constant 0 : i32
      %scatter3A_1378 = arith.constant 0 : i32
      %scatter3A_1379 = tpu.memref_slice %arg7[%select_n3A_310, %scatter3A_1377, %scatter3A_1378] : memref<2x32x129xf32, #tpu.memory_space<vmem>> -> memref<1x32x129xf32, #tpu.memory_space<vmem>>
      %scatter3A_1380 = tpu.memref_squeeze %scatter3A_1379 : memref<1x32x129xf32, #tpu.memory_space<vmem>> -> memref<32x129xf32, #tpu.memory_space<vmem>>
      tpu.vector_store_idx %scatter3A_1380[%add3A_1376, %broadcast_in_dim3A_1368], %get3A_1373 : memref<32x129xf32, #tpu.memory_space<vmem>>[vector<16xi32>, vector<16xi32>], vector<16xf32>,
      %get3A_1381 = arith.constant 40 : i32
      %get3A_1382 = arith.index_cast %select_n3A_294 : i32 to index
      %get3A_1383 = arith.index_cast %get3A_1381 : i32 to index
      %get3A_1384 = arith.constant 16 : index
      %get3A_1385 = tpu.vector_load %arg6[%get3A_1382, %get3A_1383, %get3A_1384] {strides = array<i32>} : memref<4x128x32xf32, #tpu.memory_space<vmem>>, vector<16xf32>,
      %add3A_1386 = arith.constant 16 : i32
      %add3A_1387 = vector.broadcast %add3A_1386 : i32 to vector<16xi32>
      %add3A_1388 = arith.addi %iota3A, %add3A_1387 : vector<16xi32>
      %scatter3A_1389 = arith.constant 0 : i32
      %scatter3A_1390 = arith.constant 0 : i32
      %scatter3A_1391 = tpu.memref_slice %arg7[%select_n3A_310, %scatter3A_1389, %scatter3A_1390] : memref<2x32x129xf32, #tpu.memory_space<vmem>> -> memref<1x32x129xf32, #tpu.memory_space<vmem>>
      %scatter3A_1392 = tpu.memref_squeeze %scatter3A_1391 : memref<1x32x129xf32, #tpu.memory_space<vmem>> -> memref<32x129xf32, #tpu.memory_space<vmem>>
      tpu.vector_store_idx %scatter3A_1392[%add3A_1388, %broadcast_in_dim3A_1368], %get3A_1385 : memref<32x129xf32, #tpu.memory_space<vmem>>[vector<16xi32>, vector<16xi32>], vector<16xf32>,
      %broadcast_in_dim3A_1393 = arith.constant 41 : i32
      %broadcast_in_dim3A_1394 = vector.broadcast %broadcast_in_dim3A_1393 : i32 to vector<16xi32>
      %get3A_1395 = arith.constant 41 : i32
      %get3A_1396 = arith.index_cast %select_n3A_294 : i32 to index
      %get3A_1397 = arith.index_cast %get3A_1395 : i32 to index
      %get3A_1398 = arith.constant 0 : index
      %get3A_1399 = tpu.vector_load %arg6[%get3A_1396, %get3A_1397, %get3A_1398] {strides = array<i32>} : memref<4x128x32xf32, #tpu.memory_space<vmem>>, vector<16xf32>,
      %add3A_1400 = arith.constant 0 : i32
      %add3A_1401 = vector.broadcast %add3A_1400 : i32 to vector<16xi32>
      %add3A_1402 = arith.addi %iota3A, %add3A_1401 : vector<16xi32>
      %scatter3A_1403 = arith.constant 0 : i32
      %scatter3A_1404 = arith.constant 0 : i32
      %scatter3A_1405 = tpu.memref_slice %arg7[%select_n3A_310, %scatter3A_1403, %scatter3A_1404] : memref<2x32x129xf32, #tpu.memory_space<vmem>> -> memref<1x32x129xf32, #tpu.memory_space<vmem>>
      %scatter3A_1406 = tpu.memref_squeeze %scatter3A_1405 : memref<1x32x129xf32, #tpu.memory_space<vmem>> -> memref<32x129xf32, #tpu.memory_space<vmem>>
      tpu.vector_store_idx %scatter3A_1406[%add3A_1402, %broadcast_in_dim3A_1394], %get3A_1399 : memref<32x129xf32, #tpu.memory_space<vmem>>[vector<16xi32>, vector<16xi32>], vector<16xf32>,
      %get3A_1407 = arith.constant 41 : i32
      %get3A_1408 = arith.index_cast %select_n3A_294 : i32 to index
      %get3A_1409 = arith.index_cast %get3A_1407 : i32 to index
      %get3A_1410 = arith.constant 16 : index
      %get3A_1411 = tpu.vector_load %arg6[%get3A_1408, %get3A_1409, %get3A_1410] {strides = array<i32>} : memref<4x128x32xf32, #tpu.memory_space<vmem>>, vector<16xf32>,
      %add3A_1412 = arith.constant 16 : i32
      %add3A_1413 = vector.broadcast %add3A_1412 : i32 to vector<16xi32>
      %add3A_1414 = arith.addi %iota3A, %add3A_1413 : vector<16xi32>
      %scatter3A_1415 = arith.constant 0 : i32
      %scatter3A_1416 = arith.constant 0 : i32
      %scatter3A_1417 = tpu.memref_slice %arg7[%select_n3A_310, %scatter3A_1415, %scatter3A_1416] : memref<2x32x129xf32, #tpu.memory_space<vmem>> -> memref<1x32x129xf32, #tpu.memory_space<vmem>>
      %scatter3A_1418 = tpu.memref_squeeze %scatter3A_1417 : memref<1x32x129xf32, #tpu.memory_space<vmem>> -> memref<32x129xf32, #tpu.memory_space<vmem>>
      tpu.vector_store_idx %scatter3A_1418[%add3A_1414, %broadcast_in_dim3A_1394], %get3A_1411 : memref<32x129xf32, #tpu.memory_space<vmem>>[vector<16xi32>, vector<16xi32>], vector<16xf32>,
      %broadcast_in_dim3A_1419 = arith.constant 42 : i32
      %broadcast_in_dim3A_1420 = vector.broadcast %broadcast_in_dim3A_1419 : i32 to vector<16xi32>
      %get3A_1421 = arith.constant 42 : i32
      %get3A_1422 = arith.index_cast %select_n3A_294 : i32 to index
      %get3A_1423 = arith.index_cast %get3A_1421 : i32 to index
      %get3A_1424 = arith.constant 0 : index
      %get3A_1425 = tpu.vector_load %arg6[%get3A_1422, %get3A_1423, %get3A_1424] {strides = array<i32>} : memref<4x128x32xf32, #tpu.memory_space<vmem>>, vector<16xf32>,
      %add3A_1426 = arith.constant 0 : i32
      %add3A_1427 = vector.broadcast %add3A_1426 : i32 to vector<16xi32>
      %add3A_1428 = arith.addi %iota3A, %add3A_1427 : vector<16xi32>
      %scatter3A_1429 = arith.constant 0 : i32
      %scatter3A_1430 = arith.constant 0 : i32
      %scatter3A_1431 = tpu.memref_slice %arg7[%select_n3A_310, %scatter3A_1429, %scatter3A_1430] : memref<2x32x129xf32, #tpu.memory_space<vmem>> -> memref<1x32x129xf32, #tpu.memory_space<vmem>>
      %scatter3A_1432 = tpu.memref_squeeze %scatter3A_1431 : memref<1x32x129xf32, #tpu.memory_space<vmem>> -> memref<32x129xf32, #tpu.memory_space<vmem>>
      tpu.vector_store_idx %scatter3A_1432[%add3A_1428, %broadcast_in_dim3A_1420], %get3A_1425 : memref<32x129xf32, #tpu.memory_space<vmem>>[vector<16xi32>, vector<16xi32>], vector<16xf32>,
      %get3A_1433 = arith.constant 42 : i32
      %get3A_1434 = arith.index_cast %select_n3A_294 : i32 to index
      %get3A_1435 = arith.index_cast %get3A_1433 : i32 to index
      %get3A_1436 = arith.constant 16 : index
      %get3A_1437 = tpu.vector_load %arg6[%get3A_1434, %get3A_1435, %get3A_1436] {strides = array<i32>} : memref<4x128x32xf32, #tpu.memory_space<vmem>>, vector<16xf32>,
      %add3A_1438 = arith.constant 16 : i32
      %add3A_1439 = vector.broadcast %add3A_1438 : i32 to vector<16xi32>
      %add3A_1440 = arith.addi %iota3A, %add3A_1439 : vector<16xi32>
      %scatter3A_1441 = arith.constant 0 : i32
      %scatter3A_1442 = arith.constant 0 : i32
      %scatter3A_1443 = tpu.memref_slice %arg7[%select_n3A_310, %scatter3A_1441, %scatter3A_1442] : memref<2x32x129xf32, #tpu.memory_space<vmem>> -> memref<1x32x129xf32, #tpu.memory_space<vmem>>
      %scatter3A_1444 = tpu.memref_squeeze %scatter3A_1443 : memref<1x32x129xf32, #tpu.memory_space<vmem>> -> memref<32x129xf32, #tpu.memory_space<vmem>>
      tpu.vector_store_idx %scatter3A_1444[%add3A_1440, %broadcast_in_dim3A_1420], %get3A_1437 : memref<32x129xf32, #tpu.memory_space<vmem>>[vector<16xi32>, vector<16xi32>], vector<16xf32>,
      %broadcast_in_dim3A_1445 = arith.constant 43 : i32
      %broadcast_in_dim3A_1446 = vector.broadcast %broadcast_in_dim3A_1445 : i32 to vector<16xi32>
      %get3A_1447 = arith.constant 43 : i32
      %get3A_1448 = arith.index_cast %select_n3A_294 : i32 to index
      %get3A_1449 = arith.index_cast %get3A_1447 : i32 to index
      %get3A_1450 = arith.constant 0 : index
      %get3A_1451 = tpu.vector_load %arg6[%get3A_1448, %get3A_1449, %get3A_1450] {strides = array<i32>} : memref<4x128x32xf32, #tpu.memory_space<vmem>>, vector<16xf32>,
      %add3A_1452 = arith.constant 0 : i32
      %add3A_1453 = vector.broadcast %add3A_1452 : i32 to vector<16xi32>
      %add3A_1454 = arith.addi %iota3A, %add3A_1453 : vector<16xi32>
      %scatter3A_1455 = arith.constant 0 : i32
      %scatter3A_1456 = arith.constant 0 : i32
      %scatter3A_1457 = tpu.memref_slice %arg7[%select_n3A_310, %scatter3A_1455, %scatter3A_1456] : memref<2x32x129xf32, #tpu.memory_space<vmem>> -> memref<1x32x129xf32, #tpu.memory_space<vmem>>
      %scatter3A_1458 = tpu.memref_squeeze %scatter3A_1457 : memref<1x32x129xf32, #tpu.memory_space<vmem>> -> memref<32x129xf32, #tpu.memory_space<vmem>>
      tpu.vector_store_idx %scatter3A_1458[%add3A_1454, %broadcast_in_dim3A_1446], %get3A_1451 : memref<32x129xf32, #tpu.memory_space<vmem>>[vector<16xi32>, vector<16xi32>], vector<16xf32>,
      %get3A_1459 = arith.constant 43 : i32
      %get3A_1460 = arith.index_cast %select_n3A_294 : i32 to index
      %get3A_1461 = arith.index_cast %get3A_1459 : i32 to index
      %get3A_1462 = arith.constant 16 : index
      %get3A_1463 = tpu.vector_load %arg6[%get3A_1460, %get3A_1461, %get3A_1462] {strides = array<i32>} : memref<4x128x32xf32, #tpu.memory_space<vmem>>, vector<16xf32>,
      %add3A_1464 = arith.constant 16 : i32
      %add3A_1465 = vector.broadcast %add3A_1464 : i32 to vector<16xi32>
      %add3A_1466 = arith.addi %iota3A, %add3A_1465 : vector<16xi32>
      %scatter3A_1467 = arith.constant 0 : i32
      %scatter3A_1468 = arith.constant 0 : i32
      %scatter3A_1469 = tpu.memref_slice %arg7[%select_n3A_310, %scatter3A_1467, %scatter3A_1468] : memref<2x32x129xf32, #tpu.memory_space<vmem>> -> memref<1x32x129xf32, #tpu.memory_space<vmem>>
      %scatter3A_1470 = tpu.memref_squeeze %scatter3A_1469 : memref<1x32x129xf32, #tpu.memory_space<vmem>> -> memref<32x129xf32, #tpu.memory_space<vmem>>
      tpu.vector_store_idx %scatter3A_1470[%add3A_1466, %broadcast_in_dim3A_1446], %get3A_1463 : memref<32x129xf32, #tpu.memory_space<vmem>>[vector<16xi32>, vector<16xi32>], vector<16xf32>,
      %broadcast_in_dim3A_1471 = arith.constant 44 : i32
      %broadcast_in_dim3A_1472 = vector.broadcast %broadcast_in_dim3A_1471 : i32 to vector<16xi32>
      %get3A_1473 = arith.constant 44 : i32
      %get3A_1474 = arith.index_cast %select_n3A_294 : i32 to index
      %get3A_1475 = arith.index_cast %get3A_1473 : i32 to index
      %get3A_1476 = arith.constant 0 : index
      %get3A_1477 = tpu.vector_load %arg6[%get3A_1474, %get3A_1475, %get3A_1476] {strides = array<i32>} : memref<4x128x32xf32, #tpu.memory_space<vmem>>, vector<16xf32>,
      %add3A_1478 = arith.constant 0 : i32
      %add3A_1479 = vector.broadcast %add3A_1478 : i32 to vector<16xi32>
      %add3A_1480 = arith.addi %iota3A, %add3A_1479 : vector<16xi32>
      %scatter3A_1481 = arith.constant 0 : i32
      %scatter3A_1482 = arith.constant 0 : i32
      %scatter3A_1483 = tpu.memref_slice %arg7[%select_n3A_310, %scatter3A_1481, %scatter3A_1482] : memref<2x32x129xf32, #tpu.memory_space<vmem>> -> memref<1x32x129xf32, #tpu.memory_space<vmem>>
      %scatter3A_1484 = tpu.memref_squeeze %scatter3A_1483 : memref<1x32x129xf32, #tpu.memory_space<vmem>> -> memref<32x129xf32, #tpu.memory_space<vmem>>
      tpu.vector_store_idx %scatter3A_1484[%add3A_1480, %broadcast_in_dim3A_1472], %get3A_1477 : memref<32x129xf32, #tpu.memory_space<vmem>>[vector<16xi32>, vector<16xi32>], vector<16xf32>,
      %get3A_1485 = arith.constant 44 : i32
      %get3A_1486 = arith.index_cast %select_n3A_294 : i32 to index
      %get3A_1487 = arith.index_cast %get3A_1485 : i32 to index
      %get3A_1488 = arith.constant 16 : index
      %get3A_1489 = tpu.vector_load %arg6[%get3A_1486, %get3A_1487, %get3A_1488] {strides = array<i32>} : memref<4x128x32xf32, #tpu.memory_space<vmem>>, vector<16xf32>,
      %add3A_1490 = arith.constant 16 : i32
      %add3A_1491 = vector.broadcast %add3A_1490 : i32 to vector<16xi32>
      %add3A_1492 = arith.addi %iota3A, %add3A_1491 : vector<16xi32>
      %scatter3A_1493 = arith.constant 0 : i32
      %scatter3A_1494 = arith.constant 0 : i32
      %scatter3A_1495 = tpu.memref_slice %arg7[%select_n3A_310, %scatter3A_1493, %scatter3A_1494] : memref<2x32x129xf32, #tpu.memory_space<vmem>> -> memref<1x32x129xf32, #tpu.memory_space<vmem>>
      %scatter3A_1496 = tpu.memref_squeeze %scatter3A_1495 : memref<1x32x129xf32, #tpu.memory_space<vmem>> -> memref<32x129xf32, #tpu.memory_space<vmem>>
      tpu.vector_store_idx %scatter3A_1496[%add3A_1492, %broadcast_in_dim3A_1472], %get3A_1489 : memref<32x129xf32, #tpu.memory_space<vmem>>[vector<16xi32>, vector<16xi32>], vector<16xf32>,
      %broadcast_in_dim3A_1497 = arith.constant 45 : i32
      %broadcast_in_dim3A_1498 = vector.broadcast %broadcast_in_dim3A_1497 : i32 to vector<16xi32>
      %get3A_1499 = arith.constant 45 : i32
      %get3A_1500 = arith.index_cast %select_n3A_294 : i32 to index
      %get3A_1501 = arith.index_cast %get3A_1499 : i32 to index
      %get3A_1502 = arith.constant 0 : index
      %get3A_1503 = tpu.vector_load %arg6[%get3A_1500, %get3A_1501, %get3A_1502] {strides = array<i32>} : memref<4x128x32xf32, #tpu.memory_space<vmem>>, vector<16xf32>,
      %add3A_1504 = arith.constant 0 : i32
      %add3A_1505 = vector.broadcast %add3A_1504 : i32 to vector<16xi32>
      %add3A_1506 = arith.addi %iota3A, %add3A_1505 : vector<16xi32>
      %scatter3A_1507 = arith.constant 0 : i32
      %scatter3A_1508 = arith.constant 0 : i32
      %scatter3A_1509 = tpu.memref_slice %arg7[%select_n3A_310, %scatter3A_1507, %scatter3A_1508] : memref<2x32x129xf32, #tpu.memory_space<vmem>> -> memref<1x32x129xf32, #tpu.memory_space<vmem>>
      %scatter3A_1510 = tpu.memref_squeeze %scatter3A_1509 : memref<1x32x129xf32, #tpu.memory_space<vmem>> -> memref<32x129xf32, #tpu.memory_space<vmem>>
      tpu.vector_store_idx %scatter3A_1510[%add3A_1506, %broadcast_in_dim3A_1498], %get3A_1503 : memref<32x129xf32, #tpu.memory_space<vmem>>[vector<16xi32>, vector<16xi32>], vector<16xf32>,
      %get3A_1511 = arith.constant 45 : i32
      %get3A_1512 = arith.index_cast %select_n3A_294 : i32 to index
      %get3A_1513 = arith.index_cast %get3A_1511 : i32 to index
      %get3A_1514 = arith.constant 16 : index
      %get3A_1515 = tpu.vector_load %arg6[%get3A_1512, %get3A_1513, %get3A_1514] {strides = array<i32>} : memref<4x128x32xf32, #tpu.memory_space<vmem>>, vector<16xf32>,
      %add3A_1516 = arith.constant 16 : i32
      %add3A_1517 = vector.broadcast %add3A_1516 : i32 to vector<16xi32>
      %add3A_1518 = arith.addi %iota3A, %add3A_1517 : vector<16xi32>
      %scatter3A_1519 = arith.constant 0 : i32
      %scatter3A_1520 = arith.constant 0 : i32
      %scatter3A_1521 = tpu.memref_slice %arg7[%select_n3A_310, %scatter3A_1519, %scatter3A_1520] : memref<2x32x129xf32, #tpu.memory_space<vmem>> -> memref<1x32x129xf32, #tpu.memory_space<vmem>>
      %scatter3A_1522 = tpu.memref_squeeze %scatter3A_1521 : memref<1x32x129xf32, #tpu.memory_space<vmem>> -> memref<32x129xf32, #tpu.memory_space<vmem>>
      tpu.vector_store_idx %scatter3A_1522[%add3A_1518, %broadcast_in_dim3A_1498], %get3A_1515 : memref<32x129xf32, #tpu.memory_space<vmem>>[vector<16xi32>, vector<16xi32>], vector<16xf32>,
      %broadcast_in_dim3A_1523 = arith.constant 46 : i32
      %broadcast_in_dim3A_1524 = vector.broadcast %broadcast_in_dim3A_1523 : i32 to vector<16xi32>
      %get3A_1525 = arith.constant 46 : i32
      %get3A_1526 = arith.index_cast %select_n3A_294 : i32 to index
      %get3A_1527 = arith.index_cast %get3A_1525 : i32 to index
      %get3A_1528 = arith.constant 0 : index
      %get3A_1529 = tpu.vector_load %arg6[%get3A_1526, %get3A_1527, %get3A_1528] {strides = array<i32>} : memref<4x128x32xf32, #tpu.memory_space<vmem>>, vector<16xf32>,
      %add3A_1530 = arith.constant 0 : i32
      %add3A_1531 = vector.broadcast %add3A_1530 : i32 to vector<16xi32>
      %add3A_1532 = arith.addi %iota3A, %add3A_1531 : vector<16xi32>
      %scatter3A_1533 = arith.constant 0 : i32
      %scatter3A_1534 = arith.constant 0 : i32
      %scatter3A_1535 = tpu.memref_slice %arg7[%select_n3A_310, %scatter3A_1533, %scatter3A_1534] : memref<2x32x129xf32, #tpu.memory_space<vmem>> -> memref<1x32x129xf32, #tpu.memory_space<vmem>>
      %scatter3A_1536 = tpu.memref_squeeze %scatter3A_1535 : memref<1x32x129xf32, #tpu.memory_space<vmem>> -> memref<32x129xf32, #tpu.memory_space<vmem>>
      tpu.vector_store_idx %scatter3A_1536[%add3A_1532, %broadcast_in_dim3A_1524], %get3A_1529 : memref<32x129xf32, #tpu.memory_space<vmem>>[vector<16xi32>, vector<16xi32>], vector<16xf32>,
      %get3A_1537 = arith.constant 46 : i32
      %get3A_1538 = arith.index_cast %select_n3A_294 : i32 to index
      %get3A_1539 = arith.index_cast %get3A_1537 : i32 to index
      %get3A_1540 = arith.constant 16 : index
      %get3A_1541 = tpu.vector_load %arg6[%get3A_1538, %get3A_1539, %get3A_1540] {strides = array<i32>} : memref<4x128x32xf32, #tpu.memory_space<vmem>>, vector<16xf32>,
      %add3A_1542 = arith.constant 16 : i32
      %add3A_1543 = vector.broadcast %add3A_1542 : i32 to vector<16xi32>
      %add3A_1544 = arith.addi %iota3A, %add3A_1543 : vector<16xi32>
      %scatter3A_1545 = arith.constant 0 : i32
      %scatter3A_1546 = arith.constant 0 : i32
      %scatter3A_1547 = tpu.memref_slice %arg7[%select_n3A_310, %scatter3A_1545, %scatter3A_1546] : memref<2x32x129xf32, #tpu.memory_space<vmem>> -> memref<1x32x129xf32, #tpu.memory_space<vmem>>
      %scatter3A_1548 = tpu.memref_squeeze %scatter3A_1547 : memref<1x32x129xf32, #tpu.memory_space<vmem>> -> memref<32x129xf32, #tpu.memory_space<vmem>>
      tpu.vector_store_idx %scatter3A_1548[%add3A_1544, %broadcast_in_dim3A_1524], %get3A_1541 : memref<32x129xf32, #tpu.memory_space<vmem>>[vector<16xi32>, vector<16xi32>], vector<16xf32>,
      %broadcast_in_dim3A_1549 = arith.constant 47 : i32
      %broadcast_in_dim3A_1550 = vector.broadcast %broadcast_in_dim3A_1549 : i32 to vector<16xi32>
      %get3A_1551 = arith.constant 47 : i32
      %get3A_1552 = arith.index_cast %select_n3A_294 : i32 to index
      %get3A_1553 = arith.index_cast %get3A_1551 : i32 to index
      %get3A_1554 = arith.constant 0 : index
      %get3A_1555 = tpu.vector_load %arg6[%get3A_1552, %get3A_1553, %get3A_1554] {strides = array<i32>} : memref<4x128x32xf32, #tpu.memory_space<vmem>>, vector<16xf32>,
      %add3A_1556 = arith.constant 0 : i32
      %add3A_1557 = vector.broadcast %add3A_1556 : i32 to vector<16xi32>
      %add3A_1558 = arith.addi %iota3A, %add3A_1557 : vector<16xi32>
      %scatter3A_1559 = arith.constant 0 : i32
      %scatter3A_1560 = arith.constant 0 : i32
      %scatter3A_1561 = tpu.memref_slice %arg7[%select_n3A_310, %scatter3A_1559, %scatter3A_1560] : memref<2x32x129xf32, #tpu.memory_space<vmem>> -> memref<1x32x129xf32, #tpu.memory_space<vmem>>
      %scatter3A_1562 = tpu.memref_squeeze %scatter3A_1561 : memref<1x32x129xf32, #tpu.memory_space<vmem>> -> memref<32x129xf32, #tpu.memory_space<vmem>>
      tpu.vector_store_idx %scatter3A_1562[%add3A_1558, %broadcast_in_dim3A_1550], %get3A_1555 : memref<32x129xf32, #tpu.memory_space<vmem>>[vector<16xi32>, vector<16xi32>], vector<16xf32>,
      %get3A_1563 = arith.constant 47 : i32
      %get3A_1564 = arith.index_cast %select_n3A_294 : i32 to index
      %get3A_1565 = arith.index_cast %get3A_1563 : i32 to index
      %get3A_1566 = arith.constant 16 : index
      %get3A_1567 = tpu.vector_load %arg6[%get3A_1564, %get3A_1565, %get3A_1566] {strides = array<i32>} : memref<4x128x32xf32, #tpu.memory_space<vmem>>, vector<16xf32>,
      %add3A_1568 = arith.constant 16 : i32
      %add3A_1569 = vector.broadcast %add3A_1568 : i32 to vector<16xi32>
      %add3A_1570 = arith.addi %iota3A, %add3A_1569 : vector<16xi32>
      %scatter3A_1571 = arith.constant 0 : i32
      %scatter3A_1572 = arith.constant 0 : i32
      %scatter3A_1573 = tpu.memref_slice %arg7[%select_n3A_310, %scatter3A_1571, %scatter3A_1572] : memref<2x32x129xf32, #tpu.memory_space<vmem>> -> memref<1x32x129xf32, #tpu.memory_space<vmem>>
      %scatter3A_1574 = tpu.memref_squeeze %scatter3A_1573 : memref<1x32x129xf32, #tpu.memory_space<vmem>> -> memref<32x129xf32, #tpu.memory_space<vmem>>
      tpu.vector_store_idx %scatter3A_1574[%add3A_1570, %broadcast_in_dim3A_1550], %get3A_1567 : memref<32x129xf32, #tpu.memory_space<vmem>>[vector<16xi32>, vector<16xi32>], vector<16xf32>,
      %broadcast_in_dim3A_1575 = arith.constant 48 : i32
      %broadcast_in_dim3A_1576 = vector.broadcast %broadcast_in_dim3A_1575 : i32 to vector<16xi32>
      %get3A_1577 = arith.constant 48 : i32
      %get3A_1578 = arith.index_cast %select_n3A_294 : i32 to index
      %get3A_1579 = arith.index_cast %get3A_1577 : i32 to index
      %get3A_1580 = arith.constant 0 : index
      %get3A_1581 = tpu.vector_load %arg6[%get3A_1578, %get3A_1579, %get3A_1580] {strides = array<i32>} : memref<4x128x32xf32, #tpu.memory_space<vmem>>, vector<16xf32>,
      %add3A_1582 = arith.constant 0 : i32
      %add3A_1583 = vector.broadcast %add3A_1582 : i32 to vector<16xi32>
      %add3A_1584 = arith.addi %iota3A, %add3A_1583 : vector<16xi32>
      %scatter3A_1585 = arith.constant 0 : i32
      %scatter3A_1586 = arith.constant 0 : i32
      %scatter3A_1587 = tpu.memref_slice %arg7[%select_n3A_310, %scatter3A_1585, %scatter3A_1586] : memref<2x32x129xf32, #tpu.memory_space<vmem>> -> memref<1x32x129xf32, #tpu.memory_space<vmem>>
      %scatter3A_1588 = tpu.memref_squeeze %scatter3A_1587 : memref<1x32x129xf32, #tpu.memory_space<vmem>> -> memref<32x129xf32, #tpu.memory_space<vmem>>
      tpu.vector_store_idx %scatter3A_1588[%add3A_1584, %broadcast_in_dim3A_1576], %get3A_1581 : memref<32x129xf32, #tpu.memory_space<vmem>>[vector<16xi32>, vector<16xi32>], vector<16xf32>,
      %get3A_1589 = arith.constant 48 : i32
      %get3A_1590 = arith.index_cast %select_n3A_294 : i32 to index
      %get3A_1591 = arith.index_cast %get3A_1589 : i32 to index
      %get3A_1592 = arith.constant 16 : index
      %get3A_1593 = tpu.vector_load %arg6[%get3A_1590, %get3A_1591, %get3A_1592] {strides = array<i32>} : memref<4x128x32xf32, #tpu.memory_space<vmem>>, vector<16xf32>,
      %add3A_1594 = arith.constant 16 : i32
      %add3A_1595 = vector.broadcast %add3A_1594 : i32 to vector<16xi32>
      %add3A_1596 = arith.addi %iota3A, %add3A_1595 : vector<16xi32>
      %scatter3A_1597 = arith.constant 0 : i32
      %scatter3A_1598 = arith.constant 0 : i32
      %scatter3A_1599 = tpu.memref_slice %arg7[%select_n3A_310, %scatter3A_1597, %scatter3A_1598] : memref<2x32x129xf32, #tpu.memory_space<vmem>> -> memref<1x32x129xf32, #tpu.memory_space<vmem>>
      %scatter3A_1600 = tpu.memref_squeeze %scatter3A_1599 : memref<1x32x129xf32, #tpu.memory_space<vmem>> -> memref<32x129xf32, #tpu.memory_space<vmem>>
      tpu.vector_store_idx %scatter3A_1600[%add3A_1596, %broadcast_in_dim3A_1576], %get3A_1593 : memref<32x129xf32, #tpu.memory_space<vmem>>[vector<16xi32>, vector<16xi32>], vector<16xf32>,
      %broadcast_in_dim3A_1601 = arith.constant 49 : i32
      %broadcast_in_dim3A_1602 = vector.broadcast %broadcast_in_dim3A_1601 : i32 to vector<16xi32>
      %get3A_1603 = arith.constant 49 : i32
      %get3A_1604 = arith.index_cast %select_n3A_294 : i32 to index
      %get3A_1605 = arith.index_cast %get3A_1603 : i32 to index
      %get3A_1606 = arith.constant 0 : index
      %get3A_1607 = tpu.vector_load %arg6[%get3A_1604, %get3A_1605, %get3A_1606] {strides = array<i32>} : memref<4x128x32xf32, #tpu.memory_space<vmem>>, vector<16xf32>,
      %add3A_1608 = arith.constant 0 : i32
      %add3A_1609 = vector.broadcast %add3A_1608 : i32 to vector<16xi32>
      %add3A_1610 = arith.addi %iota3A, %add3A_1609 : vector<16xi32>
      %scatter3A_1611 = arith.constant 0 : i32
      %scatter3A_1612 = arith.constant 0 : i32
      %scatter3A_1613 = tpu.memref_slice %arg7[%select_n3A_310, %scatter3A_1611, %scatter3A_1612] : memref<2x32x129xf32, #tpu.memory_space<vmem>> -> memref<1x32x129xf32, #tpu.memory_space<vmem>>
      %scatter3A_1614 = tpu.memref_squeeze %scatter3A_1613 : memref<1x32x129xf32, #tpu.memory_space<vmem>> -> memref<32x129xf32, #tpu.memory_space<vmem>>
      tpu.vector_store_idx %scatter3A_1614[%add3A_1610, %broadcast_in_dim3A_1602], %get3A_1607 : memref<32x129xf32, #tpu.memory_space<vmem>>[vector<16xi32>, vector<16xi32>], vector<16xf32>,
      %get3A_1615 = arith.constant 49 : i32
      %get3A_1616 = arith.index_cast %select_n3A_294 : i32 to index
      %get3A_1617 = arith.index_cast %get3A_1615 : i32 to index
      %get3A_1618 = arith.constant 16 : index
      %get3A_1619 = tpu.vector_load %arg6[%get3A_1616, %get3A_1617, %get3A_1618] {strides = array<i32>} : memref<4x128x32xf32, #tpu.memory_space<vmem>>, vector<16xf32>,
      %add3A_1620 = arith.constant 16 : i32
      %add3A_1621 = vector.broadcast %add3A_1620 : i32 to vector<16xi32>
      %add3A_1622 = arith.addi %iota3A, %add3A_1621 : vector<16xi32>
      %scatter3A_1623 = arith.constant 0 : i32
      %scatter3A_1624 = arith.constant 0 : i32
      %scatter3A_1625 = tpu.memref_slice %arg7[%select_n3A_310, %scatter3A_1623, %scatter3A_1624] : memref<2x32x129xf32, #tpu.memory_space<vmem>> -> memref<1x32x129xf32, #tpu.memory_space<vmem>>
      %scatter3A_1626 = tpu.memref_squeeze %scatter3A_1625 : memref<1x32x129xf32, #tpu.memory_space<vmem>> -> memref<32x129xf32, #tpu.memory_space<vmem>>
      tpu.vector_store_idx %scatter3A_1626[%add3A_1622, %broadcast_in_dim3A_1602], %get3A_1619 : memref<32x129xf32, #tpu.memory_space<vmem>>[vector<16xi32>, vector<16xi32>], vector<16xf32>,
      %broadcast_in_dim3A_1627 = arith.constant 50 : i32
      %broadcast_in_dim3A_1628 = vector.broadcast %broadcast_in_dim3A_1627 : i32 to vector<16xi32>
      %get3A_1629 = arith.constant 50 : i32
      %get3A_1630 = arith.index_cast %select_n3A_294 : i32 to index
      %get3A_1631 = arith.index_cast %get3A_1629 : i32 to index
      %get3A_1632 = arith.constant 0 : index
      %get3A_1633 = tpu.vector_load %arg6[%get3A_1630, %get3A_1631, %get3A_1632] {strides = array<i32>} : memref<4x128x32xf32, #tpu.memory_space<vmem>>, vector<16xf32>,
      %add3A_1634 = arith.constant 0 : i32
      %add3A_1635 = vector.broadcast %add3A_1634 : i32 to vector<16xi32>
      %add3A_1636 = arith.addi %iota3A, %add3A_1635 : vector<16xi32>
      %scatter3A_1637 = arith.constant 0 : i32
      %scatter3A_1638 = arith.constant 0 : i32
      %scatter3A_1639 = tpu.memref_slice %arg7[%select_n3A_310, %scatter3A_1637, %scatter3A_1638] : memref<2x32x129xf32, #tpu.memory_space<vmem>> -> memref<1x32x129xf32, #tpu.memory_space<vmem>>
      %scatter3A_1640 = tpu.memref_squeeze %scatter3A_1639 : memref<1x32x129xf32, #tpu.memory_space<vmem>> -> memref<32x129xf32, #tpu.memory_space<vmem>>
      tpu.vector_store_idx %scatter3A_1640[%add3A_1636, %broadcast_in_dim3A_1628], %get3A_1633 : memref<32x129xf32, #tpu.memory_space<vmem>>[vector<16xi32>, vector<16xi32>], vector<16xf32>,
      %get3A_1641 = arith.constant 50 : i32
      %get3A_1642 = arith.index_cast %select_n3A_294 : i32 to index
      %get3A_1643 = arith.index_cast %get3A_1641 : i32 to index
      %get3A_1644 = arith.constant 16 : index
      %get3A_1645 = tpu.vector_load %arg6[%get3A_1642, %get3A_1643, %get3A_1644] {strides = array<i32>} : memref<4x128x32xf32, #tpu.memory_space<vmem>>, vector<16xf32>,
      %add3A_1646 = arith.constant 16 : i32
      %add3A_1647 = vector.broadcast %add3A_1646 : i32 to vector<16xi32>
      %add3A_1648 = arith.addi %iota3A, %add3A_1647 : vector<16xi32>
      %scatter3A_1649 = arith.constant 0 : i32
      %scatter3A_1650 = arith.constant 0 : i32
      %scatter3A_1651 = tpu.memref_slice %arg7[%select_n3A_310, %scatter3A_1649, %scatter3A_1650] : memref<2x32x129xf32, #tpu.memory_space<vmem>> -> memref<1x32x129xf32, #tpu.memory_space<vmem>>
      %scatter3A_1652 = tpu.memref_squeeze %scatter3A_1651 : memref<1x32x129xf32, #tpu.memory_space<vmem>> -> memref<32x129xf32, #tpu.memory_space<vmem>>
      tpu.vector_store_idx %scatter3A_1652[%add3A_1648, %broadcast_in_dim3A_1628], %get3A_1645 : memref<32x129xf32, #tpu.memory_space<vmem>>[vector<16xi32>, vector<16xi32>], vector<16xf32>,
      %broadcast_in_dim3A_1653 = arith.constant 51 : i32
      %broadcast_in_dim3A_1654 = vector.broadcast %broadcast_in_dim3A_1653 : i32 to vector<16xi32>
      %get3A_1655 = arith.constant 51 : i32
      %get3A_1656 = arith.index_cast %select_n3A_294 : i32 to index
      %get3A_1657 = arith.index_cast %get3A_1655 : i32 to index
      %get3A_1658 = arith.constant 0 : index
      %get3A_1659 = tpu.vector_load %arg6[%get3A_1656, %get3A_1657, %get3A_1658] {strides = array<i32>} : memref<4x128x32xf32, #tpu.memory_space<vmem>>, vector<16xf32>,
      %add3A_1660 = arith.constant 0 : i32
      %add3A_1661 = vector.broadcast %add3A_1660 : i32 to vector<16xi32>
      %add3A_1662 = arith.addi %iota3A, %add3A_1661 : vector<16xi32>
      %scatter3A_1663 = arith.constant 0 : i32
      %scatter3A_1664 = arith.constant 0 : i32
      %scatter3A_1665 = tpu.memref_slice %arg7[%select_n3A_310, %scatter3A_1663, %scatter3A_1664] : memref<2x32x129xf32, #tpu.memory_space<vmem>> -> memref<1x32x129xf32, #tpu.memory_space<vmem>>
      %scatter3A_1666 = tpu.memref_squeeze %scatter3A_1665 : memref<1x32x129xf32, #tpu.memory_space<vmem>> -> memref<32x129xf32, #tpu.memory_space<vmem>>
      tpu.vector_store_idx %scatter3A_1666[%add3A_1662, %broadcast_in_dim3A_1654], %get3A_1659 : memref<32x129xf32, #tpu.memory_space<vmem>>[vector<16xi32>, vector<16xi32>], vector<16xf32>,
      %get3A_1667 = arith.constant 51 : i32
      %get3A_1668 = arith.index_cast %select_n3A_294 : i32 to index
      %get3A_1669 = arith.index_cast %get3A_1667 : i32 to index
      %get3A_1670 = arith.constant 16 : index
      %get3A_1671 = tpu.vector_load %arg6[%get3A_1668, %get3A_1669, %get3A_1670] {strides = array<i32>} : memref<4x128x32xf32, #tpu.memory_space<vmem>>, vector<16xf32>,
      %add3A_1672 = arith.constant 16 : i32
      %add3A_1673 = vector.broadcast %add3A_1672 : i32 to vector<16xi32>
      %add3A_1674 = arith.addi %iota3A, %add3A_1673 : vector<16xi32>
      %scatter3A_1675 = arith.constant 0 : i32
      %scatter3A_1676 = arith.constant 0 : i32
      %scatter3A_1677 = tpu.memref_slice %arg7[%select_n3A_310, %scatter3A_1675, %scatter3A_1676] : memref<2x32x129xf32, #tpu.memory_space<vmem>> -> memref<1x32x129xf32, #tpu.memory_space<vmem>>
      %scatter3A_1678 = tpu.memref_squeeze %scatter3A_1677 : memref<1x32x129xf32, #tpu.memory_space<vmem>> -> memref<32x129xf32, #tpu.memory_space<vmem>>
      tpu.vector_store_idx %scatter3A_1678[%add3A_1674, %broadcast_in_dim3A_1654], %get3A_1671 : memref<32x129xf32, #tpu.memory_space<vmem>>[vector<16xi32>, vector<16xi32>], vector<16xf32>,
      %broadcast_in_dim3A_1679 = arith.constant 52 : i32
      %broadcast_in_dim3A_1680 = vector.broadcast %broadcast_in_dim3A_1679 : i32 to vector<16xi32>
      %get3A_1681 = arith.constant 52 : i32
      %get3A_1682 = arith.index_cast %select_n3A_294 : i32 to index
      %get3A_1683 = arith.index_cast %get3A_1681 : i32 to index
      %get3A_1684 = arith.constant 0 : index
      %get3A_1685 = tpu.vector_load %arg6[%get3A_1682, %get3A_1683, %get3A_1684] {strides = array<i32>} : memref<4x128x32xf32, #tpu.memory_space<vmem>>, vector<16xf32>,
      %add3A_1686 = arith.constant 0 : i32
      %add3A_1687 = vector.broadcast %add3A_1686 : i32 to vector<16xi32>
      %add3A_1688 = arith.addi %iota3A, %add3A_1687 : vector<16xi32>
      %scatter3A_1689 = arith.constant 0 : i32
      %scatter3A_1690 = arith.constant 0 : i32
      %scatter3A_1691 = tpu.memref_slice %arg7[%select_n3A_310, %scatter3A_1689, %scatter3A_1690] : memref<2x32x129xf32, #tpu.memory_space<vmem>> -> memref<1x32x129xf32, #tpu.memory_space<vmem>>
      %scatter3A_1692 = tpu.memref_squeeze %scatter3A_1691 : memref<1x32x129xf32, #tpu.memory_space<vmem>> -> memref<32x129xf32, #tpu.memory_space<vmem>>
      tpu.vector_store_idx %scatter3A_1692[%add3A_1688, %broadcast_in_dim3A_1680], %get3A_1685 : memref<32x129xf32, #tpu.memory_space<vmem>>[vector<16xi32>, vector<16xi32>], vector<16xf32>,
      %get3A_1693 = arith.constant 52 : i32
      %get3A_1694 = arith.index_cast %select_n3A_294 : i32 to index
      %get3A_1695 = arith.index_cast %get3A_1693 : i32 to index
      %get3A_1696 = arith.constant 16 : index
      %get3A_1697 = tpu.vector_load %arg6[%get3A_1694, %get3A_1695, %get3A_1696] {strides = array<i32>} : memref<4x128x32xf32, #tpu.memory_space<vmem>>, vector<16xf32>,
      %add3A_1698 = arith.constant 16 : i32
      %add3A_1699 = vector.broadcast %add3A_1698 : i32 to vector<16xi32>
      %add3A_1700 = arith.addi %iota3A, %add3A_1699 : vector<16xi32>
      %scatter3A_1701 = arith.constant 0 : i32
      %scatter3A_1702 = arith.constant 0 : i32
      %scatter3A_1703 = tpu.memref_slice %arg7[%select_n3A_310, %scatter3A_1701, %scatter3A_1702] : memref<2x32x129xf32, #tpu.memory_space<vmem>> -> memref<1x32x129xf32, #tpu.memory_space<vmem>>
      %scatter3A_1704 = tpu.memref_squeeze %scatter3A_1703 : memref<1x32x129xf32, #tpu.memory_space<vmem>> -> memref<32x129xf32, #tpu.memory_space<vmem>>
      tpu.vector_store_idx %scatter3A_1704[%add3A_1700, %broadcast_in_dim3A_1680], %get3A_1697 : memref<32x129xf32, #tpu.memory_space<vmem>>[vector<16xi32>, vector<16xi32>], vector<16xf32>,
      %broadcast_in_dim3A_1705 = arith.constant 53 : i32
      %broadcast_in_dim3A_1706 = vector.broadcast %broadcast_in_dim3A_1705 : i32 to vector<16xi32>
      %get3A_1707 = arith.constant 53 : i32
      %get3A_1708 = arith.index_cast %select_n3A_294 : i32 to index
      %get3A_1709 = arith.index_cast %get3A_1707 : i32 to index
      %get3A_1710 = arith.constant 0 : index
      %get3A_1711 = tpu.vector_load %arg6[%get3A_1708, %get3A_1709, %get3A_1710] {strides = array<i32>} : memref<4x128x32xf32, #tpu.memory_space<vmem>>, vector<16xf32>,
      %add3A_1712 = arith.constant 0 : i32
      %add3A_1713 = vector.broadcast %add3A_1712 : i32 to vector<16xi32>
      %add3A_1714 = arith.addi %iota3A, %add3A_1713 : vector<16xi32>
      %scatter3A_1715 = arith.constant 0 : i32
      %scatter3A_1716 = arith.constant 0 : i32
      %scatter3A_1717 = tpu.memref_slice %arg7[%select_n3A_310, %scatter3A_1715, %scatter3A_1716] : memref<2x32x129xf32, #tpu.memory_space<vmem>> -> memref<1x32x129xf32, #tpu.memory_space<vmem>>
      %scatter3A_1718 = tpu.memref_squeeze %scatter3A_1717 : memref<1x32x129xf32, #tpu.memory_space<vmem>> -> memref<32x129xf32, #tpu.memory_space<vmem>>
      tpu.vector_store_idx %scatter3A_1718[%add3A_1714, %broadcast_in_dim3A_1706], %get3A_1711 : memref<32x129xf32, #tpu.memory_space<vmem>>[vector<16xi32>, vector<16xi32>], vector<16xf32>,
      %get3A_1719 = arith.constant 53 : i32
      %get3A_1720 = arith.index_cast %select_n3A_294 : i32 to index
      %get3A_1721 = arith.index_cast %get3A_1719 : i32 to index
      %get3A_1722 = arith.constant 16 : index
      %get3A_1723 = tpu.vector_load %arg6[%get3A_1720, %get3A_1721, %get3A_1722] {strides = array<i32>} : memref<4x128x32xf32, #tpu.memory_space<vmem>>, vector<16xf32>,
      %add3A_1724 = arith.constant 16 : i32
      %add3A_1725 = vector.broadcast %add3A_1724 : i32 to vector<16xi32>
      %add3A_1726 = arith.addi %iota3A, %add3A_1725 : vector<16xi32>
      %scatter3A_1727 = arith.constant 0 : i32
      %scatter3A_1728 = arith.constant 0 : i32
      %scatter3A_1729 = tpu.memref_slice %arg7[%select_n3A_310, %scatter3A_1727, %scatter3A_1728] : memref<2x32x129xf32, #tpu.memory_space<vmem>> -> memref<1x32x129xf32, #tpu.memory_space<vmem>>
      %scatter3A_1730 = tpu.memref_squeeze %scatter3A_1729 : memref<1x32x129xf32, #tpu.memory_space<vmem>> -> memref<32x129xf32, #tpu.memory_space<vmem>>
      tpu.vector_store_idx %scatter3A_1730[%add3A_1726, %broadcast_in_dim3A_1706], %get3A_1723 : memref<32x129xf32, #tpu.memory_space<vmem>>[vector<16xi32>, vector<16xi32>], vector<16xf32>,
      %broadcast_in_dim3A_1731 = arith.constant 54 : i32
      %broadcast_in_dim3A_1732 = vector.broadcast %broadcast_in_dim3A_1731 : i32 to vector<16xi32>
      %get3A_1733 = arith.constant 54 : i32
      %get3A_1734 = arith.index_cast %select_n3A_294 : i32 to index
      %get3A_1735 = arith.index_cast %get3A_1733 : i32 to index
      %get3A_1736 = arith.constant 0 : index
      %get3A_1737 = tpu.vector_load %arg6[%get3A_1734, %get3A_1735, %get3A_1736] {strides = array<i32>} : memref<4x128x32xf32, #tpu.memory_space<vmem>>, vector<16xf32>,
      %add3A_1738 = arith.constant 0 : i32
      %add3A_1739 = vector.broadcast %add3A_1738 : i32 to vector<16xi32>
      %add3A_1740 = arith.addi %iota3A, %add3A_1739 : vector<16xi32>
      %scatter3A_1741 = arith.constant 0 : i32
      %scatter3A_1742 = arith.constant 0 : i32
      %scatter3A_1743 = tpu.memref_slice %arg7[%select_n3A_310, %scatter3A_1741, %scatter3A_1742] : memref<2x32x129xf32, #tpu.memory_space<vmem>> -> memref<1x32x129xf32, #tpu.memory_space<vmem>>
      %scatter3A_1744 = tpu.memref_squeeze %scatter3A_1743 : memref<1x32x129xf32, #tpu.memory_space<vmem>> -> memref<32x129xf32, #tpu.memory_space<vmem>>
      tpu.vector_store_idx %scatter3A_1744[%add3A_1740, %broadcast_in_dim3A_1732], %get3A_1737 : memref<32x129xf32, #tpu.memory_space<vmem>>[vector<16xi32>, vector<16xi32>], vector<16xf32>,
      %get3A_1745 = arith.constant 54 : i32
      %get3A_1746 = arith.index_cast %select_n3A_294 : i32 to index
      %get3A_1747 = arith.index_cast %get3A_1745 : i32 to index
      %get3A_1748 = arith.constant 16 : index
      %get3A_1749 = tpu.vector_load %arg6[%get3A_1746, %get3A_1747, %get3A_1748] {strides = array<i32>} : memref<4x128x32xf32, #tpu.memory_space<vmem>>, vector<16xf32>,
      %add3A_1750 = arith.constant 16 : i32
      %add3A_1751 = vector.broadcast %add3A_1750 : i32 to vector<16xi32>
      %add3A_1752 = arith.addi %iota3A, %add3A_1751 : vector<16xi32>
      %scatter3A_1753 = arith.constant 0 : i32
      %scatter3A_1754 = arith.constant 0 : i32
      %scatter3A_1755 = tpu.memref_slice %arg7[%select_n3A_310, %scatter3A_1753, %scatter3A_1754] : memref<2x32x129xf32, #tpu.memory_space<vmem>> -> memref<1x32x129xf32, #tpu.memory_space<vmem>>
      %scatter3A_1756 = tpu.memref_squeeze %scatter3A_1755 : memref<1x32x129xf32, #tpu.memory_space<vmem>> -> memref<32x129xf32, #tpu.memory_space<vmem>>
      tpu.vector_store_idx %scatter3A_1756[%add3A_1752, %broadcast_in_dim3A_1732], %get3A_1749 : memref<32x129xf32, #tpu.memory_space<vmem>>[vector<16xi32>, vector<16xi32>], vector<16xf32>,
      %broadcast_in_dim3A_1757 = arith.constant 55 : i32
      %broadcast_in_dim3A_1758 = vector.broadcast %broadcast_in_dim3A_1757 : i32 to vector<16xi32>
      %get3A_1759 = arith.constant 55 : i32
      %get3A_1760 = arith.index_cast %select_n3A_294 : i32 to index
      %get3A_1761 = arith.index_cast %get3A_1759 : i32 to index
      %get3A_1762 = arith.constant 0 : index
      %get3A_1763 = tpu.vector_load %arg6[%get3A_1760, %get3A_1761, %get3A_1762] {strides = array<i32>} : memref<4x128x32xf32, #tpu.memory_space<vmem>>, vector<16xf32>,
      %add3A_1764 = arith.constant 0 : i32
      %add3A_1765 = vector.broadcast %add3A_1764 : i32 to vector<16xi32>
      %add3A_1766 = arith.addi %iota3A, %add3A_1765 : vector<16xi32>
      %scatter3A_1767 = arith.constant 0 : i32
      %scatter3A_1768 = arith.constant 0 : i32
      %scatter3A_1769 = tpu.memref_slice %arg7[%select_n3A_310, %scatter3A_1767, %scatter3A_1768] : memref<2x32x129xf32, #tpu.memory_space<vmem>> -> memref<1x32x129xf32, #tpu.memory_space<vmem>>
      %scatter3A_1770 = tpu.memref_squeeze %scatter3A_1769 : memref<1x32x129xf32, #tpu.memory_space<vmem>> -> memref<32x129xf32, #tpu.memory_space<vmem>>
      tpu.vector_store_idx %scatter3A_1770[%add3A_1766, %broadcast_in_dim3A_1758], %get3A_1763 : memref<32x129xf32, #tpu.memory_space<vmem>>[vector<16xi32>, vector<16xi32>], vector<16xf32>,
      %get3A_1771 = arith.constant 55 : i32
      %get3A_1772 = arith.index_cast %select_n3A_294 : i32 to index
      %get3A_1773 = arith.index_cast %get3A_1771 : i32 to index
      %get3A_1774 = arith.constant 16 : index
      %get3A_1775 = tpu.vector_load %arg6[%get3A_1772, %get3A_1773, %get3A_1774] {strides = array<i32>} : memref<4x128x32xf32, #tpu.memory_space<vmem>>, vector<16xf32>,
      %add3A_1776 = arith.constant 16 : i32
      %add3A_1777 = vector.broadcast %add3A_1776 : i32 to vector<16xi32>
      %add3A_1778 = arith.addi %iota3A, %add3A_1777 : vector<16xi32>
      %scatter3A_1779 = arith.constant 0 : i32
      %scatter3A_1780 = arith.constant 0 : i32
      %scatter3A_1781 = tpu.memref_slice %arg7[%select_n3A_310, %scatter3A_1779, %scatter3A_1780] : memref<2x32x129xf32, #tpu.memory_space<vmem>> -> memref<1x32x129xf32, #tpu.memory_space<vmem>>
      %scatter3A_1782 = tpu.memref_squeeze %scatter3A_1781 : memref<1x32x129xf32, #tpu.memory_space<vmem>> -> memref<32x129xf32, #tpu.memory_space<vmem>>
      tpu.vector_store_idx %scatter3A_1782[%add3A_1778, %broadcast_in_dim3A_1758], %get3A_1775 : memref<32x129xf32, #tpu.memory_space<vmem>>[vector<16xi32>, vector<16xi32>], vector<16xf32>,
      %broadcast_in_dim3A_1783 = arith.constant 56 : i32
      %broadcast_in_dim3A_1784 = vector.broadcast %broadcast_in_dim3A_1783 : i32 to vector<16xi32>
      %get3A_1785 = arith.constant 56 : i32
      %get3A_1786 = arith.index_cast %select_n3A_294 : i32 to index
      %get3A_1787 = arith.index_cast %get3A_1785 : i32 to index
      %get3A_1788 = arith.constant 0 : index
      %get3A_1789 = tpu.vector_load %arg6[%get3A_1786, %get3A_1787, %get3A_1788] {strides = array<i32>} : memref<4x128x32xf32, #tpu.memory_space<vmem>>, vector<16xf32>,
      %add3A_1790 = arith.constant 0 : i32
      %add3A_1791 = vector.broadcast %add3A_1790 : i32 to vector<16xi32>
      %add3A_1792 = arith.addi %iota3A, %add3A_1791 : vector<16xi32>
      %scatter3A_1793 = arith.constant 0 : i32
      %scatter3A_1794 = arith.constant 0 : i32
      %scatter3A_1795 = tpu.memref_slice %arg7[%select_n3A_310, %scatter3A_1793, %scatter3A_1794] : memref<2x32x129xf32, #tpu.memory_space<vmem>> -> memref<1x32x129xf32, #tpu.memory_space<vmem>>
      %scatter3A_1796 = tpu.memref_squeeze %scatter3A_1795 : memref<1x32x129xf32, #tpu.memory_space<vmem>> -> memref<32x129xf32, #tpu.memory_space<vmem>>
      tpu.vector_store_idx %scatter3A_1796[%add3A_1792, %broadcast_in_dim3A_1784], %get3A_1789 : memref<32x129xf32, #tpu.memory_space<vmem>>[vector<16xi32>, vector<16xi32>], vector<16xf32>,
      %get3A_1797 = arith.constant 56 : i32
      %get3A_1798 = arith.index_cast %select_n3A_294 : i32 to index
      %get3A_1799 = arith.index_cast %get3A_1797 : i32 to index
      %get3A_1800 = arith.constant 16 : index
      %get3A_1801 = tpu.vector_load %arg6[%get3A_1798, %get3A_1799, %get3A_1800] {strides = array<i32>} : memref<4x128x32xf32, #tpu.memory_space<vmem>>, vector<16xf32>,
      %add3A_1802 = arith.constant 16 : i32
      %add3A_1803 = vector.broadcast %add3A_1802 : i32 to vector<16xi32>
      %add3A_1804 = arith.addi %iota3A, %add3A_1803 : vector<16xi32>
      %scatter3A_1805 = arith.constant 0 : i32
      %scatter3A_1806 = arith.constant 0 : i32
      %scatter3A_1807 = tpu.memref_slice %arg7[%select_n3A_310, %scatter3A_1805, %scatter3A_1806] : memref<2x32x129xf32, #tpu.memory_space<vmem>> -> memref<1x32x129xf32, #tpu.memory_space<vmem>>
      %scatter3A_1808 = tpu.memref_squeeze %scatter3A_1807 : memref<1x32x129xf32, #tpu.memory_space<vmem>> -> memref<32x129xf32, #tpu.memory_space<vmem>>
      tpu.vector_store_idx %scatter3A_1808[%add3A_1804, %broadcast_in_dim3A_1784], %get3A_1801 : memref<32x129xf32, #tpu.memory_space<vmem>>[vector<16xi32>, vector<16xi32>], vector<16xf32>,
      %broadcast_in_dim3A_1809 = arith.constant 57 : i32
      %broadcast_in_dim3A_1810 = vector.broadcast %broadcast_in_dim3A_1809 : i32 to vector<16xi32>
      %get3A_1811 = arith.constant 57 : i32
      %get3A_1812 = arith.index_cast %select_n3A_294 : i32 to index
      %get3A_1813 = arith.index_cast %get3A_1811 : i32 to index
      %get3A_1814 = arith.constant 0 : index
      %get3A_1815 = tpu.vector_load %arg6[%get3A_1812, %get3A_1813, %get3A_1814] {strides = array<i32>} : memref<4x128x32xf32, #tpu.memory_space<vmem>>, vector<16xf32>,
      %add3A_1816 = arith.constant 0 : i32
      %add3A_1817 = vector.broadcast %add3A_1816 : i32 to vector<16xi32>
      %add3A_1818 = arith.addi %iota3A, %add3A_1817 : vector<16xi32>
      %scatter3A_1819 = arith.constant 0 : i32
      %scatter3A_1820 = arith.constant 0 : i32
      %scatter3A_1821 = tpu.memref_slice %arg7[%select_n3A_310, %scatter3A_1819, %scatter3A_1820] : memref<2x32x129xf32, #tpu.memory_space<vmem>> -> memref<1x32x129xf32, #tpu.memory_space<vmem>>
      %scatter3A_1822 = tpu.memref_squeeze %scatter3A_1821 : memref<1x32x129xf32, #tpu.memory_space<vmem>> -> memref<32x129xf32, #tpu.memory_space<vmem>>
      tpu.vector_store_idx %scatter3A_1822[%add3A_1818, %broadcast_in_dim3A_1810], %get3A_1815 : memref<32x129xf32, #tpu.memory_space<vmem>>[vector<16xi32>, vector<16xi32>], vector<16xf32>,
      %get3A_1823 = arith.constant 57 : i32
      %get3A_1824 = arith.index_cast %select_n3A_294 : i32 to index
      %get3A_1825 = arith.index_cast %get3A_1823 : i32 to index
      %get3A_1826 = arith.constant 16 : index
      %get3A_1827 = tpu.vector_load %arg6[%get3A_1824, %get3A_1825, %get3A_1826] {strides = array<i32>} : memref<4x128x32xf32, #tpu.memory_space<vmem>>, vector<16xf32>,
      %add3A_1828 = arith.constant 16 : i32
      %add3A_1829 = vector.broadcast %add3A_1828 : i32 to vector<16xi32>
      %add3A_1830 = arith.addi %iota3A, %add3A_1829 : vector<16xi32>
      %scatter3A_1831 = arith.constant 0 : i32
      %scatter3A_1832 = arith.constant 0 : i32
      %scatter3A_1833 = tpu.memref_slice %arg7[%select_n3A_310, %scatter3A_1831, %scatter3A_1832] : memref<2x32x129xf32, #tpu.memory_space<vmem>> -> memref<1x32x129xf32, #tpu.memory_space<vmem>>
      %scatter3A_1834 = tpu.memref_squeeze %scatter3A_1833 : memref<1x32x129xf32, #tpu.memory_space<vmem>> -> memref<32x129xf32, #tpu.memory_space<vmem>>
      tpu.vector_store_idx %scatter3A_1834[%add3A_1830, %broadcast_in_dim3A_1810], %get3A_1827 : memref<32x129xf32, #tpu.memory_space<vmem>>[vector<16xi32>, vector<16xi32>], vector<16xf32>,
      %broadcast_in_dim3A_1835 = arith.constant 58 : i32
      %broadcast_in_dim3A_1836 = vector.broadcast %broadcast_in_dim3A_1835 : i32 to vector<16xi32>
      %get3A_1837 = arith.constant 58 : i32
      %get3A_1838 = arith.index_cast %select_n3A_294 : i32 to index
      %get3A_1839 = arith.index_cast %get3A_1837 : i32 to index
      %get3A_1840 = arith.constant 0 : index
      %get3A_1841 = tpu.vector_load %arg6[%get3A_1838, %get3A_1839, %get3A_1840] {strides = array<i32>} : memref<4x128x32xf32, #tpu.memory_space<vmem>>, vector<16xf32>,
      %add3A_1842 = arith.constant 0 : i32
      %add3A_1843 = vector.broadcast %add3A_1842 : i32 to vector<16xi32>
      %add3A_1844 = arith.addi %iota3A, %add3A_1843 : vector<16xi32>
      %scatter3A_1845 = arith.constant 0 : i32
      %scatter3A_1846 = arith.constant 0 : i32
      %scatter3A_1847 = tpu.memref_slice %arg7[%select_n3A_310, %scatter3A_1845, %scatter3A_1846] : memref<2x32x129xf32, #tpu.memory_space<vmem>> -> memref<1x32x129xf32, #tpu.memory_space<vmem>>
      %scatter3A_1848 = tpu.memref_squeeze %scatter3A_1847 : memref<1x32x129xf32, #tpu.memory_space<vmem>> -> memref<32x129xf32, #tpu.memory_space<vmem>>
      tpu.vector_store_idx %scatter3A_1848[%add3A_1844, %broadcast_in_dim3A_1836], %get3A_1841 : memref<32x129xf32, #tpu.memory_space<vmem>>[vector<16xi32>, vector<16xi32>], vector<16xf32>,
      %get3A_1849 = arith.constant 58 : i32
      %get3A_1850 = arith.index_cast %select_n3A_294 : i32 to index
      %get3A_1851 = arith.index_cast %get3A_1849 : i32 to index
      %get3A_1852 = arith.constant 16 : index
      %get3A_1853 = tpu.vector_load %arg6[%get3A_1850, %get3A_1851, %get3A_1852] {strides = array<i32>} : memref<4x128x32xf32, #tpu.memory_space<vmem>>, vector<16xf32>,
      %add3A_1854 = arith.constant 16 : i32
      %add3A_1855 = vector.broadcast %add3A_1854 : i32 to vector<16xi32>
      %add3A_1856 = arith.addi %iota3A, %add3A_1855 : vector<16xi32>
      %scatter3A_1857 = arith.constant 0 : i32
      %scatter3A_1858 = arith.constant 0 : i32
      %scatter3A_1859 = tpu.memref_slice %arg7[%select_n3A_310, %scatter3A_1857, %scatter3A_1858] : memref<2x32x129xf32, #tpu.memory_space<vmem>> -> memref<1x32x129xf32, #tpu.memory_space<vmem>>
      %scatter3A_1860 = tpu.memref_squeeze %scatter3A_1859 : memref<1x32x129xf32, #tpu.memory_space<vmem>> -> memref<32x129xf32, #tpu.memory_space<vmem>>
      tpu.vector_store_idx %scatter3A_1860[%add3A_1856, %broadcast_in_dim3A_1836], %get3A_1853 : memref<32x129xf32, #tpu.memory_space<vmem>>[vector<16xi32>, vector<16xi32>], vector<16xf32>,
      %broadcast_in_dim3A_1861 = arith.constant 59 : i32
      %broadcast_in_dim3A_1862 = vector.broadcast %broadcast_in_dim3A_1861 : i32 to vector<16xi32>
      %get3A_1863 = arith.constant 59 : i32
      %get3A_1864 = arith.index_cast %select_n3A_294 : i32 to index
      %get3A_1865 = arith.index_cast %get3A_1863 : i32 to index
      %get3A_1866 = arith.constant 0 : index
      %get3A_1867 = tpu.vector_load %arg6[%get3A_1864, %get3A_1865, %get3A_1866] {strides = array<i32>} : memref<4x128x32xf32, #tpu.memory_space<vmem>>, vector<16xf32>,
      %add3A_1868 = arith.constant 0 : i32
      %add3A_1869 = vector.broadcast %add3A_1868 : i32 to vector<16xi32>
      %add3A_1870 = arith.addi %iota3A, %add3A_1869 : vector<16xi32>
      %scatter3A_1871 = arith.constant 0 : i32
      %scatter3A_1872 = arith.constant 0 : i32
      %scatter3A_1873 = tpu.memref_slice %arg7[%select_n3A_310, %scatter3A_1871, %scatter3A_1872] : memref<2x32x129xf32, #tpu.memory_space<vmem>> -> memref<1x32x129xf32, #tpu.memory_space<vmem>>
      %scatter3A_1874 = tpu.memref_squeeze %scatter3A_1873 : memref<1x32x129xf32, #tpu.memory_space<vmem>> -> memref<32x129xf32, #tpu.memory_space<vmem>>
      tpu.vector_store_idx %scatter3A_1874[%add3A_1870, %broadcast_in_dim3A_1862], %get3A_1867 : memref<32x129xf32, #tpu.memory_space<vmem>>[vector<16xi32>, vector<16xi32>], vector<16xf32>,
      %get3A_1875 = arith.constant 59 : i32
      %get3A_1876 = arith.index_cast %select_n3A_294 : i32 to index
      %get3A_1877 = arith.index_cast %get3A_1875 : i32 to index
      %get3A_1878 = arith.constant 16 : index
      %get3A_1879 = tpu.vector_load %arg6[%get3A_1876, %get3A_1877, %get3A_1878] {strides = array<i32>} : memref<4x128x32xf32, #tpu.memory_space<vmem>>, vector<16xf32>,
      %add3A_1880 = arith.constant 16 : i32
      %add3A_1881 = vector.broadcast %add3A_1880 : i32 to vector<16xi32>
      %add3A_1882 = arith.addi %iota3A, %add3A_1881 : vector<16xi32>
      %scatter3A_1883 = arith.constant 0 : i32
      %scatter3A_1884 = arith.constant 0 : i32
      %scatter3A_1885 = tpu.memref_slice %arg7[%select_n3A_310, %scatter3A_1883, %scatter3A_1884] : memref<2x32x129xf32, #tpu.memory_space<vmem>> -> memref<1x32x129xf32, #tpu.memory_space<vmem>>
      %scatter3A_1886 = tpu.memref_squeeze %scatter3A_1885 : memref<1x32x129xf32, #tpu.memory_space<vmem>> -> memref<32x129xf32, #tpu.memory_space<vmem>>
      tpu.vector_store_idx %scatter3A_1886[%add3A_1882, %broadcast_in_dim3A_1862], %get3A_1879 : memref<32x129xf32, #tpu.memory_space<vmem>>[vector<16xi32>, vector<16xi32>], vector<16xf32>,
      %broadcast_in_dim3A_1887 = arith.constant 60 : i32
      %broadcast_in_dim3A_1888 = vector.broadcast %broadcast_in_dim3A_1887 : i32 to vector<16xi32>
      %get3A_1889 = arith.constant 60 : i32
      %get3A_1890 = arith.index_cast %select_n3A_294 : i32 to index
      %get3A_1891 = arith.index_cast %get3A_1889 : i32 to index
      %get3A_1892 = arith.constant 0 : index
      %get3A_1893 = tpu.vector_load %arg6[%get3A_1890, %get3A_1891, %get3A_1892] {strides = array<i32>} : memref<4x128x32xf32, #tpu.memory_space<vmem>>, vector<16xf32>,
      %add3A_1894 = arith.constant 0 : i32
      %add3A_1895 = vector.broadcast %add3A_1894 : i32 to vector<16xi32>
      %add3A_1896 = arith.addi %iota3A, %add3A_1895 : vector<16xi32>
      %scatter3A_1897 = arith.constant 0 : i32
      %scatter3A_1898 = arith.constant 0 : i32
      %scatter3A_1899 = tpu.memref_slice %arg7[%select_n3A_310, %scatter3A_1897, %scatter3A_1898] : memref<2x32x129xf32, #tpu.memory_space<vmem>> -> memref<1x32x129xf32, #tpu.memory_space<vmem>>
      %scatter3A_1900 = tpu.memref_squeeze %scatter3A_1899 : memref<1x32x129xf32, #tpu.memory_space<vmem>> -> memref<32x129xf32, #tpu.memory_space<vmem>>
      tpu.vector_store_idx %scatter3A_1900[%add3A_1896, %broadcast_in_dim3A_1888], %get3A_1893 : memref<32x129xf32, #tpu.memory_space<vmem>>[vector<16xi32>, vector<16xi32>], vector<16xf32>,
      %get3A_1901 = arith.constant 60 : i32
      %get3A_1902 = arith.index_cast %select_n3A_294 : i32 to index
      %get3A_1903 = arith.index_cast %get3A_1901 : i32 to index
      %get3A_1904 = arith.constant 16 : index
      %get3A_1905 = tpu.vector_load %arg6[%get3A_1902, %get3A_1903, %get3A_1904] {strides = array<i32>} : memref<4x128x32xf32, #tpu.memory_space<vmem>>, vector<16xf32>,
      %add3A_1906 = arith.constant 16 : i32
      %add3A_1907 = vector.broadcast %add3A_1906 : i32 to vector<16xi32>
      %add3A_1908 = arith.addi %iota3A, %add3A_1907 : vector<16xi32>
      %scatter3A_1909 = arith.constant 0 : i32
      %scatter3A_1910 = arith.constant 0 : i32
      %scatter3A_1911 = tpu.memref_slice %arg7[%select_n3A_310, %scatter3A_1909, %scatter3A_1910] : memref<2x32x129xf32, #tpu.memory_space<vmem>> -> memref<1x32x129xf32, #tpu.memory_space<vmem>>
      %scatter3A_1912 = tpu.memref_squeeze %scatter3A_1911 : memref<1x32x129xf32, #tpu.memory_space<vmem>> -> memref<32x129xf32, #tpu.memory_space<vmem>>
      tpu.vector_store_idx %scatter3A_1912[%add3A_1908, %broadcast_in_dim3A_1888], %get3A_1905 : memref<32x129xf32, #tpu.memory_space<vmem>>[vector<16xi32>, vector<16xi32>], vector<16xf32>,
      %broadcast_in_dim3A_1913 = arith.constant 61 : i32
      %broadcast_in_dim3A_1914 = vector.broadcast %broadcast_in_dim3A_1913 : i32 to vector<16xi32>
      %get3A_1915 = arith.constant 61 : i32
      %get3A_1916 = arith.index_cast %select_n3A_294 : i32 to index
      %get3A_1917 = arith.index_cast %get3A_1915 : i32 to index
      %get3A_1918 = arith.constant 0 : index
      %get3A_1919 = tpu.vector_load %arg6[%get3A_1916, %get3A_1917, %get3A_1918] {strides = array<i32>} : memref<4x128x32xf32, #tpu.memory_space<vmem>>, vector<16xf32>,
      %add3A_1920 = arith.constant 0 : i32
      %add3A_1921 = vector.broadcast %add3A_1920 : i32 to vector<16xi32>
      %add3A_1922 = arith.addi %iota3A, %add3A_1921 : vector<16xi32>
      %scatter3A_1923 = arith.constant 0 : i32
      %scatter3A_1924 = arith.constant 0 : i32
      %scatter3A_1925 = tpu.memref_slice %arg7[%select_n3A_310, %scatter3A_1923, %scatter3A_1924] : memref<2x32x129xf32, #tpu.memory_space<vmem>> -> memref<1x32x129xf32, #tpu.memory_space<vmem>>
      %scatter3A_1926 = tpu.memref_squeeze %scatter3A_1925 : memref<1x32x129xf32, #tpu.memory_space<vmem>> -> memref<32x129xf32, #tpu.memory_space<vmem>>
      tpu.vector_store_idx %scatter3A_1926[%add3A_1922, %broadcast_in_dim3A_1914], %get3A_1919 : memref<32x129xf32, #tpu.memory_space<vmem>>[vector<16xi32>, vector<16xi32>], vector<16xf32>,
      %get3A_1927 = arith.constant 61 : i32
      %get3A_1928 = arith.index_cast %select_n3A_294 : i32 to index
      %get3A_1929 = arith.index_cast %get3A_1927 : i32 to index
      %get3A_1930 = arith.constant 16 : index
      %get3A_1931 = tpu.vector_load %arg6[%get3A_1928, %get3A_1929, %get3A_1930] {strides = array<i32>} : memref<4x128x32xf32, #tpu.memory_space<vmem>>, vector<16xf32>,
      %add3A_1932 = arith.constant 16 : i32
      %add3A_1933 = vector.broadcast %add3A_1932 : i32 to vector<16xi32>
      %add3A_1934 = arith.addi %iota3A, %add3A_1933 : vector<16xi32>
      %scatter3A_1935 = arith.constant 0 : i32
      %scatter3A_1936 = arith.constant 0 : i32
      %scatter3A_1937 = tpu.memref_slice %arg7[%select_n3A_310, %scatter3A_1935, %scatter3A_1936] : memref<2x32x129xf32, #tpu.memory_space<vmem>> -> memref<1x32x129xf32, #tpu.memory_space<vmem>>
      %scatter3A_1938 = tpu.memref_squeeze %scatter3A_1937 : memref<1x32x129xf32, #tpu.memory_space<vmem>> -> memref<32x129xf32, #tpu.memory_space<vmem>>
      tpu.vector_store_idx %scatter3A_1938[%add3A_1934, %broadcast_in_dim3A_1914], %get3A_1931 : memref<32x129xf32, #tpu.memory_space<vmem>>[vector<16xi32>, vector<16xi32>], vector<16xf32>,
      %broadcast_in_dim3A_1939 = arith.constant 62 : i32
      %broadcast_in_dim3A_1940 = vector.broadcast %broadcast_in_dim3A_1939 : i32 to vector<16xi32>
      %get3A_1941 = arith.constant 62 : i32
      %get3A_1942 = arith.index_cast %select_n3A_294 : i32 to index
      %get3A_1943 = arith.index_cast %get3A_1941 : i32 to index
      %get3A_1944 = arith.constant 0 : index
      %get3A_1945 = tpu.vector_load %arg6[%get3A_1942, %get3A_1943, %get3A_1944] {strides = array<i32>} : memref<4x128x32xf32, #tpu.memory_space<vmem>>, vector<16xf32>,
      %add3A_1946 = arith.constant 0 : i32
      %add3A_1947 = vector.broadcast %add3A_1946 : i32 to vector<16xi32>
      %add3A_1948 = arith.addi %iota3A, %add3A_1947 : vector<16xi32>
      %scatter3A_1949 = arith.constant 0 : i32
      %scatter3A_1950 = arith.constant 0 : i32
      %scatter3A_1951 = tpu.memref_slice %arg7[%select_n3A_310, %scatter3A_1949, %scatter3A_1950] : memref<2x32x129xf32, #tpu.memory_space<vmem>> -> memref<1x32x129xf32, #tpu.memory_space<vmem>>
      %scatter3A_1952 = tpu.memref_squeeze %scatter3A_1951 : memref<1x32x129xf32, #tpu.memory_space<vmem>> -> memref<32x129xf32, #tpu.memory_space<vmem>>
      tpu.vector_store_idx %scatter3A_1952[%add3A_1948, %broadcast_in_dim3A_1940], %get3A_1945 : memref<32x129xf32, #tpu.memory_space<vmem>>[vector<16xi32>, vector<16xi32>], vector<16xf32>,
      %get3A_1953 = arith.constant 62 : i32
      %get3A_1954 = arith.index_cast %select_n3A_294 : i32 to index
      %get3A_1955 = arith.index_cast %get3A_1953 : i32 to index
      %get3A_1956 = arith.constant 16 : index
      %get3A_1957 = tpu.vector_load %arg6[%get3A_1954, %get3A_1955, %get3A_1956] {strides = array<i32>} : memref<4x128x32xf32, #tpu.memory_space<vmem>>, vector<16xf32>,
      %add3A_1958 = arith.constant 16 : i32
      %add3A_1959 = vector.broadcast %add3A_1958 : i32 to vector<16xi32>
      %add3A_1960 = arith.addi %iota3A, %add3A_1959 : vector<16xi32>
      %scatter3A_1961 = arith.constant 0 : i32
      %scatter3A_1962 = arith.constant 0 : i32
      %scatter3A_1963 = tpu.memref_slice %arg7[%select_n3A_310, %scatter3A_1961, %scatter3A_1962] : memref<2x32x129xf32, #tpu.memory_space<vmem>> -> memref<1x32x129xf32, #tpu.memory_space<vmem>>
      %scatter3A_1964 = tpu.memref_squeeze %scatter3A_1963 : memref<1x32x129xf32, #tpu.memory_space<vmem>> -> memref<32x129xf32, #tpu.memory_space<vmem>>
      tpu.vector_store_idx %scatter3A_1964[%add3A_1960, %broadcast_in_dim3A_1940], %get3A_1957 : memref<32x129xf32, #tpu.memory_space<vmem>>[vector<16xi32>, vector<16xi32>], vector<16xf32>,
      %broadcast_in_dim3A_1965 = arith.constant 63 : i32
      %broadcast_in_dim3A_1966 = vector.broadcast %broadcast_in_dim3A_1965 : i32 to vector<16xi32>
      %get3A_1967 = arith.constant 63 : i32
      %get3A_1968 = arith.index_cast %select_n3A_294 : i32 to index
      %get3A_1969 = arith.index_cast %get3A_1967 : i32 to index
      %get3A_1970 = arith.constant 0 : index
      %get3A_1971 = tpu.vector_load %arg6[%get3A_1968, %get3A_1969, %get3A_1970] {strides = array<i32>} : memref<4x128x32xf32, #tpu.memory_space<vmem>>, vector<16xf32>,
      %add3A_1972 = arith.constant 0 : i32
      %add3A_1973 = vector.broadcast %add3A_1972 : i32 to vector<16xi32>
      %add3A_1974 = arith.addi %iota3A, %add3A_1973 : vector<16xi32>
      %scatter3A_1975 = arith.constant 0 : i32
      %scatter3A_1976 = arith.constant 0 : i32
      %scatter3A_1977 = tpu.memref_slice %arg7[%select_n3A_310, %scatter3A_1975, %scatter3A_1976] : memref<2x32x129xf32, #tpu.memory_space<vmem>> -> memref<1x32x129xf32, #tpu.memory_space<vmem>>
      %scatter3A_1978 = tpu.memref_squeeze %scatter3A_1977 : memref<1x32x129xf32, #tpu.memory_space<vmem>> -> memref<32x129xf32, #tpu.memory_space<vmem>>
      tpu.vector_store_idx %scatter3A_1978[%add3A_1974, %broadcast_in_dim3A_1966], %get3A_1971 : memref<32x129xf32, #tpu.memory_space<vmem>>[vector<16xi32>, vector<16xi32>], vector<16xf32>,
      %get3A_1979 = arith.constant 63 : i32
      %get3A_1980 = arith.index_cast %select_n3A_294 : i32 to index
      %get3A_1981 = arith.index_cast %get3A_1979 : i32 to index
      %get3A_1982 = arith.constant 16 : index
      %get3A_1983 = tpu.vector_load %arg6[%get3A_1980, %get3A_1981, %get3A_1982] {strides = array<i32>} : memref<4x128x32xf32, #tpu.memory_space<vmem>>, vector<16xf32>,
      %add3A_1984 = arith.constant 16 : i32
      %add3A_1985 = vector.broadcast %add3A_1984 : i32 to vector<16xi32>
      %add3A_1986 = arith.addi %iota3A, %add3A_1985 : vector<16xi32>
      %scatter3A_1987 = arith.constant 0 : i32
      %scatter3A_1988 = arith.constant 0 : i32
      %scatter3A_1989 = tpu.memref_slice %arg7[%select_n3A_310, %scatter3A_1987, %scatter3A_1988] : memref<2x32x129xf32, #tpu.memory_space<vmem>> -> memref<1x32x129xf32, #tpu.memory_space<vmem>>
      %scatter3A_1990 = tpu.memref_squeeze %scatter3A_1989 : memref<1x32x129xf32, #tpu.memory_space<vmem>> -> memref<32x129xf32, #tpu.memory_space<vmem>>
      tpu.vector_store_idx %scatter3A_1990[%add3A_1986, %broadcast_in_dim3A_1966], %get3A_1983 : memref<32x129xf32, #tpu.memory_space<vmem>>[vector<16xi32>, vector<16xi32>], vector<16xf32>,
      %broadcast_in_dim3A_1991 = arith.constant 64 : i32
      %broadcast_in_dim3A_1992 = vector.broadcast %broadcast_in_dim3A_1991 : i32 to vector<16xi32>
      %get3A_1993 = arith.constant 64 : i32
      %get3A_1994 = arith.index_cast %select_n3A_294 : i32 to index
      %get3A_1995 = arith.index_cast %get3A_1993 : i32 to index
      %get3A_1996 = arith.constant 0 : index
      %get3A_1997 = tpu.vector_load %arg6[%get3A_1994, %get3A_1995, %get3A_1996] {strides = array<i32>} : memref<4x128x32xf32, #tpu.memory_space<vmem>>, vector<16xf32>,
      %add3A_1998 = arith.constant 0 : i32
      %add3A_1999 = vector.broadcast %add3A_1998 : i32 to vector<16xi32>
      %add3A_2000 = arith.addi %iota3A, %add3A_1999 : vector<16xi32>
      %scatter3A_2001 = arith.constant 0 : i32
      %scatter3A_2002 = arith.constant 0 : i32
      %scatter3A_2003 = tpu.memref_slice %arg7[%select_n3A_310, %scatter3A_2001, %scatter3A_2002] : memref<2x32x129xf32, #tpu.memory_space<vmem>> -> memref<1x32x129xf32, #tpu.memory_space<vmem>>
      %scatter3A_2004 = tpu.memref_squeeze %scatter3A_2003 : memref<1x32x129xf32, #tpu.memory_space<vmem>> -> memref<32x129xf32, #tpu.memory_space<vmem>>
      tpu.vector_store_idx %scatter3A_2004[%add3A_2000, %broadcast_in_dim3A_1992], %get3A_1997 : memref<32x129xf32, #tpu.memory_space<vmem>>[vector<16xi32>, vector<16xi32>], vector<16xf32>,
      %get3A_2005 = arith.constant 64 : i32
      %get3A_2006 = arith.index_cast %select_n3A_294 : i32 to index
      %get3A_2007 = arith.index_cast %get3A_2005 : i32 to index
      %get3A_2008 = arith.constant 16 : index
      %get3A_2009 = tpu.vector_load %arg6[%get3A_2006, %get3A_2007, %get3A_2008] {strides = array<i32>} : memref<4x128x32xf32, #tpu.memory_space<vmem>>, vector<16xf32>,
      %add3A_2010 = arith.constant 16 : i32
      %add3A_2011 = vector.broadcast %add3A_2010 : i32 to vector<16xi32>
      %add3A_2012 = arith.addi %iota3A, %add3A_2011 : vector<16xi32>
      %scatter3A_2013 = arith.constant 0 : i32
      %scatter3A_2014 = arith.constant 0 : i32
      %scatter3A_2015 = tpu.memref_slice %arg7[%select_n3A_310, %scatter3A_2013, %scatter3A_2014] : memref<2x32x129xf32, #tpu.memory_space<vmem>> -> memref<1x32x129xf32, #tpu.memory_space<vmem>>
      %scatter3A_2016 = tpu.memref_squeeze %scatter3A_2015 : memref<1x32x129xf32, #tpu.memory_space<vmem>> -> memref<32x129xf32, #tpu.memory_space<vmem>>
      tpu.vector_store_idx %scatter3A_2016[%add3A_2012, %broadcast_in_dim3A_1992], %get3A_2009 : memref<32x129xf32, #tpu.memory_space<vmem>>[vector<16xi32>, vector<16xi32>], vector<16xf32>,
      %broadcast_in_dim3A_2017 = arith.constant 65 : i32
      %broadcast_in_dim3A_2018 = vector.broadcast %broadcast_in_dim3A_2017 : i32 to vector<16xi32>
      %get3A_2019 = arith.constant 65 : i32
      %get3A_2020 = arith.index_cast %select_n3A_294 : i32 to index
      %get3A_2021 = arith.index_cast %get3A_2019 : i32 to index
      %get3A_2022 = arith.constant 0 : index
      %get3A_2023 = tpu.vector_load %arg6[%get3A_2020, %get3A_2021, %get3A_2022] {strides = array<i32>} : memref<4x128x32xf32, #tpu.memory_space<vmem>>, vector<16xf32>,
      %add3A_2024 = arith.constant 0 : i32
      %add3A_2025 = vector.broadcast %add3A_2024 : i32 to vector<16xi32>
      %add3A_2026 = arith.addi %iota3A, %add3A_2025 : vector<16xi32>
      %scatter3A_2027 = arith.constant 0 : i32
      %scatter3A_2028 = arith.constant 0 : i32
      %scatter3A_2029 = tpu.memref_slice %arg7[%select_n3A_310, %scatter3A_2027, %scatter3A_2028] : memref<2x32x129xf32, #tpu.memory_space<vmem>> -> memref<1x32x129xf32, #tpu.memory_space<vmem>>
      %scatter3A_2030 = tpu.memref_squeeze %scatter3A_2029 : memref<1x32x129xf32, #tpu.memory_space<vmem>> -> memref<32x129xf32, #tpu.memory_space<vmem>>
      tpu.vector_store_idx %scatter3A_2030[%add3A_2026, %broadcast_in_dim3A_2018], %get3A_2023 : memref<32x129xf32, #tpu.memory_space<vmem>>[vector<16xi32>, vector<16xi32>], vector<16xf32>,
      %get3A_2031 = arith.constant 65 : i32
      %get3A_2032 = arith.index_cast %select_n3A_294 : i32 to index
      %get3A_2033 = arith.index_cast %get3A_2031 : i32 to index
      %get3A_2034 = arith.constant 16 : index
      %get3A_2035 = tpu.vector_load %arg6[%get3A_2032, %get3A_2033, %get3A_2034] {strides = array<i32>} : memref<4x128x32xf32, #tpu.memory_space<vmem>>, vector<16xf32>,
      %add3A_2036 = arith.constant 16 : i32
      %add3A_2037 = vector.broadcast %add3A_2036 : i32 to vector<16xi32>
      %add3A_2038 = arith.addi %iota3A, %add3A_2037 : vector<16xi32>
      %scatter3A_2039 = arith.constant 0 : i32
      %scatter3A_2040 = arith.constant 0 : i32
      %scatter3A_2041 = tpu.memref_slice %arg7[%select_n3A_310, %scatter3A_2039, %scatter3A_2040] : memref<2x32x129xf32, #tpu.memory_space<vmem>> -> memref<1x32x129xf32, #tpu.memory_space<vmem>>
      %scatter3A_2042 = tpu.memref_squeeze %scatter3A_2041 : memref<1x32x129xf32, #tpu.memory_space<vmem>> -> memref<32x129xf32, #tpu.memory_space<vmem>>
      tpu.vector_store_idx %scatter3A_2042[%add3A_2038, %broadcast_in_dim3A_2018], %get3A_2035 : memref<32x129xf32, #tpu.memory_space<vmem>>[vector<16xi32>, vector<16xi32>], vector<16xf32>,
      %broadcast_in_dim3A_2043 = arith.constant 66 : i32
      %broadcast_in_dim3A_2044 = vector.broadcast %broadcast_in_dim3A_2043 : i32 to vector<16xi32>
      %get3A_2045 = arith.constant 66 : i32
      %get3A_2046 = arith.index_cast %select_n3A_294 : i32 to index
      %get3A_2047 = arith.index_cast %get3A_2045 : i32 to index
      %get3A_2048 = arith.constant 0 : index
      %get3A_2049 = tpu.vector_load %arg6[%get3A_2046, %get3A_2047, %get3A_2048] {strides = array<i32>} : memref<4x128x32xf32, #tpu.memory_space<vmem>>, vector<16xf32>,
      %add3A_2050 = arith.constant 0 : i32
      %add3A_2051 = vector.broadcast %add3A_2050 : i32 to vector<16xi32>
      %add3A_2052 = arith.addi %iota3A, %add3A_2051 : vector<16xi32>
      %scatter3A_2053 = arith.constant 0 : i32
      %scatter3A_2054 = arith.constant 0 : i32
      %scatter3A_2055 = tpu.memref_slice %arg7[%select_n3A_310, %scatter3A_2053, %scatter3A_2054] : memref<2x32x129xf32, #tpu.memory_space<vmem>> -> memref<1x32x129xf32, #tpu.memory_space<vmem>>
      %scatter3A_2056 = tpu.memref_squeeze %scatter3A_2055 : memref<1x32x129xf32, #tpu.memory_space<vmem>> -> memref<32x129xf32, #tpu.memory_space<vmem>>
      tpu.vector_store_idx %scatter3A_2056[%add3A_2052, %broadcast_in_dim3A_2044], %get3A_2049 : memref<32x129xf32, #tpu.memory_space<vmem>>[vector<16xi32>, vector<16xi32>], vector<16xf32>,
      %get3A_2057 = arith.constant 66 : i32
      %get3A_2058 = arith.index_cast %select_n3A_294 : i32 to index
      %get3A_2059 = arith.index_cast %get3A_2057 : i32 to index
      %get3A_2060 = arith.constant 16 : index
      %get3A_2061 = tpu.vector_load %arg6[%get3A_2058, %get3A_2059, %get3A_2060] {strides = array<i32>} : memref<4x128x32xf32, #tpu.memory_space<vmem>>, vector<16xf32>,
      %add3A_2062 = arith.constant 16 : i32
      %add3A_2063 = vector.broadcast %add3A_2062 : i32 to vector<16xi32>
      %add3A_2064 = arith.addi %iota3A, %add3A_2063 : vector<16xi32>
      %scatter3A_2065 = arith.constant 0 : i32
      %scatter3A_2066 = arith.constant 0 : i32
      %scatter3A_2067 = tpu.memref_slice %arg7[%select_n3A_310, %scatter3A_2065, %scatter3A_2066] : memref<2x32x129xf32, #tpu.memory_space<vmem>> -> memref<1x32x129xf32, #tpu.memory_space<vmem>>
      %scatter3A_2068 = tpu.memref_squeeze %scatter3A_2067 : memref<1x32x129xf32, #tpu.memory_space<vmem>> -> memref<32x129xf32, #tpu.memory_space<vmem>>
      tpu.vector_store_idx %scatter3A_2068[%add3A_2064, %broadcast_in_dim3A_2044], %get3A_2061 : memref<32x129xf32, #tpu.memory_space<vmem>>[vector<16xi32>, vector<16xi32>], vector<16xf32>,
      %broadcast_in_dim3A_2069 = arith.constant 67 : i32
      %broadcast_in_dim3A_2070 = vector.broadcast %broadcast_in_dim3A_2069 : i32 to vector<16xi32>
      %get3A_2071 = arith.constant 67 : i32
      %get3A_2072 = arith.index_cast %select_n3A_294 : i32 to index
      %get3A_2073 = arith.index_cast %get3A_2071 : i32 to index
      %get3A_2074 = arith.constant 0 : index
      %get3A_2075 = tpu.vector_load %arg6[%get3A_2072, %get3A_2073, %get3A_2074] {strides = array<i32>} : memref<4x128x32xf32, #tpu.memory_space<vmem>>, vector<16xf32>,
      %add3A_2076 = arith.constant 0 : i32
      %add3A_2077 = vector.broadcast %add3A_2076 : i32 to vector<16xi32>
      %add3A_2078 = arith.addi %iota3A, %add3A_2077 : vector<16xi32>
      %scatter3A_2079 = arith.constant 0 : i32
      %scatter3A_2080 = arith.constant 0 : i32
      %scatter3A_2081 = tpu.memref_slice %arg7[%select_n3A_310, %scatter3A_2079, %scatter3A_2080] : memref<2x32x129xf32, #tpu.memory_space<vmem>> -> memref<1x32x129xf32, #tpu.memory_space<vmem>>
      %scatter3A_2082 = tpu.memref_squeeze %scatter3A_2081 : memref<1x32x129xf32, #tpu.memory_space<vmem>> -> memref<32x129xf32, #tpu.memory_space<vmem>>
      tpu.vector_store_idx %scatter3A_2082[%add3A_2078, %broadcast_in_dim3A_2070], %get3A_2075 : memref<32x129xf32, #tpu.memory_space<vmem>>[vector<16xi32>, vector<16xi32>], vector<16xf32>,
      %get3A_2083 = arith.constant 67 : i32
      %get3A_2084 = arith.index_cast %select_n3A_294 : i32 to index
      %get3A_2085 = arith.index_cast %get3A_2083 : i32 to index
      %get3A_2086 = arith.constant 16 : index
      %get3A_2087 = tpu.vector_load %arg6[%get3A_2084, %get3A_2085, %get3A_2086] {strides = array<i32>} : memref<4x128x32xf32, #tpu.memory_space<vmem>>, vector<16xf32>,
      %add3A_2088 = arith.constant 16 : i32
      %add3A_2089 = vector.broadcast %add3A_2088 : i32 to vector<16xi32>
      %add3A_2090 = arith.addi %iota3A, %add3A_2089 : vector<16xi32>
      %scatter3A_2091 = arith.constant 0 : i32
      %scatter3A_2092 = arith.constant 0 : i32
      %scatter3A_2093 = tpu.memref_slice %arg7[%select_n3A_310, %scatter3A_2091, %scatter3A_2092] : memref<2x32x129xf32, #tpu.memory_space<vmem>> -> memref<1x32x129xf32, #tpu.memory_space<vmem>>
      %scatter3A_2094 = tpu.memref_squeeze %scatter3A_2093 : memref<1x32x129xf32, #tpu.memory_space<vmem>> -> memref<32x129xf32, #tpu.memory_space<vmem>>
      tpu.vector_store_idx %scatter3A_2094[%add3A_2090, %broadcast_in_dim3A_2070], %get3A_2087 : memref<32x129xf32, #tpu.memory_space<vmem>>[vector<16xi32>, vector<16xi32>], vector<16xf32>,
      %broadcast_in_dim3A_2095 = arith.constant 68 : i32
      %broadcast_in_dim3A_2096 = vector.broadcast %broadcast_in_dim3A_2095 : i32 to vector<16xi32>
      %get3A_2097 = arith.constant 68 : i32
      %get3A_2098 = arith.index_cast %select_n3A_294 : i32 to index
      %get3A_2099 = arith.index_cast %get3A_2097 : i32 to index
      %get3A_2100 = arith.constant 0 : index
      %get3A_2101 = tpu.vector_load %arg6[%get3A_2098, %get3A_2099, %get3A_2100] {strides = array<i32>} : memref<4x128x32xf32, #tpu.memory_space<vmem>>, vector<16xf32>,
      %add3A_2102 = arith.constant 0 : i32
      %add3A_2103 = vector.broadcast %add3A_2102 : i32 to vector<16xi32>
      %add3A_2104 = arith.addi %iota3A, %add3A_2103 : vector<16xi32>
      %scatter3A_2105 = arith.constant 0 : i32
      %scatter3A_2106 = arith.constant 0 : i32
      %scatter3A_2107 = tpu.memref_slice %arg7[%select_n3A_310, %scatter3A_2105, %scatter3A_2106] : memref<2x32x129xf32, #tpu.memory_space<vmem>> -> memref<1x32x129xf32, #tpu.memory_space<vmem>>
      %scatter3A_2108 = tpu.memref_squeeze %scatter3A_2107 : memref<1x32x129xf32, #tpu.memory_space<vmem>> -> memref<32x129xf32, #tpu.memory_space<vmem>>
      tpu.vector_store_idx %scatter3A_2108[%add3A_2104, %broadcast_in_dim3A_2096], %get3A_2101 : memref<32x129xf32, #tpu.memory_space<vmem>>[vector<16xi32>, vector<16xi32>], vector<16xf32>,
      %get3A_2109 = arith.constant 68 : i32
      %get3A_2110 = arith.index_cast %select_n3A_294 : i32 to index
      %get3A_2111 = arith.index_cast %get3A_2109 : i32 to index
      %get3A_2112 = arith.constant 16 : index
      %get3A_2113 = tpu.vector_load %arg6[%get3A_2110, %get3A_2111, %get3A_2112] {strides = array<i32>} : memref<4x128x32xf32, #tpu.memory_space<vmem>>, vector<16xf32>,
      %add3A_2114 = arith.constant 16 : i32
      %add3A_2115 = vector.broadcast %add3A_2114 : i32 to vector<16xi32>
      %add3A_2116 = arith.addi %iota3A, %add3A_2115 : vector<16xi32>
      %scatter3A_2117 = arith.constant 0 : i32
      %scatter3A_2118 = arith.constant 0 : i32
      %scatter3A_2119 = tpu.memref_slice %arg7[%select_n3A_310, %scatter3A_2117, %scatter3A_2118] : memref<2x32x129xf32, #tpu.memory_space<vmem>> -> memref<1x32x129xf32, #tpu.memory_space<vmem>>
      %scatter3A_2120 = tpu.memref_squeeze %scatter3A_2119 : memref<1x32x129xf32, #tpu.memory_space<vmem>> -> memref<32x129xf32, #tpu.memory_space<vmem>>
      tpu.vector_store_idx %scatter3A_2120[%add3A_2116, %broadcast_in_dim3A_2096], %get3A_2113 : memref<32x129xf32, #tpu.memory_space<vmem>>[vector<16xi32>, vector<16xi32>], vector<16xf32>,
      %broadcast_in_dim3A_2121 = arith.constant 69 : i32
      %broadcast_in_dim3A_2122 = vector.broadcast %broadcast_in_dim3A_2121 : i32 to vector<16xi32>
      %get3A_2123 = arith.constant 69 : i32
      %get3A_2124 = arith.index_cast %select_n3A_294 : i32 to index
      %get3A_2125 = arith.index_cast %get3A_2123 : i32 to index
      %get3A_2126 = arith.constant 0 : index
      %get3A_2127 = tpu.vector_load %arg6[%get3A_2124, %get3A_2125, %get3A_2126] {strides = array<i32>} : memref<4x128x32xf32, #tpu.memory_space<vmem>>, vector<16xf32>,
      %add3A_2128 = arith.constant 0 : i32
      %add3A_2129 = vector.broadcast %add3A_2128 : i32 to vector<16xi32>
      %add3A_2130 = arith.addi %iota3A, %add3A_2129 : vector<16xi32>
      %scatter3A_2131 = arith.constant 0 : i32
      %scatter3A_2132 = arith.constant 0 : i32
      %scatter3A_2133 = tpu.memref_slice %arg7[%select_n3A_310, %scatter3A_2131, %scatter3A_2132] : memref<2x32x129xf32, #tpu.memory_space<vmem>> -> memref<1x32x129xf32, #tpu.memory_space<vmem>>
      %scatter3A_2134 = tpu.memref_squeeze %scatter3A_2133 : memref<1x32x129xf32, #tpu.memory_space<vmem>> -> memref<32x129xf32, #tpu.memory_space<vmem>>
      tpu.vector_store_idx %scatter3A_2134[%add3A_2130, %broadcast_in_dim3A_2122], %get3A_2127 : memref<32x129xf32, #tpu.memory_space<vmem>>[vector<16xi32>, vector<16xi32>], vector<16xf32>,
      %get3A_2135 = arith.constant 69 : i32
      %get3A_2136 = arith.index_cast %select_n3A_294 : i32 to index
      %get3A_2137 = arith.index_cast %get3A_2135 : i32 to index
      %get3A_2138 = arith.constant 16 : index
      %get3A_2139 = tpu.vector_load %arg6[%get3A_2136, %get3A_2137, %get3A_2138] {strides = array<i32>} : memref<4x128x32xf32, #tpu.memory_space<vmem>>, vector<16xf32>,
      %add3A_2140 = arith.constant 16 : i32
      %add3A_2141 = vector.broadcast %add3A_2140 : i32 to vector<16xi32>
      %add3A_2142 = arith.addi %iota3A, %add3A_2141 : vector<16xi32>
      %scatter3A_2143 = arith.constant 0 : i32
      %scatter3A_2144 = arith.constant 0 : i32
      %scatter3A_2145 = tpu.memref_slice %arg7[%select_n3A_310, %scatter3A_2143, %scatter3A_2144] : memref<2x32x129xf32, #tpu.memory_space<vmem>> -> memref<1x32x129xf32, #tpu.memory_space<vmem>>
      %scatter3A_2146 = tpu.memref_squeeze %scatter3A_2145 : memref<1x32x129xf32, #tpu.memory_space<vmem>> -> memref<32x129xf32, #tpu.memory_space<vmem>>
      tpu.vector_store_idx %scatter3A_2146[%add3A_2142, %broadcast_in_dim3A_2122], %get3A_2139 : memref<32x129xf32, #tpu.memory_space<vmem>>[vector<16xi32>, vector<16xi32>], vector<16xf32>,
      %broadcast_in_dim3A_2147 = arith.constant 70 : i32
      %broadcast_in_dim3A_2148 = vector.broadcast %broadcast_in_dim3A_2147 : i32 to vector<16xi32>
      %get3A_2149 = arith.constant 70 : i32
      %get3A_2150 = arith.index_cast %select_n3A_294 : i32 to index
      %get3A_2151 = arith.index_cast %get3A_2149 : i32 to index
      %get3A_2152 = arith.constant 0 : index
      %get3A_2153 = tpu.vector_load %arg6[%get3A_2150, %get3A_2151, %get3A_2152] {strides = array<i32>} : memref<4x128x32xf32, #tpu.memory_space<vmem>>, vector<16xf32>,
      %add3A_2154 = arith.constant 0 : i32
      %add3A_2155 = vector.broadcast %add3A_2154 : i32 to vector<16xi32>
      %add3A_2156 = arith.addi %iota3A, %add3A_2155 : vector<16xi32>
      %scatter3A_2157 = arith.constant 0 : i32
      %scatter3A_2158 = arith.constant 0 : i32
      %scatter3A_2159 = tpu.memref_slice %arg7[%select_n3A_310, %scatter3A_2157, %scatter3A_2158] : memref<2x32x129xf32, #tpu.memory_space<vmem>> -> memref<1x32x129xf32, #tpu.memory_space<vmem>>
      %scatter3A_2160 = tpu.memref_squeeze %scatter3A_2159 : memref<1x32x129xf32, #tpu.memory_space<vmem>> -> memref<32x129xf32, #tpu.memory_space<vmem>>
      tpu.vector_store_idx %scatter3A_2160[%add3A_2156, %broadcast_in_dim3A_2148], %get3A_2153 : memref<32x129xf32, #tpu.memory_space<vmem>>[vector<16xi32>, vector<16xi32>], vector<16xf32>,
      %get3A_2161 = arith.constant 70 : i32
      %get3A_2162 = arith.index_cast %select_n3A_294 : i32 to index
      %get3A_2163 = arith.index_cast %get3A_2161 : i32 to index
      %get3A_2164 = arith.constant 16 : index
      %get3A_2165 = tpu.vector_load %arg6[%get3A_2162, %get3A_2163, %get3A_2164] {strides = array<i32>} : memref<4x128x32xf32, #tpu.memory_space<vmem>>, vector<16xf32>,
      %add3A_2166 = arith.constant 16 : i32
      %add3A_2167 = vector.broadcast %add3A_2166 : i32 to vector<16xi32>
      %add3A_2168 = arith.addi %iota3A, %add3A_2167 : vector<16xi32>
      %scatter3A_2169 = arith.constant 0 : i32
      %scatter3A_2170 = arith.constant 0 : i32
      %scatter3A_2171 = tpu.memref_slice %arg7[%select_n3A_310, %scatter3A_2169, %scatter3A_2170] : memref<2x32x129xf32, #tpu.memory_space<vmem>> -> memref<1x32x129xf32, #tpu.memory_space<vmem>>
      %scatter3A_2172 = tpu.memref_squeeze %scatter3A_2171 : memref<1x32x129xf32, #tpu.memory_space<vmem>> -> memref<32x129xf32, #tpu.memory_space<vmem>>
      tpu.vector_store_idx %scatter3A_2172[%add3A_2168, %broadcast_in_dim3A_2148], %get3A_2165 : memref<32x129xf32, #tpu.memory_space<vmem>>[vector<16xi32>, vector<16xi32>], vector<16xf32>,
      %broadcast_in_dim3A_2173 = arith.constant 71 : i32
      %broadcast_in_dim3A_2174 = vector.broadcast %broadcast_in_dim3A_2173 : i32 to vector<16xi32>
      %get3A_2175 = arith.constant 71 : i32
      %get3A_2176 = arith.index_cast %select_n3A_294 : i32 to index
      %get3A_2177 = arith.index_cast %get3A_2175 : i32 to index
      %get3A_2178 = arith.constant 0 : index
      %get3A_2179 = tpu.vector_load %arg6[%get3A_2176, %get3A_2177, %get3A_2178] {strides = array<i32>} : memref<4x128x32xf32, #tpu.memory_space<vmem>>, vector<16xf32>,
      %add3A_2180 = arith.constant 0 : i32
      %add3A_2181 = vector.broadcast %add3A_2180 : i32 to vector<16xi32>
      %add3A_2182 = arith.addi %iota3A, %add3A_2181 : vector<16xi32>
      %scatter3A_2183 = arith.constant 0 : i32
      %scatter3A_2184 = arith.constant 0 : i32
      %scatter3A_2185 = tpu.memref_slice %arg7[%select_n3A_310, %scatter3A_2183, %scatter3A_2184] : memref<2x32x129xf32, #tpu.memory_space<vmem>> -> memref<1x32x129xf32, #tpu.memory_space<vmem>>
      %scatter3A_2186 = tpu.memref_squeeze %scatter3A_2185 : memref<1x32x129xf32, #tpu.memory_space<vmem>> -> memref<32x129xf32, #tpu.memory_space<vmem>>
      tpu.vector_store_idx %scatter3A_2186[%add3A_2182, %broadcast_in_dim3A_2174], %get3A_2179 : memref<32x129xf32, #tpu.memory_space<vmem>>[vector<16xi32>, vector<16xi32>], vector<16xf32>,
      %get3A_2187 = arith.constant 71 : i32
      %get3A_2188 = arith.index_cast %select_n3A_294 : i32 to index
      %get3A_2189 = arith.index_cast %get3A_2187 : i32 to index
      %get3A_2190 = arith.constant 16 : index
      %get3A_2191 = tpu.vector_load %arg6[%get3A_2188, %get3A_2189, %get3A_2190] {strides = array<i32>} : memref<4x128x32xf32, #tpu.memory_space<vmem>>, vector<16xf32>,
      %add3A_2192 = arith.constant 16 : i32
      %add3A_2193 = vector.broadcast %add3A_2192 : i32 to vector<16xi32>
      %add3A_2194 = arith.addi %iota3A, %add3A_2193 : vector<16xi32>
      %scatter3A_2195 = arith.constant 0 : i32
      %scatter3A_2196 = arith.constant 0 : i32
      %scatter3A_2197 = tpu.memref_slice %arg7[%select_n3A_310, %scatter3A_2195, %scatter3A_2196] : memref<2x32x129xf32, #tpu.memory_space<vmem>> -> memref<1x32x129xf32, #tpu.memory_space<vmem>>
      %scatter3A_2198 = tpu.memref_squeeze %scatter3A_2197 : memref<1x32x129xf32, #tpu.memory_space<vmem>> -> memref<32x129xf32, #tpu.memory_space<vmem>>
      tpu.vector_store_idx %scatter3A_2198[%add3A_2194, %broadcast_in_dim3A_2174], %get3A_2191 : memref<32x129xf32, #tpu.memory_space<vmem>>[vector<16xi32>, vector<16xi32>], vector<16xf32>,
      %broadcast_in_dim3A_2199 = arith.constant 72 : i32
      %broadcast_in_dim3A_2200 = vector.broadcast %broadcast_in_dim3A_2199 : i32 to vector<16xi32>
      %get3A_2201 = arith.constant 72 : i32
      %get3A_2202 = arith.index_cast %select_n3A_294 : i32 to index
      %get3A_2203 = arith.index_cast %get3A_2201 : i32 to index
      %get3A_2204 = arith.constant 0 : index
      %get3A_2205 = tpu.vector_load %arg6[%get3A_2202, %get3A_2203, %get3A_2204] {strides = array<i32>} : memref<4x128x32xf32, #tpu.memory_space<vmem>>, vector<16xf32>,
      %add3A_2206 = arith.constant 0 : i32
      %add3A_2207 = vector.broadcast %add3A_2206 : i32 to vector<16xi32>
      %add3A_2208 = arith.addi %iota3A, %add3A_2207 : vector<16xi32>
      %scatter3A_2209 = arith.constant 0 : i32
      %scatter3A_2210 = arith.constant 0 : i32
      %scatter3A_2211 = tpu.memref_slice %arg7[%select_n3A_310, %scatter3A_2209, %scatter3A_2210] : memref<2x32x129xf32, #tpu.memory_space<vmem>> -> memref<1x32x129xf32, #tpu.memory_space<vmem>>
      %scatter3A_2212 = tpu.memref_squeeze %scatter3A_2211 : memref<1x32x129xf32, #tpu.memory_space<vmem>> -> memref<32x129xf32, #tpu.memory_space<vmem>>
      tpu.vector_store_idx %scatter3A_2212[%add3A_2208, %broadcast_in_dim3A_2200], %get3A_2205 : memref<32x129xf32, #tpu.memory_space<vmem>>[vector<16xi32>, vector<16xi32>], vector<16xf32>,
      %get3A_2213 = arith.constant 72 : i32
      %get3A_2214 = arith.index_cast %select_n3A_294 : i32 to index
      %get3A_2215 = arith.index_cast %get3A_2213 : i32 to index
      %get3A_2216 = arith.constant 16 : index
      %get3A_2217 = tpu.vector_load %arg6[%get3A_2214, %get3A_2215, %get3A_2216] {strides = array<i32>} : memref<4x128x32xf32, #tpu.memory_space<vmem>>, vector<16xf32>,
      %add3A_2218 = arith.constant 16 : i32
      %add3A_2219 = vector.broadcast %add3A_2218 : i32 to vector<16xi32>
      %add3A_2220 = arith.addi %iota3A, %add3A_2219 : vector<16xi32>
      %scatter3A_2221 = arith.constant 0 : i32
      %scatter3A_2222 = arith.constant 0 : i32
      %scatter3A_2223 = tpu.memref_slice %arg7[%select_n3A_310, %scatter3A_2221, %scatter3A_2222] : memref<2x32x129xf32, #tpu.memory_space<vmem>> -> memref<1x32x129xf32, #tpu.memory_space<vmem>>
      %scatter3A_2224 = tpu.memref_squeeze %scatter3A_2223 : memref<1x32x129xf32, #tpu.memory_space<vmem>> -> memref<32x129xf32, #tpu.memory_space<vmem>>
      tpu.vector_store_idx %scatter3A_2224[%add3A_2220, %broadcast_in_dim3A_2200], %get3A_2217 : memref<32x129xf32, #tpu.memory_space<vmem>>[vector<16xi32>, vector<16xi32>], vector<16xf32>,
      %broadcast_in_dim3A_2225 = arith.constant 73 : i32
      %broadcast_in_dim3A_2226 = vector.broadcast %broadcast_in_dim3A_2225 : i32 to vector<16xi32>
      %get3A_2227 = arith.constant 73 : i32
      %get3A_2228 = arith.index_cast %select_n3A_294 : i32 to index
      %get3A_2229 = arith.index_cast %get3A_2227 : i32 to index
      %get3A_2230 = arith.constant 0 : index
      %get3A_2231 = tpu.vector_load %arg6[%get3A_2228, %get3A_2229, %get3A_2230] {strides = array<i32>} : memref<4x128x32xf32, #tpu.memory_space<vmem>>, vector<16xf32>,
      %add3A_2232 = arith.constant 0 : i32
      %add3A_2233 = vector.broadcast %add3A_2232 : i32 to vector<16xi32>
      %add3A_2234 = arith.addi %iota3A, %add3A_2233 : vector<16xi32>
      %scatter3A_2235 = arith.constant 0 : i32
      %scatter3A_2236 = arith.constant 0 : i32
      %scatter3A_2237 = tpu.memref_slice %arg7[%select_n3A_310, %scatter3A_2235, %scatter3A_2236] : memref<2x32x129xf32, #tpu.memory_space<vmem>> -> memref<1x32x129xf32, #tpu.memory_space<vmem>>
      %scatter3A_2238 = tpu.memref_squeeze %scatter3A_2237 : memref<1x32x129xf32, #tpu.memory_space<vmem>> -> memref<32x129xf32, #tpu.memory_space<vmem>>
      tpu.vector_store_idx %scatter3A_2238[%add3A_2234, %broadcast_in_dim3A_2226], %get3A_2231 : memref<32x129xf32, #tpu.memory_space<vmem>>[vector<16xi32>, vector<16xi32>], vector<16xf32>,
      %get3A_2239 = arith.constant 73 : i32
      %get3A_2240 = arith.index_cast %select_n3A_294 : i32 to index
      %get3A_2241 = arith.index_cast %get3A_2239 : i32 to index
      %get3A_2242 = arith.constant 16 : index
      %get3A_2243 = tpu.vector_load %arg6[%get3A_2240, %get3A_2241, %get3A_2242] {strides = array<i32>} : memref<4x128x32xf32, #tpu.memory_space<vmem>>, vector<16xf32>,
      %add3A_2244 = arith.constant 16 : i32
      %add3A_2245 = vector.broadcast %add3A_2244 : i32 to vector<16xi32>
      %add3A_2246 = arith.addi %iota3A, %add3A_2245 : vector<16xi32>
      %scatter3A_2247 = arith.constant 0 : i32
      %scatter3A_2248 = arith.constant 0 : i32
      %scatter3A_2249 = tpu.memref_slice %arg7[%select_n3A_310, %scatter3A_2247, %scatter3A_2248] : memref<2x32x129xf32, #tpu.memory_space<vmem>> -> memref<1x32x129xf32, #tpu.memory_space<vmem>>
      %scatter3A_2250 = tpu.memref_squeeze %scatter3A_2249 : memref<1x32x129xf32, #tpu.memory_space<vmem>> -> memref<32x129xf32, #tpu.memory_space<vmem>>
      tpu.vector_store_idx %scatter3A_2250[%add3A_2246, %broadcast_in_dim3A_2226], %get3A_2243 : memref<32x129xf32, #tpu.memory_space<vmem>>[vector<16xi32>, vector<16xi32>], vector<16xf32>,
      %broadcast_in_dim3A_2251 = arith.constant 74 : i32
      %broadcast_in_dim3A_2252 = vector.broadcast %broadcast_in_dim3A_2251 : i32 to vector<16xi32>
      %get3A_2253 = arith.constant 74 : i32
      %get3A_2254 = arith.index_cast %select_n3A_294 : i32 to index
      %get3A_2255 = arith.index_cast %get3A_2253 : i32 to index
      %get3A_2256 = arith.constant 0 : index
      %get3A_2257 = tpu.vector_load %arg6[%get3A_2254, %get3A_2255, %get3A_2256] {strides = array<i32>} : memref<4x128x32xf32, #tpu.memory_space<vmem>>, vector<16xf32>,
      %add3A_2258 = arith.constant 0 : i32
      %add3A_2259 = vector.broadcast %add3A_2258 : i32 to vector<16xi32>
      %add3A_2260 = arith.addi %iota3A, %add3A_2259 : vector<16xi32>
      %scatter3A_2261 = arith.constant 0 : i32
      %scatter3A_2262 = arith.constant 0 : i32
      %scatter3A_2263 = tpu.memref_slice %arg7[%select_n3A_310, %scatter3A_2261, %scatter3A_2262] : memref<2x32x129xf32, #tpu.memory_space<vmem>> -> memref<1x32x129xf32, #tpu.memory_space<vmem>>
      %scatter3A_2264 = tpu.memref_squeeze %scatter3A_2263 : memref<1x32x129xf32, #tpu.memory_space<vmem>> -> memref<32x129xf32, #tpu.memory_space<vmem>>
      tpu.vector_store_idx %scatter3A_2264[%add3A_2260, %broadcast_in_dim3A_2252], %get3A_2257 : memref<32x129xf32, #tpu.memory_space<vmem>>[vector<16xi32>, vector<16xi32>], vector<16xf32>,
      %get3A_2265 = arith.constant 74 : i32
      %get3A_2266 = arith.index_cast %select_n3A_294 : i32 to index
      %get3A_2267 = arith.index_cast %get3A_2265 : i32 to index
      %get3A_2268 = arith.constant 16 : index
      %get3A_2269 = tpu.vector_load %arg6[%get3A_2266, %get3A_2267, %get3A_2268] {strides = array<i32>} : memref<4x128x32xf32, #tpu.memory_space<vmem>>, vector<16xf32>,
      %add3A_2270 = arith.constant 16 : i32
      %add3A_2271 = vector.broadcast %add3A_2270 : i32 to vector<16xi32>
      %add3A_2272 = arith.addi %iota3A, %add3A_2271 : vector<16xi32>
      %scatter3A_2273 = arith.constant 0 : i32
      %scatter3A_2274 = arith.constant 0 : i32
      %scatter3A_2275 = tpu.memref_slice %arg7[%select_n3A_310, %scatter3A_2273, %scatter3A_2274] : memref<2x32x129xf32, #tpu.memory_space<vmem>> -> memref<1x32x129xf32, #tpu.memory_space<vmem>>
      %scatter3A_2276 = tpu.memref_squeeze %scatter3A_2275 : memref<1x32x129xf32, #tpu.memory_space<vmem>> -> memref<32x129xf32, #tpu.memory_space<vmem>>
      tpu.vector_store_idx %scatter3A_2276[%add3A_2272, %broadcast_in_dim3A_2252], %get3A_2269 : memref<32x129xf32, #tpu.memory_space<vmem>>[vector<16xi32>, vector<16xi32>], vector<16xf32>,
      %broadcast_in_dim3A_2277 = arith.constant 75 : i32
      %broadcast_in_dim3A_2278 = vector.broadcast %broadcast_in_dim3A_2277 : i32 to vector<16xi32>
      %get3A_2279 = arith.constant 75 : i32
      %get3A_2280 = arith.index_cast %select_n3A_294 : i32 to index
      %get3A_2281 = arith.index_cast %get3A_2279 : i32 to index
      %get3A_2282 = arith.constant 0 : index
      %get3A_2283 = tpu.vector_load %arg6[%get3A_2280, %get3A_2281, %get3A_2282] {strides = array<i32>} : memref<4x128x32xf32, #tpu.memory_space<vmem>>, vector<16xf32>,
      %add3A_2284 = arith.constant 0 : i32
      %add3A_2285 = vector.broadcast %add3A_2284 : i32 to vector<16xi32>
      %add3A_2286 = arith.addi %iota3A, %add3A_2285 : vector<16xi32>
      %scatter3A_2287 = arith.constant 0 : i32
      %scatter3A_2288 = arith.constant 0 : i32
      %scatter3A_2289 = tpu.memref_slice %arg7[%select_n3A_310, %scatter3A_2287, %scatter3A_2288] : memref<2x32x129xf32, #tpu.memory_space<vmem>> -> memref<1x32x129xf32, #tpu.memory_space<vmem>>
      %scatter3A_2290 = tpu.memref_squeeze %scatter3A_2289 : memref<1x32x129xf32, #tpu.memory_space<vmem>> -> memref<32x129xf32, #tpu.memory_space<vmem>>
      tpu.vector_store_idx %scatter3A_2290[%add3A_2286, %broadcast_in_dim3A_2278], %get3A_2283 : memref<32x129xf32, #tpu.memory_space<vmem>>[vector<16xi32>, vector<16xi32>], vector<16xf32>,
      %get3A_2291 = arith.constant 75 : i32
      %get3A_2292 = arith.index_cast %select_n3A_294 : i32 to index
      %get3A_2293 = arith.index_cast %get3A_2291 : i32 to index
      %get3A_2294 = arith.constant 16 : index
      %get3A_2295 = tpu.vector_load %arg6[%get3A_2292, %get3A_2293, %get3A_2294] {strides = array<i32>} : memref<4x128x32xf32, #tpu.memory_space<vmem>>, vector<16xf32>,
      %add3A_2296 = arith.constant 16 : i32
      %add3A_2297 = vector.broadcast %add3A_2296 : i32 to vector<16xi32>
      %add3A_2298 = arith.addi %iota3A, %add3A_2297 : vector<16xi32>
      %scatter3A_2299 = arith.constant 0 : i32
      %scatter3A_2300 = arith.constant 0 : i32
      %scatter3A_2301 = tpu.memref_slice %arg7[%select_n3A_310, %scatter3A_2299, %scatter3A_2300] : memref<2x32x129xf32, #tpu.memory_space<vmem>> -> memref<1x32x129xf32, #tpu.memory_space<vmem>>
      %scatter3A_2302 = tpu.memref_squeeze %scatter3A_2301 : memref<1x32x129xf32, #tpu.memory_space<vmem>> -> memref<32x129xf32, #tpu.memory_space<vmem>>
      tpu.vector_store_idx %scatter3A_2302[%add3A_2298, %broadcast_in_dim3A_2278], %get3A_2295 : memref<32x129xf32, #tpu.memory_space<vmem>>[vector<16xi32>, vector<16xi32>], vector<16xf32>,
      %broadcast_in_dim3A_2303 = arith.constant 76 : i32
      %broadcast_in_dim3A_2304 = vector.broadcast %broadcast_in_dim3A_2303 : i32 to vector<16xi32>
      %get3A_2305 = arith.constant 76 : i32
      %get3A_2306 = arith.index_cast %select_n3A_294 : i32 to index
      %get3A_2307 = arith.index_cast %get3A_2305 : i32 to index
      %get3A_2308 = arith.constant 0 : index
      %get3A_2309 = tpu.vector_load %arg6[%get3A_2306, %get3A_2307, %get3A_2308] {strides = array<i32>} : memref<4x128x32xf32, #tpu.memory_space<vmem>>, vector<16xf32>,
      %add3A_2310 = arith.constant 0 : i32
      %add3A_2311 = vector.broadcast %add3A_2310 : i32 to vector<16xi32>
      %add3A_2312 = arith.addi %iota3A, %add3A_2311 : vector<16xi32>
      %scatter3A_2313 = arith.constant 0 : i32
      %scatter3A_2314 = arith.constant 0 : i32
      %scatter3A_2315 = tpu.memref_slice %arg7[%select_n3A_310, %scatter3A_2313, %scatter3A_2314] : memref<2x32x129xf32, #tpu.memory_space<vmem>> -> memref<1x32x129xf32, #tpu.memory_space<vmem>>
      %scatter3A_2316 = tpu.memref_squeeze %scatter3A_2315 : memref<1x32x129xf32, #tpu.memory_space<vmem>> -> memref<32x129xf32, #tpu.memory_space<vmem>>
      tpu.vector_store_idx %scatter3A_2316[%add3A_2312, %broadcast_in_dim3A_2304], %get3A_2309 : memref<32x129xf32, #tpu.memory_space<vmem>>[vector<16xi32>, vector<16xi32>], vector<16xf32>,
      %get3A_2317 = arith.constant 76 : i32
      %get3A_2318 = arith.index_cast %select_n3A_294 : i32 to index
      %get3A_2319 = arith.index_cast %get3A_2317 : i32 to index
      %get3A_2320 = arith.constant 16 : index
      %get3A_2321 = tpu.vector_load %arg6[%get3A_2318, %get3A_2319, %get3A_2320] {strides = array<i32>} : memref<4x128x32xf32, #tpu.memory_space<vmem>>, vector<16xf32>,
      %add3A_2322 = arith.constant 16 : i32
      %add3A_2323 = vector.broadcast %add3A_2322 : i32 to vector<16xi32>
      %add3A_2324 = arith.addi %iota3A, %add3A_2323 : vector<16xi32>
      %scatter3A_2325 = arith.constant 0 : i32
      %scatter3A_2326 = arith.constant 0 : i32
      %scatter3A_2327 = tpu.memref_slice %arg7[%select_n3A_310, %scatter3A_2325, %scatter3A_2326] : memref<2x32x129xf32, #tpu.memory_space<vmem>> -> memref<1x32x129xf32, #tpu.memory_space<vmem>>
      %scatter3A_2328 = tpu.memref_squeeze %scatter3A_2327 : memref<1x32x129xf32, #tpu.memory_space<vmem>> -> memref<32x129xf32, #tpu.memory_space<vmem>>
      tpu.vector_store_idx %scatter3A_2328[%add3A_2324, %broadcast_in_dim3A_2304], %get3A_2321 : memref<32x129xf32, #tpu.memory_space<vmem>>[vector<16xi32>, vector<16xi32>], vector<16xf32>,
      %broadcast_in_dim3A_2329 = arith.constant 77 : i32
      %broadcast_in_dim3A_2330 = vector.broadcast %broadcast_in_dim3A_2329 : i32 to vector<16xi32>
      %get3A_2331 = arith.constant 77 : i32
      %get3A_2332 = arith.index_cast %select_n3A_294 : i32 to index
      %get3A_2333 = arith.index_cast %get3A_2331 : i32 to index
      %get3A_2334 = arith.constant 0 : index
      %get3A_2335 = tpu.vector_load %arg6[%get3A_2332, %get3A_2333, %get3A_2334] {strides = array<i32>} : memref<4x128x32xf32, #tpu.memory_space<vmem>>, vector<16xf32>,
      %add3A_2336 = arith.constant 0 : i32
      %add3A_2337 = vector.broadcast %add3A_2336 : i32 to vector<16xi32>
      %add3A_2338 = arith.addi %iota3A, %add3A_2337 : vector<16xi32>
      %scatter3A_2339 = arith.constant 0 : i32
      %scatter3A_2340 = arith.constant 0 : i32
      %scatter3A_2341 = tpu.memref_slice %arg7[%select_n3A_310, %scatter3A_2339, %scatter3A_2340] : memref<2x32x129xf32, #tpu.memory_space<vmem>> -> memref<1x32x129xf32, #tpu.memory_space<vmem>>
      %scatter3A_2342 = tpu.memref_squeeze %scatter3A_2341 : memref<1x32x129xf32, #tpu.memory_space<vmem>> -> memref<32x129xf32, #tpu.memory_space<vmem>>
      tpu.vector_store_idx %scatter3A_2342[%add3A_2338, %broadcast_in_dim3A_2330], %get3A_2335 : memref<32x129xf32, #tpu.memory_space<vmem>>[vector<16xi32>, vector<16xi32>], vector<16xf32>,
      %get3A_2343 = arith.constant 77 : i32
      %get3A_2344 = arith.index_cast %select_n3A_294 : i32 to index
      %get3A_2345 = arith.index_cast %get3A_2343 : i32 to index
      %get3A_2346 = arith.constant 16 : index
      %get3A_2347 = tpu.vector_load %arg6[%get3A_2344, %get3A_2345, %get3A_2346] {strides = array<i32>} : memref<4x128x32xf32, #tpu.memory_space<vmem>>, vector<16xf32>,
      %add3A_2348 = arith.constant 16 : i32
      %add3A_2349 = vector.broadcast %add3A_2348 : i32 to vector<16xi32>
      %add3A_2350 = arith.addi %iota3A, %add3A_2349 : vector<16xi32>
      %scatter3A_2351 = arith.constant 0 : i32
      %scatter3A_2352 = arith.constant 0 : i32
      %scatter3A_2353 = tpu.memref_slice %arg7[%select_n3A_310, %scatter3A_2351, %scatter3A_2352] : memref<2x32x129xf32, #tpu.memory_space<vmem>> -> memref<1x32x129xf32, #tpu.memory_space<vmem>>
      %scatter3A_2354 = tpu.memref_squeeze %scatter3A_2353 : memref<1x32x129xf32, #tpu.memory_space<vmem>> -> memref<32x129xf32, #tpu.memory_space<vmem>>
      tpu.vector_store_idx %scatter3A_2354[%add3A_2350, %broadcast_in_dim3A_2330], %get3A_2347 : memref<32x129xf32, #tpu.memory_space<vmem>>[vector<16xi32>, vector<16xi32>], vector<16xf32>,
      %broadcast_in_dim3A_2355 = arith.constant 78 : i32
      %broadcast_in_dim3A_2356 = vector.broadcast %broadcast_in_dim3A_2355 : i32 to vector<16xi32>
      %get3A_2357 = arith.constant 78 : i32
      %get3A_2358 = arith.index_cast %select_n3A_294 : i32 to index
      %get3A_2359 = arith.index_cast %get3A_2357 : i32 to index
      %get3A_2360 = arith.constant 0 : index
      %get3A_2361 = tpu.vector_load %arg6[%get3A_2358, %get3A_2359, %get3A_2360] {strides = array<i32>} : memref<4x128x32xf32, #tpu.memory_space<vmem>>, vector<16xf32>,
      %add3A_2362 = arith.constant 0 : i32
      %add3A_2363 = vector.broadcast %add3A_2362 : i32 to vector<16xi32>
      %add3A_2364 = arith.addi %iota3A, %add3A_2363 : vector<16xi32>
      %scatter3A_2365 = arith.constant 0 : i32
      %scatter3A_2366 = arith.constant 0 : i32
      %scatter3A_2367 = tpu.memref_slice %arg7[%select_n3A_310, %scatter3A_2365, %scatter3A_2366] : memref<2x32x129xf32, #tpu.memory_space<vmem>> -> memref<1x32x129xf32, #tpu.memory_space<vmem>>
      %scatter3A_2368 = tpu.memref_squeeze %scatter3A_2367 : memref<1x32x129xf32, #tpu.memory_space<vmem>> -> memref<32x129xf32, #tpu.memory_space<vmem>>
      tpu.vector_store_idx %scatter3A_2368[%add3A_2364, %broadcast_in_dim3A_2356], %get3A_2361 : memref<32x129xf32, #tpu.memory_space<vmem>>[vector<16xi32>, vector<16xi32>], vector<16xf32>,
      %get3A_2369 = arith.constant 78 : i32
      %get3A_2370 = arith.index_cast %select_n3A_294 : i32 to index
      %get3A_2371 = arith.index_cast %get3A_2369 : i32 to index
      %get3A_2372 = arith.constant 16 : index
      %get3A_2373 = tpu.vector_load %arg6[%get3A_2370, %get3A_2371, %get3A_2372] {strides = array<i32>} : memref<4x128x32xf32, #tpu.memory_space<vmem>>, vector<16xf32>,
      %add3A_2374 = arith.constant 16 : i32
      %add3A_2375 = vector.broadcast %add3A_2374 : i32 to vector<16xi32>
      %add3A_2376 = arith.addi %iota3A, %add3A_2375 : vector<16xi32>
      %scatter3A_2377 = arith.constant 0 : i32
      %scatter3A_2378 = arith.constant 0 : i32
      %scatter3A_2379 = tpu.memref_slice %arg7[%select_n3A_310, %scatter3A_2377, %scatter3A_2378] : memref<2x32x129xf32, #tpu.memory_space<vmem>> -> memref<1x32x129xf32, #tpu.memory_space<vmem>>
      %scatter3A_2380 = tpu.memref_squeeze %scatter3A_2379 : memref<1x32x129xf32, #tpu.memory_space<vmem>> -> memref<32x129xf32, #tpu.memory_space<vmem>>
      tpu.vector_store_idx %scatter3A_2380[%add3A_2376, %broadcast_in_dim3A_2356], %get3A_2373 : memref<32x129xf32, #tpu.memory_space<vmem>>[vector<16xi32>, vector<16xi32>], vector<16xf32>,
      %broadcast_in_dim3A_2381 = arith.constant 79 : i32
      %broadcast_in_dim3A_2382 = vector.broadcast %broadcast_in_dim3A_2381 : i32 to vector<16xi32>
      %get3A_2383 = arith.constant 79 : i32
      %get3A_2384 = arith.index_cast %select_n3A_294 : i32 to index
      %get3A_2385 = arith.index_cast %get3A_2383 : i32 to index
      %get3A_2386 = arith.constant 0 : index
      %get3A_2387 = tpu.vector_load %arg6[%get3A_2384, %get3A_2385, %get3A_2386] {strides = array<i32>} : memref<4x128x32xf32, #tpu.memory_space<vmem>>, vector<16xf32>,
      %add3A_2388 = arith.constant 0 : i32
      %add3A_2389 = vector.broadcast %add3A_2388 : i32 to vector<16xi32>
      %add3A_2390 = arith.addi %iota3A, %add3A_2389 : vector<16xi32>
      %scatter3A_2391 = arith.constant 0 : i32
      %scatter3A_2392 = arith.constant 0 : i32
      %scatter3A_2393 = tpu.memref_slice %arg7[%select_n3A_310, %scatter3A_2391, %scatter3A_2392] : memref<2x32x129xf32, #tpu.memory_space<vmem>> -> memref<1x32x129xf32, #tpu.memory_space<vmem>>
      %scatter3A_2394 = tpu.memref_squeeze %scatter3A_2393 : memref<1x32x129xf32, #tpu.memory_space<vmem>> -> memref<32x129xf32, #tpu.memory_space<vmem>>
      tpu.vector_store_idx %scatter3A_2394[%add3A_2390, %broadcast_in_dim3A_2382], %get3A_2387 : memref<32x129xf32, #tpu.memory_space<vmem>>[vector<16xi32>, vector<16xi32>], vector<16xf32>,
      %get3A_2395 = arith.constant 79 : i32
      %get3A_2396 = arith.index_cast %select_n3A_294 : i32 to index
      %get3A_2397 = arith.index_cast %get3A_2395 : i32 to index
      %get3A_2398 = arith.constant 16 : index
      %get3A_2399 = tpu.vector_load %arg6[%get3A_2396, %get3A_2397, %get3A_2398] {strides = array<i32>} : memref<4x128x32xf32, #tpu.memory_space<vmem>>, vector<16xf32>,
      %add3A_2400 = arith.constant 16 : i32
      %add3A_2401 = vector.broadcast %add3A_2400 : i32 to vector<16xi32>
      %add3A_2402 = arith.addi %iota3A, %add3A_2401 : vector<16xi32>
      %scatter3A_2403 = arith.constant 0 : i32
      %scatter3A_2404 = arith.constant 0 : i32
      %scatter3A_2405 = tpu.memref_slice %arg7[%select_n3A_310, %scatter3A_2403, %scatter3A_2404] : memref<2x32x129xf32, #tpu.memory_space<vmem>> -> memref<1x32x129xf32, #tpu.memory_space<vmem>>
      %scatter3A_2406 = tpu.memref_squeeze %scatter3A_2405 : memref<1x32x129xf32, #tpu.memory_space<vmem>> -> memref<32x129xf32, #tpu.memory_space<vmem>>
      tpu.vector_store_idx %scatter3A_2406[%add3A_2402, %broadcast_in_dim3A_2382], %get3A_2399 : memref<32x129xf32, #tpu.memory_space<vmem>>[vector<16xi32>, vector<16xi32>], vector<16xf32>,
      %broadcast_in_dim3A_2407 = arith.constant 80 : i32
      %broadcast_in_dim3A_2408 = vector.broadcast %broadcast_in_dim3A_2407 : i32 to vector<16xi32>
      %get3A_2409 = arith.constant 80 : i32
      %get3A_2410 = arith.index_cast %select_n3A_294 : i32 to index
      %get3A_2411 = arith.index_cast %get3A_2409 : i32 to index
      %get3A_2412 = arith.constant 0 : index
      %get3A_2413 = tpu.vector_load %arg6[%get3A_2410, %get3A_2411, %get3A_2412] {strides = array<i32>} : memref<4x128x32xf32, #tpu.memory_space<vmem>>, vector<16xf32>,
      %add3A_2414 = arith.constant 0 : i32
      %add3A_2415 = vector.broadcast %add3A_2414 : i32 to vector<16xi32>
      %add3A_2416 = arith.addi %iota3A, %add3A_2415 : vector<16xi32>
      %scatter3A_2417 = arith.constant 0 : i32
      %scatter3A_2418 = arith.constant 0 : i32
      %scatter3A_2419 = tpu.memref_slice %arg7[%select_n3A_310, %scatter3A_2417, %scatter3A_2418] : memref<2x32x129xf32, #tpu.memory_space<vmem>> -> memref<1x32x129xf32, #tpu.memory_space<vmem>>
      %scatter3A_2420 = tpu.memref_squeeze %scatter3A_2419 : memref<1x32x129xf32, #tpu.memory_space<vmem>> -> memref<32x129xf32, #tpu.memory_space<vmem>>
      tpu.vector_store_idx %scatter3A_2420[%add3A_2416, %broadcast_in_dim3A_2408], %get3A_2413 : memref<32x129xf32, #tpu.memory_space<vmem>>[vector<16xi32>, vector<16xi32>], vector<16xf32>,
      %get3A_2421 = arith.constant 80 : i32
      %get3A_2422 = arith.index_cast %select_n3A_294 : i32 to index
      %get3A_2423 = arith.index_cast %get3A_2421 : i32 to index
      %get3A_2424 = arith.constant 16 : index
      %get3A_2425 = tpu.vector_load %arg6[%get3A_2422, %get3A_2423, %get3A_2424] {strides = array<i32>} : memref<4x128x32xf32, #tpu.memory_space<vmem>>, vector<16xf32>,
      %add3A_2426 = arith.constant 16 : i32
      %add3A_2427 = vector.broadcast %add3A_2426 : i32 to vector<16xi32>
      %add3A_2428 = arith.addi %iota3A, %add3A_2427 : vector<16xi32>
      %scatter3A_2429 = arith.constant 0 : i32
      %scatter3A_2430 = arith.constant 0 : i32
      %scatter3A_2431 = tpu.memref_slice %arg7[%select_n3A_310, %scatter3A_2429, %scatter3A_2430] : memref<2x32x129xf32, #tpu.memory_space<vmem>> -> memref<1x32x129xf32, #tpu.memory_space<vmem>>
      %scatter3A_2432 = tpu.memref_squeeze %scatter3A_2431 : memref<1x32x129xf32, #tpu.memory_space<vmem>> -> memref<32x129xf32, #tpu.memory_space<vmem>>
      tpu.vector_store_idx %scatter3A_2432[%add3A_2428, %broadcast_in_dim3A_2408], %get3A_2425 : memref<32x129xf32, #tpu.memory_space<vmem>>[vector<16xi32>, vector<16xi32>], vector<16xf32>,
      %broadcast_in_dim3A_2433 = arith.constant 81 : i32
      %broadcast_in_dim3A_2434 = vector.broadcast %broadcast_in_dim3A_2433 : i32 to vector<16xi32>
      %get3A_2435 = arith.constant 81 : i32
      %get3A_2436 = arith.index_cast %select_n3A_294 : i32 to index
      %get3A_2437 = arith.index_cast %get3A_2435 : i32 to index
      %get3A_2438 = arith.constant 0 : index
      %get3A_2439 = tpu.vector_load %arg6[%get3A_2436, %get3A_2437, %get3A_2438] {strides = array<i32>} : memref<4x128x32xf32, #tpu.memory_space<vmem>>, vector<16xf32>,
      %add3A_2440 = arith.constant 0 : i32
      %add3A_2441 = vector.broadcast %add3A_2440 : i32 to vector<16xi32>
      %add3A_2442 = arith.addi %iota3A, %add3A_2441 : vector<16xi32>
      %scatter3A_2443 = arith.constant 0 : i32
      %scatter3A_2444 = arith.constant 0 : i32
      %scatter3A_2445 = tpu.memref_slice %arg7[%select_n3A_310, %scatter3A_2443, %scatter3A_2444] : memref<2x32x129xf32, #tpu.memory_space<vmem>> -> memref<1x32x129xf32, #tpu.memory_space<vmem>>
      %scatter3A_2446 = tpu.memref_squeeze %scatter3A_2445 : memref<1x32x129xf32, #tpu.memory_space<vmem>> -> memref<32x129xf32, #tpu.memory_space<vmem>>
      tpu.vector_store_idx %scatter3A_2446[%add3A_2442, %broadcast_in_dim3A_2434], %get3A_2439 : memref<32x129xf32, #tpu.memory_space<vmem>>[vector<16xi32>, vector<16xi32>], vector<16xf32>,
      %get3A_2447 = arith.constant 81 : i32
      %get3A_2448 = arith.index_cast %select_n3A_294 : i32 to index
      %get3A_2449 = arith.index_cast %get3A_2447 : i32 to index
      %get3A_2450 = arith.constant 16 : index
      %get3A_2451 = tpu.vector_load %arg6[%get3A_2448, %get3A_2449, %get3A_2450] {strides = array<i32>} : memref<4x128x32xf32, #tpu.memory_space<vmem>>, vector<16xf32>,
      %add3A_2452 = arith.constant 16 : i32
      %add3A_2453 = vector.broadcast %add3A_2452 : i32 to vector<16xi32>
      %add3A_2454 = arith.addi %iota3A, %add3A_2453 : vector<16xi32>
      %scatter3A_2455 = arith.constant 0 : i32
      %scatter3A_2456 = arith.constant 0 : i32
      %scatter3A_2457 = tpu.memref_slice %arg7[%select_n3A_310, %scatter3A_2455, %scatter3A_2456] : memref<2x32x129xf32, #tpu.memory_space<vmem>> -> memref<1x32x129xf32, #tpu.memory_space<vmem>>
      %scatter3A_2458 = tpu.memref_squeeze %scatter3A_2457 : memref<1x32x129xf32, #tpu.memory_space<vmem>> -> memref<32x129xf32, #tpu.memory_space<vmem>>
      tpu.vector_store_idx %scatter3A_2458[%add3A_2454, %broadcast_in_dim3A_2434], %get3A_2451 : memref<32x129xf32, #tpu.memory_space<vmem>>[vector<16xi32>, vector<16xi32>], vector<16xf32>,
      %broadcast_in_dim3A_2459 = arith.constant 82 : i32
      %broadcast_in_dim3A_2460 = vector.broadcast %broadcast_in_dim3A_2459 : i32 to vector<16xi32>
      %get3A_2461 = arith.constant 82 : i32
      %get3A_2462 = arith.index_cast %select_n3A_294 : i32 to index
      %get3A_2463 = arith.index_cast %get3A_2461 : i32 to index
      %get3A_2464 = arith.constant 0 : index
      %get3A_2465 = tpu.vector_load %arg6[%get3A_2462, %get3A_2463, %get3A_2464] {strides = array<i32>} : memref<4x128x32xf32, #tpu.memory_space<vmem>>, vector<16xf32>,
      %add3A_2466 = arith.constant 0 : i32
      %add3A_2467 = vector.broadcast %add3A_2466 : i32 to vector<16xi32>
      %add3A_2468 = arith.addi %iota3A, %add3A_2467 : vector<16xi32>
      %scatter3A_2469 = arith.constant 0 : i32
      %scatter3A_2470 = arith.constant 0 : i32
      %scatter3A_2471 = tpu.memref_slice %arg7[%select_n3A_310, %scatter3A_2469, %scatter3A_2470] : memref<2x32x129xf32, #tpu.memory_space<vmem>> -> memref<1x32x129xf32, #tpu.memory_space<vmem>>
      %scatter3A_2472 = tpu.memref_squeeze %scatter3A_2471 : memref<1x32x129xf32, #tpu.memory_space<vmem>> -> memref<32x129xf32, #tpu.memory_space<vmem>>
      tpu.vector_store_idx %scatter3A_2472[%add3A_2468, %broadcast_in_dim3A_2460], %get3A_2465 : memref<32x129xf32, #tpu.memory_space<vmem>>[vector<16xi32>, vector<16xi32>], vector<16xf32>,
      %get3A_2473 = arith.constant 82 : i32
      %get3A_2474 = arith.index_cast %select_n3A_294 : i32 to index
      %get3A_2475 = arith.index_cast %get3A_2473 : i32 to index
      %get3A_2476 = arith.constant 16 : index
      %get3A_2477 = tpu.vector_load %arg6[%get3A_2474, %get3A_2475, %get3A_2476] {strides = array<i32>} : memref<4x128x32xf32, #tpu.memory_space<vmem>>, vector<16xf32>,
      %add3A_2478 = arith.constant 16 : i32
      %add3A_2479 = vector.broadcast %add3A_2478 : i32 to vector<16xi32>
      %add3A_2480 = arith.addi %iota3A, %add3A_2479 : vector<16xi32>
      %scatter3A_2481 = arith.constant 0 : i32
      %scatter3A_2482 = arith.constant 0 : i32
      %scatter3A_2483 = tpu.memref_slice %arg7[%select_n3A_310, %scatter3A_2481, %scatter3A_2482] : memref<2x32x129xf32, #tpu.memory_space<vmem>> -> memref<1x32x129xf32, #tpu.memory_space<vmem>>
      %scatter3A_2484 = tpu.memref_squeeze %scatter3A_2483 : memref<1x32x129xf32, #tpu.memory_space<vmem>> -> memref<32x129xf32, #tpu.memory_space<vmem>>
      tpu.vector_store_idx %scatter3A_2484[%add3A_2480, %broadcast_in_dim3A_2460], %get3A_2477 : memref<32x129xf32, #tpu.memory_space<vmem>>[vector<16xi32>, vector<16xi32>], vector<16xf32>,
      %broadcast_in_dim3A_2485 = arith.constant 83 : i32
      %broadcast_in_dim3A_2486 = vector.broadcast %broadcast_in_dim3A_2485 : i32 to vector<16xi32>
      %get3A_2487 = arith.constant 83 : i32
      %get3A_2488 = arith.index_cast %select_n3A_294 : i32 to index
      %get3A_2489 = arith.index_cast %get3A_2487 : i32 to index
      %get3A_2490 = arith.constant 0 : index
      %get3A_2491 = tpu.vector_load %arg6[%get3A_2488, %get3A_2489, %get3A_2490] {strides = array<i32>} : memref<4x128x32xf32, #tpu.memory_space<vmem>>, vector<16xf32>,
      %add3A_2492 = arith.constant 0 : i32
      %add3A_2493 = vector.broadcast %add3A_2492 : i32 to vector<16xi32>
      %add3A_2494 = arith.addi %iota3A, %add3A_2493 : vector<16xi32>
      %scatter3A_2495 = arith.constant 0 : i32
      %scatter3A_2496 = arith.constant 0 : i32
      %scatter3A_2497 = tpu.memref_slice %arg7[%select_n3A_310, %scatter3A_2495, %scatter3A_2496] : memref<2x32x129xf32, #tpu.memory_space<vmem>> -> memref<1x32x129xf32, #tpu.memory_space<vmem>>
      %scatter3A_2498 = tpu.memref_squeeze %scatter3A_2497 : memref<1x32x129xf32, #tpu.memory_space<vmem>> -> memref<32x129xf32, #tpu.memory_space<vmem>>
      tpu.vector_store_idx %scatter3A_2498[%add3A_2494, %broadcast_in_dim3A_2486], %get3A_2491 : memref<32x129xf32, #tpu.memory_space<vmem>>[vector<16xi32>, vector<16xi32>], vector<16xf32>,
      %get3A_2499 = arith.constant 83 : i32
      %get3A_2500 = arith.index_cast %select_n3A_294 : i32 to index
      %get3A_2501 = arith.index_cast %get3A_2499 : i32 to index
      %get3A_2502 = arith.constant 16 : index
      %get3A_2503 = tpu.vector_load %arg6[%get3A_2500, %get3A_2501, %get3A_2502] {strides = array<i32>} : memref<4x128x32xf32, #tpu.memory_space<vmem>>, vector<16xf32>,
      %add3A_2504 = arith.constant 16 : i32
      %add3A_2505 = vector.broadcast %add3A_2504 : i32 to vector<16xi32>
      %add3A_2506 = arith.addi %iota3A, %add3A_2505 : vector<16xi32>
      %scatter3A_2507 = arith.constant 0 : i32
      %scatter3A_2508 = arith.constant 0 : i32
      %scatter3A_2509 = tpu.memref_slice %arg7[%select_n3A_310, %scatter3A_2507, %scatter3A_2508] : memref<2x32x129xf32, #tpu.memory_space<vmem>> -> memref<1x32x129xf32, #tpu.memory_space<vmem>>
      %scatter3A_2510 = tpu.memref_squeeze %scatter3A_2509 : memref<1x32x129xf32, #tpu.memory_space<vmem>> -> memref<32x129xf32, #tpu.memory_space<vmem>>
      tpu.vector_store_idx %scatter3A_2510[%add3A_2506, %broadcast_in_dim3A_2486], %get3A_2503 : memref<32x129xf32, #tpu.memory_space<vmem>>[vector<16xi32>, vector<16xi32>], vector<16xf32>,
      %broadcast_in_dim3A_2511 = arith.constant 84 : i32
      %broadcast_in_dim3A_2512 = vector.broadcast %broadcast_in_dim3A_2511 : i32 to vector<16xi32>
      %get3A_2513 = arith.constant 84 : i32
      %get3A_2514 = arith.index_cast %select_n3A_294 : i32 to index
      %get3A_2515 = arith.index_cast %get3A_2513 : i32 to index
      %get3A_2516 = arith.constant 0 : index
      %get3A_2517 = tpu.vector_load %arg6[%get3A_2514, %get3A_2515, %get3A_2516] {strides = array<i32>} : memref<4x128x32xf32, #tpu.memory_space<vmem>>, vector<16xf32>,
      %add3A_2518 = arith.constant 0 : i32
      %add3A_2519 = vector.broadcast %add3A_2518 : i32 to vector<16xi32>
      %add3A_2520 = arith.addi %iota3A, %add3A_2519 : vector<16xi32>
      %scatter3A_2521 = arith.constant 0 : i32
      %scatter3A_2522 = arith.constant 0 : i32
      %scatter3A_2523 = tpu.memref_slice %arg7[%select_n3A_310, %scatter3A_2521, %scatter3A_2522] : memref<2x32x129xf32, #tpu.memory_space<vmem>> -> memref<1x32x129xf32, #tpu.memory_space<vmem>>
      %scatter3A_2524 = tpu.memref_squeeze %scatter3A_2523 : memref<1x32x129xf32, #tpu.memory_space<vmem>> -> memref<32x129xf32, #tpu.memory_space<vmem>>
      tpu.vector_store_idx %scatter3A_2524[%add3A_2520, %broadcast_in_dim3A_2512], %get3A_2517 : memref<32x129xf32, #tpu.memory_space<vmem>>[vector<16xi32>, vector<16xi32>], vector<16xf32>,
      %get3A_2525 = arith.constant 84 : i32
      %get3A_2526 = arith.index_cast %select_n3A_294 : i32 to index
      %get3A_2527 = arith.index_cast %get3A_2525 : i32 to index
      %get3A_2528 = arith.constant 16 : index
      %get3A_2529 = tpu.vector_load %arg6[%get3A_2526, %get3A_2527, %get3A_2528] {strides = array<i32>} : memref<4x128x32xf32, #tpu.memory_space<vmem>>, vector<16xf32>,
      %add3A_2530 = arith.constant 16 : i32
      %add3A_2531 = vector.broadcast %add3A_2530 : i32 to vector<16xi32>
      %add3A_2532 = arith.addi %iota3A, %add3A_2531 : vector<16xi32>
      %scatter3A_2533 = arith.constant 0 : i32
      %scatter3A_2534 = arith.constant 0 : i32
      %scatter3A_2535 = tpu.memref_slice %arg7[%select_n3A_310, %scatter3A_2533, %scatter3A_2534] : memref<2x32x129xf32, #tpu.memory_space<vmem>> -> memref<1x32x129xf32, #tpu.memory_space<vmem>>
      %scatter3A_2536 = tpu.memref_squeeze %scatter3A_2535 : memref<1x32x129xf32, #tpu.memory_space<vmem>> -> memref<32x129xf32, #tpu.memory_space<vmem>>
      tpu.vector_store_idx %scatter3A_2536[%add3A_2532, %broadcast_in_dim3A_2512], %get3A_2529 : memref<32x129xf32, #tpu.memory_space<vmem>>[vector<16xi32>, vector<16xi32>], vector<16xf32>,
      %broadcast_in_dim3A_2537 = arith.constant 85 : i32
      %broadcast_in_dim3A_2538 = vector.broadcast %broadcast_in_dim3A_2537 : i32 to vector<16xi32>
      %get3A_2539 = arith.constant 85 : i32
      %get3A_2540 = arith.index_cast %select_n3A_294 : i32 to index
      %get3A_2541 = arith.index_cast %get3A_2539 : i32 to index
      %get3A_2542 = arith.constant 0 : index
      %get3A_2543 = tpu.vector_load %arg6[%get3A_2540, %get3A_2541, %get3A_2542] {strides = array<i32>} : memref<4x128x32xf32, #tpu.memory_space<vmem>>, vector<16xf32>,
      %add3A_2544 = arith.constant 0 : i32
      %add3A_2545 = vector.broadcast %add3A_2544 : i32 to vector<16xi32>
      %add3A_2546 = arith.addi %iota3A, %add3A_2545 : vector<16xi32>
      %scatter3A_2547 = arith.constant 0 : i32
      %scatter3A_2548 = arith.constant 0 : i32
      %scatter3A_2549 = tpu.memref_slice %arg7[%select_n3A_310, %scatter3A_2547, %scatter3A_2548] : memref<2x32x129xf32, #tpu.memory_space<vmem>> -> memref<1x32x129xf32, #tpu.memory_space<vmem>>
      %scatter3A_2550 = tpu.memref_squeeze %scatter3A_2549 : memref<1x32x129xf32, #tpu.memory_space<vmem>> -> memref<32x129xf32, #tpu.memory_space<vmem>>
      tpu.vector_store_idx %scatter3A_2550[%add3A_2546, %broadcast_in_dim3A_2538], %get3A_2543 : memref<32x129xf32, #tpu.memory_space<vmem>>[vector<16xi32>, vector<16xi32>], vector<16xf32>,
      %get3A_2551 = arith.constant 85 : i32
      %get3A_2552 = arith.index_cast %select_n3A_294 : i32 to index
      %get3A_2553 = arith.index_cast %get3A_2551 : i32 to index
      %get3A_2554 = arith.constant 16 : index
      %get3A_2555 = tpu.vector_load %arg6[%get3A_2552, %get3A_2553, %get3A_2554] {strides = array<i32>} : memref<4x128x32xf32, #tpu.memory_space<vmem>>, vector<16xf32>,
      %add3A_2556 = arith.constant 16 : i32
      %add3A_2557 = vector.broadcast %add3A_2556 : i32 to vector<16xi32>
      %add3A_2558 = arith.addi %iota3A, %add3A_2557 : vector<16xi32>
      %scatter3A_2559 = arith.constant 0 : i32
      %scatter3A_2560 = arith.constant 0 : i32
      %scatter3A_2561 = tpu.memref_slice %arg7[%select_n3A_310, %scatter3A_2559, %scatter3A_2560] : memref<2x32x129xf32, #tpu.memory_space<vmem>> -> memref<1x32x129xf32, #tpu.memory_space<vmem>>
      %scatter3A_2562 = tpu.memref_squeeze %scatter3A_2561 : memref<1x32x129xf32, #tpu.memory_space<vmem>> -> memref<32x129xf32, #tpu.memory_space<vmem>>
      tpu.vector_store_idx %scatter3A_2562[%add3A_2558, %broadcast_in_dim3A_2538], %get3A_2555 : memref<32x129xf32, #tpu.memory_space<vmem>>[vector<16xi32>, vector<16xi32>], vector<16xf32>,
      %broadcast_in_dim3A_2563 = arith.constant 86 : i32
      %broadcast_in_dim3A_2564 = vector.broadcast %broadcast_in_dim3A_2563 : i32 to vector<16xi32>
      %get3A_2565 = arith.constant 86 : i32
      %get3A_2566 = arith.index_cast %select_n3A_294 : i32 to index
      %get3A_2567 = arith.index_cast %get3A_2565 : i32 to index
      %get3A_2568 = arith.constant 0 : index
      %get3A_2569 = tpu.vector_load %arg6[%get3A_2566, %get3A_2567, %get3A_2568] {strides = array<i32>} : memref<4x128x32xf32, #tpu.memory_space<vmem>>, vector<16xf32>,
      %add3A_2570 = arith.constant 0 : i32
      %add3A_2571 = vector.broadcast %add3A_2570 : i32 to vector<16xi32>
      %add3A_2572 = arith.addi %iota3A, %add3A_2571 : vector<16xi32>
      %scatter3A_2573 = arith.constant 0 : i32
      %scatter3A_2574 = arith.constant 0 : i32
      %scatter3A_2575 = tpu.memref_slice %arg7[%select_n3A_310, %scatter3A_2573, %scatter3A_2574] : memref<2x32x129xf32, #tpu.memory_space<vmem>> -> memref<1x32x129xf32, #tpu.memory_space<vmem>>
      %scatter3A_2576 = tpu.memref_squeeze %scatter3A_2575 : memref<1x32x129xf32, #tpu.memory_space<vmem>> -> memref<32x129xf32, #tpu.memory_space<vmem>>
      tpu.vector_store_idx %scatter3A_2576[%add3A_2572, %broadcast_in_dim3A_2564], %get3A_2569 : memref<32x129xf32, #tpu.memory_space<vmem>>[vector<16xi32>, vector<16xi32>], vector<16xf32>,
      %get3A_2577 = arith.constant 86 : i32
      %get3A_2578 = arith.index_cast %select_n3A_294 : i32 to index
      %get3A_2579 = arith.index_cast %get3A_2577 : i32 to index
      %get3A_2580 = arith.constant 16 : index
      %get3A_2581 = tpu.vector_load %arg6[%get3A_2578, %get3A_2579, %get3A_2580] {strides = array<i32>} : memref<4x128x32xf32, #tpu.memory_space<vmem>>, vector<16xf32>,
      %add3A_2582 = arith.constant 16 : i32
      %add3A_2583 = vector.broadcast %add3A_2582 : i32 to vector<16xi32>
      %add3A_2584 = arith.addi %iota3A, %add3A_2583 : vector<16xi32>
      %scatter3A_2585 = arith.constant 0 : i32
      %scatter3A_2586 = arith.constant 0 : i32
      %scatter3A_2587 = tpu.memref_slice %arg7[%select_n3A_310, %scatter3A_2585, %scatter3A_2586] : memref<2x32x129xf32, #tpu.memory_space<vmem>> -> memref<1x32x129xf32, #tpu.memory_space<vmem>>
      %scatter3A_2588 = tpu.memref_squeeze %scatter3A_2587 : memref<1x32x129xf32, #tpu.memory_space<vmem>> -> memref<32x129xf32, #tpu.memory_space<vmem>>
      tpu.vector_store_idx %scatter3A_2588[%add3A_2584, %broadcast_in_dim3A_2564], %get3A_2581 : memref<32x129xf32, #tpu.memory_space<vmem>>[vector<16xi32>, vector<16xi32>], vector<16xf32>,
      %broadcast_in_dim3A_2589 = arith.constant 87 : i32
      %broadcast_in_dim3A_2590 = vector.broadcast %broadcast_in_dim3A_2589 : i32 to vector<16xi32>
      %get3A_2591 = arith.constant 87 : i32
      %get3A_2592 = arith.index_cast %select_n3A_294 : i32 to index
      %get3A_2593 = arith.index_cast %get3A_2591 : i32 to index
      %get3A_2594 = arith.constant 0 : index
      %get3A_2595 = tpu.vector_load %arg6[%get3A_2592, %get3A_2593, %get3A_2594] {strides = array<i32>} : memref<4x128x32xf32, #tpu.memory_space<vmem>>, vector<16xf32>,
      %add3A_2596 = arith.constant 0 : i32
      %add3A_2597 = vector.broadcast %add3A_2596 : i32 to vector<16xi32>
      %add3A_2598 = arith.addi %iota3A, %add3A_2597 : vector<16xi32>
      %scatter3A_2599 = arith.constant 0 : i32
      %scatter3A_2600 = arith.constant 0 : i32
      %scatter3A_2601 = tpu.memref_slice %arg7[%select_n3A_310, %scatter3A_2599, %scatter3A_2600] : memref<2x32x129xf32, #tpu.memory_space<vmem>> -> memref<1x32x129xf32, #tpu.memory_space<vmem>>
      %scatter3A_2602 = tpu.memref_squeeze %scatter3A_2601 : memref<1x32x129xf32, #tpu.memory_space<vmem>> -> memref<32x129xf32, #tpu.memory_space<vmem>>
      tpu.vector_store_idx %scatter3A_2602[%add3A_2598, %broadcast_in_dim3A_2590], %get3A_2595 : memref<32x129xf32, #tpu.memory_space<vmem>>[vector<16xi32>, vector<16xi32>], vector<16xf32>,
      %get3A_2603 = arith.constant 87 : i32
      %get3A_2604 = arith.index_cast %select_n3A_294 : i32 to index
      %get3A_2605 = arith.index_cast %get3A_2603 : i32 to index
      %get3A_2606 = arith.constant 16 : index
      %get3A_2607 = tpu.vector_load %arg6[%get3A_2604, %get3A_2605, %get3A_2606] {strides = array<i32>} : memref<4x128x32xf32, #tpu.memory_space<vmem>>, vector<16xf32>,
      %add3A_2608 = arith.constant 16 : i32
      %add3A_2609 = vector.broadcast %add3A_2608 : i32 to vector<16xi32>
      %add3A_2610 = arith.addi %iota3A, %add3A_2609 : vector<16xi32>
      %scatter3A_2611 = arith.constant 0 : i32
      %scatter3A_2612 = arith.constant 0 : i32
      %scatter3A_2613 = tpu.memref_slice %arg7[%select_n3A_310, %scatter3A_2611, %scatter3A_2612] : memref<2x32x129xf32, #tpu.memory_space<vmem>> -> memref<1x32x129xf32, #tpu.memory_space<vmem>>
      %scatter3A_2614 = tpu.memref_squeeze %scatter3A_2613 : memref<1x32x129xf32, #tpu.memory_space<vmem>> -> memref<32x129xf32, #tpu.memory_space<vmem>>
      tpu.vector_store_idx %scatter3A_2614[%add3A_2610, %broadcast_in_dim3A_2590], %get3A_2607 : memref<32x129xf32, #tpu.memory_space<vmem>>[vector<16xi32>, vector<16xi32>], vector<16xf32>,
      %broadcast_in_dim3A_2615 = arith.constant 88 : i32
      %broadcast_in_dim3A_2616 = vector.broadcast %broadcast_in_dim3A_2615 : i32 to vector<16xi32>
      %get3A_2617 = arith.constant 88 : i32
      %get3A_2618 = arith.index_cast %select_n3A_294 : i32 to index
      %get3A_2619 = arith.index_cast %get3A_2617 : i32 to index
      %get3A_2620 = arith.constant 0 : index
      %get3A_2621 = tpu.vector_load %arg6[%get3A_2618, %get3A_2619, %get3A_2620] {strides = array<i32>} : memref<4x128x32xf32, #tpu.memory_space<vmem>>, vector<16xf32>,
      %add3A_2622 = arith.constant 0 : i32
      %add3A_2623 = vector.broadcast %add3A_2622 : i32 to vector<16xi32>
      %add3A_2624 = arith.addi %iota3A, %add3A_2623 : vector<16xi32>
      %scatter3A_2625 = arith.constant 0 : i32
      %scatter3A_2626 = arith.constant 0 : i32
      %scatter3A_2627 = tpu.memref_slice %arg7[%select_n3A_310, %scatter3A_2625, %scatter3A_2626] : memref<2x32x129xf32, #tpu.memory_space<vmem>> -> memref<1x32x129xf32, #tpu.memory_space<vmem>>
      %scatter3A_2628 = tpu.memref_squeeze %scatter3A_2627 : memref<1x32x129xf32, #tpu.memory_space<vmem>> -> memref<32x129xf32, #tpu.memory_space<vmem>>
      tpu.vector_store_idx %scatter3A_2628[%add3A_2624, %broadcast_in_dim3A_2616], %get3A_2621 : memref<32x129xf32, #tpu.memory_space<vmem>>[vector<16xi32>, vector<16xi32>], vector<16xf32>,
      %get3A_2629 = arith.constant 88 : i32
      %get3A_2630 = arith.index_cast %select_n3A_294 : i32 to index
      %get3A_2631 = arith.index_cast %get3A_2629 : i32 to index
      %get3A_2632 = arith.constant 16 : index
      %get3A_2633 = tpu.vector_load %arg6[%get3A_2630, %get3A_2631, %get3A_2632] {strides = array<i32>} : memref<4x128x32xf32, #tpu.memory_space<vmem>>, vector<16xf32>,
      %add3A_2634 = arith.constant 16 : i32
      %add3A_2635 = vector.broadcast %add3A_2634 : i32 to vector<16xi32>
      %add3A_2636 = arith.addi %iota3A, %add3A_2635 : vector<16xi32>
      %scatter3A_2637 = arith.constant 0 : i32
      %scatter3A_2638 = arith.constant 0 : i32
      %scatter3A_2639 = tpu.memref_slice %arg7[%select_n3A_310, %scatter3A_2637, %scatter3A_2638] : memref<2x32x129xf32, #tpu.memory_space<vmem>> -> memref<1x32x129xf32, #tpu.memory_space<vmem>>
      %scatter3A_2640 = tpu.memref_squeeze %scatter3A_2639 : memref<1x32x129xf32, #tpu.memory_space<vmem>> -> memref<32x129xf32, #tpu.memory_space<vmem>>
      tpu.vector_store_idx %scatter3A_2640[%add3A_2636, %broadcast_in_dim3A_2616], %get3A_2633 : memref<32x129xf32, #tpu.memory_space<vmem>>[vector<16xi32>, vector<16xi32>], vector<16xf32>,
      %broadcast_in_dim3A_2641 = arith.constant 89 : i32
      %broadcast_in_dim3A_2642 = vector.broadcast %broadcast_in_dim3A_2641 : i32 to vector<16xi32>
      %get3A_2643 = arith.constant 89 : i32
      %get3A_2644 = arith.index_cast %select_n3A_294 : i32 to index
      %get3A_2645 = arith.index_cast %get3A_2643 : i32 to index
      %get3A_2646 = arith.constant 0 : index
      %get3A_2647 = tpu.vector_load %arg6[%get3A_2644, %get3A_2645, %get3A_2646] {strides = array<i32>} : memref<4x128x32xf32, #tpu.memory_space<vmem>>, vector<16xf32>,
      %add3A_2648 = arith.constant 0 : i32
      %add3A_2649 = vector.broadcast %add3A_2648 : i32 to vector<16xi32>
      %add3A_2650 = arith.addi %iota3A, %add3A_2649 : vector<16xi32>
      %scatter3A_2651 = arith.constant 0 : i32
      %scatter3A_2652 = arith.constant 0 : i32
      %scatter3A_2653 = tpu.memref_slice %arg7[%select_n3A_310, %scatter3A_2651, %scatter3A_2652] : memref<2x32x129xf32, #tpu.memory_space<vmem>> -> memref<1x32x129xf32, #tpu.memory_space<vmem>>
      %scatter3A_2654 = tpu.memref_squeeze %scatter3A_2653 : memref<1x32x129xf32, #tpu.memory_space<vmem>> -> memref<32x129xf32, #tpu.memory_space<vmem>>
      tpu.vector_store_idx %scatter3A_2654[%add3A_2650, %broadcast_in_dim3A_2642], %get3A_2647 : memref<32x129xf32, #tpu.memory_space<vmem>>[vector<16xi32>, vector<16xi32>], vector<16xf32>,
      %get3A_2655 = arith.constant 89 : i32
      %get3A_2656 = arith.index_cast %select_n3A_294 : i32 to index
      %get3A_2657 = arith.index_cast %get3A_2655 : i32 to index
      %get3A_2658 = arith.constant 16 : index
      %get3A_2659 = tpu.vector_load %arg6[%get3A_2656, %get3A_2657, %get3A_2658] {strides = array<i32>} : memref<4x128x32xf32, #tpu.memory_space<vmem>>, vector<16xf32>,
      %add3A_2660 = arith.constant 16 : i32
      %add3A_2661 = vector.broadcast %add3A_2660 : i32 to vector<16xi32>
      %add3A_2662 = arith.addi %iota3A, %add3A_2661 : vector<16xi32>
      %scatter3A_2663 = arith.constant 0 : i32
      %scatter3A_2664 = arith.constant 0 : i32
      %scatter3A_2665 = tpu.memref_slice %arg7[%select_n3A_310, %scatter3A_2663, %scatter3A_2664] : memref<2x32x129xf32, #tpu.memory_space<vmem>> -> memref<1x32x129xf32, #tpu.memory_space<vmem>>
      %scatter3A_2666 = tpu.memref_squeeze %scatter3A_2665 : memref<1x32x129xf32, #tpu.memory_space<vmem>> -> memref<32x129xf32, #tpu.memory_space<vmem>>
      tpu.vector_store_idx %scatter3A_2666[%add3A_2662, %broadcast_in_dim3A_2642], %get3A_2659 : memref<32x129xf32, #tpu.memory_space<vmem>>[vector<16xi32>, vector<16xi32>], vector<16xf32>,
      %broadcast_in_dim3A_2667 = arith.constant 90 : i32
      %broadcast_in_dim3A_2668 = vector.broadcast %broadcast_in_dim3A_2667 : i32 to vector<16xi32>
      %get3A_2669 = arith.constant 90 : i32
      %get3A_2670 = arith.index_cast %select_n3A_294 : i32 to index
      %get3A_2671 = arith.index_cast %get3A_2669 : i32 to index
      %get3A_2672 = arith.constant 0 : index
      %get3A_2673 = tpu.vector_load %arg6[%get3A_2670, %get3A_2671, %get3A_2672] {strides = array<i32>} : memref<4x128x32xf32, #tpu.memory_space<vmem>>, vector<16xf32>,
      %add3A_2674 = arith.constant 0 : i32
      %add3A_2675 = vector.broadcast %add3A_2674 : i32 to vector<16xi32>
      %add3A_2676 = arith.addi %iota3A, %add3A_2675 : vector<16xi32>
      %scatter3A_2677 = arith.constant 0 : i32
      %scatter3A_2678 = arith.constant 0 : i32
      %scatter3A_2679 = tpu.memref_slice %arg7[%select_n3A_310, %scatter3A_2677, %scatter3A_2678] : memref<2x32x129xf32, #tpu.memory_space<vmem>> -> memref<1x32x129xf32, #tpu.memory_space<vmem>>
      %scatter3A_2680 = tpu.memref_squeeze %scatter3A_2679 : memref<1x32x129xf32, #tpu.memory_space<vmem>> -> memref<32x129xf32, #tpu.memory_space<vmem>>
      tpu.vector_store_idx %scatter3A_2680[%add3A_2676, %broadcast_in_dim3A_2668], %get3A_2673 : memref<32x129xf32, #tpu.memory_space<vmem>>[vector<16xi32>, vector<16xi32>], vector<16xf32>,
      %get3A_2681 = arith.constant 90 : i32
      %get3A_2682 = arith.index_cast %select_n3A_294 : i32 to index
      %get3A_2683 = arith.index_cast %get3A_2681 : i32 to index
      %get3A_2684 = arith.constant 16 : index
      %get3A_2685 = tpu.vector_load %arg6[%get3A_2682, %get3A_2683, %get3A_2684] {strides = array<i32>} : memref<4x128x32xf32, #tpu.memory_space<vmem>>, vector<16xf32>,
      %add3A_2686 = arith.constant 16 : i32
      %add3A_2687 = vector.broadcast %add3A_2686 : i32 to vector<16xi32>
      %add3A_2688 = arith.addi %iota3A, %add3A_2687 : vector<16xi32>
      %scatter3A_2689 = arith.constant 0 : i32
      %scatter3A_2690 = arith.constant 0 : i32
      %scatter3A_2691 = tpu.memref_slice %arg7[%select_n3A_310, %scatter3A_2689, %scatter3A_2690] : memref<2x32x129xf32, #tpu.memory_space<vmem>> -> memref<1x32x129xf32, #tpu.memory_space<vmem>>
      %scatter3A_2692 = tpu.memref_squeeze %scatter3A_2691 : memref<1x32x129xf32, #tpu.memory_space<vmem>> -> memref<32x129xf32, #tpu.memory_space<vmem>>
      tpu.vector_store_idx %scatter3A_2692[%add3A_2688, %broadcast_in_dim3A_2668], %get3A_2685 : memref<32x129xf32, #tpu.memory_space<vmem>>[vector<16xi32>, vector<16xi32>], vector<16xf32>,
      %broadcast_in_dim3A_2693 = arith.constant 91 : i32
      %broadcast_in_dim3A_2694 = vector.broadcast %broadcast_in_dim3A_2693 : i32 to vector<16xi32>
      %get3A_2695 = arith.constant 91 : i32
      %get3A_2696 = arith.index_cast %select_n3A_294 : i32 to index
      %get3A_2697 = arith.index_cast %get3A_2695 : i32 to index
      %get3A_2698 = arith.constant 0 : index
      %get3A_2699 = tpu.vector_load %arg6[%get3A_2696, %get3A_2697, %get3A_2698] {strides = array<i32>} : memref<4x128x32xf32, #tpu.memory_space<vmem>>, vector<16xf32>,
      %add3A_2700 = arith.constant 0 : i32
      %add3A_2701 = vector.broadcast %add3A_2700 : i32 to vector<16xi32>
      %add3A_2702 = arith.addi %iota3A, %add3A_2701 : vector<16xi32>
      %scatter3A_2703 = arith.constant 0 : i32
      %scatter3A_2704 = arith.constant 0 : i32
      %scatter3A_2705 = tpu.memref_slice %arg7[%select_n3A_310, %scatter3A_2703, %scatter3A_2704] : memref<2x32x129xf32, #tpu.memory_space<vmem>> -> memref<1x32x129xf32, #tpu.memory_space<vmem>>
      %scatter3A_2706 = tpu.memref_squeeze %scatter3A_2705 : memref<1x32x129xf32, #tpu.memory_space<vmem>> -> memref<32x129xf32, #tpu.memory_space<vmem>>
      tpu.vector_store_idx %scatter3A_2706[%add3A_2702, %broadcast_in_dim3A_2694], %get3A_2699 : memref<32x129xf32, #tpu.memory_space<vmem>>[vector<16xi32>, vector<16xi32>], vector<16xf32>,
      %get3A_2707 = arith.constant 91 : i32
      %get3A_2708 = arith.index_cast %select_n3A_294 : i32 to index
      %get3A_2709 = arith.index_cast %get3A_2707 : i32 to index
      %get3A_2710 = arith.constant 16 : index
      %get3A_2711 = tpu.vector_load %arg6[%get3A_2708, %get3A_2709, %get3A_2710] {strides = array<i32>} : memref<4x128x32xf32, #tpu.memory_space<vmem>>, vector<16xf32>,
      %add3A_2712 = arith.constant 16 : i32
      %add3A_2713 = vector.broadcast %add3A_2712 : i32 to vector<16xi32>
      %add3A_2714 = arith.addi %iota3A, %add3A_2713 : vector<16xi32>
      %scatter3A_2715 = arith.constant 0 : i32
      %scatter3A_2716 = arith.constant 0 : i32
      %scatter3A_2717 = tpu.memref_slice %arg7[%select_n3A_310, %scatter3A_2715, %scatter3A_2716] : memref<2x32x129xf32, #tpu.memory_space<vmem>> -> memref<1x32x129xf32, #tpu.memory_space<vmem>>
      %scatter3A_2718 = tpu.memref_squeeze %scatter3A_2717 : memref<1x32x129xf32, #tpu.memory_space<vmem>> -> memref<32x129xf32, #tpu.memory_space<vmem>>
      tpu.vector_store_idx %scatter3A_2718[%add3A_2714, %broadcast_in_dim3A_2694], %get3A_2711 : memref<32x129xf32, #tpu.memory_space<vmem>>[vector<16xi32>, vector<16xi32>], vector<16xf32>,
      %broadcast_in_dim3A_2719 = arith.constant 92 : i32
      %broadcast_in_dim3A_2720 = vector.broadcast %broadcast_in_dim3A_2719 : i32 to vector<16xi32>
      %get3A_2721 = arith.constant 92 : i32
      %get3A_2722 = arith.index_cast %select_n3A_294 : i32 to index
      %get3A_2723 = arith.index_cast %get3A_2721 : i32 to index
      %get3A_2724 = arith.constant 0 : index
      %get3A_2725 = tpu.vector_load %arg6[%get3A_2722, %get3A_2723, %get3A_2724] {strides = array<i32>} : memref<4x128x32xf32, #tpu.memory_space<vmem>>, vector<16xf32>,
      %add3A_2726 = arith.constant 0 : i32
      %add3A_2727 = vector.broadcast %add3A_2726 : i32 to vector<16xi32>
      %add3A_2728 = arith.addi %iota3A, %add3A_2727 : vector<16xi32>
      %scatter3A_2729 = arith.constant 0 : i32
      %scatter3A_2730 = arith.constant 0 : i32
      %scatter3A_2731 = tpu.memref_slice %arg7[%select_n3A_310, %scatter3A_2729, %scatter3A_2730] : memref<2x32x129xf32, #tpu.memory_space<vmem>> -> memref<1x32x129xf32, #tpu.memory_space<vmem>>
      %scatter3A_2732 = tpu.memref_squeeze %scatter3A_2731 : memref<1x32x129xf32, #tpu.memory_space<vmem>> -> memref<32x129xf32, #tpu.memory_space<vmem>>
      tpu.vector_store_idx %scatter3A_2732[%add3A_2728, %broadcast_in_dim3A_2720], %get3A_2725 : memref<32x129xf32, #tpu.memory_space<vmem>>[vector<16xi32>, vector<16xi32>], vector<16xf32>,
      %get3A_2733 = arith.constant 92 : i32
      %get3A_2734 = arith.index_cast %select_n3A_294 : i32 to index
      %get3A_2735 = arith.index_cast %get3A_2733 : i32 to index
      %get3A_2736 = arith.constant 16 : index
      %get3A_2737 = tpu.vector_load %arg6[%get3A_2734, %get3A_2735, %get3A_2736] {strides = array<i32>} : memref<4x128x32xf32, #tpu.memory_space<vmem>>, vector<16xf32>,
      %add3A_2738 = arith.constant 16 : i32
      %add3A_2739 = vector.broadcast %add3A_2738 : i32 to vector<16xi32>
      %add3A_2740 = arith.addi %iota3A, %add3A_2739 : vector<16xi32>
      %scatter3A_2741 = arith.constant 0 : i32
      %scatter3A_2742 = arith.constant 0 : i32
      %scatter3A_2743 = tpu.memref_slice %arg7[%select_n3A_310, %scatter3A_2741, %scatter3A_2742] : memref<2x32x129xf32, #tpu.memory_space<vmem>> -> memref<1x32x129xf32, #tpu.memory_space<vmem>>
      %scatter3A_2744 = tpu.memref_squeeze %scatter3A_2743 : memref<1x32x129xf32, #tpu.memory_space<vmem>> -> memref<32x129xf32, #tpu.memory_space<vmem>>
      tpu.vector_store_idx %scatter3A_2744[%add3A_2740, %broadcast_in_dim3A_2720], %get3A_2737 : memref<32x129xf32, #tpu.memory_space<vmem>>[vector<16xi32>, vector<16xi32>], vector<16xf32>,
      %broadcast_in_dim3A_2745 = arith.constant 93 : i32
      %broadcast_in_dim3A_2746 = vector.broadcast %broadcast_in_dim3A_2745 : i32 to vector<16xi32>
      %get3A_2747 = arith.constant 93 : i32
      %get3A_2748 = arith.index_cast %select_n3A_294 : i32 to index
      %get3A_2749 = arith.index_cast %get3A_2747 : i32 to index
      %get3A_2750 = arith.constant 0 : index
      %get3A_2751 = tpu.vector_load %arg6[%get3A_2748, %get3A_2749, %get3A_2750] {strides = array<i32>} : memref<4x128x32xf32, #tpu.memory_space<vmem>>, vector<16xf32>,
      %add3A_2752 = arith.constant 0 : i32
      %add3A_2753 = vector.broadcast %add3A_2752 : i32 to vector<16xi32>
      %add3A_2754 = arith.addi %iota3A, %add3A_2753 : vector<16xi32>
      %scatter3A_2755 = arith.constant 0 : i32
      %scatter3A_2756 = arith.constant 0 : i32
      %scatter3A_2757 = tpu.memref_slice %arg7[%select_n3A_310, %scatter3A_2755, %scatter3A_2756] : memref<2x32x129xf32, #tpu.memory_space<vmem>> -> memref<1x32x129xf32, #tpu.memory_space<vmem>>
      %scatter3A_2758 = tpu.memref_squeeze %scatter3A_2757 : memref<1x32x129xf32, #tpu.memory_space<vmem>> -> memref<32x129xf32, #tpu.memory_space<vmem>>
      tpu.vector_store_idx %scatter3A_2758[%add3A_2754, %broadcast_in_dim3A_2746], %get3A_2751 : memref<32x129xf32, #tpu.memory_space<vmem>>[vector<16xi32>, vector<16xi32>], vector<16xf32>,
      %get3A_2759 = arith.constant 93 : i32
      %get3A_2760 = arith.index_cast %select_n3A_294 : i32 to index
      %get3A_2761 = arith.index_cast %get3A_2759 : i32 to index
      %get3A_2762 = arith.constant 16 : index
      %get3A_2763 = tpu.vector_load %arg6[%get3A_2760, %get3A_2761, %get3A_2762] {strides = array<i32>} : memref<4x128x32xf32, #tpu.memory_space<vmem>>, vector<16xf32>,
      %add3A_2764 = arith.constant 16 : i32
      %add3A_2765 = vector.broadcast %add3A_2764 : i32 to vector<16xi32>
      %add3A_2766 = arith.addi %iota3A, %add3A_2765 : vector<16xi32>
      %scatter3A_2767 = arith.constant 0 : i32
      %scatter3A_2768 = arith.constant 0 : i32
      %scatter3A_2769 = tpu.memref_slice %arg7[%select_n3A_310, %scatter3A_2767, %scatter3A_2768] : memref<2x32x129xf32, #tpu.memory_space<vmem>> -> memref<1x32x129xf32, #tpu.memory_space<vmem>>
      %scatter3A_2770 = tpu.memref_squeeze %scatter3A_2769 : memref<1x32x129xf32, #tpu.memory_space<vmem>> -> memref<32x129xf32, #tpu.memory_space<vmem>>
      tpu.vector_store_idx %scatter3A_2770[%add3A_2766, %broadcast_in_dim3A_2746], %get3A_2763 : memref<32x129xf32, #tpu.memory_space<vmem>>[vector<16xi32>, vector<16xi32>], vector<16xf32>,
      %broadcast_in_dim3A_2771 = arith.constant 94 : i32
      %broadcast_in_dim3A_2772 = vector.broadcast %broadcast_in_dim3A_2771 : i32 to vector<16xi32>
      %get3A_2773 = arith.constant 94 : i32
      %get3A_2774 = arith.index_cast %select_n3A_294 : i32 to index
      %get3A_2775 = arith.index_cast %get3A_2773 : i32 to index
      %get3A_2776 = arith.constant 0 : index
      %get3A_2777 = tpu.vector_load %arg6[%get3A_2774, %get3A_2775, %get3A_2776] {strides = array<i32>} : memref<4x128x32xf32, #tpu.memory_space<vmem>>, vector<16xf32>,
      %add3A_2778 = arith.constant 0 : i32
      %add3A_2779 = vector.broadcast %add3A_2778 : i32 to vector<16xi32>
      %add3A_2780 = arith.addi %iota3A, %add3A_2779 : vector<16xi32>
      %scatter3A_2781 = arith.constant 0 : i32
      %scatter3A_2782 = arith.constant 0 : i32
      %scatter3A_2783 = tpu.memref_slice %arg7[%select_n3A_310, %scatter3A_2781, %scatter3A_2782] : memref<2x32x129xf32, #tpu.memory_space<vmem>> -> memref<1x32x129xf32, #tpu.memory_space<vmem>>
      %scatter3A_2784 = tpu.memref_squeeze %scatter3A_2783 : memref<1x32x129xf32, #tpu.memory_space<vmem>> -> memref<32x129xf32, #tpu.memory_space<vmem>>
      tpu.vector_store_idx %scatter3A_2784[%add3A_2780, %broadcast_in_dim3A_2772], %get3A_2777 : memref<32x129xf32, #tpu.memory_space<vmem>>[vector<16xi32>, vector<16xi32>], vector<16xf32>,
      %get3A_2785 = arith.constant 94 : i32
      %get3A_2786 = arith.index_cast %select_n3A_294 : i32 to index
      %get3A_2787 = arith.index_cast %get3A_2785 : i32 to index
      %get3A_2788 = arith.constant 16 : index
      %get3A_2789 = tpu.vector_load %arg6[%get3A_2786, %get3A_2787, %get3A_2788] {strides = array<i32>} : memref<4x128x32xf32, #tpu.memory_space<vmem>>, vector<16xf32>,
      %add3A_2790 = arith.constant 16 : i32
      %add3A_2791 = vector.broadcast %add3A_2790 : i32 to vector<16xi32>
      %add3A_2792 = arith.addi %iota3A, %add3A_2791 : vector<16xi32>
      %scatter3A_2793 = arith.constant 0 : i32
      %scatter3A_2794 = arith.constant 0 : i32
      %scatter3A_2795 = tpu.memref_slice %arg7[%select_n3A_310, %scatter3A_2793, %scatter3A_2794] : memref<2x32x129xf32, #tpu.memory_space<vmem>> -> memref<1x32x129xf32, #tpu.memory_space<vmem>>
      %scatter3A_2796 = tpu.memref_squeeze %scatter3A_2795 : memref<1x32x129xf32, #tpu.memory_space<vmem>> -> memref<32x129xf32, #tpu.memory_space<vmem>>
      tpu.vector_store_idx %scatter3A_2796[%add3A_2792, %broadcast_in_dim3A_2772], %get3A_2789 : memref<32x129xf32, #tpu.memory_space<vmem>>[vector<16xi32>, vector<16xi32>], vector<16xf32>,
      %broadcast_in_dim3A_2797 = arith.constant 95 : i32
      %broadcast_in_dim3A_2798 = vector.broadcast %broadcast_in_dim3A_2797 : i32 to vector<16xi32>
      %get3A_2799 = arith.constant 95 : i32
      %get3A_2800 = arith.index_cast %select_n3A_294 : i32 to index
      %get3A_2801 = arith.index_cast %get3A_2799 : i32 to index
      %get3A_2802 = arith.constant 0 : index
      %get3A_2803 = tpu.vector_load %arg6[%get3A_2800, %get3A_2801, %get3A_2802] {strides = array<i32>} : memref<4x128x32xf32, #tpu.memory_space<vmem>>, vector<16xf32>,
      %add3A_2804 = arith.constant 0 : i32
      %add3A_2805 = vector.broadcast %add3A_2804 : i32 to vector<16xi32>
      %add3A_2806 = arith.addi %iota3A, %add3A_2805 : vector<16xi32>
      %scatter3A_2807 = arith.constant 0 : i32
      %scatter3A_2808 = arith.constant 0 : i32
      %scatter3A_2809 = tpu.memref_slice %arg7[%select_n3A_310, %scatter3A_2807, %scatter3A_2808] : memref<2x32x129xf32, #tpu.memory_space<vmem>> -> memref<1x32x129xf32, #tpu.memory_space<vmem>>
      %scatter3A_2810 = tpu.memref_squeeze %scatter3A_2809 : memref<1x32x129xf32, #tpu.memory_space<vmem>> -> memref<32x129xf32, #tpu.memory_space<vmem>>
      tpu.vector_store_idx %scatter3A_2810[%add3A_2806, %broadcast_in_dim3A_2798], %get3A_2803 : memref<32x129xf32, #tpu.memory_space<vmem>>[vector<16xi32>, vector<16xi32>], vector<16xf32>,
      %get3A_2811 = arith.constant 95 : i32
      %get3A_2812 = arith.index_cast %select_n3A_294 : i32 to index
      %get3A_2813 = arith.index_cast %get3A_2811 : i32 to index
      %get3A_2814 = arith.constant 16 : index
      %get3A_2815 = tpu.vector_load %arg6[%get3A_2812, %get3A_2813, %get3A_2814] {strides = array<i32>} : memref<4x128x32xf32, #tpu.memory_space<vmem>>, vector<16xf32>,
      %add3A_2816 = arith.constant 16 : i32
      %add3A_2817 = vector.broadcast %add3A_2816 : i32 to vector<16xi32>
      %add3A_2818 = arith.addi %iota3A, %add3A_2817 : vector<16xi32>
      %scatter3A_2819 = arith.constant 0 : i32
      %scatter3A_2820 = arith.constant 0 : i32
      %scatter3A_2821 = tpu.memref_slice %arg7[%select_n3A_310, %scatter3A_2819, %scatter3A_2820] : memref<2x32x129xf32, #tpu.memory_space<vmem>> -> memref<1x32x129xf32, #tpu.memory_space<vmem>>
      %scatter3A_2822 = tpu.memref_squeeze %scatter3A_2821 : memref<1x32x129xf32, #tpu.memory_space<vmem>> -> memref<32x129xf32, #tpu.memory_space<vmem>>
      tpu.vector_store_idx %scatter3A_2822[%add3A_2818, %broadcast_in_dim3A_2798], %get3A_2815 : memref<32x129xf32, #tpu.memory_space<vmem>>[vector<16xi32>, vector<16xi32>], vector<16xf32>,
      %broadcast_in_dim3A_2823 = arith.constant 96 : i32
      %broadcast_in_dim3A_2824 = vector.broadcast %broadcast_in_dim3A_2823 : i32 to vector<16xi32>
      %get3A_2825 = arith.constant 96 : i32
      %get3A_2826 = arith.index_cast %select_n3A_294 : i32 to index
      %get3A_2827 = arith.index_cast %get3A_2825 : i32 to index
      %get3A_2828 = arith.constant 0 : index
      %get3A_2829 = tpu.vector_load %arg6[%get3A_2826, %get3A_2827, %get3A_2828] {strides = array<i32>} : memref<4x128x32xf32, #tpu.memory_space<vmem>>, vector<16xf32>,
      %add3A_2830 = arith.constant 0 : i32
      %add3A_2831 = vector.broadcast %add3A_2830 : i32 to vector<16xi32>
      %add3A_2832 = arith.addi %iota3A, %add3A_2831 : vector<16xi32>
      %scatter3A_2833 = arith.constant 0 : i32
      %scatter3A_2834 = arith.constant 0 : i32
      %scatter3A_2835 = tpu.memref_slice %arg7[%select_n3A_310, %scatter3A_2833, %scatter3A_2834] : memref<2x32x129xf32, #tpu.memory_space<vmem>> -> memref<1x32x129xf32, #tpu.memory_space<vmem>>
      %scatter3A_2836 = tpu.memref_squeeze %scatter3A_2835 : memref<1x32x129xf32, #tpu.memory_space<vmem>> -> memref<32x129xf32, #tpu.memory_space<vmem>>
      tpu.vector_store_idx %scatter3A_2836[%add3A_2832, %broadcast_in_dim3A_2824], %get3A_2829 : memref<32x129xf32, #tpu.memory_space<vmem>>[vector<16xi32>, vector<16xi32>], vector<16xf32>,
      %get3A_2837 = arith.constant 96 : i32
      %get3A_2838 = arith.index_cast %select_n3A_294 : i32 to index
      %get3A_2839 = arith.index_cast %get3A_2837 : i32 to index
      %get3A_2840 = arith.constant 16 : index
      %get3A_2841 = tpu.vector_load %arg6[%get3A_2838, %get3A_2839, %get3A_2840] {strides = array<i32>} : memref<4x128x32xf32, #tpu.memory_space<vmem>>, vector<16xf32>,
      %add3A_2842 = arith.constant 16 : i32
      %add3A_2843 = vector.broadcast %add3A_2842 : i32 to vector<16xi32>
      %add3A_2844 = arith.addi %iota3A, %add3A_2843 : vector<16xi32>
      %scatter3A_2845 = arith.constant 0 : i32
      %scatter3A_2846 = arith.constant 0 : i32
      %scatter3A_2847 = tpu.memref_slice %arg7[%select_n3A_310, %scatter3A_2845, %scatter3A_2846] : memref<2x32x129xf32, #tpu.memory_space<vmem>> -> memref<1x32x129xf32, #tpu.memory_space<vmem>>
      %scatter3A_2848 = tpu.memref_squeeze %scatter3A_2847 : memref<1x32x129xf32, #tpu.memory_space<vmem>> -> memref<32x129xf32, #tpu.memory_space<vmem>>
      tpu.vector_store_idx %scatter3A_2848[%add3A_2844, %broadcast_in_dim3A_2824], %get3A_2841 : memref<32x129xf32, #tpu.memory_space<vmem>>[vector<16xi32>, vector<16xi32>], vector<16xf32>,
      %broadcast_in_dim3A_2849 = arith.constant 97 : i32
      %broadcast_in_dim3A_2850 = vector.broadcast %broadcast_in_dim3A_2849 : i32 to vector<16xi32>
      %get3A_2851 = arith.constant 97 : i32
      %get3A_2852 = arith.index_cast %select_n3A_294 : i32 to index
      %get3A_2853 = arith.index_cast %get3A_2851 : i32 to index
      %get3A_2854 = arith.constant 0 : index
      %get3A_2855 = tpu.vector_load %arg6[%get3A_2852, %get3A_2853, %get3A_2854] {strides = array<i32>} : memref<4x128x32xf32, #tpu.memory_space<vmem>>, vector<16xf32>,
      %add3A_2856 = arith.constant 0 : i32
      %add3A_2857 = vector.broadcast %add3A_2856 : i32 to vector<16xi32>
      %add3A_2858 = arith.addi %iota3A, %add3A_2857 : vector<16xi32>
      %scatter3A_2859 = arith.constant 0 : i32
      %scatter3A_2860 = arith.constant 0 : i32
      %scatter3A_2861 = tpu.memref_slice %arg7[%select_n3A_310, %scatter3A_2859, %scatter3A_2860] : memref<2x32x129xf32, #tpu.memory_space<vmem>> -> memref<1x32x129xf32, #tpu.memory_space<vmem>>
      %scatter3A_2862 = tpu.memref_squeeze %scatter3A_2861 : memref<1x32x129xf32, #tpu.memory_space<vmem>> -> memref<32x129xf32, #tpu.memory_space<vmem>>
      tpu.vector_store_idx %scatter3A_2862[%add3A_2858, %broadcast_in_dim3A_2850], %get3A_2855 : memref<32x129xf32, #tpu.memory_space<vmem>>[vector<16xi32>, vector<16xi32>], vector<16xf32>,
      %get3A_2863 = arith.constant 97 : i32
      %get3A_2864 = arith.index_cast %select_n3A_294 : i32 to index
      %get3A_2865 = arith.index_cast %get3A_2863 : i32 to index
      %get3A_2866 = arith.constant 16 : index
      %get3A_2867 = tpu.vector_load %arg6[%get3A_2864, %get3A_2865, %get3A_2866] {strides = array<i32>} : memref<4x128x32xf32, #tpu.memory_space<vmem>>, vector<16xf32>,
      %add3A_2868 = arith.constant 16 : i32
      %add3A_2869 = vector.broadcast %add3A_2868 : i32 to vector<16xi32>
      %add3A_2870 = arith.addi %iota3A, %add3A_2869 : vector<16xi32>
      %scatter3A_2871 = arith.constant 0 : i32
      %scatter3A_2872 = arith.constant 0 : i32
      %scatter3A_2873 = tpu.memref_slice %arg7[%select_n3A_310, %scatter3A_2871, %scatter3A_2872] : memref<2x32x129xf32, #tpu.memory_space<vmem>> -> memref<1x32x129xf32, #tpu.memory_space<vmem>>
      %scatter3A_2874 = tpu.memref_squeeze %scatter3A_2873 : memref<1x32x129xf32, #tpu.memory_space<vmem>> -> memref<32x129xf32, #tpu.memory_space<vmem>>
      tpu.vector_store_idx %scatter3A_2874[%add3A_2870, %broadcast_in_dim3A_2850], %get3A_2867 : memref<32x129xf32, #tpu.memory_space<vmem>>[vector<16xi32>, vector<16xi32>], vector<16xf32>,
      %broadcast_in_dim3A_2875 = arith.constant 98 : i32
      %broadcast_in_dim3A_2876 = vector.broadcast %broadcast_in_dim3A_2875 : i32 to vector<16xi32>
      %get3A_2877 = arith.constant 98 : i32
      %get3A_2878 = arith.index_cast %select_n3A_294 : i32 to index
      %get3A_2879 = arith.index_cast %get3A_2877 : i32 to index
      %get3A_2880 = arith.constant 0 : index
      %get3A_2881 = tpu.vector_load %arg6[%get3A_2878, %get3A_2879, %get3A_2880] {strides = array<i32>} : memref<4x128x32xf32, #tpu.memory_space<vmem>>, vector<16xf32>,
      %add3A_2882 = arith.constant 0 : i32
      %add3A_2883 = vector.broadcast %add3A_2882 : i32 to vector<16xi32>
      %add3A_2884 = arith.addi %iota3A, %add3A_2883 : vector<16xi32>
      %scatter3A_2885 = arith.constant 0 : i32
      %scatter3A_2886 = arith.constant 0 : i32
      %scatter3A_2887 = tpu.memref_slice %arg7[%select_n3A_310, %scatter3A_2885, %scatter3A_2886] : memref<2x32x129xf32, #tpu.memory_space<vmem>> -> memref<1x32x129xf32, #tpu.memory_space<vmem>>
      %scatter3A_2888 = tpu.memref_squeeze %scatter3A_2887 : memref<1x32x129xf32, #tpu.memory_space<vmem>> -> memref<32x129xf32, #tpu.memory_space<vmem>>
      tpu.vector_store_idx %scatter3A_2888[%add3A_2884, %broadcast_in_dim3A_2876], %get3A_2881 : memref<32x129xf32, #tpu.memory_space<vmem>>[vector<16xi32>, vector<16xi32>], vector<16xf32>,
      %get3A_2889 = arith.constant 98 : i32
      %get3A_2890 = arith.index_cast %select_n3A_294 : i32 to index
      %get3A_2891 = arith.index_cast %get3A_2889 : i32 to index
      %get3A_2892 = arith.constant 16 : index
      %get3A_2893 = tpu.vector_load %arg6[%get3A_2890, %get3A_2891, %get3A_2892] {strides = array<i32>} : memref<4x128x32xf32, #tpu.memory_space<vmem>>, vector<16xf32>,
      %add3A_2894 = arith.constant 16 : i32
      %add3A_2895 = vector.broadcast %add3A_2894 : i32 to vector<16xi32>
      %add3A_2896 = arith.addi %iota3A, %add3A_2895 : vector<16xi32>
      %scatter3A_2897 = arith.constant 0 : i32
      %scatter3A_2898 = arith.constant 0 : i32
      %scatter3A_2899 = tpu.memref_slice %arg7[%select_n3A_310, %scatter3A_2897, %scatter3A_2898] : memref<2x32x129xf32, #tpu.memory_space<vmem>> -> memref<1x32x129xf32, #tpu.memory_space<vmem>>
      %scatter3A_2900 = tpu.memref_squeeze %scatter3A_2899 : memref<1x32x129xf32, #tpu.memory_space<vmem>> -> memref<32x129xf32, #tpu.memory_space<vmem>>
      tpu.vector_store_idx %scatter3A_2900[%add3A_2896, %broadcast_in_dim3A_2876], %get3A_2893 : memref<32x129xf32, #tpu.memory_space<vmem>>[vector<16xi32>, vector<16xi32>], vector<16xf32>,
      %broadcast_in_dim3A_2901 = arith.constant 99 : i32
      %broadcast_in_dim3A_2902 = vector.broadcast %broadcast_in_dim3A_2901 : i32 to vector<16xi32>
      %get3A_2903 = arith.constant 99 : i32
      %get3A_2904 = arith.index_cast %select_n3A_294 : i32 to index
      %get3A_2905 = arith.index_cast %get3A_2903 : i32 to index
      %get3A_2906 = arith.constant 0 : index
      %get3A_2907 = tpu.vector_load %arg6[%get3A_2904, %get3A_2905, %get3A_2906] {strides = array<i32>} : memref<4x128x32xf32, #tpu.memory_space<vmem>>, vector<16xf32>,
      %add3A_2908 = arith.constant 0 : i32
      %add3A_2909 = vector.broadcast %add3A_2908 : i32 to vector<16xi32>
      %add3A_2910 = arith.addi %iota3A, %add3A_2909 : vector<16xi32>
      %scatter3A_2911 = arith.constant 0 : i32
      %scatter3A_2912 = arith.constant 0 : i32
      %scatter3A_2913 = tpu.memref_slice %arg7[%select_n3A_310, %scatter3A_2911, %scatter3A_2912] : memref<2x32x129xf32, #tpu.memory_space<vmem>> -> memref<1x32x129xf32, #tpu.memory_space<vmem>>
      %scatter3A_2914 = tpu.memref_squeeze %scatter3A_2913 : memref<1x32x129xf32, #tpu.memory_space<vmem>> -> memref<32x129xf32, #tpu.memory_space<vmem>>
      tpu.vector_store_idx %scatter3A_2914[%add3A_2910, %broadcast_in_dim3A_2902], %get3A_2907 : memref<32x129xf32, #tpu.memory_space<vmem>>[vector<16xi32>, vector<16xi32>], vector<16xf32>,
      %get3A_2915 = arith.constant 99 : i32
      %get3A_2916 = arith.index_cast %select_n3A_294 : i32 to index
      %get3A_2917 = arith.index_cast %get3A_2915 : i32 to index
      %get3A_2918 = arith.constant 16 : index
      %get3A_2919 = tpu.vector_load %arg6[%get3A_2916, %get3A_2917, %get3A_2918] {strides = array<i32>} : memref<4x128x32xf32, #tpu.memory_space<vmem>>, vector<16xf32>,
      %add3A_2920 = arith.constant 16 : i32
      %add3A_2921 = vector.broadcast %add3A_2920 : i32 to vector<16xi32>
      %add3A_2922 = arith.addi %iota3A, %add3A_2921 : vector<16xi32>
      %scatter3A_2923 = arith.constant 0 : i32
      %scatter3A_2924 = arith.constant 0 : i32
      %scatter3A_2925 = tpu.memref_slice %arg7[%select_n3A_310, %scatter3A_2923, %scatter3A_2924] : memref<2x32x129xf32, #tpu.memory_space<vmem>> -> memref<1x32x129xf32, #tpu.memory_space<vmem>>
      %scatter3A_2926 = tpu.memref_squeeze %scatter3A_2925 : memref<1x32x129xf32, #tpu.memory_space<vmem>> -> memref<32x129xf32, #tpu.memory_space<vmem>>
      tpu.vector_store_idx %scatter3A_2926[%add3A_2922, %broadcast_in_dim3A_2902], %get3A_2919 : memref<32x129xf32, #tpu.memory_space<vmem>>[vector<16xi32>, vector<16xi32>], vector<16xf32>,
      %broadcast_in_dim3A_2927 = arith.constant 100 : i32
      %broadcast_in_dim3A_2928 = vector.broadcast %broadcast_in_dim3A_2927 : i32 to vector<16xi32>
      %get3A_2929 = arith.constant 100 : i32
      %get3A_2930 = arith.index_cast %select_n3A_294 : i32 to index
      %get3A_2931 = arith.index_cast %get3A_2929 : i32 to index
      %get3A_2932 = arith.constant 0 : index
      %get3A_2933 = tpu.vector_load %arg6[%get3A_2930, %get3A_2931, %get3A_2932] {strides = array<i32>} : memref<4x128x32xf32, #tpu.memory_space<vmem>>, vector<16xf32>,
      %add3A_2934 = arith.constant 0 : i32
      %add3A_2935 = vector.broadcast %add3A_2934 : i32 to vector<16xi32>
      %add3A_2936 = arith.addi %iota3A, %add3A_2935 : vector<16xi32>
      %scatter3A_2937 = arith.constant 0 : i32
      %scatter3A_2938 = arith.constant 0 : i32
      %scatter3A_2939 = tpu.memref_slice %arg7[%select_n3A_310, %scatter3A_2937, %scatter3A_2938] : memref<2x32x129xf32, #tpu.memory_space<vmem>> -> memref<1x32x129xf32, #tpu.memory_space<vmem>>
      %scatter3A_2940 = tpu.memref_squeeze %scatter3A_2939 : memref<1x32x129xf32, #tpu.memory_space<vmem>> -> memref<32x129xf32, #tpu.memory_space<vmem>>
      tpu.vector_store_idx %scatter3A_2940[%add3A_2936, %broadcast_in_dim3A_2928], %get3A_2933 : memref<32x129xf32, #tpu.memory_space<vmem>>[vector<16xi32>, vector<16xi32>], vector<16xf32>,
      %get3A_2941 = arith.constant 100 : i32
      %get3A_2942 = arith.index_cast %select_n3A_294 : i32 to index
      %get3A_2943 = arith.index_cast %get3A_2941 : i32 to index
      %get3A_2944 = arith.constant 16 : index
      %get3A_2945 = tpu.vector_load %arg6[%get3A_2942, %get3A_2943, %get3A_2944] {strides = array<i32>} : memref<4x128x32xf32, #tpu.memory_space<vmem>>, vector<16xf32>,
      %add3A_2946 = arith.constant 16 : i32
      %add3A_2947 = vector.broadcast %add3A_2946 : i32 to vector<16xi32>
      %add3A_2948 = arith.addi %iota3A, %add3A_2947 : vector<16xi32>
      %scatter3A_2949 = arith.constant 0 : i32
      %scatter3A_2950 = arith.constant 0 : i32
      %scatter3A_2951 = tpu.memref_slice %arg7[%select_n3A_310, %scatter3A_2949, %scatter3A_2950] : memref<2x32x129xf32, #tpu.memory_space<vmem>> -> memref<1x32x129xf32, #tpu.memory_space<vmem>>
      %scatter3A_2952 = tpu.memref_squeeze %scatter3A_2951 : memref<1x32x129xf32, #tpu.memory_space<vmem>> -> memref<32x129xf32, #tpu.memory_space<vmem>>
      tpu.vector_store_idx %scatter3A_2952[%add3A_2948, %broadcast_in_dim3A_2928], %get3A_2945 : memref<32x129xf32, #tpu.memory_space<vmem>>[vector<16xi32>, vector<16xi32>], vector<16xf32>,
      %broadcast_in_dim3A_2953 = arith.constant 101 : i32
      %broadcast_in_dim3A_2954 = vector.broadcast %broadcast_in_dim3A_2953 : i32 to vector<16xi32>
      %get3A_2955 = arith.constant 101 : i32
      %get3A_2956 = arith.index_cast %select_n3A_294 : i32 to index
      %get3A_2957 = arith.index_cast %get3A_2955 : i32 to index
      %get3A_2958 = arith.constant 0 : index
      %get3A_2959 = tpu.vector_load %arg6[%get3A_2956, %get3A_2957, %get3A_2958] {strides = array<i32>} : memref<4x128x32xf32, #tpu.memory_space<vmem>>, vector<16xf32>,
      %add3A_2960 = arith.constant 0 : i32
      %add3A_2961 = vector.broadcast %add3A_2960 : i32 to vector<16xi32>
      %add3A_2962 = arith.addi %iota3A, %add3A_2961 : vector<16xi32>
      %scatter3A_2963 = arith.constant 0 : i32
      %scatter3A_2964 = arith.constant 0 : i32
      %scatter3A_2965 = tpu.memref_slice %arg7[%select_n3A_310, %scatter3A_2963, %scatter3A_2964] : memref<2x32x129xf32, #tpu.memory_space<vmem>> -> memref<1x32x129xf32, #tpu.memory_space<vmem>>
      %scatter3A_2966 = tpu.memref_squeeze %scatter3A_2965 : memref<1x32x129xf32, #tpu.memory_space<vmem>> -> memref<32x129xf32, #tpu.memory_space<vmem>>
      tpu.vector_store_idx %scatter3A_2966[%add3A_2962, %broadcast_in_dim3A_2954], %get3A_2959 : memref<32x129xf32, #tpu.memory_space<vmem>>[vector<16xi32>, vector<16xi32>], vector<16xf32>,
      %get3A_2967 = arith.constant 101 : i32
      %get3A_2968 = arith.index_cast %select_n3A_294 : i32 to index
      %get3A_2969 = arith.index_cast %get3A_2967 : i32 to index
      %get3A_2970 = arith.constant 16 : index
      %get3A_2971 = tpu.vector_load %arg6[%get3A_2968, %get3A_2969, %get3A_2970] {strides = array<i32>} : memref<4x128x32xf32, #tpu.memory_space<vmem>>, vector<16xf32>,
      %add3A_2972 = arith.constant 16 : i32
      %add3A_2973 = vector.broadcast %add3A_2972 : i32 to vector<16xi32>
      %add3A_2974 = arith.addi %iota3A, %add3A_2973 : vector<16xi32>
      %scatter3A_2975 = arith.constant 0 : i32
      %scatter3A_2976 = arith.constant 0 : i32
      %scatter3A_2977 = tpu.memref_slice %arg7[%select_n3A_310, %scatter3A_2975, %scatter3A_2976] : memref<2x32x129xf32, #tpu.memory_space<vmem>> -> memref<1x32x129xf32, #tpu.memory_space<vmem>>
      %scatter3A_2978 = tpu.memref_squeeze %scatter3A_2977 : memref<1x32x129xf32, #tpu.memory_space<vmem>> -> memref<32x129xf32, #tpu.memory_space<vmem>>
      tpu.vector_store_idx %scatter3A_2978[%add3A_2974, %broadcast_in_dim3A_2954], %get3A_2971 : memref<32x129xf32, #tpu.memory_space<vmem>>[vector<16xi32>, vector<16xi32>], vector<16xf32>,
      %broadcast_in_dim3A_2979 = arith.constant 102 : i32
      %broadcast_in_dim3A_2980 = vector.broadcast %broadcast_in_dim3A_2979 : i32 to vector<16xi32>
      %get3A_2981 = arith.constant 102 : i32
      %get3A_2982 = arith.index_cast %select_n3A_294 : i32 to index
      %get3A_2983 = arith.index_cast %get3A_2981 : i32 to index
      %get3A_2984 = arith.constant 0 : index
      %get3A_2985 = tpu.vector_load %arg6[%get3A_2982, %get3A_2983, %get3A_2984] {strides = array<i32>} : memref<4x128x32xf32, #tpu.memory_space<vmem>>, vector<16xf32>,
      %add3A_2986 = arith.constant 0 : i32
      %add3A_2987 = vector.broadcast %add3A_2986 : i32 to vector<16xi32>
      %add3A_2988 = arith.addi %iota3A, %add3A_2987 : vector<16xi32>
      %scatter3A_2989 = arith.constant 0 : i32
      %scatter3A_2990 = arith.constant 0 : i32
      %scatter3A_2991 = tpu.memref_slice %arg7[%select_n3A_310, %scatter3A_2989, %scatter3A_2990] : memref<2x32x129xf32, #tpu.memory_space<vmem>> -> memref<1x32x129xf32, #tpu.memory_space<vmem>>
      %scatter3A_2992 = tpu.memref_squeeze %scatter3A_2991 : memref<1x32x129xf32, #tpu.memory_space<vmem>> -> memref<32x129xf32, #tpu.memory_space<vmem>>
      tpu.vector_store_idx %scatter3A_2992[%add3A_2988, %broadcast_in_dim3A_2980], %get3A_2985 : memref<32x129xf32, #tpu.memory_space<vmem>>[vector<16xi32>, vector<16xi32>], vector<16xf32>,
      %get3A_2993 = arith.constant 102 : i32
      %get3A_2994 = arith.index_cast %select_n3A_294 : i32 to index
      %get3A_2995 = arith.index_cast %get3A_2993 : i32 to index
      %get3A_2996 = arith.constant 16 : index
      %get3A_2997 = tpu.vector_load %arg6[%get3A_2994, %get3A_2995, %get3A_2996] {strides = array<i32>} : memref<4x128x32xf32, #tpu.memory_space<vmem>>, vector<16xf32>,
      %add3A_2998 = arith.constant 16 : i32
      %add3A_2999 = vector.broadcast %add3A_2998 : i32 to vector<16xi32>
      %add3A_3000 = arith.addi %iota3A, %add3A_2999 : vector<16xi32>
      %scatter3A_3001 = arith.constant 0 : i32
      %scatter3A_3002 = arith.constant 0 : i32
      %scatter3A_3003 = tpu.memref_slice %arg7[%select_n3A_310, %scatter3A_3001, %scatter3A_3002] : memref<2x32x129xf32, #tpu.memory_space<vmem>> -> memref<1x32x129xf32, #tpu.memory_space<vmem>>
      %scatter3A_3004 = tpu.memref_squeeze %scatter3A_3003 : memref<1x32x129xf32, #tpu.memory_space<vmem>> -> memref<32x129xf32, #tpu.memory_space<vmem>>
      tpu.vector_store_idx %scatter3A_3004[%add3A_3000, %broadcast_in_dim3A_2980], %get3A_2997 : memref<32x129xf32, #tpu.memory_space<vmem>>[vector<16xi32>, vector<16xi32>], vector<16xf32>,
      %broadcast_in_dim3A_3005 = arith.constant 103 : i32
      %broadcast_in_dim3A_3006 = vector.broadcast %broadcast_in_dim3A_3005 : i32 to vector<16xi32>
      %get3A_3007 = arith.constant 103 : i32
      %get3A_3008 = arith.index_cast %select_n3A_294 : i32 to index
      %get3A_3009 = arith.index_cast %get3A_3007 : i32 to index
      %get3A_3010 = arith.constant 0 : index
      %get3A_3011 = tpu.vector_load %arg6[%get3A_3008, %get3A_3009, %get3A_3010] {strides = array<i32>} : memref<4x128x32xf32, #tpu.memory_space<vmem>>, vector<16xf32>,
      %add3A_3012 = arith.constant 0 : i32
      %add3A_3013 = vector.broadcast %add3A_3012 : i32 to vector<16xi32>
      %add3A_3014 = arith.addi %iota3A, %add3A_3013 : vector<16xi32>
      %scatter3A_3015 = arith.constant 0 : i32
      %scatter3A_3016 = arith.constant 0 : i32
      %scatter3A_3017 = tpu.memref_slice %arg7[%select_n3A_310, %scatter3A_3015, %scatter3A_3016] : memref<2x32x129xf32, #tpu.memory_space<vmem>> -> memref<1x32x129xf32, #tpu.memory_space<vmem>>
      %scatter3A_3018 = tpu.memref_squeeze %scatter3A_3017 : memref<1x32x129xf32, #tpu.memory_space<vmem>> -> memref<32x129xf32, #tpu.memory_space<vmem>>
      tpu.vector_store_idx %scatter3A_3018[%add3A_3014, %broadcast_in_dim3A_3006], %get3A_3011 : memref<32x129xf32, #tpu.memory_space<vmem>>[vector<16xi32>, vector<16xi32>], vector<16xf32>,
      %get3A_3019 = arith.constant 103 : i32
      %get3A_3020 = arith.index_cast %select_n3A_294 : i32 to index
      %get3A_3021 = arith.index_cast %get3A_3019 : i32 to index
      %get3A_3022 = arith.constant 16 : index
      %get3A_3023 = tpu.vector_load %arg6[%get3A_3020, %get3A_3021, %get3A_3022] {strides = array<i32>} : memref<4x128x32xf32, #tpu.memory_space<vmem>>, vector<16xf32>,
      %add3A_3024 = arith.constant 16 : i32
      %add3A_3025 = vector.broadcast %add3A_3024 : i32 to vector<16xi32>
      %add3A_3026 = arith.addi %iota3A, %add3A_3025 : vector<16xi32>
      %scatter3A_3027 = arith.constant 0 : i32
      %scatter3A_3028 = arith.constant 0 : i32
      %scatter3A_3029 = tpu.memref_slice %arg7[%select_n3A_310, %scatter3A_3027, %scatter3A_3028] : memref<2x32x129xf32, #tpu.memory_space<vmem>> -> memref<1x32x129xf32, #tpu.memory_space<vmem>>
      %scatter3A_3030 = tpu.memref_squeeze %scatter3A_3029 : memref<1x32x129xf32, #tpu.memory_space<vmem>> -> memref<32x129xf32, #tpu.memory_space<vmem>>
      tpu.vector_store_idx %scatter3A_3030[%add3A_3026, %broadcast_in_dim3A_3006], %get3A_3023 : memref<32x129xf32, #tpu.memory_space<vmem>>[vector<16xi32>, vector<16xi32>], vector<16xf32>,
      %broadcast_in_dim3A_3031 = arith.constant 104 : i32
      %broadcast_in_dim3A_3032 = vector.broadcast %broadcast_in_dim3A_3031 : i32 to vector<16xi32>
      %get3A_3033 = arith.constant 104 : i32
      %get3A_3034 = arith.index_cast %select_n3A_294 : i32 to index
      %get3A_3035 = arith.index_cast %get3A_3033 : i32 to index
      %get3A_3036 = arith.constant 0 : index
      %get3A_3037 = tpu.vector_load %arg6[%get3A_3034, %get3A_3035, %get3A_3036] {strides = array<i32>} : memref<4x128x32xf32, #tpu.memory_space<vmem>>, vector<16xf32>,
      %add3A_3038 = arith.constant 0 : i32
      %add3A_3039 = vector.broadcast %add3A_3038 : i32 to vector<16xi32>
      %add3A_3040 = arith.addi %iota3A, %add3A_3039 : vector<16xi32>
      %scatter3A_3041 = arith.constant 0 : i32
      %scatter3A_3042 = arith.constant 0 : i32
      %scatter3A_3043 = tpu.memref_slice %arg7[%select_n3A_310, %scatter3A_3041, %scatter3A_3042] : memref<2x32x129xf32, #tpu.memory_space<vmem>> -> memref<1x32x129xf32, #tpu.memory_space<vmem>>
      %scatter3A_3044 = tpu.memref_squeeze %scatter3A_3043 : memref<1x32x129xf32, #tpu.memory_space<vmem>> -> memref<32x129xf32, #tpu.memory_space<vmem>>
      tpu.vector_store_idx %scatter3A_3044[%add3A_3040, %broadcast_in_dim3A_3032], %get3A_3037 : memref<32x129xf32, #tpu.memory_space<vmem>>[vector<16xi32>, vector<16xi32>], vector<16xf32>,
      %get3A_3045 = arith.constant 104 : i32
      %get3A_3046 = arith.index_cast %select_n3A_294 : i32 to index
      %get3A_3047 = arith.index_cast %get3A_3045 : i32 to index
      %get3A_3048 = arith.constant 16 : index
      %get3A_3049 = tpu.vector_load %arg6[%get3A_3046, %get3A_3047, %get3A_3048] {strides = array<i32>} : memref<4x128x32xf32, #tpu.memory_space<vmem>>, vector<16xf32>,
      %add3A_3050 = arith.constant 16 : i32
      %add3A_3051 = vector.broadcast %add3A_3050 : i32 to vector<16xi32>
      %add3A_3052 = arith.addi %iota3A, %add3A_3051 : vector<16xi32>
      %scatter3A_3053 = arith.constant 0 : i32
      %scatter3A_3054 = arith.constant 0 : i32
      %scatter3A_3055 = tpu.memref_slice %arg7[%select_n3A_310, %scatter3A_3053, %scatter3A_3054] : memref<2x32x129xf32, #tpu.memory_space<vmem>> -> memref<1x32x129xf32, #tpu.memory_space<vmem>>
      %scatter3A_3056 = tpu.memref_squeeze %scatter3A_3055 : memref<1x32x129xf32, #tpu.memory_space<vmem>> -> memref<32x129xf32, #tpu.memory_space<vmem>>
      tpu.vector_store_idx %scatter3A_3056[%add3A_3052, %broadcast_in_dim3A_3032], %get3A_3049 : memref<32x129xf32, #tpu.memory_space<vmem>>[vector<16xi32>, vector<16xi32>], vector<16xf32>,
      %broadcast_in_dim3A_3057 = arith.constant 105 : i32
      %broadcast_in_dim3A_3058 = vector.broadcast %broadcast_in_dim3A_3057 : i32 to vector<16xi32>
      %get3A_3059 = arith.constant 105 : i32
      %get3A_3060 = arith.index_cast %select_n3A_294 : i32 to index
      %get3A_3061 = arith.index_cast %get3A_3059 : i32 to index
      %get3A_3062 = arith.constant 0 : index
      %get3A_3063 = tpu.vector_load %arg6[%get3A_3060, %get3A_3061, %get3A_3062] {strides = array<i32>} : memref<4x128x32xf32, #tpu.memory_space<vmem>>, vector<16xf32>,
      %add3A_3064 = arith.constant 0 : i32
      %add3A_3065 = vector.broadcast %add3A_3064 : i32 to vector<16xi32>
      %add3A_3066 = arith.addi %iota3A, %add3A_3065 : vector<16xi32>
      %scatter3A_3067 = arith.constant 0 : i32
      %scatter3A_3068 = arith.constant 0 : i32
      %scatter3A_3069 = tpu.memref_slice %arg7[%select_n3A_310, %scatter3A_3067, %scatter3A_3068] : memref<2x32x129xf32, #tpu.memory_space<vmem>> -> memref<1x32x129xf32, #tpu.memory_space<vmem>>
      %scatter3A_3070 = tpu.memref_squeeze %scatter3A_3069 : memref<1x32x129xf32, #tpu.memory_space<vmem>> -> memref<32x129xf32, #tpu.memory_space<vmem>>
      tpu.vector_store_idx %scatter3A_3070[%add3A_3066, %broadcast_in_dim3A_3058], %get3A_3063 : memref<32x129xf32, #tpu.memory_space<vmem>>[vector<16xi32>, vector<16xi32>], vector<16xf32>,
      %get3A_3071 = arith.constant 105 : i32
      %get3A_3072 = arith.index_cast %select_n3A_294 : i32 to index
      %get3A_3073 = arith.index_cast %get3A_3071 : i32 to index
      %get3A_3074 = arith.constant 16 : index
      %get3A_3075 = tpu.vector_load %arg6[%get3A_3072, %get3A_3073, %get3A_3074] {strides = array<i32>} : memref<4x128x32xf32, #tpu.memory_space<vmem>>, vector<16xf32>,
      %add3A_3076 = arith.constant 16 : i32
      %add3A_3077 = vector.broadcast %add3A_3076 : i32 to vector<16xi32>
      %add3A_3078 = arith.addi %iota3A, %add3A_3077 : vector<16xi32>
      %scatter3A_3079 = arith.constant 0 : i32
      %scatter3A_3080 = arith.constant 0 : i32
      %scatter3A_3081 = tpu.memref_slice %arg7[%select_n3A_310, %scatter3A_3079, %scatter3A_3080] : memref<2x32x129xf32, #tpu.memory_space<vmem>> -> memref<1x32x129xf32, #tpu.memory_space<vmem>>
      %scatter3A_3082 = tpu.memref_squeeze %scatter3A_3081 : memref<1x32x129xf32, #tpu.memory_space<vmem>> -> memref<32x129xf32, #tpu.memory_space<vmem>>
      tpu.vector_store_idx %scatter3A_3082[%add3A_3078, %broadcast_in_dim3A_3058], %get3A_3075 : memref<32x129xf32, #tpu.memory_space<vmem>>[vector<16xi32>, vector<16xi32>], vector<16xf32>,
      %broadcast_in_dim3A_3083 = arith.constant 106 : i32
      %broadcast_in_dim3A_3084 = vector.broadcast %broadcast_in_dim3A_3083 : i32 to vector<16xi32>
      %get3A_3085 = arith.constant 106 : i32
      %get3A_3086 = arith.index_cast %select_n3A_294 : i32 to index
      %get3A_3087 = arith.index_cast %get3A_3085 : i32 to index
      %get3A_3088 = arith.constant 0 : index
      %get3A_3089 = tpu.vector_load %arg6[%get3A_3086, %get3A_3087, %get3A_3088] {strides = array<i32>} : memref<4x128x32xf32, #tpu.memory_space<vmem>>, vector<16xf32>,
      %add3A_3090 = arith.constant 0 : i32
      %add3A_3091 = vector.broadcast %add3A_3090 : i32 to vector<16xi32>
      %add3A_3092 = arith.addi %iota3A, %add3A_3091 : vector<16xi32>
      %scatter3A_3093 = arith.constant 0 : i32
      %scatter3A_3094 = arith.constant 0 : i32
      %scatter3A_3095 = tpu.memref_slice %arg7[%select_n3A_310, %scatter3A_3093, %scatter3A_3094] : memref<2x32x129xf32, #tpu.memory_space<vmem>> -> memref<1x32x129xf32, #tpu.memory_space<vmem>>
      %scatter3A_3096 = tpu.memref_squeeze %scatter3A_3095 : memref<1x32x129xf32, #tpu.memory_space<vmem>> -> memref<32x129xf32, #tpu.memory_space<vmem>>
      tpu.vector_store_idx %scatter3A_3096[%add3A_3092, %broadcast_in_dim3A_3084], %get3A_3089 : memref<32x129xf32, #tpu.memory_space<vmem>>[vector<16xi32>, vector<16xi32>], vector<16xf32>,
      %get3A_3097 = arith.constant 106 : i32
      %get3A_3098 = arith.index_cast %select_n3A_294 : i32 to index
      %get3A_3099 = arith.index_cast %get3A_3097 : i32 to index
      %get3A_3100 = arith.constant 16 : index
      %get3A_3101 = tpu.vector_load %arg6[%get3A_3098, %get3A_3099, %get3A_3100] {strides = array<i32>} : memref<4x128x32xf32, #tpu.memory_space<vmem>>, vector<16xf32>,
      %add3A_3102 = arith.constant 16 : i32
      %add3A_3103 = vector.broadcast %add3A_3102 : i32 to vector<16xi32>
      %add3A_3104 = arith.addi %iota3A, %add3A_3103 : vector<16xi32>
      %scatter3A_3105 = arith.constant 0 : i32
      %scatter3A_3106 = arith.constant 0 : i32
      %scatter3A_3107 = tpu.memref_slice %arg7[%select_n3A_310, %scatter3A_3105, %scatter3A_3106] : memref<2x32x129xf32, #tpu.memory_space<vmem>> -> memref<1x32x129xf32, #tpu.memory_space<vmem>>
      %scatter3A_3108 = tpu.memref_squeeze %scatter3A_3107 : memref<1x32x129xf32, #tpu.memory_space<vmem>> -> memref<32x129xf32, #tpu.memory_space<vmem>>
      tpu.vector_store_idx %scatter3A_3108[%add3A_3104, %broadcast_in_dim3A_3084], %get3A_3101 : memref<32x129xf32, #tpu.memory_space<vmem>>[vector<16xi32>, vector<16xi32>], vector<16xf32>,
      %broadcast_in_dim3A_3109 = arith.constant 107 : i32
      %broadcast_in_dim3A_3110 = vector.broadcast %broadcast_in_dim3A_3109 : i32 to vector<16xi32>
      %get3A_3111 = arith.constant 107 : i32
      %get3A_3112 = arith.index_cast %select_n3A_294 : i32 to index
      %get3A_3113 = arith.index_cast %get3A_3111 : i32 to index
      %get3A_3114 = arith.constant 0 : index
      %get3A_3115 = tpu.vector_load %arg6[%get3A_3112, %get3A_3113, %get3A_3114] {strides = array<i32>} : memref<4x128x32xf32, #tpu.memory_space<vmem>>, vector<16xf32>,
      %add3A_3116 = arith.constant 0 : i32
      %add3A_3117 = vector.broadcast %add3A_3116 : i32 to vector<16xi32>
      %add3A_3118 = arith.addi %iota3A, %add3A_3117 : vector<16xi32>
      %scatter3A_3119 = arith.constant 0 : i32
      %scatter3A_3120 = arith.constant 0 : i32
      %scatter3A_3121 = tpu.memref_slice %arg7[%select_n3A_310, %scatter3A_3119, %scatter3A_3120] : memref<2x32x129xf32, #tpu.memory_space<vmem>> -> memref<1x32x129xf32, #tpu.memory_space<vmem>>
      %scatter3A_3122 = tpu.memref_squeeze %scatter3A_3121 : memref<1x32x129xf32, #tpu.memory_space<vmem>> -> memref<32x129xf32, #tpu.memory_space<vmem>>
      tpu.vector_store_idx %scatter3A_3122[%add3A_3118, %broadcast_in_dim3A_3110], %get3A_3115 : memref<32x129xf32, #tpu.memory_space<vmem>>[vector<16xi32>, vector<16xi32>], vector<16xf32>,
      %get3A_3123 = arith.constant 107 : i32
      %get3A_3124 = arith.index_cast %select_n3A_294 : i32 to index
      %get3A_3125 = arith.index_cast %get3A_3123 : i32 to index
      %get3A_3126 = arith.constant 16 : index
      %get3A_3127 = tpu.vector_load %arg6[%get3A_3124, %get3A_3125, %get3A_3126] {strides = array<i32>} : memref<4x128x32xf32, #tpu.memory_space<vmem>>, vector<16xf32>,
      %add3A_3128 = arith.constant 16 : i32
      %add3A_3129 = vector.broadcast %add3A_3128 : i32 to vector<16xi32>
      %add3A_3130 = arith.addi %iota3A, %add3A_3129 : vector<16xi32>
      %scatter3A_3131 = arith.constant 0 : i32
      %scatter3A_3132 = arith.constant 0 : i32
      %scatter3A_3133 = tpu.memref_slice %arg7[%select_n3A_310, %scatter3A_3131, %scatter3A_3132] : memref<2x32x129xf32, #tpu.memory_space<vmem>> -> memref<1x32x129xf32, #tpu.memory_space<vmem>>
      %scatter3A_3134 = tpu.memref_squeeze %scatter3A_3133 : memref<1x32x129xf32, #tpu.memory_space<vmem>> -> memref<32x129xf32, #tpu.memory_space<vmem>>
      tpu.vector_store_idx %scatter3A_3134[%add3A_3130, %broadcast_in_dim3A_3110], %get3A_3127 : memref<32x129xf32, #tpu.memory_space<vmem>>[vector<16xi32>, vector<16xi32>], vector<16xf32>,
      %broadcast_in_dim3A_3135 = arith.constant 108 : i32
      %broadcast_in_dim3A_3136 = vector.broadcast %broadcast_in_dim3A_3135 : i32 to vector<16xi32>
      %get3A_3137 = arith.constant 108 : i32
      %get3A_3138 = arith.index_cast %select_n3A_294 : i32 to index
      %get3A_3139 = arith.index_cast %get3A_3137 : i32 to index
      %get3A_3140 = arith.constant 0 : index
      %get3A_3141 = tpu.vector_load %arg6[%get3A_3138, %get3A_3139, %get3A_3140] {strides = array<i32>} : memref<4x128x32xf32, #tpu.memory_space<vmem>>, vector<16xf32>,
      %add3A_3142 = arith.constant 0 : i32
      %add3A_3143 = vector.broadcast %add3A_3142 : i32 to vector<16xi32>
      %add3A_3144 = arith.addi %iota3A, %add3A_3143 : vector<16xi32>
      %scatter3A_3145 = arith.constant 0 : i32
      %scatter3A_3146 = arith.constant 0 : i32
      %scatter3A_3147 = tpu.memref_slice %arg7[%select_n3A_310, %scatter3A_3145, %scatter3A_3146] : memref<2x32x129xf32, #tpu.memory_space<vmem>> -> memref<1x32x129xf32, #tpu.memory_space<vmem>>
      %scatter3A_3148 = tpu.memref_squeeze %scatter3A_3147 : memref<1x32x129xf32, #tpu.memory_space<vmem>> -> memref<32x129xf32, #tpu.memory_space<vmem>>
      tpu.vector_store_idx %scatter3A_3148[%add3A_3144, %broadcast_in_dim3A_3136], %get3A_3141 : memref<32x129xf32, #tpu.memory_space<vmem>>[vector<16xi32>, vector<16xi32>], vector<16xf32>,
      %get3A_3149 = arith.constant 108 : i32
      %get3A_3150 = arith.index_cast %select_n3A_294 : i32 to index
      %get3A_3151 = arith.index_cast %get3A_3149 : i32 to index
      %get3A_3152 = arith.constant 16 : index
      %get3A_3153 = tpu.vector_load %arg6[%get3A_3150, %get3A_3151, %get3A_3152] {strides = array<i32>} : memref<4x128x32xf32, #tpu.memory_space<vmem>>, vector<16xf32>,
      %add3A_3154 = arith.constant 16 : i32
      %add3A_3155 = vector.broadcast %add3A_3154 : i32 to vector<16xi32>
      %add3A_3156 = arith.addi %iota3A, %add3A_3155 : vector<16xi32>
      %scatter3A_3157 = arith.constant 0 : i32
      %scatter3A_3158 = arith.constant 0 : i32
      %scatter3A_3159 = tpu.memref_slice %arg7[%select_n3A_310, %scatter3A_3157, %scatter3A_3158] : memref<2x32x129xf32, #tpu.memory_space<vmem>> -> memref<1x32x129xf32, #tpu.memory_space<vmem>>
      %scatter3A_3160 = tpu.memref_squeeze %scatter3A_3159 : memref<1x32x129xf32, #tpu.memory_space<vmem>> -> memref<32x129xf32, #tpu.memory_space<vmem>>
      tpu.vector_store_idx %scatter3A_3160[%add3A_3156, %broadcast_in_dim3A_3136], %get3A_3153 : memref<32x129xf32, #tpu.memory_space<vmem>>[vector<16xi32>, vector<16xi32>], vector<16xf32>,
      %broadcast_in_dim3A_3161 = arith.constant 109 : i32
      %broadcast_in_dim3A_3162 = vector.broadcast %broadcast_in_dim3A_3161 : i32 to vector<16xi32>
      %get3A_3163 = arith.constant 109 : i32
      %get3A_3164 = arith.index_cast %select_n3A_294 : i32 to index
      %get3A_3165 = arith.index_cast %get3A_3163 : i32 to index
      %get3A_3166 = arith.constant 0 : index
      %get3A_3167 = tpu.vector_load %arg6[%get3A_3164, %get3A_3165, %get3A_3166] {strides = array<i32>} : memref<4x128x32xf32, #tpu.memory_space<vmem>>, vector<16xf32>,
      %add3A_3168 = arith.constant 0 : i32
      %add3A_3169 = vector.broadcast %add3A_3168 : i32 to vector<16xi32>
      %add3A_3170 = arith.addi %iota3A, %add3A_3169 : vector<16xi32>
      %scatter3A_3171 = arith.constant 0 : i32
      %scatter3A_3172 = arith.constant 0 : i32
      %scatter3A_3173 = tpu.memref_slice %arg7[%select_n3A_310, %scatter3A_3171, %scatter3A_3172] : memref<2x32x129xf32, #tpu.memory_space<vmem>> -> memref<1x32x129xf32, #tpu.memory_space<vmem>>
      %scatter3A_3174 = tpu.memref_squeeze %scatter3A_3173 : memref<1x32x129xf32, #tpu.memory_space<vmem>> -> memref<32x129xf32, #tpu.memory_space<vmem>>
      tpu.vector_store_idx %scatter3A_3174[%add3A_3170, %broadcast_in_dim3A_3162], %get3A_3167 : memref<32x129xf32, #tpu.memory_space<vmem>>[vector<16xi32>, vector<16xi32>], vector<16xf32>,
      %get3A_3175 = arith.constant 109 : i32
      %get3A_3176 = arith.index_cast %select_n3A_294 : i32 to index
      %get3A_3177 = arith.index_cast %get3A_3175 : i32 to index
      %get3A_3178 = arith.constant 16 : index
      %get3A_3179 = tpu.vector_load %arg6[%get3A_3176, %get3A_3177, %get3A_3178] {strides = array<i32>} : memref<4x128x32xf32, #tpu.memory_space<vmem>>, vector<16xf32>,
      %add3A_3180 = arith.constant 16 : i32
      %add3A_3181 = vector.broadcast %add3A_3180 : i32 to vector<16xi32>
      %add3A_3182 = arith.addi %iota3A, %add3A_3181 : vector<16xi32>
      %scatter3A_3183 = arith.constant 0 : i32
      %scatter3A_3184 = arith.constant 0 : i32
      %scatter3A_3185 = tpu.memref_slice %arg7[%select_n3A_310, %scatter3A_3183, %scatter3A_3184] : memref<2x32x129xf32, #tpu.memory_space<vmem>> -> memref<1x32x129xf32, #tpu.memory_space<vmem>>
      %scatter3A_3186 = tpu.memref_squeeze %scatter3A_3185 : memref<1x32x129xf32, #tpu.memory_space<vmem>> -> memref<32x129xf32, #tpu.memory_space<vmem>>
      tpu.vector_store_idx %scatter3A_3186[%add3A_3182, %broadcast_in_dim3A_3162], %get3A_3179 : memref<32x129xf32, #tpu.memory_space<vmem>>[vector<16xi32>, vector<16xi32>], vector<16xf32>,
      %broadcast_in_dim3A_3187 = arith.constant 110 : i32
      %broadcast_in_dim3A_3188 = vector.broadcast %broadcast_in_dim3A_3187 : i32 to vector<16xi32>
      %get3A_3189 = arith.constant 110 : i32
      %get3A_3190 = arith.index_cast %select_n3A_294 : i32 to index
      %get3A_3191 = arith.index_cast %get3A_3189 : i32 to index
      %get3A_3192 = arith.constant 0 : index
      %get3A_3193 = tpu.vector_load %arg6[%get3A_3190, %get3A_3191, %get3A_3192] {strides = array<i32>} : memref<4x128x32xf32, #tpu.memory_space<vmem>>, vector<16xf32>,
      %add3A_3194 = arith.constant 0 : i32
      %add3A_3195 = vector.broadcast %add3A_3194 : i32 to vector<16xi32>
      %add3A_3196 = arith.addi %iota3A, %add3A_3195 : vector<16xi32>
      %scatter3A_3197 = arith.constant 0 : i32
      %scatter3A_3198 = arith.constant 0 : i32
      %scatter3A_3199 = tpu.memref_slice %arg7[%select_n3A_310, %scatter3A_3197, %scatter3A_3198] : memref<2x32x129xf32, #tpu.memory_space<vmem>> -> memref<1x32x129xf32, #tpu.memory_space<vmem>>
      %scatter3A_3200 = tpu.memref_squeeze %scatter3A_3199 : memref<1x32x129xf32, #tpu.memory_space<vmem>> -> memref<32x129xf32, #tpu.memory_space<vmem>>
      tpu.vector_store_idx %scatter3A_3200[%add3A_3196, %broadcast_in_dim3A_3188], %get3A_3193 : memref<32x129xf32, #tpu.memory_space<vmem>>[vector<16xi32>, vector<16xi32>], vector<16xf32>,
      %get3A_3201 = arith.constant 110 : i32
      %get3A_3202 = arith.index_cast %select_n3A_294 : i32 to index
      %get3A_3203 = arith.index_cast %get3A_3201 : i32 to index
      %get3A_3204 = arith.constant 16 : index
      %get3A_3205 = tpu.vector_load %arg6[%get3A_3202, %get3A_3203, %get3A_3204] {strides = array<i32>} : memref<4x128x32xf32, #tpu.memory_space<vmem>>, vector<16xf32>,
      %add3A_3206 = arith.constant 16 : i32
      %add3A_3207 = vector.broadcast %add3A_3206 : i32 to vector<16xi32>
      %add3A_3208 = arith.addi %iota3A, %add3A_3207 : vector<16xi32>
      %scatter3A_3209 = arith.constant 0 : i32
      %scatter3A_3210 = arith.constant 0 : i32
      %scatter3A_3211 = tpu.memref_slice %arg7[%select_n3A_310, %scatter3A_3209, %scatter3A_3210] : memref<2x32x129xf32, #tpu.memory_space<vmem>> -> memref<1x32x129xf32, #tpu.memory_space<vmem>>
      %scatter3A_3212 = tpu.memref_squeeze %scatter3A_3211 : memref<1x32x129xf32, #tpu.memory_space<vmem>> -> memref<32x129xf32, #tpu.memory_space<vmem>>
      tpu.vector_store_idx %scatter3A_3212[%add3A_3208, %broadcast_in_dim3A_3188], %get3A_3205 : memref<32x129xf32, #tpu.memory_space<vmem>>[vector<16xi32>, vector<16xi32>], vector<16xf32>,
      %broadcast_in_dim3A_3213 = arith.constant 111 : i32
      %broadcast_in_dim3A_3214 = vector.broadcast %broadcast_in_dim3A_3213 : i32 to vector<16xi32>
      %get3A_3215 = arith.constant 111 : i32
      %get3A_3216 = arith.index_cast %select_n3A_294 : i32 to index
      %get3A_3217 = arith.index_cast %get3A_3215 : i32 to index
      %get3A_3218 = arith.constant 0 : index
      %get3A_3219 = tpu.vector_load %arg6[%get3A_3216, %get3A_3217, %get3A_3218] {strides = array<i32>} : memref<4x128x32xf32, #tpu.memory_space<vmem>>, vector<16xf32>,
      %add3A_3220 = arith.constant 0 : i32
      %add3A_3221 = vector.broadcast %add3A_3220 : i32 to vector<16xi32>
      %add3A_3222 = arith.addi %iota3A, %add3A_3221 : vector<16xi32>
      %scatter3A_3223 = arith.constant 0 : i32
      %scatter3A_3224 = arith.constant 0 : i32
      %scatter3A_3225 = tpu.memref_slice %arg7[%select_n3A_310, %scatter3A_3223, %scatter3A_3224] : memref<2x32x129xf32, #tpu.memory_space<vmem>> -> memref<1x32x129xf32, #tpu.memory_space<vmem>>
      %scatter3A_3226 = tpu.memref_squeeze %scatter3A_3225 : memref<1x32x129xf32, #tpu.memory_space<vmem>> -> memref<32x129xf32, #tpu.memory_space<vmem>>
      tpu.vector_store_idx %scatter3A_3226[%add3A_3222, %broadcast_in_dim3A_3214], %get3A_3219 : memref<32x129xf32, #tpu.memory_space<vmem>>[vector<16xi32>, vector<16xi32>], vector<16xf32>,
      %get3A_3227 = arith.constant 111 : i32
      %get3A_3228 = arith.index_cast %select_n3A_294 : i32 to index
      %get3A_3229 = arith.index_cast %get3A_3227 : i32 to index
      %get3A_3230 = arith.constant 16 : index
      %get3A_3231 = tpu.vector_load %arg6[%get3A_3228, %get3A_3229, %get3A_3230] {strides = array<i32>} : memref<4x128x32xf32, #tpu.memory_space<vmem>>, vector<16xf32>,
      %add3A_3232 = arith.constant 16 : i32
      %add3A_3233 = vector.broadcast %add3A_3232 : i32 to vector<16xi32>
      %add3A_3234 = arith.addi %iota3A, %add3A_3233 : vector<16xi32>
      %scatter3A_3235 = arith.constant 0 : i32
      %scatter3A_3236 = arith.constant 0 : i32
      %scatter3A_3237 = tpu.memref_slice %arg7[%select_n3A_310, %scatter3A_3235, %scatter3A_3236] : memref<2x32x129xf32, #tpu.memory_space<vmem>> -> memref<1x32x129xf32, #tpu.memory_space<vmem>>
      %scatter3A_3238 = tpu.memref_squeeze %scatter3A_3237 : memref<1x32x129xf32, #tpu.memory_space<vmem>> -> memref<32x129xf32, #tpu.memory_space<vmem>>
      tpu.vector_store_idx %scatter3A_3238[%add3A_3234, %broadcast_in_dim3A_3214], %get3A_3231 : memref<32x129xf32, #tpu.memory_space<vmem>>[vector<16xi32>, vector<16xi32>], vector<16xf32>,
      %broadcast_in_dim3A_3239 = arith.constant 112 : i32
      %broadcast_in_dim3A_3240 = vector.broadcast %broadcast_in_dim3A_3239 : i32 to vector<16xi32>
      %get3A_3241 = arith.constant 112 : i32
      %get3A_3242 = arith.index_cast %select_n3A_294 : i32 to index
      %get3A_3243 = arith.index_cast %get3A_3241 : i32 to index
      %get3A_3244 = arith.constant 0 : index
      %get3A_3245 = tpu.vector_load %arg6[%get3A_3242, %get3A_3243, %get3A_3244] {strides = array<i32>} : memref<4x128x32xf32, #tpu.memory_space<vmem>>, vector<16xf32>,
      %add3A_3246 = arith.constant 0 : i32
      %add3A_3247 = vector.broadcast %add3A_3246 : i32 to vector<16xi32>
      %add3A_3248 = arith.addi %iota3A, %add3A_3247 : vector<16xi32>
      %scatter3A_3249 = arith.constant 0 : i32
      %scatter3A_3250 = arith.constant 0 : i32
      %scatter3A_3251 = tpu.memref_slice %arg7[%select_n3A_310, %scatter3A_3249, %scatter3A_3250] : memref<2x32x129xf32, #tpu.memory_space<vmem>> -> memref<1x32x129xf32, #tpu.memory_space<vmem>>
      %scatter3A_3252 = tpu.memref_squeeze %scatter3A_3251 : memref<1x32x129xf32, #tpu.memory_space<vmem>> -> memref<32x129xf32, #tpu.memory_space<vmem>>
      tpu.vector_store_idx %scatter3A_3252[%add3A_3248, %broadcast_in_dim3A_3240], %get3A_3245 : memref<32x129xf32, #tpu.memory_space<vmem>>[vector<16xi32>, vector<16xi32>], vector<16xf32>,
      %get3A_3253 = arith.constant 112 : i32
      %get3A_3254 = arith.index_cast %select_n3A_294 : i32 to index
      %get3A_3255 = arith.index_cast %get3A_3253 : i32 to index
      %get3A_3256 = arith.constant 16 : index
      %get3A_3257 = tpu.vector_load %arg6[%get3A_3254, %get3A_3255, %get3A_3256] {strides = array<i32>} : memref<4x128x32xf32, #tpu.memory_space<vmem>>, vector<16xf32>,
      %add3A_3258 = arith.constant 16 : i32
      %add3A_3259 = vector.broadcast %add3A_3258 : i32 to vector<16xi32>
      %add3A_3260 = arith.addi %iota3A, %add3A_3259 : vector<16xi32>
      %scatter3A_3261 = arith.constant 0 : i32
      %scatter3A_3262 = arith.constant 0 : i32
      %scatter3A_3263 = tpu.memref_slice %arg7[%select_n3A_310, %scatter3A_3261, %scatter3A_3262] : memref<2x32x129xf32, #tpu.memory_space<vmem>> -> memref<1x32x129xf32, #tpu.memory_space<vmem>>
      %scatter3A_3264 = tpu.memref_squeeze %scatter3A_3263 : memref<1x32x129xf32, #tpu.memory_space<vmem>> -> memref<32x129xf32, #tpu.memory_space<vmem>>
      tpu.vector_store_idx %scatter3A_3264[%add3A_3260, %broadcast_in_dim3A_3240], %get3A_3257 : memref<32x129xf32, #tpu.memory_space<vmem>>[vector<16xi32>, vector<16xi32>], vector<16xf32>,
      %broadcast_in_dim3A_3265 = arith.constant 113 : i32
      %broadcast_in_dim3A_3266 = vector.broadcast %broadcast_in_dim3A_3265 : i32 to vector<16xi32>
      %get3A_3267 = arith.constant 113 : i32
      %get3A_3268 = arith.index_cast %select_n3A_294 : i32 to index
      %get3A_3269 = arith.index_cast %get3A_3267 : i32 to index
      %get3A_3270 = arith.constant 0 : index
      %get3A_3271 = tpu.vector_load %arg6[%get3A_3268, %get3A_3269, %get3A_3270] {strides = array<i32>} : memref<4x128x32xf32, #tpu.memory_space<vmem>>, vector<16xf32>,
      %add3A_3272 = arith.constant 0 : i32
      %add3A_3273 = vector.broadcast %add3A_3272 : i32 to vector<16xi32>
      %add3A_3274 = arith.addi %iota3A, %add3A_3273 : vector<16xi32>
      %scatter3A_3275 = arith.constant 0 : i32
      %scatter3A_3276 = arith.constant 0 : i32
      %scatter3A_3277 = tpu.memref_slice %arg7[%select_n3A_310, %scatter3A_3275, %scatter3A_3276] : memref<2x32x129xf32, #tpu.memory_space<vmem>> -> memref<1x32x129xf32, #tpu.memory_space<vmem>>
      %scatter3A_3278 = tpu.memref_squeeze %scatter3A_3277 : memref<1x32x129xf32, #tpu.memory_space<vmem>> -> memref<32x129xf32, #tpu.memory_space<vmem>>
      tpu.vector_store_idx %scatter3A_3278[%add3A_3274, %broadcast_in_dim3A_3266], %get3A_3271 : memref<32x129xf32, #tpu.memory_space<vmem>>[vector<16xi32>, vector<16xi32>], vector<16xf32>,
      %get3A_3279 = arith.constant 113 : i32
      %get3A_3280 = arith.index_cast %select_n3A_294 : i32 to index
      %get3A_3281 = arith.index_cast %get3A_3279 : i32 to index
      %get3A_3282 = arith.constant 16 : index
      %get3A_3283 = tpu.vector_load %arg6[%get3A_3280, %get3A_3281, %get3A_3282] {strides = array<i32>} : memref<4x128x32xf32, #tpu.memory_space<vmem>>, vector<16xf32>,
      %add3A_3284 = arith.constant 16 : i32
      %add3A_3285 = vector.broadcast %add3A_3284 : i32 to vector<16xi32>
      %add3A_3286 = arith.addi %iota3A, %add3A_3285 : vector<16xi32>
      %scatter3A_3287 = arith.constant 0 : i32
      %scatter3A_3288 = arith.constant 0 : i32
      %scatter3A_3289 = tpu.memref_slice %arg7[%select_n3A_310, %scatter3A_3287, %scatter3A_3288] : memref<2x32x129xf32, #tpu.memory_space<vmem>> -> memref<1x32x129xf32, #tpu.memory_space<vmem>>
      %scatter3A_3290 = tpu.memref_squeeze %scatter3A_3289 : memref<1x32x129xf32, #tpu.memory_space<vmem>> -> memref<32x129xf32, #tpu.memory_space<vmem>>
      tpu.vector_store_idx %scatter3A_3290[%add3A_3286, %broadcast_in_dim3A_3266], %get3A_3283 : memref<32x129xf32, #tpu.memory_space<vmem>>[vector<16xi32>, vector<16xi32>], vector<16xf32>,
      %broadcast_in_dim3A_3291 = arith.constant 114 : i32
      %broadcast_in_dim3A_3292 = vector.broadcast %broadcast_in_dim3A_3291 : i32 to vector<16xi32>
      %get3A_3293 = arith.constant 114 : i32
      %get3A_3294 = arith.index_cast %select_n3A_294 : i32 to index
      %get3A_3295 = arith.index_cast %get3A_3293 : i32 to index
      %get3A_3296 = arith.constant 0 : index
      %get3A_3297 = tpu.vector_load %arg6[%get3A_3294, %get3A_3295, %get3A_3296] {strides = array<i32>} : memref<4x128x32xf32, #tpu.memory_space<vmem>>, vector<16xf32>,
      %add3A_3298 = arith.constant 0 : i32
      %add3A_3299 = vector.broadcast %add3A_3298 : i32 to vector<16xi32>
      %add3A_3300 = arith.addi %iota3A, %add3A_3299 : vector<16xi32>
      %scatter3A_3301 = arith.constant 0 : i32
      %scatter3A_3302 = arith.constant 0 : i32
      %scatter3A_3303 = tpu.memref_slice %arg7[%select_n3A_310, %scatter3A_3301, %scatter3A_3302] : memref<2x32x129xf32, #tpu.memory_space<vmem>> -> memref<1x32x129xf32, #tpu.memory_space<vmem>>
      %scatter3A_3304 = tpu.memref_squeeze %scatter3A_3303 : memref<1x32x129xf32, #tpu.memory_space<vmem>> -> memref<32x129xf32, #tpu.memory_space<vmem>>
      tpu.vector_store_idx %scatter3A_3304[%add3A_3300, %broadcast_in_dim3A_3292], %get3A_3297 : memref<32x129xf32, #tpu.memory_space<vmem>>[vector<16xi32>, vector<16xi32>], vector<16xf32>,
      %get3A_3305 = arith.constant 114 : i32
      %get3A_3306 = arith.index_cast %select_n3A_294 : i32 to index
      %get3A_3307 = arith.index_cast %get3A_3305 : i32 to index
      %get3A_3308 = arith.constant 16 : index
      %get3A_3309 = tpu.vector_load %arg6[%get3A_3306, %get3A_3307, %get3A_3308] {strides = array<i32>} : memref<4x128x32xf32, #tpu.memory_space<vmem>>, vector<16xf32>,
      %add3A_3310 = arith.constant 16 : i32
      %add3A_3311 = vector.broadcast %add3A_3310 : i32 to vector<16xi32>
      %add3A_3312 = arith.addi %iota3A, %add3A_3311 : vector<16xi32>
      %scatter3A_3313 = arith.constant 0 : i32
      %scatter3A_3314 = arith.constant 0 : i32
      %scatter3A_3315 = tpu.memref_slice %arg7[%select_n3A_310, %scatter3A_3313, %scatter3A_3314] : memref<2x32x129xf32, #tpu.memory_space<vmem>> -> memref<1x32x129xf32, #tpu.memory_space<vmem>>
      %scatter3A_3316 = tpu.memref_squeeze %scatter3A_3315 : memref<1x32x129xf32, #tpu.memory_space<vmem>> -> memref<32x129xf32, #tpu.memory_space<vmem>>
      tpu.vector_store_idx %scatter3A_3316[%add3A_3312, %broadcast_in_dim3A_3292], %get3A_3309 : memref<32x129xf32, #tpu.memory_space<vmem>>[vector<16xi32>, vector<16xi32>], vector<16xf32>,
      %broadcast_in_dim3A_3317 = arith.constant 115 : i32
      %broadcast_in_dim3A_3318 = vector.broadcast %broadcast_in_dim3A_3317 : i32 to vector<16xi32>
      %get3A_3319 = arith.constant 115 : i32
      %get3A_3320 = arith.index_cast %select_n3A_294 : i32 to index
      %get3A_3321 = arith.index_cast %get3A_3319 : i32 to index
      %get3A_3322 = arith.constant 0 : index
      %get3A_3323 = tpu.vector_load %arg6[%get3A_3320, %get3A_3321, %get3A_3322] {strides = array<i32>} : memref<4x128x32xf32, #tpu.memory_space<vmem>>, vector<16xf32>,
      %add3A_3324 = arith.constant 0 : i32
      %add3A_3325 = vector.broadcast %add3A_3324 : i32 to vector<16xi32>
      %add3A_3326 = arith.addi %iota3A, %add3A_3325 : vector<16xi32>
      %scatter3A_3327 = arith.constant 0 : i32
      %scatter3A_3328 = arith.constant 0 : i32
      %scatter3A_3329 = tpu.memref_slice %arg7[%select_n3A_310, %scatter3A_3327, %scatter3A_3328] : memref<2x32x129xf32, #tpu.memory_space<vmem>> -> memref<1x32x129xf32, #tpu.memory_space<vmem>>
      %scatter3A_3330 = tpu.memref_squeeze %scatter3A_3329 : memref<1x32x129xf32, #tpu.memory_space<vmem>> -> memref<32x129xf32, #tpu.memory_space<vmem>>
      tpu.vector_store_idx %scatter3A_3330[%add3A_3326, %broadcast_in_dim3A_3318], %get3A_3323 : memref<32x129xf32, #tpu.memory_space<vmem>>[vector<16xi32>, vector<16xi32>], vector<16xf32>,
      %get3A_3331 = arith.constant 115 : i32
      %get3A_3332 = arith.index_cast %select_n3A_294 : i32 to index
      %get3A_3333 = arith.index_cast %get3A_3331 : i32 to index
      %get3A_3334 = arith.constant 16 : index
      %get3A_3335 = tpu.vector_load %arg6[%get3A_3332, %get3A_3333, %get3A_3334] {strides = array<i32>} : memref<4x128x32xf32, #tpu.memory_space<vmem>>, vector<16xf32>,
      %add3A_3336 = arith.constant 16 : i32
      %add3A_3337 = vector.broadcast %add3A_3336 : i32 to vector<16xi32>
      %add3A_3338 = arith.addi %iota3A, %add3A_3337 : vector<16xi32>
      %scatter3A_3339 = arith.constant 0 : i32
      %scatter3A_3340 = arith.constant 0 : i32
      %scatter3A_3341 = tpu.memref_slice %arg7[%select_n3A_310, %scatter3A_3339, %scatter3A_3340] : memref<2x32x129xf32, #tpu.memory_space<vmem>> -> memref<1x32x129xf32, #tpu.memory_space<vmem>>
      %scatter3A_3342 = tpu.memref_squeeze %scatter3A_3341 : memref<1x32x129xf32, #tpu.memory_space<vmem>> -> memref<32x129xf32, #tpu.memory_space<vmem>>
      tpu.vector_store_idx %scatter3A_3342[%add3A_3338, %broadcast_in_dim3A_3318], %get3A_3335 : memref<32x129xf32, #tpu.memory_space<vmem>>[vector<16xi32>, vector<16xi32>], vector<16xf32>,
      %broadcast_in_dim3A_3343 = arith.constant 116 : i32
      %broadcast_in_dim3A_3344 = vector.broadcast %broadcast_in_dim3A_3343 : i32 to vector<16xi32>
      %get3A_3345 = arith.constant 116 : i32
      %get3A_3346 = arith.index_cast %select_n3A_294 : i32 to index
      %get3A_3347 = arith.index_cast %get3A_3345 : i32 to index
      %get3A_3348 = arith.constant 0 : index
      %get3A_3349 = tpu.vector_load %arg6[%get3A_3346, %get3A_3347, %get3A_3348] {strides = array<i32>} : memref<4x128x32xf32, #tpu.memory_space<vmem>>, vector<16xf32>,
      %add3A_3350 = arith.constant 0 : i32
      %add3A_3351 = vector.broadcast %add3A_3350 : i32 to vector<16xi32>
      %add3A_3352 = arith.addi %iota3A, %add3A_3351 : vector<16xi32>
      %scatter3A_3353 = arith.constant 0 : i32
      %scatter3A_3354 = arith.constant 0 : i32
      %scatter3A_3355 = tpu.memref_slice %arg7[%select_n3A_310, %scatter3A_3353, %scatter3A_3354] : memref<2x32x129xf32, #tpu.memory_space<vmem>> -> memref<1x32x129xf32, #tpu.memory_space<vmem>>
      %scatter3A_3356 = tpu.memref_squeeze %scatter3A_3355 : memref<1x32x129xf32, #tpu.memory_space<vmem>> -> memref<32x129xf32, #tpu.memory_space<vmem>>
      tpu.vector_store_idx %scatter3A_3356[%add3A_3352, %broadcast_in_dim3A_3344], %get3A_3349 : memref<32x129xf32, #tpu.memory_space<vmem>>[vector<16xi32>, vector<16xi32>], vector<16xf32>,
      %get3A_3357 = arith.constant 116 : i32
      %get3A_3358 = arith.index_cast %select_n3A_294 : i32 to index
      %get3A_3359 = arith.index_cast %get3A_3357 : i32 to index
      %get3A_3360 = arith.constant 16 : index
      %get3A_3361 = tpu.vector_load %arg6[%get3A_3358, %get3A_3359, %get3A_3360] {strides = array<i32>} : memref<4x128x32xf32, #tpu.memory_space<vmem>>, vector<16xf32>,
      %add3A_3362 = arith.constant 16 : i32
      %add3A_3363 = vector.broadcast %add3A_3362 : i32 to vector<16xi32>
      %add3A_3364 = arith.addi %iota3A, %add3A_3363 : vector<16xi32>
      %scatter3A_3365 = arith.constant 0 : i32
      %scatter3A_3366 = arith.constant 0 : i32
      %scatter3A_3367 = tpu.memref_slice %arg7[%select_n3A_310, %scatter3A_3365, %scatter3A_3366] : memref<2x32x129xf32, #tpu.memory_space<vmem>> -> memref<1x32x129xf32, #tpu.memory_space<vmem>>
      %scatter3A_3368 = tpu.memref_squeeze %scatter3A_3367 : memref<1x32x129xf32, #tpu.memory_space<vmem>> -> memref<32x129xf32, #tpu.memory_space<vmem>>
      tpu.vector_store_idx %scatter3A_3368[%add3A_3364, %broadcast_in_dim3A_3344], %get3A_3361 : memref<32x129xf32, #tpu.memory_space<vmem>>[vector<16xi32>, vector<16xi32>], vector<16xf32>,
      %broadcast_in_dim3A_3369 = arith.constant 117 : i32
      %broadcast_in_dim3A_3370 = vector.broadcast %broadcast_in_dim3A_3369 : i32 to vector<16xi32>
      %get3A_3371 = arith.constant 117 : i32
      %get3A_3372 = arith.index_cast %select_n3A_294 : i32 to index
      %get3A_3373 = arith.index_cast %get3A_3371 : i32 to index
      %get3A_3374 = arith.constant 0 : index
      %get3A_3375 = tpu.vector_load %arg6[%get3A_3372, %get3A_3373, %get3A_3374] {strides = array<i32>} : memref<4x128x32xf32, #tpu.memory_space<vmem>>, vector<16xf32>,
      %add3A_3376 = arith.constant 0 : i32
      %add3A_3377 = vector.broadcast %add3A_3376 : i32 to vector<16xi32>
      %add3A_3378 = arith.addi %iota3A, %add3A_3377 : vector<16xi32>
      %scatter3A_3379 = arith.constant 0 : i32
      %scatter3A_3380 = arith.constant 0 : i32
      %scatter3A_3381 = tpu.memref_slice %arg7[%select_n3A_310, %scatter3A_3379, %scatter3A_3380] : memref<2x32x129xf32, #tpu.memory_space<vmem>> -> memref<1x32x129xf32, #tpu.memory_space<vmem>>
      %scatter3A_3382 = tpu.memref_squeeze %scatter3A_3381 : memref<1x32x129xf32, #tpu.memory_space<vmem>> -> memref<32x129xf32, #tpu.memory_space<vmem>>
      tpu.vector_store_idx %scatter3A_3382[%add3A_3378, %broadcast_in_dim3A_3370], %get3A_3375 : memref<32x129xf32, #tpu.memory_space<vmem>>[vector<16xi32>, vector<16xi32>], vector<16xf32>,
      %get3A_3383 = arith.constant 117 : i32
      %get3A_3384 = arith.index_cast %select_n3A_294 : i32 to index
      %get3A_3385 = arith.index_cast %get3A_3383 : i32 to index
      %get3A_3386 = arith.constant 16 : index
      %get3A_3387 = tpu.vector_load %arg6[%get3A_3384, %get3A_3385, %get3A_3386] {strides = array<i32>} : memref<4x128x32xf32, #tpu.memory_space<vmem>>, vector<16xf32>,
      %add3A_3388 = arith.constant 16 : i32
      %add3A_3389 = vector.broadcast %add3A_3388 : i32 to vector<16xi32>
      %add3A_3390 = arith.addi %iota3A, %add3A_3389 : vector<16xi32>
      %scatter3A_3391 = arith.constant 0 : i32
      %scatter3A_3392 = arith.constant 0 : i32
      %scatter3A_3393 = tpu.memref_slice %arg7[%select_n3A_310, %scatter3A_3391, %scatter3A_3392] : memref<2x32x129xf32, #tpu.memory_space<vmem>> -> memref<1x32x129xf32, #tpu.memory_space<vmem>>
      %scatter3A_3394 = tpu.memref_squeeze %scatter3A_3393 : memref<1x32x129xf32, #tpu.memory_space<vmem>> -> memref<32x129xf32, #tpu.memory_space<vmem>>
      tpu.vector_store_idx %scatter3A_3394[%add3A_3390, %broadcast_in_dim3A_3370], %get3A_3387 : memref<32x129xf32, #tpu.memory_space<vmem>>[vector<16xi32>, vector<16xi32>], vector<16xf32>,
      %broadcast_in_dim3A_3395 = arith.constant 118 : i32
      %broadcast_in_dim3A_3396 = vector.broadcast %broadcast_in_dim3A_3395 : i32 to vector<16xi32>
      %get3A_3397 = arith.constant 118 : i32
      %get3A_3398 = arith.index_cast %select_n3A_294 : i32 to index
      %get3A_3399 = arith.index_cast %get3A_3397 : i32 to index
      %get3A_3400 = arith.constant 0 : index
      %get3A_3401 = tpu.vector_load %arg6[%get3A_3398, %get3A_3399, %get3A_3400] {strides = array<i32>} : memref<4x128x32xf32, #tpu.memory_space<vmem>>, vector<16xf32>,
      %add3A_3402 = arith.constant 0 : i32
      %add3A_3403 = vector.broadcast %add3A_3402 : i32 to vector<16xi32>
      %add3A_3404 = arith.addi %iota3A, %add3A_3403 : vector<16xi32>
      %scatter3A_3405 = arith.constant 0 : i32
      %scatter3A_3406 = arith.constant 0 : i32
      %scatter3A_3407 = tpu.memref_slice %arg7[%select_n3A_310, %scatter3A_3405, %scatter3A_3406] : memref<2x32x129xf32, #tpu.memory_space<vmem>> -> memref<1x32x129xf32, #tpu.memory_space<vmem>>
      %scatter3A_3408 = tpu.memref_squeeze %scatter3A_3407 : memref<1x32x129xf32, #tpu.memory_space<vmem>> -> memref<32x129xf32, #tpu.memory_space<vmem>>
      tpu.vector_store_idx %scatter3A_3408[%add3A_3404, %broadcast_in_dim3A_3396], %get3A_3401 : memref<32x129xf32, #tpu.memory_space<vmem>>[vector<16xi32>, vector<16xi32>], vector<16xf32>,
      %get3A_3409 = arith.constant 118 : i32
      %get3A_3410 = arith.index_cast %select_n3A_294 : i32 to index
      %get3A_3411 = arith.index_cast %get3A_3409 : i32 to index
      %get3A_3412 = arith.constant 16 : index
      %get3A_3413 = tpu.vector_load %arg6[%get3A_3410, %get3A_3411, %get3A_3412] {strides = array<i32>} : memref<4x128x32xf32, #tpu.memory_space<vmem>>, vector<16xf32>,
      %add3A_3414 = arith.constant 16 : i32
      %add3A_3415 = vector.broadcast %add3A_3414 : i32 to vector<16xi32>
      %add3A_3416 = arith.addi %iota3A, %add3A_3415 : vector<16xi32>
      %scatter3A_3417 = arith.constant 0 : i32
      %scatter3A_3418 = arith.constant 0 : i32
      %scatter3A_3419 = tpu.memref_slice %arg7[%select_n3A_310, %scatter3A_3417, %scatter3A_3418] : memref<2x32x129xf32, #tpu.memory_space<vmem>> -> memref<1x32x129xf32, #tpu.memory_space<vmem>>
      %scatter3A_3420 = tpu.memref_squeeze %scatter3A_3419 : memref<1x32x129xf32, #tpu.memory_space<vmem>> -> memref<32x129xf32, #tpu.memory_space<vmem>>
      tpu.vector_store_idx %scatter3A_3420[%add3A_3416, %broadcast_in_dim3A_3396], %get3A_3413 : memref<32x129xf32, #tpu.memory_space<vmem>>[vector<16xi32>, vector<16xi32>], vector<16xf32>,
      %broadcast_in_dim3A_3421 = arith.constant 119 : i32
      %broadcast_in_dim3A_3422 = vector.broadcast %broadcast_in_dim3A_3421 : i32 to vector<16xi32>
      %get3A_3423 = arith.constant 119 : i32
      %get3A_3424 = arith.index_cast %select_n3A_294 : i32 to index
      %get3A_3425 = arith.index_cast %get3A_3423 : i32 to index
      %get3A_3426 = arith.constant 0 : index
      %get3A_3427 = tpu.vector_load %arg6[%get3A_3424, %get3A_3425, %get3A_3426] {strides = array<i32>} : memref<4x128x32xf32, #tpu.memory_space<vmem>>, vector<16xf32>,
      %add3A_3428 = arith.constant 0 : i32
      %add3A_3429 = vector.broadcast %add3A_3428 : i32 to vector<16xi32>
      %add3A_3430 = arith.addi %iota3A, %add3A_3429 : vector<16xi32>
      %scatter3A_3431 = arith.constant 0 : i32
      %scatter3A_3432 = arith.constant 0 : i32
      %scatter3A_3433 = tpu.memref_slice %arg7[%select_n3A_310, %scatter3A_3431, %scatter3A_3432] : memref<2x32x129xf32, #tpu.memory_space<vmem>> -> memref<1x32x129xf32, #tpu.memory_space<vmem>>
      %scatter3A_3434 = tpu.memref_squeeze %scatter3A_3433 : memref<1x32x129xf32, #tpu.memory_space<vmem>> -> memref<32x129xf32, #tpu.memory_space<vmem>>
      tpu.vector_store_idx %scatter3A_3434[%add3A_3430, %broadcast_in_dim3A_3422], %get3A_3427 : memref<32x129xf32, #tpu.memory_space<vmem>>[vector<16xi32>, vector<16xi32>], vector<16xf32>,
      %get3A_3435 = arith.constant 119 : i32
      %get3A_3436 = arith.index_cast %select_n3A_294 : i32 to index
      %get3A_3437 = arith.index_cast %get3A_3435 : i32 to index
      %get3A_3438 = arith.constant 16 : index
      %get3A_3439 = tpu.vector_load %arg6[%get3A_3436, %get3A_3437, %get3A_3438] {strides = array<i32>} : memref<4x128x32xf32, #tpu.memory_space<vmem>>, vector<16xf32>,
      %add3A_3440 = arith.constant 16 : i32
      %add3A_3441 = vector.broadcast %add3A_3440 : i32 to vector<16xi32>
      %add3A_3442 = arith.addi %iota3A, %add3A_3441 : vector<16xi32>
      %scatter3A_3443 = arith.constant 0 : i32
      %scatter3A_3444 = arith.constant 0 : i32
      %scatter3A_3445 = tpu.memref_slice %arg7[%select_n3A_310, %scatter3A_3443, %scatter3A_3444] : memref<2x32x129xf32, #tpu.memory_space<vmem>> -> memref<1x32x129xf32, #tpu.memory_space<vmem>>
      %scatter3A_3446 = tpu.memref_squeeze %scatter3A_3445 : memref<1x32x129xf32, #tpu.memory_space<vmem>> -> memref<32x129xf32, #tpu.memory_space<vmem>>
      tpu.vector_store_idx %scatter3A_3446[%add3A_3442, %broadcast_in_dim3A_3422], %get3A_3439 : memref<32x129xf32, #tpu.memory_space<vmem>>[vector<16xi32>, vector<16xi32>], vector<16xf32>,
      %broadcast_in_dim3A_3447 = arith.constant 120 : i32
      %broadcast_in_dim3A_3448 = vector.broadcast %broadcast_in_dim3A_3447 : i32 to vector<16xi32>
      %get3A_3449 = arith.constant 120 : i32
      %get3A_3450 = arith.index_cast %select_n3A_294 : i32 to index
      %get3A_3451 = arith.index_cast %get3A_3449 : i32 to index
      %get3A_3452 = arith.constant 0 : index
      %get3A_3453 = tpu.vector_load %arg6[%get3A_3450, %get3A_3451, %get3A_3452] {strides = array<i32>} : memref<4x128x32xf32, #tpu.memory_space<vmem>>, vector<16xf32>,
      %add3A_3454 = arith.constant 0 : i32
      %add3A_3455 = vector.broadcast %add3A_3454 : i32 to vector<16xi32>
      %add3A_3456 = arith.addi %iota3A, %add3A_3455 : vector<16xi32>
      %scatter3A_3457 = arith.constant 0 : i32
      %scatter3A_3458 = arith.constant 0 : i32
      %scatter3A_3459 = tpu.memref_slice %arg7[%select_n3A_310, %scatter3A_3457, %scatter3A_3458] : memref<2x32x129xf32, #tpu.memory_space<vmem>> -> memref<1x32x129xf32, #tpu.memory_space<vmem>>
      %scatter3A_3460 = tpu.memref_squeeze %scatter3A_3459 : memref<1x32x129xf32, #tpu.memory_space<vmem>> -> memref<32x129xf32, #tpu.memory_space<vmem>>
      tpu.vector_store_idx %scatter3A_3460[%add3A_3456, %broadcast_in_dim3A_3448], %get3A_3453 : memref<32x129xf32, #tpu.memory_space<vmem>>[vector<16xi32>, vector<16xi32>], vector<16xf32>,
      %get3A_3461 = arith.constant 120 : i32
      %get3A_3462 = arith.index_cast %select_n3A_294 : i32 to index
      %get3A_3463 = arith.index_cast %get3A_3461 : i32 to index
      %get3A_3464 = arith.constant 16 : index
      %get3A_3465 = tpu.vector_load %arg6[%get3A_3462, %get3A_3463, %get3A_3464] {strides = array<i32>} : memref<4x128x32xf32, #tpu.memory_space<vmem>>, vector<16xf32>,
      %add3A_3466 = arith.constant 16 : i32
      %add3A_3467 = vector.broadcast %add3A_3466 : i32 to vector<16xi32>
      %add3A_3468 = arith.addi %iota3A, %add3A_3467 : vector<16xi32>
      %scatter3A_3469 = arith.constant 0 : i32
      %scatter3A_3470 = arith.constant 0 : i32
      %scatter3A_3471 = tpu.memref_slice %arg7[%select_n3A_310, %scatter3A_3469, %scatter3A_3470] : memref<2x32x129xf32, #tpu.memory_space<vmem>> -> memref<1x32x129xf32, #tpu.memory_space<vmem>>
      %scatter3A_3472 = tpu.memref_squeeze %scatter3A_3471 : memref<1x32x129xf32, #tpu.memory_space<vmem>> -> memref<32x129xf32, #tpu.memory_space<vmem>>
      tpu.vector_store_idx %scatter3A_3472[%add3A_3468, %broadcast_in_dim3A_3448], %get3A_3465 : memref<32x129xf32, #tpu.memory_space<vmem>>[vector<16xi32>, vector<16xi32>], vector<16xf32>,
      %broadcast_in_dim3A_3473 = arith.constant 121 : i32
      %broadcast_in_dim3A_3474 = vector.broadcast %broadcast_in_dim3A_3473 : i32 to vector<16xi32>
      %get3A_3475 = arith.constant 121 : i32
      %get3A_3476 = arith.index_cast %select_n3A_294 : i32 to index
      %get3A_3477 = arith.index_cast %get3A_3475 : i32 to index
      %get3A_3478 = arith.constant 0 : index
      %get3A_3479 = tpu.vector_load %arg6[%get3A_3476, %get3A_3477, %get3A_3478] {strides = array<i32>} : memref<4x128x32xf32, #tpu.memory_space<vmem>>, vector<16xf32>,
      %add3A_3480 = arith.constant 0 : i32
      %add3A_3481 = vector.broadcast %add3A_3480 : i32 to vector<16xi32>
      %add3A_3482 = arith.addi %iota3A, %add3A_3481 : vector<16xi32>
      %scatter3A_3483 = arith.constant 0 : i32
      %scatter3A_3484 = arith.constant 0 : i32
      %scatter3A_3485 = tpu.memref_slice %arg7[%select_n3A_310, %scatter3A_3483, %scatter3A_3484] : memref<2x32x129xf32, #tpu.memory_space<vmem>> -> memref<1x32x129xf32, #tpu.memory_space<vmem>>
      %scatter3A_3486 = tpu.memref_squeeze %scatter3A_3485 : memref<1x32x129xf32, #tpu.memory_space<vmem>> -> memref<32x129xf32, #tpu.memory_space<vmem>>
      tpu.vector_store_idx %scatter3A_3486[%add3A_3482, %broadcast_in_dim3A_3474], %get3A_3479 : memref<32x129xf32, #tpu.memory_space<vmem>>[vector<16xi32>, vector<16xi32>], vector<16xf32>,
      %get3A_3487 = arith.constant 121 : i32
      %get3A_3488 = arith.index_cast %select_n3A_294 : i32 to index
      %get3A_3489 = arith.index_cast %get3A_3487 : i32 to index
      %get3A_3490 = arith.constant 16 : index
      %get3A_3491 = tpu.vector_load %arg6[%get3A_3488, %get3A_3489, %get3A_3490] {strides = array<i32>} : memref<4x128x32xf32, #tpu.memory_space<vmem>>, vector<16xf32>,
      %add3A_3492 = arith.constant 16 : i32
      %add3A_3493 = vector.broadcast %add3A_3492 : i32 to vector<16xi32>
      %add3A_3494 = arith.addi %iota3A, %add3A_3493 : vector<16xi32>
      %scatter3A_3495 = arith.constant 0 : i32
      %scatter3A_3496 = arith.constant 0 : i32
      %scatter3A_3497 = tpu.memref_slice %arg7[%select_n3A_310, %scatter3A_3495, %scatter3A_3496] : memref<2x32x129xf32, #tpu.memory_space<vmem>> -> memref<1x32x129xf32, #tpu.memory_space<vmem>>
      %scatter3A_3498 = tpu.memref_squeeze %scatter3A_3497 : memref<1x32x129xf32, #tpu.memory_space<vmem>> -> memref<32x129xf32, #tpu.memory_space<vmem>>
      tpu.vector_store_idx %scatter3A_3498[%add3A_3494, %broadcast_in_dim3A_3474], %get3A_3491 : memref<32x129xf32, #tpu.memory_space<vmem>>[vector<16xi32>, vector<16xi32>], vector<16xf32>,
      %broadcast_in_dim3A_3499 = arith.constant 122 : i32
      %broadcast_in_dim3A_3500 = vector.broadcast %broadcast_in_dim3A_3499 : i32 to vector<16xi32>
      %get3A_3501 = arith.constant 122 : i32
      %get3A_3502 = arith.index_cast %select_n3A_294 : i32 to index
      %get3A_3503 = arith.index_cast %get3A_3501 : i32 to index
      %get3A_3504 = arith.constant 0 : index
      %get3A_3505 = tpu.vector_load %arg6[%get3A_3502, %get3A_3503, %get3A_3504] {strides = array<i32>} : memref<4x128x32xf32, #tpu.memory_space<vmem>>, vector<16xf32>,
      %add3A_3506 = arith.constant 0 : i32
      %add3A_3507 = vector.broadcast %add3A_3506 : i32 to vector<16xi32>
      %add3A_3508 = arith.addi %iota3A, %add3A_3507 : vector<16xi32>
      %scatter3A_3509 = arith.constant 0 : i32
      %scatter3A_3510 = arith.constant 0 : i32
      %scatter3A_3511 = tpu.memref_slice %arg7[%select_n3A_310, %scatter3A_3509, %scatter3A_3510] : memref<2x32x129xf32, #tpu.memory_space<vmem>> -> memref<1x32x129xf32, #tpu.memory_space<vmem>>
      %scatter3A_3512 = tpu.memref_squeeze %scatter3A_3511 : memref<1x32x129xf32, #tpu.memory_space<vmem>> -> memref<32x129xf32, #tpu.memory_space<vmem>>
      tpu.vector_store_idx %scatter3A_3512[%add3A_3508, %broadcast_in_dim3A_3500], %get3A_3505 : memref<32x129xf32, #tpu.memory_space<vmem>>[vector<16xi32>, vector<16xi32>], vector<16xf32>,
      %get3A_3513 = arith.constant 122 : i32
      %get3A_3514 = arith.index_cast %select_n3A_294 : i32 to index
      %get3A_3515 = arith.index_cast %get3A_3513 : i32 to index
      %get3A_3516 = arith.constant 16 : index
      %get3A_3517 = tpu.vector_load %arg6[%get3A_3514, %get3A_3515, %get3A_3516] {strides = array<i32>} : memref<4x128x32xf32, #tpu.memory_space<vmem>>, vector<16xf32>,
      %add3A_3518 = arith.constant 16 : i32
      %add3A_3519 = vector.broadcast %add3A_3518 : i32 to vector<16xi32>
      %add3A_3520 = arith.addi %iota3A, %add3A_3519 : vector<16xi32>
      %scatter3A_3521 = arith.constant 0 : i32
      %scatter3A_3522 = arith.constant 0 : i32
      %scatter3A_3523 = tpu.memref_slice %arg7[%select_n3A_310, %scatter3A_3521, %scatter3A_3522] : memref<2x32x129xf32, #tpu.memory_space<vmem>> -> memref<1x32x129xf32, #tpu.memory_space<vmem>>
      %scatter3A_3524 = tpu.memref_squeeze %scatter3A_3523 : memref<1x32x129xf32, #tpu.memory_space<vmem>> -> memref<32x129xf32, #tpu.memory_space<vmem>>
      tpu.vector_store_idx %scatter3A_3524[%add3A_3520, %broadcast_in_dim3A_3500], %get3A_3517 : memref<32x129xf32, #tpu.memory_space<vmem>>[vector<16xi32>, vector<16xi32>], vector<16xf32>,
      %broadcast_in_dim3A_3525 = arith.constant 123 : i32
      %broadcast_in_dim3A_3526 = vector.broadcast %broadcast_in_dim3A_3525 : i32 to vector<16xi32>
      %get3A_3527 = arith.constant 123 : i32
      %get3A_3528 = arith.index_cast %select_n3A_294 : i32 to index
      %get3A_3529 = arith.index_cast %get3A_3527 : i32 to index
      %get3A_3530 = arith.constant 0 : index
      %get3A_3531 = tpu.vector_load %arg6[%get3A_3528, %get3A_3529, %get3A_3530] {strides = array<i32>} : memref<4x128x32xf32, #tpu.memory_space<vmem>>, vector<16xf32>,
      %add3A_3532 = arith.constant 0 : i32
      %add3A_3533 = vector.broadcast %add3A_3532 : i32 to vector<16xi32>
      %add3A_3534 = arith.addi %iota3A, %add3A_3533 : vector<16xi32>
      %scatter3A_3535 = arith.constant 0 : i32
      %scatter3A_3536 = arith.constant 0 : i32
      %scatter3A_3537 = tpu.memref_slice %arg7[%select_n3A_310, %scatter3A_3535, %scatter3A_3536] : memref<2x32x129xf32, #tpu.memory_space<vmem>> -> memref<1x32x129xf32, #tpu.memory_space<vmem>>
      %scatter3A_3538 = tpu.memref_squeeze %scatter3A_3537 : memref<1x32x129xf32, #tpu.memory_space<vmem>> -> memref<32x129xf32, #tpu.memory_space<vmem>>
      tpu.vector_store_idx %scatter3A_3538[%add3A_3534, %broadcast_in_dim3A_3526], %get3A_3531 : memref<32x129xf32, #tpu.memory_space<vmem>>[vector<16xi32>, vector<16xi32>], vector<16xf32>,
      %get3A_3539 = arith.constant 123 : i32
      %get3A_3540 = arith.index_cast %select_n3A_294 : i32 to index
      %get3A_3541 = arith.index_cast %get3A_3539 : i32 to index
      %get3A_3542 = arith.constant 16 : index
      %get3A_3543 = tpu.vector_load %arg6[%get3A_3540, %get3A_3541, %get3A_3542] {strides = array<i32>} : memref<4x128x32xf32, #tpu.memory_space<vmem>>, vector<16xf32>,
      %add3A_3544 = arith.constant 16 : i32
      %add3A_3545 = vector.broadcast %add3A_3544 : i32 to vector<16xi32>
      %add3A_3546 = arith.addi %iota3A, %add3A_3545 : vector<16xi32>
      %scatter3A_3547 = arith.constant 0 : i32
      %scatter3A_3548 = arith.constant 0 : i32
      %scatter3A_3549 = tpu.memref_slice %arg7[%select_n3A_310, %scatter3A_3547, %scatter3A_3548] : memref<2x32x129xf32, #tpu.memory_space<vmem>> -> memref<1x32x129xf32, #tpu.memory_space<vmem>>
      %scatter3A_3550 = tpu.memref_squeeze %scatter3A_3549 : memref<1x32x129xf32, #tpu.memory_space<vmem>> -> memref<32x129xf32, #tpu.memory_space<vmem>>
      tpu.vector_store_idx %scatter3A_3550[%add3A_3546, %broadcast_in_dim3A_3526], %get3A_3543 : memref<32x129xf32, #tpu.memory_space<vmem>>[vector<16xi32>, vector<16xi32>], vector<16xf32>,
      %broadcast_in_dim3A_3551 = arith.constant 124 : i32
      %broadcast_in_dim3A_3552 = vector.broadcast %broadcast_in_dim3A_3551 : i32 to vector<16xi32>
      %get3A_3553 = arith.constant 124 : i32
      %get3A_3554 = arith.index_cast %select_n3A_294 : i32 to index
      %get3A_3555 = arith.index_cast %get3A_3553 : i32 to index
      %get3A_3556 = arith.constant 0 : index
      %get3A_3557 = tpu.vector_load %arg6[%get3A_3554, %get3A_3555, %get3A_3556] {strides = array<i32>} : memref<4x128x32xf32, #tpu.memory_space<vmem>>, vector<16xf32>,
      %add3A_3558 = arith.constant 0 : i32
      %add3A_3559 = vector.broadcast %add3A_3558 : i32 to vector<16xi32>
      %add3A_3560 = arith.addi %iota3A, %add3A_3559 : vector<16xi32>
      %scatter3A_3561 = arith.constant 0 : i32
      %scatter3A_3562 = arith.constant 0 : i32
      %scatter3A_3563 = tpu.memref_slice %arg7[%select_n3A_310, %scatter3A_3561, %scatter3A_3562] : memref<2x32x129xf32, #tpu.memory_space<vmem>> -> memref<1x32x129xf32, #tpu.memory_space<vmem>>
      %scatter3A_3564 = tpu.memref_squeeze %scatter3A_3563 : memref<1x32x129xf32, #tpu.memory_space<vmem>> -> memref<32x129xf32, #tpu.memory_space<vmem>>
      tpu.vector_store_idx %scatter3A_3564[%add3A_3560, %broadcast_in_dim3A_3552], %get3A_3557 : memref<32x129xf32, #tpu.memory_space<vmem>>[vector<16xi32>, vector<16xi32>], vector<16xf32>,
      %get3A_3565 = arith.constant 124 : i32
      %get3A_3566 = arith.index_cast %select_n3A_294 : i32 to index
      %get3A_3567 = arith.index_cast %get3A_3565 : i32 to index
      %get3A_3568 = arith.constant 16 : index
      %get3A_3569 = tpu.vector_load %arg6[%get3A_3566, %get3A_3567, %get3A_3568] {strides = array<i32>} : memref<4x128x32xf32, #tpu.memory_space<vmem>>, vector<16xf32>,
      %add3A_3570 = arith.constant 16 : i32
      %add3A_3571 = vector.broadcast %add3A_3570 : i32 to vector<16xi32>
      %add3A_3572 = arith.addi %iota3A, %add3A_3571 : vector<16xi32>
      %scatter3A_3573 = arith.constant 0 : i32
      %scatter3A_3574 = arith.constant 0 : i32
      %scatter3A_3575 = tpu.memref_slice %arg7[%select_n3A_310, %scatter3A_3573, %scatter3A_3574] : memref<2x32x129xf32, #tpu.memory_space<vmem>> -> memref<1x32x129xf32, #tpu.memory_space<vmem>>
      %scatter3A_3576 = tpu.memref_squeeze %scatter3A_3575 : memref<1x32x129xf32, #tpu.memory_space<vmem>> -> memref<32x129xf32, #tpu.memory_space<vmem>>
      tpu.vector_store_idx %scatter3A_3576[%add3A_3572, %broadcast_in_dim3A_3552], %get3A_3569 : memref<32x129xf32, #tpu.memory_space<vmem>>[vector<16xi32>, vector<16xi32>], vector<16xf32>,
      %broadcast_in_dim3A_3577 = arith.constant 125 : i32
      %broadcast_in_dim3A_3578 = vector.broadcast %broadcast_in_dim3A_3577 : i32 to vector<16xi32>
      %get3A_3579 = arith.constant 125 : i32
      %get3A_3580 = arith.index_cast %select_n3A_294 : i32 to index
      %get3A_3581 = arith.index_cast %get3A_3579 : i32 to index
      %get3A_3582 = arith.constant 0 : index
      %get3A_3583 = tpu.vector_load %arg6[%get3A_3580, %get3A_3581, %get3A_3582] {strides = array<i32>} : memref<4x128x32xf32, #tpu.memory_space<vmem>>, vector<16xf32>,
      %add3A_3584 = arith.constant 0 : i32
      %add3A_3585 = vector.broadcast %add3A_3584 : i32 to vector<16xi32>
      %add3A_3586 = arith.addi %iota3A, %add3A_3585 : vector<16xi32>
      %scatter3A_3587 = arith.constant 0 : i32
      %scatter3A_3588 = arith.constant 0 : i32
      %scatter3A_3589 = tpu.memref_slice %arg7[%select_n3A_310, %scatter3A_3587, %scatter3A_3588] : memref<2x32x129xf32, #tpu.memory_space<vmem>> -> memref<1x32x129xf32, #tpu.memory_space<vmem>>
      %scatter3A_3590 = tpu.memref_squeeze %scatter3A_3589 : memref<1x32x129xf32, #tpu.memory_space<vmem>> -> memref<32x129xf32, #tpu.memory_space<vmem>>
      tpu.vector_store_idx %scatter3A_3590[%add3A_3586, %broadcast_in_dim3A_3578], %get3A_3583 : memref<32x129xf32, #tpu.memory_space<vmem>>[vector<16xi32>, vector<16xi32>], vector<16xf32>,
      %get3A_3591 = arith.constant 125 : i32
      %get3A_3592 = arith.index_cast %select_n3A_294 : i32 to index
      %get3A_3593 = arith.index_cast %get3A_3591 : i32 to index
      %get3A_3594 = arith.constant 16 : index
      %get3A_3595 = tpu.vector_load %arg6[%get3A_3592, %get3A_3593, %get3A_3594] {strides = array<i32>} : memref<4x128x32xf32, #tpu.memory_space<vmem>>, vector<16xf32>,
      %add3A_3596 = arith.constant 16 : i32
      %add3A_3597 = vector.broadcast %add3A_3596 : i32 to vector<16xi32>
      %add3A_3598 = arith.addi %iota3A, %add3A_3597 : vector<16xi32>
      %scatter3A_3599 = arith.constant 0 : i32
      %scatter3A_3600 = arith.constant 0 : i32
      %scatter3A_3601 = tpu.memref_slice %arg7[%select_n3A_310, %scatter3A_3599, %scatter3A_3600] : memref<2x32x129xf32, #tpu.memory_space<vmem>> -> memref<1x32x129xf32, #tpu.memory_space<vmem>>
      %scatter3A_3602 = tpu.memref_squeeze %scatter3A_3601 : memref<1x32x129xf32, #tpu.memory_space<vmem>> -> memref<32x129xf32, #tpu.memory_space<vmem>>
      tpu.vector_store_idx %scatter3A_3602[%add3A_3598, %broadcast_in_dim3A_3578], %get3A_3595 : memref<32x129xf32, #tpu.memory_space<vmem>>[vector<16xi32>, vector<16xi32>], vector<16xf32>,
      %broadcast_in_dim3A_3603 = arith.constant 126 : i32
      %broadcast_in_dim3A_3604 = vector.broadcast %broadcast_in_dim3A_3603 : i32 to vector<16xi32>
      %get3A_3605 = arith.constant 126 : i32
      %get3A_3606 = arith.index_cast %select_n3A_294 : i32 to index
      %get3A_3607 = arith.index_cast %get3A_3605 : i32 to index
      %get3A_3608 = arith.constant 0 : index
      %get3A_3609 = tpu.vector_load %arg6[%get3A_3606, %get3A_3607, %get3A_3608] {strides = array<i32>} : memref<4x128x32xf32, #tpu.memory_space<vmem>>, vector<16xf32>,
      %add3A_3610 = arith.constant 0 : i32
      %add3A_3611 = vector.broadcast %add3A_3610 : i32 to vector<16xi32>
      %add3A_3612 = arith.addi %iota3A, %add3A_3611 : vector<16xi32>
      %scatter3A_3613 = arith.constant 0 : i32
      %scatter3A_3614 = arith.constant 0 : i32
      %scatter3A_3615 = tpu.memref_slice %arg7[%select_n3A_310, %scatter3A_3613, %scatter3A_3614] : memref<2x32x129xf32, #tpu.memory_space<vmem>> -> memref<1x32x129xf32, #tpu.memory_space<vmem>>
      %scatter3A_3616 = tpu.memref_squeeze %scatter3A_3615 : memref<1x32x129xf32, #tpu.memory_space<vmem>> -> memref<32x129xf32, #tpu.memory_space<vmem>>
      tpu.vector_store_idx %scatter3A_3616[%add3A_3612, %broadcast_in_dim3A_3604], %get3A_3609 : memref<32x129xf32, #tpu.memory_space<vmem>>[vector<16xi32>, vector<16xi32>], vector<16xf32>,
      %get3A_3617 = arith.constant 126 : i32
      %get3A_3618 = arith.index_cast %select_n3A_294 : i32 to index
      %get3A_3619 = arith.index_cast %get3A_3617 : i32 to index
      %get3A_3620 = arith.constant 16 : index
      %get3A_3621 = tpu.vector_load %arg6[%get3A_3618, %get3A_3619, %get3A_3620] {strides = array<i32>} : memref<4x128x32xf32, #tpu.memory_space<vmem>>, vector<16xf32>,
      %add3A_3622 = arith.constant 16 : i32
      %add3A_3623 = vector.broadcast %add3A_3622 : i32 to vector<16xi32>
      %add3A_3624 = arith.addi %iota3A, %add3A_3623 : vector<16xi32>
      %scatter3A_3625 = arith.constant 0 : i32
      %scatter3A_3626 = arith.constant 0 : i32
      %scatter3A_3627 = tpu.memref_slice %arg7[%select_n3A_310, %scatter3A_3625, %scatter3A_3626] : memref<2x32x129xf32, #tpu.memory_space<vmem>> -> memref<1x32x129xf32, #tpu.memory_space<vmem>>
      %scatter3A_3628 = tpu.memref_squeeze %scatter3A_3627 : memref<1x32x129xf32, #tpu.memory_space<vmem>> -> memref<32x129xf32, #tpu.memory_space<vmem>>
      tpu.vector_store_idx %scatter3A_3628[%add3A_3624, %broadcast_in_dim3A_3604], %get3A_3621 : memref<32x129xf32, #tpu.memory_space<vmem>>[vector<16xi32>, vector<16xi32>], vector<16xf32>,
      %broadcast_in_dim3A_3629 = arith.constant 127 : i32
      %broadcast_in_dim3A_3630 = vector.broadcast %broadcast_in_dim3A_3629 : i32 to vector<16xi32>
      %get3A_3631 = arith.constant 127 : i32
      %get3A_3632 = arith.index_cast %select_n3A_294 : i32 to index
      %get3A_3633 = arith.index_cast %get3A_3631 : i32 to index
      %get3A_3634 = arith.constant 0 : index
      %get3A_3635 = tpu.vector_load %arg6[%get3A_3632, %get3A_3633, %get3A_3634] {strides = array<i32>} : memref<4x128x32xf32, #tpu.memory_space<vmem>>, vector<16xf32>,
      %add3A_3636 = arith.constant 0 : i32
      %add3A_3637 = vector.broadcast %add3A_3636 : i32 to vector<16xi32>
      %add3A_3638 = arith.addi %iota3A, %add3A_3637 : vector<16xi32>
      %scatter3A_3639 = arith.constant 0 : i32
      %scatter3A_3640 = arith.constant 0 : i32
      %scatter3A_3641 = tpu.memref_slice %arg7[%select_n3A_310, %scatter3A_3639, %scatter3A_3640] : memref<2x32x129xf32, #tpu.memory_space<vmem>> -> memref<1x32x129xf32, #tpu.memory_space<vmem>>
      %scatter3A_3642 = tpu.memref_squeeze %scatter3A_3641 : memref<1x32x129xf32, #tpu.memory_space<vmem>> -> memref<32x129xf32, #tpu.memory_space<vmem>>
      tpu.vector_store_idx %scatter3A_3642[%add3A_3638, %broadcast_in_dim3A_3630], %get3A_3635 : memref<32x129xf32, #tpu.memory_space<vmem>>[vector<16xi32>, vector<16xi32>], vector<16xf32>,
      %get3A_3643 = arith.constant 127 : i32
      %get3A_3644 = arith.index_cast %select_n3A_294 : i32 to index
      %get3A_3645 = arith.index_cast %get3A_3643 : i32 to index
      %get3A_3646 = arith.constant 16 : index
      %get3A_3647 = tpu.vector_load %arg6[%get3A_3644, %get3A_3645, %get3A_3646] {strides = array<i32>} : memref<4x128x32xf32, #tpu.memory_space<vmem>>, vector<16xf32>,
      %add3A_3648 = arith.constant 16 : i32
      %add3A_3649 = vector.broadcast %add3A_3648 : i32 to vector<16xi32>
      %add3A_3650 = arith.addi %iota3A, %add3A_3649 : vector<16xi32>
      %scatter3A_3651 = arith.constant 0 : i32
      %scatter3A_3652 = arith.constant 0 : i32
      %scatter3A_3653 = tpu.memref_slice %arg7[%select_n3A_310, %scatter3A_3651, %scatter3A_3652] : memref<2x32x129xf32, #tpu.memory_space<vmem>> -> memref<1x32x129xf32, #tpu.memory_space<vmem>>
      %scatter3A_3654 = tpu.memref_squeeze %scatter3A_3653 : memref<1x32x129xf32, #tpu.memory_space<vmem>> -> memref<32x129xf32, #tpu.memory_space<vmem>>
      tpu.vector_store_idx %scatter3A_3654[%add3A_3650, %broadcast_in_dim3A_3630], %get3A_3647 : memref<32x129xf32, #tpu.memory_space<vmem>>[vector<16xi32>, vector<16xi32>], vector<16xf32>,
      %add3A_3655 = arith.addi %mul3A_2, %scan3A_278 : i32
      %jit3A_3656 = arith.constant 128 : i32
      %div3A_3657 = arith.divsi %add3A_3655, %jit3A_3656 : i32
      %sign3A_3658 = arith.constant 0 : i32
      %sign3A_3659 = arith.cmpi sgt, %add3A_3655, %sign3A_3658 : i32
      %sign3A_3660 = arith.extui %sign3A_3659 : i1 to i32
      %sign3A_3661 = arith.constant 0 : i32
      %sign3A_3662 = arith.cmpi slt, %add3A_3655, %sign3A_3661 : i32
      %sign3A_3663 = arith.extui %sign3A_3662 : i1 to i32
      %sign3A_3664 = arith.subi %sign3A_3660, %sign3A_3663 : i32
      %sign3A_3665 = arith.constant 0 : i32
      %sign3A_3666 = arith.cmpi sgt, %jit3A_3656, %sign3A_3665 : i32
      %sign3A_3667 = arith.extui %sign3A_3666 : i1 to i32
      %sign3A_3668 = arith.constant 0 : i32
      %sign3A_3669 = arith.cmpi slt, %jit3A_3656, %sign3A_3668 : i32
      %sign3A_3670 = arith.extui %sign3A_3669 : i1 to i32
      %sign3A_3671 = arith.subi %sign3A_3667, %sign3A_3670 : i32
      %ne3A_3672 = arith.cmpi ne, %sign3A_3664, %sign3A_3671 : i32
      %rem3A_3673 = arith.remsi %add3A_3655, %jit3A_3656 : i32
      %ne3A_3674 = arith.constant 0 : i32
      %ne3A_3675 = arith.cmpi ne, %rem3A_3673, %ne3A_3674 : i32
      %and3A_3676 = arith.andi %ne3A_3672, %ne3A_3675 : i1
      %sub3A_3677 = arith.constant 1 : i32
      %sub3A_3678 = arith.subi %div3A_3657, %sub3A_3677 : i32
      %select_n3A_3679 = arith.select %and3A_3676, %sub3A_3678, %div3A_3657 : i32
      %jit3A_3680 = arith.constant 128 : i32
      %eq3A_3681 = arith.constant 0 : i32
      %eq3A_3682 = arith.cmpi eq, %jit3A_3680, %eq3A_3681 : i32
      %jit3A_3683 = arith.constant 1 : i32
      %select_n3A_3684 = arith.select %eq3A_3682, %jit3A_3683, %jit3A_3680 : i32
      %rem3A_3685 = arith.remsi %add3A_3655, %select_n3A_3684 : i32
      %ne3A_3686 = arith.constant 0 : i32
      %ne3A_3687 = arith.cmpi ne, %rem3A_3685, %ne3A_3686 : i32
      %lt3A_3688 = arith.constant 0 : i32
      %lt3A_3689 = arith.cmpi slt, %rem3A_3685, %lt3A_3688 : i32
      %lt3A_3690 = arith.constant 0 : i32
      %lt3A_3691 = arith.cmpi slt, %select_n3A_3684, %lt3A_3690 : i32
      %ne3A_3692 = arith.xori %lt3A_3689, %lt3A_3691 : i1
      %and3A_3693 = arith.andi %ne3A_3692, %ne3A_3687 : i1
      %add3A_3694 = arith.addi %rem3A_3685, %select_n3A_3684 : i32
      %select_n3A_3695 = arith.select %and3A_3693, %add3A_3694, %rem3A_3685 : i32
      %dma_start3A_3696 = arith.constant 0 : i32
      %dma_start3A_3697 = arith.constant 0 : i32
      %dma_start3A_3698 = arith.constant 0 : i32
      %dma_start3A_3699 = tpu.memref_slice %arg7[%select_n3A_310, %dma_start3A_3697, %dma_start3A_3698] : memref<2x32x129xf32, #tpu.memory_space<vmem>> -> memref<1x8x128xf32, #tpu.memory_space<vmem>>
      %dma_start3A_3700 = tpu.memref_squeeze %dma_start3A_3699 : memref<1x8x128xf32, #tpu.memory_space<vmem>> -> memref<8x128xf32, #tpu.memory_space<vmem>>
      %dma_start3A_3701 = arith.constant 0 : i32
      %dma_start3A_3702 = arith.constant 0 : i32
      %dma_start3A_3703 = tpu.memref_slice %arg4[%select_n3A_3679, %dma_start3A_3696, %select_n3A_3695, %dma_start3A_3701, %dma_start3A_3702] : memref<50x4x128x8x128xf32, #tpu.memory_space<hbm>> -> memref<1x1x1x8x128xf32, #tpu.memory_space<hbm>>
      %dma_start3A_3704 = tpu.memref_squeeze %dma_start3A_3703 : memref<1x1x1x8x128xf32, #tpu.memory_space<hbm>> -> memref<8x128xf32, #tpu.memory_space<hbm>>
      %dma_start3A_3705 = tpu.memref_slice %arg9[%select_n3A_310] : memref<2x!tpu.dma_semaphore, #tpu.memory_space<semaphore_mem>> -> memref<1x!tpu.dma_semaphore, #tpu.memory_space<semaphore_mem>>
      %dma_start3A_3706 = tpu.memref_squeeze %dma_start3A_3705 : memref<1x!tpu.dma_semaphore, #tpu.memory_space<semaphore_mem>> -> memref<!tpu.dma_semaphore, #tpu.memory_space<semaphore_mem>>
      %dma_start3A_3707 = arith.constant 0 : i32
      %dma_start3A_3708 = arith.constant 0 : i32
      %dma_start3A_3709 = tpu.memref_slice %arg4[%select_n3A_3679, %dma_start3A_3696, %select_n3A_3695, %dma_start3A_3707, %dma_start3A_3708] : memref<50x4x128x8x128xf32, #tpu.memory_space<hbm>> -> memref<1x1x1x8x128xf32, #tpu.memory_space<hbm>>
      %dma_start3A_3710 = tpu.memref_squeeze %dma_start3A_3709 : memref<1x1x1x8x128xf32, #tpu.memory_space<hbm>> -> memref<8x128xf32, #tpu.memory_space<hbm>>
      %dma_start3A_3711 = arith.constant 0 : i32
      %dma_start3A_3712 = arith.constant 0 : i32
      %dma_start3A_3713 = tpu.memref_slice %arg7[%select_n3A_310, %dma_start3A_3711, %dma_start3A_3712] : memref<2x32x129xf32, #tpu.memory_space<vmem>> -> memref<1x8x128xf32, #tpu.memory_space<vmem>>
      %dma_start3A_3714 = tpu.memref_squeeze %dma_start3A_3713 : memref<1x8x128xf32, #tpu.memory_space<vmem>> -> memref<8x128xf32, #tpu.memory_space<vmem>>
      tpu.enqueue_dma source(%dma_start3A_3714 : memref<8x128xf32, #tpu.memory_space<vmem>>) target(%dma_start3A_3710 : memref<8x128xf32, #tpu.memory_space<hbm>>) target_semaphore(%dma_start3A_3706 : memref<!tpu.dma_semaphore, #tpu.memory_space<semaphore_mem>>)
      %dma_start3A_3715 = arith.constant 1 : i32
      %dma_start3A_3716 = arith.constant 8 : i32
      %dma_start3A_3717 = arith.constant 0 : i32
      %dma_start3A_3718 = tpu.memref_slice %arg7[%select_n3A_310, %dma_start3A_3716, %dma_start3A_3717] : memref<2x32x129xf32, #tpu.memory_space<vmem>> -> memref<1x8x128xf32, #tpu.memory_space<vmem>>
      %dma_start3A_3719 = tpu.memref_squeeze %dma_start3A_3718 : memref<1x8x128xf32, #tpu.memory_space<vmem>> -> memref<8x128xf32, #tpu.memory_space<vmem>>
      %dma_start3A_3720 = arith.constant 0 : i32
      %dma_start3A_3721 = arith.constant 0 : i32
      %dma_start3A_3722 = tpu.memref_slice %arg4[%select_n3A_3679, %dma_start3A_3715, %select_n3A_3695, %dma_start3A_3720, %dma_start3A_3721] : memref<50x4x128x8x128xf32, #tpu.memory_space<hbm>> -> memref<1x1x1x8x128xf32, #tpu.memory_space<hbm>>
      %dma_start3A_3723 = tpu.memref_squeeze %dma_start3A_3722 : memref<1x1x1x8x128xf32, #tpu.memory_space<hbm>> -> memref<8x128xf32, #tpu.memory_space<hbm>>
      %dma_start3A_3724 = tpu.memref_slice %arg9[%select_n3A_310] : memref<2x!tpu.dma_semaphore, #tpu.memory_space<semaphore_mem>> -> memref<1x!tpu.dma_semaphore, #tpu.memory_space<semaphore_mem>>
      %dma_start3A_3725 = tpu.memref_squeeze %dma_start3A_3724 : memref<1x!tpu.dma_semaphore, #tpu.memory_space<semaphore_mem>> -> memref<!tpu.dma_semaphore, #tpu.memory_space<semaphore_mem>>
      %dma_start3A_3726 = arith.constant 0 : i32
      %dma_start3A_3727 = arith.constant 0 : i32
      %dma_start3A_3728 = tpu.memref_slice %arg4[%select_n3A_3679, %dma_start3A_3715, %select_n3A_3695, %dma_start3A_3726, %dma_start3A_3727] : memref<50x4x128x8x128xf32, #tpu.memory_space<hbm>> -> memref<1x1x1x8x128xf32, #tpu.memory_space<hbm>>
      %dma_start3A_3729 = tpu.memref_squeeze %dma_start3A_3728 : memref<1x1x1x8x128xf32, #tpu.memory_space<hbm>> -> memref<8x128xf32, #tpu.memory_space<hbm>>
      %dma_start3A_3730 = arith.constant 8 : i32
      %dma_start3A_3731 = arith.constant 0 : i32
      %dma_start3A_3732 = tpu.memref_slice %arg7[%select_n3A_310, %dma_start3A_3730, %dma_start3A_3731] : memref<2x32x129xf32, #tpu.memory_space<vmem>> -> memref<1x8x128xf32, #tpu.memory_space<vmem>>
      %dma_start3A_3733 = tpu.memref_squeeze %dma_start3A_3732 : memref<1x8x128xf32, #tpu.memory_space<vmem>> -> memref<8x128xf32, #tpu.memory_space<vmem>>
      tpu.enqueue_dma source(%dma_start3A_3733 : memref<8x128xf32, #tpu.memory_space<vmem>>) target(%dma_start3A_3729 : memref<8x128xf32, #tpu.memory_space<hbm>>) target_semaphore(%dma_start3A_3725 : memref<!tpu.dma_semaphore, #tpu.memory_space<semaphore_mem>>)
      %dma_start3A_3734 = arith.constant 2 : i32
      %dma_start3A_3735 = arith.constant 16 : i32
      %dma_start3A_3736 = arith.constant 0 : i32
      %dma_start3A_3737 = tpu.memref_slice %arg7[%select_n3A_310, %dma_start3A_3735, %dma_start3A_3736] : memref<2x32x129xf32, #tpu.memory_space<vmem>> -> memref<1x8x128xf32, #tpu.memory_space<vmem>>
      %dma_start3A_3738 = tpu.memref_squeeze %dma_start3A_3737 : memref<1x8x128xf32, #tpu.memory_space<vmem>> -> memref<8x128xf32, #tpu.memory_space<vmem>>
      %dma_start3A_3739 = arith.constant 0 : i32
      %dma_start3A_3740 = arith.constant 0 : i32
      %dma_start3A_3741 = tpu.memref_slice %arg4[%select_n3A_3679, %dma_start3A_3734, %select_n3A_3695, %dma_start3A_3739, %dma_start3A_3740] : memref<50x4x128x8x128xf32, #tpu.memory_space<hbm>> -> memref<1x1x1x8x128xf32, #tpu.memory_space<hbm>>
      %dma_start3A_3742 = tpu.memref_squeeze %dma_start3A_3741 : memref<1x1x1x8x128xf32, #tpu.memory_space<hbm>> -> memref<8x128xf32, #tpu.memory_space<hbm>>
      %dma_start3A_3743 = tpu.memref_slice %arg9[%select_n3A_310] : memref<2x!tpu.dma_semaphore, #tpu.memory_space<semaphore_mem>> -> memref<1x!tpu.dma_semaphore, #tpu.memory_space<semaphore_mem>>
      %dma_start3A_3744 = tpu.memref_squeeze %dma_start3A_3743 : memref<1x!tpu.dma_semaphore, #tpu.memory_space<semaphore_mem>> -> memref<!tpu.dma_semaphore, #tpu.memory_space<semaphore_mem>>
      %dma_start3A_3745 = arith.constant 0 : i32
      %dma_start3A_3746 = arith.constant 0 : i32
      %dma_start3A_3747 = tpu.memref_slice %arg4[%select_n3A_3679, %dma_start3A_3734, %select_n3A_3695, %dma_start3A_3745, %dma_start3A_3746] : memref<50x4x128x8x128xf32, #tpu.memory_space<hbm>> -> memref<1x1x1x8x128xf32, #tpu.memory_space<hbm>>
      %dma_start3A_3748 = tpu.memref_squeeze %dma_start3A_3747 : memref<1x1x1x8x128xf32, #tpu.memory_space<hbm>> -> memref<8x128xf32, #tpu.memory_space<hbm>>
      %dma_start3A_3749 = arith.constant 16 : i32
      %dma_start3A_3750 = arith.constant 0 : i32
      %dma_start3A_3751 = tpu.memref_slice %arg7[%select_n3A_310, %dma_start3A_3749, %dma_start3A_3750] : memref<2x32x129xf32, #tpu.memory_space<vmem>> -> memref<1x8x128xf32, #tpu.memory_space<vmem>>
      %dma_start3A_3752 = tpu.memref_squeeze %dma_start3A_3751 : memref<1x8x128xf32, #tpu.memory_space<vmem>> -> memref<8x128xf32, #tpu.memory_space<vmem>>
      tpu.enqueue_dma source(%dma_start3A_3752 : memref<8x128xf32, #tpu.memory_space<vmem>>) target(%dma_start3A_3748 : memref<8x128xf32, #tpu.memory_space<hbm>>) target_semaphore(%dma_start3A_3744 : memref<!tpu.dma_semaphore, #tpu.memory_space<semaphore_mem>>)
      %dma_start3A_3753 = arith.constant 3 : i32
      %dma_start3A_3754 = arith.constant 24 : i32
      %dma_start3A_3755 = arith.constant 0 : i32
      %dma_start3A_3756 = tpu.memref_slice %arg7[%select_n3A_310, %dma_start3A_3754, %dma_start3A_3755] : memref<2x32x129xf32, #tpu.memory_space<vmem>> -> memref<1x8x128xf32, #tpu.memory_space<vmem>>
      %dma_start3A_3757 = tpu.memref_squeeze %dma_start3A_3756 : memref<1x8x128xf32, #tpu.memory_space<vmem>> -> memref<8x128xf32, #tpu.memory_space<vmem>>
      %dma_start3A_3758 = arith.constant 0 : i32
      %dma_start3A_3759 = arith.constant 0 : i32
      %dma_start3A_3760 = tpu.memref_slice %arg4[%select_n3A_3679, %dma_start3A_3753, %select_n3A_3695, %dma_start3A_3758, %dma_start3A_3759] : memref<50x4x128x8x128xf32, #tpu.memory_space<hbm>> -> memref<1x1x1x8x128xf32, #tpu.memory_space<hbm>>
      %dma_start3A_3761 = tpu.memref_squeeze %dma_start3A_3760 : memref<1x1x1x8x128xf32, #tpu.memory_space<hbm>> -> memref<8x128xf32, #tpu.memory_space<hbm>>
      %dma_start3A_3762 = tpu.memref_slice %arg9[%select_n3A_310] : memref<2x!tpu.dma_semaphore, #tpu.memory_space<semaphore_mem>> -> memref<1x!tpu.dma_semaphore, #tpu.memory_space<semaphore_mem>>
      %dma_start3A_3763 = tpu.memref_squeeze %dma_start3A_3762 : memref<1x!tpu.dma_semaphore, #tpu.memory_space<semaphore_mem>> -> memref<!tpu.dma_semaphore, #tpu.memory_space<semaphore_mem>>
      %dma_start3A_3764 = arith.constant 0 : i32
      %dma_start3A_3765 = arith.constant 0 : i32
      %dma_start3A_3766 = tpu.memref_slice %arg4[%select_n3A_3679, %dma_start3A_3753, %select_n3A_3695, %dma_start3A_3764, %dma_start3A_3765] : memref<50x4x128x8x128xf32, #tpu.memory_space<hbm>> -> memref<1x1x1x8x128xf32, #tpu.memory_space<hbm>>
      %dma_start3A_3767 = tpu.memref_squeeze %dma_start3A_3766 : memref<1x1x1x8x128xf32, #tpu.memory_space<hbm>> -> memref<8x128xf32, #tpu.memory_space<hbm>>
      %dma_start3A_3768 = arith.constant 24 : i32
      %dma_start3A_3769 = arith.constant 0 : i32
      %dma_start3A_3770 = tpu.memref_slice %arg7[%select_n3A_310, %dma_start3A_3768, %dma_start3A_3769] : memref<2x32x129xf32, #tpu.memory_space<vmem>> -> memref<1x8x128xf32, #tpu.memory_space<vmem>>
      %dma_start3A_3771 = tpu.memref_squeeze %dma_start3A_3770 : memref<1x8x128xf32, #tpu.memory_space<vmem>> -> memref<8x128xf32, #tpu.memory_space<vmem>>
      tpu.enqueue_dma source(%dma_start3A_3771 : memref<8x128xf32, #tpu.memory_space<vmem>>) target(%dma_start3A_3767 : memref<8x128xf32, #tpu.memory_space<hbm>>) target_semaphore(%dma_start3A_3763 : memref<!tpu.dma_semaphore, #tpu.memory_space<semaphore_mem>>)
    }
    %scan3A_36 = arith.constant 200 : i32
    %add3A_37 = arith.constant 198 : i32
    %add3A_38 = arith.addi %mul3A_2, %add3A_37 : i32
    %jit3A = arith.constant 128 : i32
    %div3A = arith.divsi %add3A_38, %jit3A : i32
    %sign3A = arith.constant 0 : i32
    %sign3A_39 = arith.cmpi sgt, %add3A_38, %sign3A : i32
    %sign3A_40 = arith.extui %sign3A_39 : i1 to i32
    %sign3A_41 = arith.constant 0 : i32
    %sign3A_42 = arith.cmpi slt, %add3A_38, %sign3A_41 : i32
    %sign3A_43 = arith.extui %sign3A_42 : i1 to i32
    %sign3A_44 = arith.subi %sign3A_40, %sign3A_43 : i32
    %sign3A_45 = arith.constant 0 : i32
    %sign3A_46 = arith.cmpi sgt, %jit3A, %sign3A_45 : i32
    %sign3A_47 = arith.extui %sign3A_46 : i1 to i32
    %sign3A_48 = arith.constant 0 : i32
    %sign3A_49 = arith.cmpi slt, %jit3A, %sign3A_48 : i32
    %sign3A_50 = arith.extui %sign3A_49 : i1 to i32
    %sign3A_51 = arith.subi %sign3A_47, %sign3A_50 : i32
    %ne3A = arith.cmpi ne, %sign3A_44, %sign3A_51 : i32
    %rem3A = arith.remsi %add3A_38, %jit3A : i32
    %ne3A_52 = arith.constant 0 : i32
    %ne3A_53 = arith.cmpi ne, %rem3A, %ne3A_52 : i32
    %and3A = arith.andi %ne3A, %ne3A_53 : i1
    %sub3A = arith.constant 1 : i32
    %sub3A_54 = arith.subi %div3A, %sub3A : i32
    %select_n3A = arith.select %and3A, %sub3A_54, %div3A : i32
    %jit3A_55 = arith.constant 128 : i32
    %eq3A = arith.constant 0 : i32
    %eq3A_56 = arith.cmpi eq, %jit3A_55, %eq3A : i32
    %jit3A_57 = arith.constant 1 : i32
    %select_n3A_58 = arith.select %eq3A_56, %jit3A_57, %jit3A_55 : i32
    %rem3A_59 = arith.remsi %add3A_38, %select_n3A_58 : i32
    %ne3A_60 = arith.constant 0 : i32
    %ne3A_61 = arith.cmpi ne, %rem3A_59, %ne3A_60 : i32
    %lt3A = arith.constant 0 : i32
    %lt3A_62 = arith.cmpi slt, %rem3A_59, %lt3A : i32
    %lt3A_63 = arith.constant 0 : i32
    %lt3A_64 = arith.cmpi slt, %select_n3A_58, %lt3A_63 : i32
    %ne3A_65 = arith.xori %lt3A_62, %lt3A_64 : i1
    %and3A_66 = arith.andi %ne3A_65, %ne3A_61 : i1
    %add3A_67 = arith.addi %rem3A_59, %select_n3A_58 : i32
    %select_n3A_68 = arith.select %and3A_66, %add3A_67, %rem3A_59 : i32
    %dma_wait3A = arith.constant 0 : i32
    %dma_wait3A_69 = arith.constant 0 : i32
    %dma_wait3A_70 = arith.constant 0 : i32
    %dma_wait3A_71 = arith.constant 0 : i32
    %dma_wait3A_72 = arith.constant 0 : i32
    %dma_wait3A_73 = tpu.memref_slice %arg7[%dma_wait3A, %dma_wait3A_71, %dma_wait3A_72] : memref<2x32x129xf32, #tpu.memory_space<vmem>> -> memref<1x8x128xf32, #tpu.memory_space<vmem>>
    %dma_wait3A_74 = tpu.memref_squeeze %dma_wait3A_73 : memref<1x8x128xf32, #tpu.memory_space<vmem>> -> memref<8x128xf32, #tpu.memory_space<vmem>>
    %dma_wait3A_75 = arith.constant 0 : i32
    %dma_wait3A_76 = arith.constant 0 : i32
    %dma_wait3A_77 = tpu.memref_slice %arg4[%select_n3A, %dma_wait3A_69, %select_n3A_68, %dma_wait3A_75, %dma_wait3A_76] : memref<50x4x128x8x128xf32, #tpu.memory_space<hbm>> -> memref<1x1x1x8x128xf32, #tpu.memory_space<hbm>>
    %dma_wait3A_78 = tpu.memref_squeeze %dma_wait3A_77 : memref<1x1x1x8x128xf32, #tpu.memory_space<hbm>> -> memref<8x128xf32, #tpu.memory_space<hbm>>
    %dma_wait3A_79 = tpu.memref_slice %arg9[%dma_wait3A_70] : memref<2x!tpu.dma_semaphore, #tpu.memory_space<semaphore_mem>> -> memref<1x!tpu.dma_semaphore, #tpu.memory_space<semaphore_mem>>
    %dma_wait3A_80 = tpu.memref_squeeze %dma_wait3A_79 : memref<1x!tpu.dma_semaphore, #tpu.memory_space<semaphore_mem>> -> memref<!tpu.dma_semaphore, #tpu.memory_space<semaphore_mem>>
    %dma_wait3A_81 = arith.constant 0 : i32
    %dma_wait3A_82 = arith.constant 0 : i32
    %dma_wait3A_83 = tpu.memref_slice %arg4[%select_n3A, %dma_wait3A_69, %select_n3A_68, %dma_wait3A_81, %dma_wait3A_82] : memref<50x4x128x8x128xf32, #tpu.memory_space<hbm>> -> memref<1x1x1x8x128xf32, #tpu.memory_space<hbm>>
    %dma_wait3A_84 = tpu.memref_squeeze %dma_wait3A_83 : memref<1x1x1x8x128xf32, #tpu.memory_space<hbm>> -> memref<8x128xf32, #tpu.memory_space<hbm>>
    %dma_wait3A_85 = arith.constant 0 : i32
    %dma_wait3A_86 = arith.constant 0 : i32
    %dma_wait3A_87 = tpu.memref_slice %arg7[%dma_wait3A, %dma_wait3A_85, %dma_wait3A_86] : memref<2x32x129xf32, #tpu.memory_space<vmem>> -> memref<1x8x128xf32, #tpu.memory_space<vmem>>
    %dma_wait3A_88 = tpu.memref_squeeze %dma_wait3A_87 : memref<1x8x128xf32, #tpu.memory_space<vmem>> -> memref<8x128xf32, #tpu.memory_space<vmem>>
    tpu.wait_dma2 semaphore(%dma_wait3A_80 : memref<!tpu.dma_semaphore, #tpu.memory_space<semaphore_mem>>) src(%dma_wait3A_88 : memref<8x128xf32, #tpu.memory_space<vmem>>) dst(%dma_wait3A_84 : memref<8x128xf32, #tpu.memory_space<hbm>>)
    %dma_wait3A_89 = arith.constant 0 : i32
    %dma_wait3A_90 = arith.constant 1 : i32
    %dma_wait3A_91 = arith.constant 0 : i32
    %dma_wait3A_92 = arith.constant 8 : i32
    %dma_wait3A_93 = arith.constant 0 : i32
    %dma_wait3A_94 = tpu.memref_slice %arg7[%dma_wait3A_89, %dma_wait3A_92, %dma_wait3A_93] : memref<2x32x129xf32, #tpu.memory_space<vmem>> -> memref<1x8x128xf32, #tpu.memory_space<vmem>>
    %dma_wait3A_95 = tpu.memref_squeeze %dma_wait3A_94 : memref<1x8x128xf32, #tpu.memory_space<vmem>> -> memref<8x128xf32, #tpu.memory_space<vmem>>
    %dma_wait3A_96 = arith.constant 0 : i32
    %dma_wait3A_97 = arith.constant 0 : i32
    %dma_wait3A_98 = tpu.memref_slice %arg4[%select_n3A, %dma_wait3A_90, %select_n3A_68, %dma_wait3A_96, %dma_wait3A_97] : memref<50x4x128x8x128xf32, #tpu.memory_space<hbm>> -> memref<1x1x1x8x128xf32, #tpu.memory_space<hbm>>
    %dma_wait3A_99 = tpu.memref_squeeze %dma_wait3A_98 : memref<1x1x1x8x128xf32, #tpu.memory_space<hbm>> -> memref<8x128xf32, #tpu.memory_space<hbm>>
    %dma_wait3A_100 = tpu.memref_slice %arg9[%dma_wait3A_91] : memref<2x!tpu.dma_semaphore, #tpu.memory_space<semaphore_mem>> -> memref<1x!tpu.dma_semaphore, #tpu.memory_space<semaphore_mem>>
    %dma_wait3A_101 = tpu.memref_squeeze %dma_wait3A_100 : memref<1x!tpu.dma_semaphore, #tpu.memory_space<semaphore_mem>> -> memref<!tpu.dma_semaphore, #tpu.memory_space<semaphore_mem>>
    %dma_wait3A_102 = arith.constant 0 : i32
    %dma_wait3A_103 = arith.constant 0 : i32
    %dma_wait3A_104 = tpu.memref_slice %arg4[%select_n3A, %dma_wait3A_90, %select_n3A_68, %dma_wait3A_102, %dma_wait3A_103] : memref<50x4x128x8x128xf32, #tpu.memory_space<hbm>> -> memref<1x1x1x8x128xf32, #tpu.memory_space<hbm>>
    %dma_wait3A_105 = tpu.memref_squeeze %dma_wait3A_104 : memref<1x1x1x8x128xf32, #tpu.memory_space<hbm>> -> memref<8x128xf32, #tpu.memory_space<hbm>>
    %dma_wait3A_106 = arith.constant 8 : i32
    %dma_wait3A_107 = arith.constant 0 : i32
    %dma_wait3A_108 = tpu.memref_slice %arg7[%dma_wait3A_89, %dma_wait3A_106, %dma_wait3A_107] : memref<2x32x129xf32, #tpu.memory_space<vmem>> -> memref<1x8x128xf32, #tpu.memory_space<vmem>>
    %dma_wait3A_109 = tpu.memref_squeeze %dma_wait3A_108 : memref<1x8x128xf32, #tpu.memory_space<vmem>> -> memref<8x128xf32, #tpu.memory_space<vmem>>
    tpu.wait_dma2 semaphore(%dma_wait3A_101 : memref<!tpu.dma_semaphore, #tpu.memory_space<semaphore_mem>>) src(%dma_wait3A_109 : memref<8x128xf32, #tpu.memory_space<vmem>>) dst(%dma_wait3A_105 : memref<8x128xf32, #tpu.memory_space<hbm>>)
    %dma_wait3A_110 = arith.constant 0 : i32
    %dma_wait3A_111 = arith.constant 2 : i32
    %dma_wait3A_112 = arith.constant 0 : i32
    %dma_wait3A_113 = arith.constant 16 : i32
    %dma_wait3A_114 = arith.constant 0 : i32
    %dma_wait3A_115 = tpu.memref_slice %arg7[%dma_wait3A_110, %dma_wait3A_113, %dma_wait3A_114] : memref<2x32x129xf32, #tpu.memory_space<vmem>> -> memref<1x8x128xf32, #tpu.memory_space<vmem>>
    %dma_wait3A_116 = tpu.memref_squeeze %dma_wait3A_115 : memref<1x8x128xf32, #tpu.memory_space<vmem>> -> memref<8x128xf32, #tpu.memory_space<vmem>>
    %dma_wait3A_117 = arith.constant 0 : i32
    %dma_wait3A_118 = arith.constant 0 : i32
    %dma_wait3A_119 = tpu.memref_slice %arg4[%select_n3A, %dma_wait3A_111, %select_n3A_68, %dma_wait3A_117, %dma_wait3A_118] : memref<50x4x128x8x128xf32, #tpu.memory_space<hbm>> -> memref<1x1x1x8x128xf32, #tpu.memory_space<hbm>>
    %dma_wait3A_120 = tpu.memref_squeeze %dma_wait3A_119 : memref<1x1x1x8x128xf32, #tpu.memory_space<hbm>> -> memref<8x128xf32, #tpu.memory_space<hbm>>
    %dma_wait3A_121 = tpu.memref_slice %arg9[%dma_wait3A_112] : memref<2x!tpu.dma_semaphore, #tpu.memory_space<semaphore_mem>> -> memref<1x!tpu.dma_semaphore, #tpu.memory_space<semaphore_mem>>
    %dma_wait3A_122 = tpu.memref_squeeze %dma_wait3A_121 : memref<1x!tpu.dma_semaphore, #tpu.memory_space<semaphore_mem>> -> memref<!tpu.dma_semaphore, #tpu.memory_space<semaphore_mem>>
    %dma_wait3A_123 = arith.constant 0 : i32
    %dma_wait3A_124 = arith.constant 0 : i32
    %dma_wait3A_125 = tpu.memref_slice %arg4[%select_n3A, %dma_wait3A_111, %select_n3A_68, %dma_wait3A_123, %dma_wait3A_124] : memref<50x4x128x8x128xf32, #tpu.memory_space<hbm>> -> memref<1x1x1x8x128xf32, #tpu.memory_space<hbm>>
    %dma_wait3A_126 = tpu.memref_squeeze %dma_wait3A_125 : memref<1x1x1x8x128xf32, #tpu.memory_space<hbm>> -> memref<8x128xf32, #tpu.memory_space<hbm>>
    %dma_wait3A_127 = arith.constant 16 : i32
    %dma_wait3A_128 = arith.constant 0 : i32
    %dma_wait3A_129 = tpu.memref_slice %arg7[%dma_wait3A_110, %dma_wait3A_127, %dma_wait3A_128] : memref<2x32x129xf32, #tpu.memory_space<vmem>> -> memref<1x8x128xf32, #tpu.memory_space<vmem>>
    %dma_wait3A_130 = tpu.memref_squeeze %dma_wait3A_129 : memref<1x8x128xf32, #tpu.memory_space<vmem>> -> memref<8x128xf32, #tpu.memory_space<vmem>>
    tpu.wait_dma2 semaphore(%dma_wait3A_122 : memref<!tpu.dma_semaphore, #tpu.memory_space<semaphore_mem>>) src(%dma_wait3A_130 : memref<8x128xf32, #tpu.memory_space<vmem>>) dst(%dma_wait3A_126 : memref<8x128xf32, #tpu.memory_space<hbm>>)
    %dma_wait3A_131 = arith.constant 0 : i32
    %dma_wait3A_132 = arith.constant 3 : i32
    %dma_wait3A_133 = arith.constant 0 : i32
    %dma_wait3A_134 = arith.constant 24 : i32
    %dma_wait3A_135 = arith.constant 0 : i32
    %dma_wait3A_136 = tpu.memref_slice %arg7[%dma_wait3A_131, %dma_wait3A_134, %dma_wait3A_135] : memref<2x32x129xf32, #tpu.memory_space<vmem>> -> memref<1x8x128xf32, #tpu.memory_space<vmem>>
    %dma_wait3A_137 = tpu.memref_squeeze %dma_wait3A_136 : memref<1x8x128xf32, #tpu.memory_space<vmem>> -> memref<8x128xf32, #tpu.memory_space<vmem>>
    %dma_wait3A_138 = arith.constant 0 : i32
    %dma_wait3A_139 = arith.constant 0 : i32
    %dma_wait3A_140 = tpu.memref_slice %arg4[%select_n3A, %dma_wait3A_132, %select_n3A_68, %dma_wait3A_138, %dma_wait3A_139] : memref<50x4x128x8x128xf32, #tpu.memory_space<hbm>> -> memref<1x1x1x8x128xf32, #tpu.memory_space<hbm>>
    %dma_wait3A_141 = tpu.memref_squeeze %dma_wait3A_140 : memref<1x1x1x8x128xf32, #tpu.memory_space<hbm>> -> memref<8x128xf32, #tpu.memory_space<hbm>>
    %dma_wait3A_142 = tpu.memref_slice %arg9[%dma_wait3A_133] : memref<2x!tpu.dma_semaphore, #tpu.memory_space<semaphore_mem>> -> memref<1x!tpu.dma_semaphore, #tpu.memory_space<semaphore_mem>>
    %dma_wait3A_143 = tpu.memref_squeeze %dma_wait3A_142 : memref<1x!tpu.dma_semaphore, #tpu.memory_space<semaphore_mem>> -> memref<!tpu.dma_semaphore, #tpu.memory_space<semaphore_mem>>
    %dma_wait3A_144 = arith.constant 0 : i32
    %dma_wait3A_145 = arith.constant 0 : i32
    %dma_wait3A_146 = tpu.memref_slice %arg4[%select_n3A, %dma_wait3A_132, %select_n3A_68, %dma_wait3A_144, %dma_wait3A_145] : memref<50x4x128x8x128xf32, #tpu.memory_space<hbm>> -> memref<1x1x1x8x128xf32, #tpu.memory_space<hbm>>
    %dma_wait3A_147 = tpu.memref_squeeze %dma_wait3A_146 : memref<1x1x1x8x128xf32, #tpu.memory_space<hbm>> -> memref<8x128xf32, #tpu.memory_space<hbm>>
    %dma_wait3A_148 = arith.constant 24 : i32
    %dma_wait3A_149 = arith.constant 0 : i32
    %dma_wait3A_150 = tpu.memref_slice %arg7[%dma_wait3A_131, %dma_wait3A_148, %dma_wait3A_149] : memref<2x32x129xf32, #tpu.memory_space<vmem>> -> memref<1x8x128xf32, #tpu.memory_space<vmem>>
    %dma_wait3A_151 = tpu.memref_squeeze %dma_wait3A_150 : memref<1x8x128xf32, #tpu.memory_space<vmem>> -> memref<8x128xf32, #tpu.memory_space<vmem>>
    tpu.wait_dma2 semaphore(%dma_wait3A_143 : memref<!tpu.dma_semaphore, #tpu.memory_space<semaphore_mem>>) src(%dma_wait3A_151 : memref<8x128xf32, #tpu.memory_space<vmem>>) dst(%dma_wait3A_147 : memref<8x128xf32, #tpu.memory_space<hbm>>)
    %add3A_152 = arith.constant 199 : i32
    %add3A_153 = arith.addi %mul3A_2, %add3A_152 : i32
    %jit3A_154 = arith.constant 128 : i32
    %div3A_155 = arith.divsi %add3A_153, %jit3A_154 : i32
    %sign3A_156 = arith.constant 0 : i32
    %sign3A_157 = arith.cmpi sgt, %add3A_153, %sign3A_156 : i32
    %sign3A_158 = arith.extui %sign3A_157 : i1 to i32
    %sign3A_159 = arith.constant 0 : i32
    %sign3A_160 = arith.cmpi slt, %add3A_153, %sign3A_159 : i32
    %sign3A_161 = arith.extui %sign3A_160 : i1 to i32
    %sign3A_162 = arith.subi %sign3A_158, %sign3A_161 : i32
    %sign3A_163 = arith.constant 0 : i32
    %sign3A_164 = arith.cmpi sgt, %jit3A_154, %sign3A_163 : i32
    %sign3A_165 = arith.extui %sign3A_164 : i1 to i32
    %sign3A_166 = arith.constant 0 : i32
    %sign3A_167 = arith.cmpi slt, %jit3A_154, %sign3A_166 : i32
    %sign3A_168 = arith.extui %sign3A_167 : i1 to i32
    %sign3A_169 = arith.subi %sign3A_165, %sign3A_168 : i32
    %ne3A_170 = arith.cmpi ne, %sign3A_162, %sign3A_169 : i32
    %rem3A_171 = arith.remsi %add3A_153, %jit3A_154 : i32
    %ne3A_172 = arith.constant 0 : i32
    %ne3A_173 = arith.cmpi ne, %rem3A_171, %ne3A_172 : i32
    %and3A_174 = arith.andi %ne3A_170, %ne3A_173 : i1
    %sub3A_175 = arith.constant 1 : i32
    %sub3A_176 = arith.subi %div3A_155, %sub3A_175 : i32
    %select_n3A_177 = arith.select %and3A_174, %sub3A_176, %div3A_155 : i32
    %jit3A_178 = arith.constant 128 : i32
    %eq3A_179 = arith.constant 0 : i32
    %eq3A_180 = arith.cmpi eq, %jit3A_178, %eq3A_179 : i32
    %jit3A_181 = arith.constant 1 : i32
    %select_n3A_182 = arith.select %eq3A_180, %jit3A_181, %jit3A_178 : i32
    %rem3A_183 = arith.remsi %add3A_153, %select_n3A_182 : i32
    %ne3A_184 = arith.constant 0 : i32
    %ne3A_185 = arith.cmpi ne, %rem3A_183, %ne3A_184 : i32
    %lt3A_186 = arith.constant 0 : i32
    %lt3A_187 = arith.cmpi slt, %rem3A_183, %lt3A_186 : i32
    %lt3A_188 = arith.constant 0 : i32
    %lt3A_189 = arith.cmpi slt, %select_n3A_182, %lt3A_188 : i32
    %ne3A_190 = arith.xori %lt3A_187, %lt3A_189 : i1
    %and3A_191 = arith.andi %ne3A_190, %ne3A_185 : i1
    %add3A_192 = arith.addi %rem3A_183, %select_n3A_182 : i32
    %select_n3A_193 = arith.select %and3A_191, %add3A_192, %rem3A_183 : i32
    %dma_wait3A_194 = arith.constant 1 : i32
    %dma_wait3A_195 = arith.constant 0 : i32
    %dma_wait3A_196 = arith.constant 1 : i32
    %dma_wait3A_197 = arith.constant 0 : i32
    %dma_wait3A_198 = arith.constant 0 : i32
    %dma_wait3A_199 = tpu.memref_slice %arg7[%dma_wait3A_194, %dma_wait3A_197, %dma_wait3A_198] : memref<2x32x129xf32, #tpu.memory_space<vmem>> -> memref<1x8x128xf32, #tpu.memory_space<vmem>>
    %dma_wait3A_200 = tpu.memref_squeeze %dma_wait3A_199 : memref<1x8x128xf32, #tpu.memory_space<vmem>> -> memref<8x128xf32, #tpu.memory_space<vmem>>
    %dma_wait3A_201 = arith.constant 0 : i32
    %dma_wait3A_202 = arith.constant 0 : i32
    %dma_wait3A_203 = tpu.memref_slice %arg4[%select_n3A_177, %dma_wait3A_195, %select_n3A_193, %dma_wait3A_201, %dma_wait3A_202] : memref<50x4x128x8x128xf32, #tpu.memory_space<hbm>> -> memref<1x1x1x8x128xf32, #tpu.memory_space<hbm>>
    %dma_wait3A_204 = tpu.memref_squeeze %dma_wait3A_203 : memref<1x1x1x8x128xf32, #tpu.memory_space<hbm>> -> memref<8x128xf32, #tpu.memory_space<hbm>>
    %dma_wait3A_205 = tpu.memref_slice %arg9[%dma_wait3A_196] : memref<2x!tpu.dma_semaphore, #tpu.memory_space<semaphore_mem>> -> memref<1x!tpu.dma_semaphore, #tpu.memory_space<semaphore_mem>>
    %dma_wait3A_206 = tpu.memref_squeeze %dma_wait3A_205 : memref<1x!tpu.dma_semaphore, #tpu.memory_space<semaphore_mem>> -> memref<!tpu.dma_semaphore, #tpu.memory_space<semaphore_mem>>
    %dma_wait3A_207 = arith.constant 0 : i32
    %dma_wait3A_208 = arith.constant 0 : i32
    %dma_wait3A_209 = tpu.memref_slice %arg4[%select_n3A_177, %dma_wait3A_195, %select_n3A_193, %dma_wait3A_207, %dma_wait3A_208] : memref<50x4x128x8x128xf32, #tpu.memory_space<hbm>> -> memref<1x1x1x8x128xf32, #tpu.memory_space<hbm>>
    %dma_wait3A_210 = tpu.memref_squeeze %dma_wait3A_209 : memref<1x1x1x8x128xf32, #tpu.memory_space<hbm>> -> memref<8x128xf32, #tpu.memory_space<hbm>>
    %dma_wait3A_211 = arith.constant 0 : i32
    %dma_wait3A_212 = arith.constant 0 : i32
    %dma_wait3A_213 = tpu.memref_slice %arg7[%dma_wait3A_194, %dma_wait3A_211, %dma_wait3A_212] : memref<2x32x129xf32, #tpu.memory_space<vmem>> -> memref<1x8x128xf32, #tpu.memory_space<vmem>>
    %dma_wait3A_214 = tpu.memref_squeeze %dma_wait3A_213 : memref<1x8x128xf32, #tpu.memory_space<vmem>> -> memref<8x128xf32, #tpu.memory_space<vmem>>
    tpu.wait_dma2 semaphore(%dma_wait3A_206 : memref<!tpu.dma_semaphore, #tpu.memory_space<semaphore_mem>>) src(%dma_wait3A_214 : memref<8x128xf32, #tpu.memory_space<vmem>>) dst(%dma_wait3A_210 : memref<8x128xf32, #tpu.memory_space<hbm>>)
    %dma_wait3A_215 = arith.constant 1 : i32
    %dma_wait3A_216 = arith.constant 1 : i32
    %dma_wait3A_217 = arith.constant 1 : i32
    %dma_wait3A_218 = arith.constant 8 : i32
    %dma_wait3A_219 = arith.constant 0 : i32
    %dma_wait3A_220 = tpu.memref_slice %arg7[%dma_wait3A_215, %dma_wait3A_218, %dma_wait3A_219] : memref<2x32x129xf32, #tpu.memory_space<vmem>> -> memref<1x8x128xf32, #tpu.memory_space<vmem>>
    %dma_wait3A_221 = tpu.memref_squeeze %dma_wait3A_220 : memref<1x8x128xf32, #tpu.memory_space<vmem>> -> memref<8x128xf32, #tpu.memory_space<vmem>>
    %dma_wait3A_222 = arith.constant 0 : i32
    %dma_wait3A_223 = arith.constant 0 : i32
    %dma_wait3A_224 = tpu.memref_slice %arg4[%select_n3A_177, %dma_wait3A_216, %select_n3A_193, %dma_wait3A_222, %dma_wait3A_223] : memref<50x4x128x8x128xf32, #tpu.memory_space<hbm>> -> memref<1x1x1x8x128xf32, #tpu.memory_space<hbm>>
    %dma_wait3A_225 = tpu.memref_squeeze %dma_wait3A_224 : memref<1x1x1x8x128xf32, #tpu.memory_space<hbm>> -> memref<8x128xf32, #tpu.memory_space<hbm>>
    %dma_wait3A_226 = tpu.memref_slice %arg9[%dma_wait3A_217] : memref<2x!tpu.dma_semaphore, #tpu.memory_space<semaphore_mem>> -> memref<1x!tpu.dma_semaphore, #tpu.memory_space<semaphore_mem>>
    %dma_wait3A_227 = tpu.memref_squeeze %dma_wait3A_226 : memref<1x!tpu.dma_semaphore, #tpu.memory_space<semaphore_mem>> -> memref<!tpu.dma_semaphore, #tpu.memory_space<semaphore_mem>>
    %dma_wait3A_228 = arith.constant 0 : i32
    %dma_wait3A_229 = arith.constant 0 : i32
    %dma_wait3A_230 = tpu.memref_slice %arg4[%select_n3A_177, %dma_wait3A_216, %select_n3A_193, %dma_wait3A_228, %dma_wait3A_229] : memref<50x4x128x8x128xf32, #tpu.memory_space<hbm>> -> memref<1x1x1x8x128xf32, #tpu.memory_space<hbm>>
    %dma_wait3A_231 = tpu.memref_squeeze %dma_wait3A_230 : memref<1x1x1x8x128xf32, #tpu.memory_space<hbm>> -> memref<8x128xf32, #tpu.memory_space<hbm>>
    %dma_wait3A_232 = arith.constant 8 : i32
    %dma_wait3A_233 = arith.constant 0 : i32
    %dma_wait3A_234 = tpu.memref_slice %arg7[%dma_wait3A_215, %dma_wait3A_232, %dma_wait3A_233] : memref<2x32x129xf32, #tpu.memory_space<vmem>> -> memref<1x8x128xf32, #tpu.memory_space<vmem>>
    %dma_wait3A_235 = tpu.memref_squeeze %dma_wait3A_234 : memref<1x8x128xf32, #tpu.memory_space<vmem>> -> memref<8x128xf32, #tpu.memory_space<vmem>>
    tpu.wait_dma2 semaphore(%dma_wait3A_227 : memref<!tpu.dma_semaphore, #tpu.memory_space<semaphore_mem>>) src(%dma_wait3A_235 : memref<8x128xf32, #tpu.memory_space<vmem>>) dst(%dma_wait3A_231 : memref<8x128xf32, #tpu.memory_space<hbm>>)
    %dma_wait3A_236 = arith.constant 1 : i32
    %dma_wait3A_237 = arith.constant 2 : i32
    %dma_wait3A_238 = arith.constant 1 : i32
    %dma_wait3A_239 = arith.constant 16 : i32
    %dma_wait3A_240 = arith.constant 0 : i32
    %dma_wait3A_241 = tpu.memref_slice %arg7[%dma_wait3A_236, %dma_wait3A_239, %dma_wait3A_240] : memref<2x32x129xf32, #tpu.memory_space<vmem>> -> memref<1x8x128xf32, #tpu.memory_space<vmem>>
    %dma_wait3A_242 = tpu.memref_squeeze %dma_wait3A_241 : memref<1x8x128xf32, #tpu.memory_space<vmem>> -> memref<8x128xf32, #tpu.memory_space<vmem>>
    %dma_wait3A_243 = arith.constant 0 : i32
    %dma_wait3A_244 = arith.constant 0 : i32
    %dma_wait3A_245 = tpu.memref_slice %arg4[%select_n3A_177, %dma_wait3A_237, %select_n3A_193, %dma_wait3A_243, %dma_wait3A_244] : memref<50x4x128x8x128xf32, #tpu.memory_space<hbm>> -> memref<1x1x1x8x128xf32, #tpu.memory_space<hbm>>
    %dma_wait3A_246 = tpu.memref_squeeze %dma_wait3A_245 : memref<1x1x1x8x128xf32, #tpu.memory_space<hbm>> -> memref<8x128xf32, #tpu.memory_space<hbm>>
    %dma_wait3A_247 = tpu.memref_slice %arg9[%dma_wait3A_238] : memref<2x!tpu.dma_semaphore, #tpu.memory_space<semaphore_mem>> -> memref<1x!tpu.dma_semaphore, #tpu.memory_space<semaphore_mem>>
    %dma_wait3A_248 = tpu.memref_squeeze %dma_wait3A_247 : memref<1x!tpu.dma_semaphore, #tpu.memory_space<semaphore_mem>> -> memref<!tpu.dma_semaphore, #tpu.memory_space<semaphore_mem>>
    %dma_wait3A_249 = arith.constant 0 : i32
    %dma_wait3A_250 = arith.constant 0 : i32
    %dma_wait3A_251 = tpu.memref_slice %arg4[%select_n3A_177, %dma_wait3A_237, %select_n3A_193, %dma_wait3A_249, %dma_wait3A_250] : memref<50x4x128x8x128xf32, #tpu.memory_space<hbm>> -> memref<1x1x1x8x128xf32, #tpu.memory_space<hbm>>
    %dma_wait3A_252 = tpu.memref_squeeze %dma_wait3A_251 : memref<1x1x1x8x128xf32, #tpu.memory_space<hbm>> -> memref<8x128xf32, #tpu.memory_space<hbm>>
    %dma_wait3A_253 = arith.constant 16 : i32
    %dma_wait3A_254 = arith.constant 0 : i32
    %dma_wait3A_255 = tpu.memref_slice %arg7[%dma_wait3A_236, %dma_wait3A_253, %dma_wait3A_254] : memref<2x32x129xf32, #tpu.memory_space<vmem>> -> memref<1x8x128xf32, #tpu.memory_space<vmem>>
    %dma_wait3A_256 = tpu.memref_squeeze %dma_wait3A_255 : memref<1x8x128xf32, #tpu.memory_space<vmem>> -> memref<8x128xf32, #tpu.memory_space<vmem>>
    tpu.wait_dma2 semaphore(%dma_wait3A_248 : memref<!tpu.dma_semaphore, #tpu.memory_space<semaphore_mem>>) src(%dma_wait3A_256 : memref<8x128xf32, #tpu.memory_space<vmem>>) dst(%dma_wait3A_252 : memref<8x128xf32, #tpu.memory_space<hbm>>)
    %dma_wait3A_257 = arith.constant 1 : i32
    %dma_wait3A_258 = arith.constant 3 : i32
    %dma_wait3A_259 = arith.constant 1 : i32
    %dma_wait3A_260 = arith.constant 24 : i32
    %dma_wait3A_261 = arith.constant 0 : i32
    %dma_wait3A_262 = tpu.memref_slice %arg7[%dma_wait3A_257, %dma_wait3A_260, %dma_wait3A_261] : memref<2x32x129xf32, #tpu.memory_space<vmem>> -> memref<1x8x128xf32, #tpu.memory_space<vmem>>
    %dma_wait3A_263 = tpu.memref_squeeze %dma_wait3A_262 : memref<1x8x128xf32, #tpu.memory_space<vmem>> -> memref<8x128xf32, #tpu.memory_space<vmem>>
    %dma_wait3A_264 = arith.constant 0 : i32
    %dma_wait3A_265 = arith.constant 0 : i32
    %dma_wait3A_266 = tpu.memref_slice %arg4[%select_n3A_177, %dma_wait3A_258, %select_n3A_193, %dma_wait3A_264, %dma_wait3A_265] : memref<50x4x128x8x128xf32, #tpu.memory_space<hbm>> -> memref<1x1x1x8x128xf32, #tpu.memory_space<hbm>>
    %dma_wait3A_267 = tpu.memref_squeeze %dma_wait3A_266 : memref<1x1x1x8x128xf32, #tpu.memory_space<hbm>> -> memref<8x128xf32, #tpu.memory_space<hbm>>
    %dma_wait3A_268 = tpu.memref_slice %arg9[%dma_wait3A_259] : memref<2x!tpu.dma_semaphore, #tpu.memory_space<semaphore_mem>> -> memref<1x!tpu.dma_semaphore, #tpu.memory_space<semaphore_mem>>
    %dma_wait3A_269 = tpu.memref_squeeze %dma_wait3A_268 : memref<1x!tpu.dma_semaphore, #tpu.memory_space<semaphore_mem>> -> memref<!tpu.dma_semaphore, #tpu.memory_space<semaphore_mem>>
    %dma_wait3A_270 = arith.constant 0 : i32
    %dma_wait3A_271 = arith.constant 0 : i32
    %dma_wait3A_272 = tpu.memref_slice %arg4[%select_n3A_177, %dma_wait3A_258, %select_n3A_193, %dma_wait3A_270, %dma_wait3A_271] : memref<50x4x128x8x128xf32, #tpu.memory_space<hbm>> -> memref<1x1x1x8x128xf32, #tpu.memory_space<hbm>>
    %dma_wait3A_273 = tpu.memref_squeeze %dma_wait3A_272 : memref<1x1x1x8x128xf32, #tpu.memory_space<hbm>> -> memref<8x128xf32, #tpu.memory_space<hbm>>
    %dma_wait3A_274 = arith.constant 24 : i32
    %dma_wait3A_275 = arith.constant 0 : i32
    %dma_wait3A_276 = tpu.memref_slice %arg7[%dma_wait3A_257, %dma_wait3A_274, %dma_wait3A_275] : memref<2x32x129xf32, #tpu.memory_space<vmem>> -> memref<1x8x128xf32, #tpu.memory_space<vmem>>
    %dma_wait3A_277 = tpu.memref_squeeze %dma_wait3A_276 : memref<1x8x128xf32, #tpu.memory_space<vmem>> -> memref<8x128xf32, #tpu.memory_space<vmem>>
    tpu.wait_dma2 semaphore(%dma_wait3A_269 : memref<!tpu.dma_semaphore, #tpu.memory_space<semaphore_mem>>) src(%dma_wait3A_277 : memref<8x128xf32, #tpu.memory_space<vmem>>) dst(%dma_wait3A_273 : memref<8x128xf32, #tpu.memory_space<hbm>>)
    return
  }
}

</mosaic_0001>

<sc_bundles>
// kernel: kernel.3.cloned.1.call-start
scs
__scs_entry_jumppad:
0x0: {  	(pc) =	sbr.rel $0x88, $3  }
0x1: {  	(tag) =	ssettag $0x0;
	lr =	simm.s32 $0x1  }
0x2: {  	[smem:$0x3F9F] =	sst lr;
	_ =	strace $0xD0000000  }
0x3: {  	_ = 	snop  }
0x4: {  	_ = 	snop  }
0x5: {  	_ = 	snop  }
0x6: {  	_ = 	snop  }
0x7: {  	_ = 	snop  }
__scs_overlays_trampoline_lowered:
0x8: {  	[smem:$0x3FAE] =	sst s0  }
0x9: {  	[smem:$0x3FAF] =	sst s1  }
0xa: {  	[smem:$0x3FB0] =	sst s2  }
0xb: {  	[smem:$0x3FB1] =	sst s3  }
0xc: {  	[smem:$0x3FB2] =	sst s4  }
0xd: {  	[smem:$0x3FB3] =	sst s5  }
0xe: {  	[smem:$0x3FB4] =	sst s6  }
0xf: {  	[smem:$0x3FB5] =	sst s7  }
0x10: {  	[smem:$0x3FB6] =	sst s8  }
0x11: {  	[smem:$0x3FB7] =	sst s9;
	s0 =	simm.s32 @!p0 $0x0  }
0x12: {  	s1 =	sld [smem:$0x3F9D];
	s0 =	simm.s32 @p0 $0x1  }
0x13: {  	[smem:$0x3FB8] =	sst s0;
	s0 =	simm.s32 @!p1 $0x0  }
0x14: {  	s2 =	sld [smem:$0x3F9C];
	s0 =	simm.s32 @p1 $0x1  }
0x15: {  	[smem:$0x3FB9] =	sst s0;
	s0 =	simm.s32 @!p2 $0x0  }
0x16: {  	s3 =	sld [smem:$0x3FDB];
	s0 =	simm.s32 @p2 $0x1  }
0x17: {  	s4 =	simm.s32 $0x1BF5;
	[smem:$0x3FBB] =	sst s0  }
0x18: {  	s0 =	sld [smem:$0x3F9E];
	_ =	swait.ge [sflag:s4], $0x0  }
0x19: {  	s7 =	sld [smem:$0x3F9F]  }
0x1a: {  	s8 =	sadd.s32 $0xFFFFE003, lr  }
0x1b: {  	s9 =	sadd.s32 $0xFFFFFEF7, lr;
	s5 =	simm.s32 $0xFFFFFFFF;
	p2 =	slt.u32 s8, $0xFFFFF086  }
0x1c: {  	p1 =	slt.u32 s9, $0xF7A;
	s5 =	simm.s32 @!p2 $0x0  }
0x1d: {  	s5 =	simm.s32 @p1 $0x1;
	p0 =	seq.s32 s7, s2  }
0x1e: {  	s7 =	smul.u32 @!p0 $0xF7A, s2;
	p2 =	seq.s32 @!p0 s5, $0x0  }
0x1f: {  	s9 =	smul.u32 $0xF7A, s1;
	s8 =	simm.s32 @!p0 $0x1BF5;
	p2 =	por !p2, p0  }
0x20: {  	[sflag:s8] =	ssyncset.s32 @!p0 $0xFFFFF086;
	s6 =	sadd.s32 @!p0 s3, s7;
	s7 =	simm.s32 @!p0 $0x108  }
0x21: {  	s3 =	sadd.s32 s3, s9;
	s6 =	sadd.s32 @!p0 $0x88, s6;
	s7 =	simm.s32 @p2 $0x1082  }
0x22: {  	[simem:s7], [sflag:s8] =	dma.local @!p0 [hbm:s6], $0xF7A  }
0x23: {  	s9 =	sor.u32 $0xD0000000, s2;
	s6 =	simm.s32 $0x108;
	_ =	swait.ge @!p0 [sflag:s8], $0x0  }
0x24: {  	s3 =	sadd.s32 $0x88, s3;
	s6 =	simm.s32 @!p1 $0x1082;
	[sflag:s4] =	ssyncset.s32 $0xFFFFF086  }
0x25: {  	[simem:s6], [sflag:s4] =	dma.local [hbm:s3], $0xF7A  }
0x26: {  	[smem:$0x3F9F] =	sst s1;
	(tag) =	ssettag s2;
	_ =	strace s9  }
0x27: {  	s1 =	sld [smem:$0x3FAF]  }
0x28: {  	s2 =	sld [smem:$0x3FB0]  }
0x29: {  	s4 =	sld [smem:$0x3FB2]  }
0x2a: {  	p0 =	seq.s32 s5, $0x0;
	s5 =	sld [smem:$0x3FB3]  }
0x2b: {  	s6 =	sld [smem:$0x3FB4]  }
0x2c: {  	s7 =	sld [smem:$0x3FB5]  }
0x2d: {  	s3 =	simm.s32 $0x108;
	s8 =	sld [smem:$0x3FB6]  }
0x2e: {  	s3 =	simm.s32 @!p0 $0x1082;
	s9 =	sld [smem:$0x3FB7]  }
0x2f: {  	lr =	sadd.s32 s0, s3;
	s0 =	sld [smem:$0x3FAE]  }
0x30: {  	s3 =	sld [smem:$0x3FB1]  }
0x31: {  	[smem:$0x3FBA] =	sst s10  }
0x32: {  	s10 =	sld [smem:$0x3FB8];
	_ =	sdelay $0x3  }
0x33: {  	p0 =	seq.s32 s10, $0x1;
	s10 =	sld [smem:$0x3FBA];
	_ =	sdelay $0x3  }
0x34: {  	[smem:$0x3FBA] =	sst s10  }
0x35: {  	s10 =	sld [smem:$0x3FB9];
	_ =	sdelay $0x3  }
0x36: {  	p1 =	seq.s32 s10, $0x1;
	s10 =	sld [smem:$0x3FBA];
	_ =	sdelay $0x3  }
0x37: {  	[smem:$0x3FBA] =	sst s10  }
0x38: {  	s10 =	sld [smem:$0x3FBB]  }
0x39: {  	_ = 	snop;
	(pc) =	sbr.ind lr, $3  }
0x3a: {  	_ = 	snop  }
0x3b: {  	_ = 	snop  }
0x3c: {  	p2 =	seq.s32 s10, $0x1;
	s10 =	sld [smem:$0x3FBA]  }
0x3d: {  	_ =	shalt  }
0x3e: {  	_ =	shalt  }
0x3f: {  	_ =	shalt  }
0x40: {  	_ =	shalt  }
0x41: {  	_ =	shalt  }
0x42: {  	_ =	shalt  }
0x43: {  	_ =	shalt  }
0x44: {  	_ =	shalt  }
0x45: {  	_ =	shalt  }
0x46: {  	_ =	shalt  }
0x47: {  	_ =	shalt  }
0x48: {  	_ =	shalt  }
0x49: {  	_ =	shalt  }
0x4a: {  	_ =	shalt  }
0x4b: {  	_ =	shalt  }
0x4c: {  	_ =	shalt  }
0x4d: {  	_ =	shalt  }
0x4e: {  	_ =	shalt  }
0x4f: {  	_ =	shalt  }
0x50: {  	_ =	shalt  }
0x51: {  	_ =	shalt  }
0x52: {  	_ =	shalt  }
0x53: {  	_ =	shalt  }
0x54: {  	_ =	shalt  }
0x55: {  	_ =	shalt  }
0x56: {  	_ =	shalt  }
0x57: {  	_ =	shalt  }
0x58: {  	_ =	shalt  }
0x59: {  	_ =	shalt  }
0x5a: {  	_ =	shalt  }
0x5b: {  	_ =	shalt  }
0x5c: {  	_ =	shalt  }
0x5d: {  	_ =	shalt  }
0x5e: {  	_ =	shalt  }
0x5f: {  	_ =	shalt  }
0x60: {  	_ =	shalt  }
0x61: {  	_ =	shalt  }
0x62: {  	_ =	shalt  }
0x63: {  	_ =	shalt  }
0x64: {  	_ =	shalt  }
0x65: {  	_ =	shalt  }
0x66: {  	_ =	shalt  }
0x67: {  	_ =	shalt  }
0x68: {  	_ =	shalt  }
0x69: {  	_ =	shalt  }
0x6a: {  	_ =	shalt  }
0x6b: {  	_ =	shalt  }
0x6c: {  	_ =	shalt  }
0x6d: {  	_ =	shalt  }
0x6e: {  	_ =	shalt  }
0x6f: {  	_ =	shalt  }
0x70: {  	_ =	shalt  }
0x71: {  	_ =	shalt  }
0x72: {  	_ =	shalt  }
0x73: {  	_ =	shalt  }
0x74: {  	_ =	shalt  }
0x75: {  	_ =	shalt  }
0x76: {  	_ =	shalt  }
0x77: {  	_ =	shalt  }
0x78: {  	_ =	shalt  }
0x79: {  	_ =	shalt  }
0x7a: {  	_ =	shalt  }
0x7b: {  	_ =	shalt  }
0x7c: {  	_ =	shalt  }
0x7d: {  	_ =	shalt  }
0x7e: {  	_ =	shalt  }
0x7f: {  	_ =	shalt  }
0x80: {  	_ =	shalt  }
0x81: {  	_ =	shalt  }
0x82: {  	_ =	shalt  }
0x83: {  	_ =	shalt  }
0x84: {  	_ =	shalt  }
0x85: {  	_ =	shalt  }
0x86: {  	_ =	shalt  }
0x87: {  	_ =	shalt  }
.Lfunc_end0:
.L_simem_size_0:
called_computation_lowered:
.L_overlay_start_0:
0x88: {  	s2 =	sld [smem:$0x3FD9]  }
0x89: {  	s3 =	sld [smem:$0x3FFE];
	_ =	sdelay $0x1  }
0x8a: {  	s1 =	srdreg.scid  }
0x8b: {  	s0 =	sand.u32 $0x1, s1  }
0x8c: {  	s17 =	sshll.u32 s0, $0xA;
	s2 =	sadd.s32 s3, s2  }
0x8d: {  	s2 =	sadd.s32 s2, s17  }
0x8e: {  	[smem:$0x3FC6] =	sst s2  }
0x8f: {  	_ = 	snop  }
0x90: {  	s2 =	sld [smem:$0x3FD0];
	(tm) =	ssettm $0x1  }
0x91: {  	s18 =	sld [smem:$0x3FFB];
	_ =	sdelay $0x3  }
0x92: {  	_ =	strace s18  }
0x93: {  	s3 =	sld [smem:$0x3FFC];
	_ =	sdelay $0x3  }
0x94: {  	_ =	strace s3  }
0x95: {  	s3 =	sld [smem:$0x3FFD];
	_ =	sdelay $0x3  }
0x96: {  	_ =	strace s3  }
0x97: {  	_ =	strace $0x8FFFFFFF  }
0x98: {  	s19 =	sld [smem:$0x3FDB];
	_ =	sdelay $0x1  }
0x99: {  	s4 =	simm.s32 $_scs_section_size  }
0x9a: {  	s5 =	simm.s32 $_size__tile_overlayer_lowered;
	s6 =	simm.s32 $_tile_overlayer_lowered  }
0x9b: {  	s22 =	simm.s32 $0x1BFF;
	s21 =	sshll.u32 s6, $0x1;
	s3 =	sadd.s32 s4, s19  }
0x9c: {  	s7 =	simm.s32 $0x0;
	s20 =	sshll.u32 s5, $0x1;
	s5 =	sadd.s32 s21, s3  }
0x9d: {  	[timem:s7], [sflag:s22] =	dma.local [hbm:s5], s20  }
0x9e: {  	_ =	swait.ge [sflag:s22], s20  }
0x9f: {  	s4 =	ssub.s32 $0x0, s20;
	[sflag:s22] =	ssyncset.done $0x0  }
0xa0: {  	[sflag:s22] =	ssyncadd.s32 s4;
	_ =	sdelay $0x1  }
0xa1: {  	s23 =	simm.s32 $0x1B8B  }
0xa2: {  	_ =	swait.ge [sflag:s23], $0x1  }
0xa3: {  	[sflag:s23] =	ssyncset.done $0x0  }
0xa4: {  	s25 =	simm.s32 $0x1B8E;
	s24 =	sld [smem:$0x3FFE];
	[sflag:s23] =	ssyncadd.s32 $0xFFFFFFFF  }
0xa5: {  	s26 =	simm.s32 $execute0_lowered;
	[smem:$0x3FD2] =	sst s25  }
0xa6: {  	s5 =	sshll.u32 s26, $0x1;
	_ =	strace $0x80000046;
	[dreg:$0x1] =	wrdreg $0xFFFFFFFF  }
0xa7: {  	s28 =	simm.s32 $_size_execute0_lowered;
	s3 =	sadd.s32 s3, s5;
	[dreg:$0x0] =	wrdreg $0x0  }
0xa8: {  	s5 =	sshll.u32 s28, $0x1;
	[dreg:$0x2] =	wrdreg s3  }
0xa9: {  	[dreg:$0x3] =	wrdreg s5  }
0xaa: {  	[dreg:$0x4] =	wrdreg $0xC0  }
0xab: {  	_ =	task [dreg:s7], $0x5FFFF  }
0xac: {  	[dreg:$0x1] =	wrdreg $0xFFFFFFFF  }
0xad: {  	[dreg:$0x0] =	wrdreg $0x60  }
0xae: {  	[dreg:$0x2] =	wrdreg s24  }
0xaf: {  	[dreg:$0x3] =	wrdreg s2  }
0xb0: {  	[dreg:$0x4] =	wrdreg $0x9  }
0xb1: {  	_ =	task.clear_ibuf [dreg:s7], $0x5FFFF;
	_ =	strace $0x90000046  }
0xb2: {  	s29 =	simm.s32 $0x9;
	_ =	strace $0x80000048  }
0xb3: {  	_ =	swait.ge [sflag:s29], $0x1  }
0xb4: {  	[sflag:s29] =	ssyncadd.s32 $0xFFFFFFFF  }
0xb5: {  	_ =	strace $0x90000048  }
0xb6: {  	_ =	sfence  }
0xb7: {  	s30 =	sld [smem:$0x0];
	_ =	sdelay $0x2  }
0xb8: {  	s31 =	sshll.u32 s1, $0xD;
	s1 =	sshrl.u32 s1, $0x2  }
0xb9: {  	s3 =	sand.u32 $0x4000, s31;
	s1 =	sadd.s32 s1, s30  }
0xba: {  	s0 =	sor.u32 s3, s0;
	s1 =	sshll.u32 s1, $0x11  }
0xbb: {  	s0 =	sor.u32 s1, s0  }
0xbc: {  	s0 =	sadd.s32 $0x8F2B, s0  }
0xbd: {  	[sflag:s0] =	ssyncadd.remote.s32 $0x1  }
0xbe: {  	_ =	sfence.sel $0xFFFF  }
0xbf: {  	[dreg:$0x0] =	wrdreg $0xFFFFFFFF;
	(pc) =	sbr.abs _section_cstart, $3  }
0xc0: {  	[dreg:$0x1] =	wrdreg $0xFFFFFFFF  }
0xc1: {  	_ =	task.clear_ibuf [dreg:s7], $0x2FFFF;
	_ =	strace $0x9FFFFFFF  }
0xc2: {  	(tm) =	ssettm $0x7FFFFFFF  }
0xc3: {  	_ =	shalt  }
tec
execute0_lowered:
.L_overlay_start_1:
0x0: {  	(tag) =	ssettag $0x1  }
0x1: {  	v0 =	vlaneseq.u32  }
0x2: {  	v0 =	vmul.u32 $0x88, v0;
	_ =	sdelay $0x1  }
0x3: {  	v1 =	vadd.s32 $0x880, v0;
	v3 =	vadd.s32 $0x881, v0;
	v4 =	vor.u32 $0x2, v0  }
0x4: {  	v5 =	vadd.s32 $0x882, v0;
	v6 =	vor.u32 $0x3, v0;
	v7 =	vadd.s32 $0x883, v0  }
0x5: {  	v8 =	vor.u32 $0x4, v0;
	v9 =	vadd.s32 $0x884, v0;
	v10 =	vor.u32 $0x5, v0  }
0x6: {  	v11 =	vadd.s32 $0x885, v0;
	v12 =	vor.u32 $0x6, v0;
	v13 =	vadd.s32 $0x886, v0  }
0x7: {  	v14 =	vor.u32 $0x7, v0;
	v15 =	vadd.s32 $0x887, v0;
	v16 =	vadd.s32 $0x8, v0  }
0x8: {  	v17 =	vadd.s32 $0x888, v0;
	v18 =	vadd.s32 $0x9, v0;
	v19 =	vadd.s32 $0x889, v0  }
0x9: {  	v20 =	vadd.s32 $0xA, v0;
	v21 =	vadd.s32 $0x88A, v0;
	v22 =	vadd.s32 $0xB, v0  }
0xa: {  	v23 =	vadd.s32 $0x88B, v0;
	v24 =	vadd.s32 $0xC, v0;
	v25 =	vadd.s32 $0x88C, v0  }
0xb: {  	s5 =	rddreg [dreg:$0x0];
	s1 =	srdreg.scid;
	v26 =	vadd.s32 $0xD, v0;
	v27 =	vadd.s32 $0x88D, v0;
	v28 =	vadd.s32 $0xE, v0  }
0xc: {  	s0 =	stileid.u32;
	s2 =	rddreg [dreg:$0x1];
	v29 =	vadd.s32 $0x88E, v0;
	v30 =	vadd.s32 $0xF, v0;
	v31 =	vadd.s32 $0x88F, v0  }
0xd: {  	s3 =	simm.s32 $0x0;
	s14 =	simm.s32 $0x6400;
	s15 =	simm.s32 $0x7400;
	v32 =	vadd.s32 $0x10, v0;
	v33 =	vadd.s32 $0x890, v0;
	v34 =	vadd.s32 $0x11, v0  }
0xe: {  	s16 =	simm.s32 $0x100;
	s17 =	simm.s32 $0x8400;
	s18 =	simm.s32 $0x1;
	v35 =	vadd.s32 $0x891, v0;
	v36 =	vadd.s32 $0x12, v0;
	v37 =	vadd.s32 $0x892, v0  }
0xf: {  	s19 =	simm.s32 $0x2;
	s20 =	simm.s32 $0x3;
	s10 =	smul.u32 $0xC800, s0;
	v38 =	vadd.s32 $0x13, v0;
	v39 =	vadd.s32 $0x893, v0;
	v40 =	vadd.s32 $0x14, v0  }
0x10: {  	s21 =	simm.s32 $0x0;
	s7 =	sand.u32 $0x1, s1;
	s12 =	smul.u32 $0x32000, s0;
	v41 =	vadd.s32 $0x894, v0;
	v42 =	vadd.s32 $0x15, v0;
	v43 =	vadd.s32 $0x895, v0  }
0x11: {  	s4 =	sshll.u32 s0, $0x1;
	[smem:$0x7FF] =	sst s3;
	s11 =	smul.u32 $0x6400, s7;
	v44 =	vadd.s32 $0x16, v0;
	v45 =	vadd.s32 $0x896, v0;
	v46 =	vadd.s32 $0x17, v0  }
0x12: {  	s4 =	sor.u32 s7, s4;
	s8 =	ssub.s32 $0x2, s7;
	s13 =	smul.u32 $0x19000, s7;
	v47 =	vadd.s32 $0x897, v0;
	v48 =	vadd.s32 $0x18, v0;
	v49 =	vadd.s32 $0x898, v0  }
0x13: {  	s7 =	sadd.s32 $0x8000, s2;
	s6 =	smul.u32 $0xC80, s4;
	s9 =	sshrl.u32 s8, $0x1;
	v50 =	vadd.s32 $0x19, v0;
	v51 =	vadd.s32 $0x899, v0;
	v52 =	vadd.s32 $0x1A, v0  }
0x14: {  	s4 =	sadd.s32 $0xF42A00, s5;
	v53 =	vadd.s32 $0x89A, v0;
	v54 =	vadd.s32 $0x1B, v0;
	v55 =	vadd.s32 $0x89B, v0;
	s9 =	ssub.s32 s8, s9;
	s8 =	sadd.s32 $0xC000, s2  }
0x15: {  	v56 =	vadd.s32 $0x1C, v0;
	v57 =	vadd.s32 $0x89C, v0;
	[tilespmem:$0x1FFE0] =	vst v1;
	v1 =	vor.u32 $0x1, v0;
	s10 =	sadd.s32 s11, s10;
	s11 =	sadd.s32 s13, s12;
	s12 =	simm.s32 $0x4  }
0x16: {  	v58 =	vadd.s32 $0x1D, v0;
	v59 =	vadd.s32 $0x89D, v0;
	v60 =	vadd.s32 $0x1E, v0;
	s13 =	simm.s32 $0x80;
	[tilespmem:$0x1FFF0] =	vst v1;
	s5 =	sadd.s32 s6, s5;
	s6 =	sadd.s32 $0x4000, s2  }
0x17: {  	v61 =	vadd.s32 $0x89E, v0;
	v62 =	vadd.s32 $0x1F, v0;
	v63 =	vadd.s32 $0x89F, v0;
	s9 =	smax.u32 s9, $0x1;
	_ =	strace $0x80000047;
	s5 =	sadd.s32 $0x600, s5  }
.LBB2_1:
0x18: {  	[tilespmem:s3], [sflag:$0x4] =	stream.linear.gather [hbm4b:s5+s3], $0x6400, $0x38;
	[tilespmem:$0xC600] =	vst v63  }
0x19: {  	_ =	swait.ge [sflag:s12], $0x6400  }
0x1a: {  	[sflag:s12] =	ssyncset.done $0x0  }
0x1b: {  	[sflag:s12] =	ssyncadd.s32 $0xFFFF9C00  }
0x1c: {  	[tilespmem:s14], [sflag:$0x1] =	stream.indirect.gather [hbm4b:s4+s13], $0x20, s3, s13, $0xb8;
	[tilespmem:$0xC600] =	vst v63  }
0x1d: {  	s22 =	simm.s32 $0x3000;
	s23 =	simm.s32 $0x180  }
0x1e: {  	[tilespmem:s15], [sflag:$0x1] =	stream.indirect.gather [hbm4b:s4+s13], $0x20, s13, s13, $0xb8;
	[tilespmem:$0xC600] =	vst v63  }
0x1f: {  	s24 =	smov.u32 s11;
	s25 =	smov.u32 s10;
	s26 =	simm.s32 $0x0  }
0x20: {  	[tilespmem:s17], [sflag:$0x1] =	stream.indirect.gather [hbm4b:s4+s13], $0x20, s16, s13, $0xb8;
	[tilespmem:$0xC600] =	vst v63  }
.LBB2_2:
0x21: {  	_ =	swait.ge [sflag:s18], $0x1000;
	p0 =	sgt.u32 s26, $0xC4;
	s0 =	sand.u32 $0x1, s26  }
0x22: {  	[sflag:s18] =	ssyncset.done $0x0;
	s28 =	sand.u32 @!p0 $0x3000, s22;
	s29 =	simm.s32 @!p0 $0x80  }
0x23: {  	p1 =	slt.u32 @!p0 s26, $0x2;
	[sflag:s18] =	ssyncadd.s32 $0xFFFFF000;
	s28 =	sadd.s32 @!p0 $0x6400, s28  }
0x24: {  	[tilespmem:s28], [sflag:$0x1] =	stream.indirect.gather @!p0 [hbm4b:s4+s29], $0x20, s23, s29, $0xb8;
	[tilespmem:$0xC600] =	vst v63  }
0x25: {  	p0 =	por p0, !p1;
	s28 =	sor.u32 $0x2, s0  }
0x26: {  	_ =	swait.ge @p0 [sflag:s28], $0x400  }
0x27: {  	[sflag:s28] =	ssyncset.done @p0 $0x0  }
0x28: {  	[sflag:s28] =	ssyncadd.s32 @p0 $0xFFFFFC00  }
0x29: {  	_ =	swait.ge @p0 [sflag:s28], $0x400  }
0x2a: {  	[sflag:s28] =	ssyncset.done @p0 $0x0  }
0x2b: {  	[sflag:s28] =	ssyncadd.s32 @p0 $0xFFFFFC00  }
0x2c: {  	_ =	swait.ge @p0 [sflag:s28], $0x400  }
0x2d: {  	[sflag:s28] =	ssyncset.done @p0 $0x0  }
0x2e: {  	[sflag:s28] =	ssyncadd.s32 @p0 $0xFFFFFC00  }
0x2f: {  	_ =	swait.ge @p0 [sflag:s28], $0x400  }
0x30: {  	s30 =	sadd.s32 $0xFFFFD000, s22;
	[sflag:s28] =	ssyncset.done @p0 $0x0  }
0x31: {  	s30 =	sand.u32 $0x3000, s30;
	[sflag:s28] =	ssyncadd.s32 @p0 $0xFFFFFC00  }
0x32: {  	v1 =	vld [tilespmem:s30+$0x6400];
	_ =	sdelay $0x1  }
0x33: {  	s29 =	smul.u32 $0x4400, s0  }
0x34: {  	v2 =	vld [tilespmem:$0x1FFE0]  }
0x35: {  	s29 =	sshrl.u32 s29, $0x2  }
0x36: {  	[tilespmem:v0+s29+$0xA400] =	vst.idx.msk $0xffff, v1  }
0x37: {  	v1 =	vld [tilespmem:s30+$0x6410];
	_ =	sdelay $0x4  }
0x38: {  	[tilespmem:v2+s29+$0xA400] =	vst.idx.msk $0xffff, v1;
	v2 =	vld [tilespmem:$0x1FFF0];
	_ =	sdelay $0x2  }
0x39: {  	v1 =	vld [tilespmem:s30+$0x6420];
	_ =	sdelay $0x4  }
0x3a: {  	[tilespmem:v2+s29+$0xA400] =	vst.idx.msk $0xffff, v1  }
0x3b: {  	v1 =	vld [tilespmem:s30+$0x6430];
	_ =	sdelay $0x4  }
0x3c: {  	[tilespmem:v3+s29+$0xA400] =	vst.idx.msk $0xffff, v1  }
0x3d: {  	v1 =	vld [tilespmem:s30+$0x6440];
	_ =	sdelay $0x4  }
0x3e: {  	[tilespmem:v4+s29+$0xA400] =	vst.idx.msk $0xffff, v1  }
0x3f: {  	v1 =	vld [tilespmem:s30+$0x6450];
	_ =	sdelay $0x4  }
0x40: {  	[tilespmem:v5+s29+$0xA400] =	vst.idx.msk $0xffff, v1  }
0x41: {  	v1 =	vld [tilespmem:s30+$0x6460];
	_ =	sdelay $0x4  }
0x42: {  	[tilespmem:v6+s29+$0xA400] =	vst.idx.msk $0xffff, v1  }
0x43: {  	v1 =	vld [tilespmem:s30+$0x6470];
	_ =	sdelay $0x4  }
0x44: {  	[tilespmem:v7+s29+$0xA400] =	vst.idx.msk $0xffff, v1  }
0x45: {  	v1 =	vld [tilespmem:s30+$0x6480];
	_ =	sdelay $0x4  }
0x46: {  	[tilespmem:v8+s29+$0xA400] =	vst.idx.msk $0xffff, v1  }
0x47: {  	v1 =	vld [tilespmem:s30+$0x6490];
	_ =	sdelay $0x4  }
0x48: {  	[tilespmem:v9+s29+$0xA400] =	vst.idx.msk $0xffff, v1  }
0x49: {  	v1 =	vld [tilespmem:s30+$0x64A0];
	_ =	sdelay $0x4  }
0x4a: {  	[tilespmem:v10+s29+$0xA400] =	vst.idx.msk $0xffff, v1  }
0x4b: {  	v1 =	vld [tilespmem:s30+$0x64B0];
	_ =	sdelay $0x4  }
0x4c: {  	[tilespmem:v11+s29+$0xA400] =	vst.idx.msk $0xffff, v1  }
0x4d: {  	v1 =	vld [tilespmem:s30+$0x64C0];
	_ =	sdelay $0x4  }
0x4e: {  	[tilespmem:v12+s29+$0xA400] =	vst.idx.msk $0xffff, v1  }
0x4f: {  	v1 =	vld [tilespmem:s30+$0x64D0];
	_ =	sdelay $0x4  }
0x50: {  	[tilespmem:v13+s29+$0xA400] =	vst.idx.msk $0xffff, v1  }
0x51: {  	v1 =	vld [tilespmem:s30+$0x64E0];
	_ =	sdelay $0x4  }
0x52: {  	[tilespmem:v14+s29+$0xA400] =	vst.idx.msk $0xffff, v1  }
0x53: {  	v1 =	vld [tilespmem:s30+$0x64F0];
	_ =	sdelay $0x4  }
0x54: {  	[tilespmem:v15+s29+$0xA400] =	vst.idx.msk $0xffff, v1  }
0x55: {  	v1 =	vld [tilespmem:s30+$0x6500];
	_ =	sdelay $0x4  }
0x56: {  	[tilespmem:v16+s29+$0xA400] =	vst.idx.msk $0xffff, v1  }
0x57: {  	v1 =	vld [tilespmem:s30+$0x6510];
	_ =	sdelay $0x4  }
0x58: {  	[tilespmem:v17+s29+$0xA400] =	vst.idx.msk $0xffff, v1  }
0x59: {  	v1 =	vld [tilespmem:s30+$0x6520];
	_ =	sdelay $0x4  }
0x5a: {  	[tilespmem:v18+s29+$0xA400] =	vst.idx.msk $0xffff, v1  }
0x5b: {  	v1 =	vld [tilespmem:s30+$0x6530];
	_ =	sdelay $0x4  }
0x5c: {  	[tilespmem:v19+s29+$0xA400] =	vst.idx.msk $0xffff, v1  }
0x5d: {  	v1 =	vld [tilespmem:s30+$0x6540];
	_ =	sdelay $0x4  }
0x5e: {  	[tilespmem:v20+s29+$0xA400] =	vst.idx.msk $0xffff, v1  }
0x5f: {  	v1 =	vld [tilespmem:s30+$0x6550];
	_ =	sdelay $0x4  }
0x60: {  	[tilespmem:v21+s29+$0xA400] =	vst.idx.msk $0xffff, v1  }
0x61: {  	v1 =	vld [tilespmem:s30+$0x6560];
	_ =	sdelay $0x4  }
0x62: {  	[tilespmem:v22+s29+$0xA400] =	vst.idx.msk $0xffff, v1  }
0x63: {  	v1 =	vld [tilespmem:s30+$0x6570];
	_ =	sdelay $0x4  }
0x64: {  	[tilespmem:v23+s29+$0xA400] =	vst.idx.msk $0xffff, v1  }
0x65: {  	v1 =	vld [tilespmem:s30+$0x6580];
	_ =	sdelay $0x4  }
0x66: {  	[tilespmem:v24+s29+$0xA400] =	vst.idx.msk $0xffff, v1  }
0x67: {  	v1 =	vld [tilespmem:s30+$0x6590];
	_ =	sdelay $0x4  }
0x68: {  	[tilespmem:v25+s29+$0xA400] =	vst.idx.msk $0xffff, v1  }
0x69: {  	v1 =	vld [tilespmem:s30+$0x65A0];
	_ =	sdelay $0x4  }
0x6a: {  	[tilespmem:v26+s29+$0xA400] =	vst.idx.msk $0xffff, v1  }
0x6b: {  	v1 =	vld [tilespmem:s30+$0x65B0];
	_ =	sdelay $0x4  }
0x6c: {  	[tilespmem:v27+s29+$0xA400] =	vst.idx.msk $0xffff, v1  }
0x6d: {  	v1 =	vld [tilespmem:s30+$0x65C0];
	_ =	sdelay $0x4  }
0x6e: {  	[tilespmem:v28+s29+$0xA400] =	vst.idx.msk $0xffff, v1  }
0x6f: {  	v1 =	vld [tilespmem:s30+$0x65D0];
	_ =	sdelay $0x4  }
0x70: {  	[tilespmem:v29+s29+$0xA400] =	vst.idx.msk $0xffff, v1  }
0x71: {  	v1 =	vld [tilespmem:s30+$0x65E0];
	_ =	sdelay $0x4  }
0x72: {  	[tilespmem:v30+s29+$0xA400] =	vst.idx.msk $0xffff, v1  }
0x73: {  	v1 =	vld [tilespmem:s30+$0x65F0];
	_ =	sdelay $0x4  }
0x74: {  	[tilespmem:v31+s29+$0xA400] =	vst.idx.msk $0xffff, v1  }
0x75: {  	v1 =	vld [tilespmem:s30+$0x6600];
	_ =	sdelay $0x4  }
0x76: {  	[tilespmem:v32+s29+$0xA400] =	vst.idx.msk $0xffff, v1  }
0x77: {  	v1 =	vld [tilespmem:s30+$0x6610];
	_ =	sdelay $0x4  }
0x78: {  	[tilespmem:v33+s29+$0xA400] =	vst.idx.msk $0xffff, v1  }
0x79: {  	v1 =	vld [tilespmem:s30+$0x6620];
	_ =	sdelay $0x4  }
0x7a: {  	[tilespmem:v34+s29+$0xA400] =	vst.idx.msk $0xffff, v1  }
0x7b: {  	v1 =	vld [tilespmem:s30+$0x6630];
	_ =	sdelay $0x4  }
0x7c: {  	[tilespmem:v35+s29+$0xA400] =	vst.idx.msk $0xffff, v1  }
0x7d: {  	v1 =	vld [tilespmem:s30+$0x6640];
	_ =	sdelay $0x4  }
0x7e: {  	[tilespmem:v36+s29+$0xA400] =	vst.idx.msk $0xffff, v1  }
0x7f: {  	v1 =	vld [tilespmem:s30+$0x6650];
	_ =	sdelay $0x4  }
0x80: {  	[tilespmem:v37+s29+$0xA400] =	vst.idx.msk $0xffff, v1  }
0x81: {  	v1 =	vld [tilespmem:s30+$0x6660];
	_ =	sdelay $0x4  }
0x82: {  	[tilespmem:v38+s29+$0xA400] =	vst.idx.msk $0xffff, v1  }
0x83: {  	v1 =	vld [tilespmem:s30+$0x6670];
	_ =	sdelay $0x4  }
0x84: {  	[tilespmem:v39+s29+$0xA400] =	vst.idx.msk $0xffff, v1  }
0x85: {  	v1 =	vld [tilespmem:s30+$0x6680];
	_ =	sdelay $0x4  }
0x86: {  	[tilespmem:v40+s29+$0xA400] =	vst.idx.msk $0xffff, v1  }
0x87: {  	v1 =	vld [tilespmem:s30+$0x6690];
	_ =	sdelay $0x4  }
0x88: {  	[tilespmem:v41+s29+$0xA400] =	vst.idx.msk $0xffff, v1  }
0x89: {  	v1 =	vld [tilespmem:s30+$0x66A0];
	_ =	sdelay $0x4  }
0x8a: {  	[tilespmem:v42+s29+$0xA400] =	vst.idx.msk $0xffff, v1  }
0x8b: {  	v1 =	vld [tilespmem:s30+$0x66B0];
	_ =	sdelay $0x4  }
0x8c: {  	[tilespmem:v43+s29+$0xA400] =	vst.idx.msk $0xffff, v1  }
0x8d: {  	v1 =	vld [tilespmem:s30+$0x66C0];
	_ =	sdelay $0x4  }
0x8e: {  	[tilespmem:v44+s29+$0xA400] =	vst.idx.msk $0xffff, v1  }
0x8f: {  	v1 =	vld [tilespmem:s30+$0x66D0];
	_ =	sdelay $0x4  }
0x90: {  	[tilespmem:v45+s29+$0xA400] =	vst.idx.msk $0xffff, v1  }
0x91: {  	v1 =	vld [tilespmem:s30+$0x66E0];
	_ =	sdelay $0x4  }
0x92: {  	[tilespmem:v46+s29+$0xA400] =	vst.idx.msk $0xffff, v1  }
0x93: {  	v1 =	vld [tilespmem:s30+$0x66F0];
	_ =	sdelay $0x4  }
0x94: {  	[tilespmem:v47+s29+$0xA400] =	vst.idx.msk $0xffff, v1  }
0x95: {  	v1 =	vld [tilespmem:s30+$0x6700];
	_ =	sdelay $0x4  }
0x96: {  	[tilespmem:v48+s29+$0xA400] =	vst.idx.msk $0xffff, v1  }
0x97: {  	v1 =	vld [tilespmem:s30+$0x6710];
	_ =	sdelay $0x4  }
0x98: {  	[tilespmem:v49+s29+$0xA400] =	vst.idx.msk $0xffff, v1  }
0x99: {  	v1 =	vld [tilespmem:s30+$0x6720];
	_ =	sdelay $0x4  }
0x9a: {  	[tilespmem:v50+s29+$0xA400] =	vst.idx.msk $0xffff, v1  }
0x9b: {  	v1 =	vld [tilespmem:s30+$0x6730];
	_ =	sdelay $0x4  }
0x9c: {  	[tilespmem:v51+s29+$0xA400] =	vst.idx.msk $0xffff, v1  }
0x9d: {  	v1 =	vld [tilespmem:s30+$0x6740];
	_ =	sdelay $0x4  }
0x9e: {  	[tilespmem:v52+s29+$0xA400] =	vst.idx.msk $0xffff, v1  }
0x9f: {  	v1 =	vld [tilespmem:s30+$0x6750];
	_ =	sdelay $0x4  }
0xa0: {  	[tilespmem:v53+s29+$0xA400] =	vst.idx.msk $0xffff, v1  }
0xa1: {  	v1 =	vld [tilespmem:s30+$0x6760];
	_ =	sdelay $0x4  }
0xa2: {  	[tilespmem:v54+s29+$0xA400] =	vst.idx.msk $0xffff, v1  }
0xa3: {  	v1 =	vld [tilespmem:s30+$0x6770];
	_ =	sdelay $0x4  }
0xa4: {  	[tilespmem:v55+s29+$0xA400] =	vst.idx.msk $0xffff, v1  }
0xa5: {  	v1 =	vld [tilespmem:s30+$0x6780];
	_ =	sdelay $0x4  }
0xa6: {  	[tilespmem:v56+s29+$0xA400] =	vst.idx.msk $0xffff, v1  }
0xa7: {  	v1 =	vld [tilespmem:s30+$0x6790];
	_ =	sdelay $0x4  }
0xa8: {  	[tilespmem:v57+s29+$0xA400] =	vst.idx.msk $0xffff, v1  }
0xa9: {  	v1 =	vld [tilespmem:s30+$0x67A0];
	_ =	sdelay $0x4  }
0xaa: {  	[tilespmem:v58+s29+$0xA400] =	vst.idx.msk $0xffff, v1  }
0xab: {  	v1 =	vld [tilespmem:s30+$0x67B0];
	_ =	sdelay $0x4  }
0xac: {  	[tilespmem:v59+s29+$0xA400] =	vst.idx.msk $0xffff, v1  }
0xad: {  	v1 =	vld [tilespmem:s30+$0x67C0];
	_ =	sdelay $0x4  }
0xae: {  	[tilespmem:v60+s29+$0xA400] =	vst.idx.msk $0xffff, v1  }
0xaf: {  	v1 =	vld [tilespmem:s30+$0x67D0];
	_ =	sdelay $0x4  }
0xb0: {  	[tilespmem:v61+s29+$0xA400] =	vst.idx.msk $0xffff, v1  }
0xb1: {  	v1 =	vld [tilespmem:s30+$0x67E0];
	_ =	sdelay $0x4  }
0xb2: {  	[tilespmem:v62+s29+$0xA400] =	vst.idx.msk $0xffff, v1  }
0xb3: {  	v1 =	vld [tilespmem:s30+$0x67F0];
	_ =	sdelay $0x4  }
0xb4: {  	[tilespmem:v63+s29+$0xA400] =	vst.idx.msk $0xffff, v1  }
0xb5: {  	v2 =	vadd.s32 $0x20, v0;
	v1 =	vld [tilespmem:s30+$0x6800];
	_ =	sdelay $0x4  }
0xb6: {  	[tilespmem:v2+s29+$0xA400] =	vst.idx.msk $0xffff, v1  }
0xb7: {  	v2 =	vadd.s32 $0x8A0, v0;
	v1 =	vld [tilespmem:s30+$0x6810];
	_ =	sdelay $0x4  }
0xb8: {  	[tilespmem:v2+s29+$0xA400] =	vst.idx.msk $0xffff, v1  }
0xb9: {  	v2 =	vadd.s32 $0x21, v0;
	v1 =	vld [tilespmem:s30+$0x6820];
	_ =	sdelay $0x4  }
0xba: {  	[tilespmem:v2+s29+$0xA400] =	vst.idx.msk $0xffff, v1  }
0xbb: {  	v2 =	vadd.s32 $0x8A1, v0;
	v1 =	vld [tilespmem:s30+$0x6830];
	_ =	sdelay $0x4  }
0xbc: {  	[tilespmem:v2+s29+$0xA400] =	vst.idx.msk $0xffff, v1  }
0xbd: {  	v2 =	vadd.s32 $0x22, v0;
	v1 =	vld [tilespmem:s30+$0x6840];
	_ =	sdelay $0x4  }
0xbe: {  	[tilespmem:v2+s29+$0xA400] =	vst.idx.msk $0xffff, v1  }
0xbf: {  	v2 =	vadd.s32 $0x8A2, v0;
	v1 =	vld [tilespmem:s30+$0x6850];
	_ =	sdelay $0x4  }
0xc0: {  	[tilespmem:v2+s29+$0xA400] =	vst.idx.msk $0xffff, v1  }
0xc1: {  	v2 =	vadd.s32 $0x23, v0;
	v1 =	vld [tilespmem:s30+$0x6860];
	_ =	sdelay $0x4  }
0xc2: {  	[tilespmem:v2+s29+$0xA400] =	vst.idx.msk $0xffff, v1  }
0xc3: {  	v2 =	vadd.s32 $0x8A3, v0;
	v1 =	vld [tilespmem:s30+$0x6870];
	_ =	sdelay $0x4  }
0xc4: {  	[tilespmem:v2+s29+$0xA400] =	vst.idx.msk $0xffff, v1  }
0xc5: {  	v2 =	vadd.s32 $0x24, v0;
	v1 =	vld [tilespmem:s30+$0x6880];
	_ =	sdelay $0x4  }
0xc6: {  	[tilespmem:v2+s29+$0xA400] =	vst.idx.msk $0xffff, v1  }
0xc7: {  	v2 =	vadd.s32 $0x8A4, v0;
	v1 =	vld [tilespmem:s30+$0x6890];
	_ =	sdelay $0x4  }
0xc8: {  	[tilespmem:v2+s29+$0xA400] =	vst.idx.msk $0xffff, v1  }
0xc9: {  	v2 =	vadd.s32 $0x25, v0;
	v1 =	vld [tilespmem:s30+$0x68A0];
	_ =	sdelay $0x4  }
0xca: {  	[tilespmem:v2+s29+$0xA400] =	vst.idx.msk $0xffff, v1  }
0xcb: {  	v2 =	vadd.s32 $0x8A5, v0;
	v1 =	vld [tilespmem:s30+$0x68B0];
	_ =	sdelay $0x4  }
0xcc: {  	[tilespmem:v2+s29+$0xA400] =	vst.idx.msk $0xffff, v1  }
0xcd: {  	v2 =	vadd.s32 $0x26, v0;
	v1 =	vld [tilespmem:s30+$0x68C0];
	_ =	sdelay $0x4  }
0xce: {  	[tilespmem:v2+s29+$0xA400] =	vst.idx.msk $0xffff, v1  }
0xcf: {  	v2 =	vadd.s32 $0x8A6, v0;
	v1 =	vld [tilespmem:s30+$0x68D0];
	_ =	sdelay $0x4  }
0xd0: {  	[tilespmem:v2+s29+$0xA400] =	vst.idx.msk $0xffff, v1  }
0xd1: {  	v2 =	vadd.s32 $0x27, v0;
	v1 =	vld [tilespmem:s30+$0x68E0];
	_ =	sdelay $0x4  }
0xd2: {  	[tilespmem:v2+s29+$0xA400] =	vst.idx.msk $0xffff, v1  }
0xd3: {  	v2 =	vadd.s32 $0x8A7, v0;
	v1 =	vld [tilespmem:s30+$0x68F0];
	_ =	sdelay $0x4  }
0xd4: {  	[tilespmem:v2+s29+$0xA400] =	vst.idx.msk $0xffff, v1  }
0xd5: {  	v2 =	vadd.s32 $0x28, v0;
	v1 =	vld [tilespmem:s30+$0x6900];
	_ =	sdelay $0x4  }
0xd6: {  	[tilespmem:v2+s29+$0xA400] =	vst.idx.msk $0xffff, v1  }
0xd7: {  	v2 =	vadd.s32 $0x8A8, v0;
	v1 =	vld [tilespmem:s30+$0x6910];
	_ =	sdelay $0x4  }
0xd8: {  	[tilespmem:v2+s29+$0xA400] =	vst.idx.msk $0xffff, v1  }
0xd9: {  	v2 =	vadd.s32 $0x29, v0;
	v1 =	vld [tilespmem:s30+$0x6920];
	_ =	sdelay $0x4  }
0xda: {  	[tilespmem:v2+s29+$0xA400] =	vst.idx.msk $0xffff, v1  }
0xdb: {  	v2 =	vadd.s32 $0x8A9, v0;
	v1 =	vld [tilespmem:s30+$0x6930];
	_ =	sdelay $0x4  }
0xdc: {  	[tilespmem:v2+s29+$0xA400] =	vst.idx.msk $0xffff, v1  }
0xdd: {  	v2 =	vadd.s32 $0x2A, v0;
	v1 =	vld [tilespmem:s30+$0x6940];
	_ =	sdelay $0x4  }
0xde: {  	[tilespmem:v2+s29+$0xA400] =	vst.idx.msk $0xffff, v1  }
0xdf: {  	v2 =	vadd.s32 $0x8AA, v0;
	v1 =	vld [tilespmem:s30+$0x6950];
	_ =	sdelay $0x4  }
0xe0: {  	[tilespmem:v2+s29+$0xA400] =	vst.idx.msk $0xffff, v1  }
0xe1: {  	v2 =	vadd.s32 $0x2B, v0;
	v1 =	vld [tilespmem:s30+$0x6960];
	_ =	sdelay $0x4  }
0xe2: {  	[tilespmem:v2+s29+$0xA400] =	vst.idx.msk $0xffff, v1  }
0xe3: {  	v2 =	vadd.s32 $0x8AB, v0;
	v1 =	vld [tilespmem:s30+$0x6970];
	_ =	sdelay $0x4  }
0xe4: {  	[tilespmem:v2+s29+$0xA400] =	vst.idx.msk $0xffff, v1  }
0xe5: {  	v2 =	vadd.s32 $0x2C, v0;
	v1 =	vld [tilespmem:s30+$0x6980];
	_ =	sdelay $0x4  }
0xe6: {  	[tilespmem:v2+s29+$0xA400] =	vst.idx.msk $0xffff, v1  }
0xe7: {  	v2 =	vadd.s32 $0x8AC, v0;
	v1 =	vld [tilespmem:s30+$0x6990];
	_ =	sdelay $0x4  }
0xe8: {  	[tilespmem:v2+s29+$0xA400] =	vst.idx.msk $0xffff, v1  }
0xe9: {  	v2 =	vadd.s32 $0x2D, v0;
	v1 =	vld [tilespmem:s30+$0x69A0];
	_ =	sdelay $0x4  }
0xea: {  	[tilespmem:v2+s29+$0xA400] =	vst.idx.msk $0xffff, v1  }
0xeb: {  	v2 =	vadd.s32 $0x8AD, v0;
	v1 =	vld [tilespmem:s30+$0x69B0];
	_ =	sdelay $0x4  }
0xec: {  	[tilespmem:v2+s29+$0xA400] =	vst.idx.msk $0xffff, v1  }
0xed: {  	v2 =	vadd.s32 $0x2E, v0;
	v1 =	vld [tilespmem:s30+$0x69C0];
	_ =	sdelay $0x4  }
0xee: {  	[tilespmem:v2+s29+$0xA400] =	vst.idx.msk $0xffff, v1  }
0xef: {  	v2 =	vadd.s32 $0x8AE, v0;
	v1 =	vld [tilespmem:s30+$0x69D0];
	_ =	sdelay $0x4  }
0xf0: {  	[tilespmem:v2+s29+$0xA400] =	vst.idx.msk $0xffff, v1  }
0xf1: {  	v2 =	vadd.s32 $0x2F, v0;
	v1 =	vld [tilespmem:s30+$0x69E0];
	_ =	sdelay $0x4  }
0xf2: {  	[tilespmem:v2+s29+$0xA400] =	vst.idx.msk $0xffff, v1  }
0xf3: {  	v2 =	vadd.s32 $0x8AF, v0;
	v1 =	vld [tilespmem:s30+$0x69F0];
	_ =	sdelay $0x4  }
0xf4: {  	[tilespmem:v2+s29+$0xA400] =	vst.idx.msk $0xffff, v1  }
0xf5: {  	v2 =	vadd.s32 $0x30, v0;
	v1 =	vld [tilespmem:s30+$0x6A00];
	_ =	sdelay $0x4  }
0xf6: {  	[tilespmem:v2+s29+$0xA400] =	vst.idx.msk $0xffff, v1  }
0xf7: {  	v2 =	vadd.s32 $0x8B0, v0;
	v1 =	vld [tilespmem:s30+$0x6A10];
	_ =	sdelay $0x4  }
0xf8: {  	[tilespmem:v2+s29+$0xA400] =	vst.idx.msk $0xffff, v1  }
0xf9: {  	v2 =	vadd.s32 $0x31, v0;
	v1 =	vld [tilespmem:s30+$0x6A20];
	_ =	sdelay $0x4  }
0xfa: {  	[tilespmem:v2+s29+$0xA400] =	vst.idx.msk $0xffff, v1  }
0xfb: {  	v2 =	vadd.s32 $0x8B1, v0;
	v1 =	vld [tilespmem:s30+$0x6A30];
	_ =	sdelay $0x4  }
0xfc: {  	[tilespmem:v2+s29+$0xA400] =	vst.idx.msk $0xffff, v1  }
0xfd: {  	v2 =	vadd.s32 $0x32, v0;
	v1 =	vld [tilespmem:s30+$0x6A40];
	_ =	sdelay $0x4  }
0xfe: {  	[tilespmem:v2+s29+$0xA400] =	vst.idx.msk $0xffff, v1  }
0xff: {  	v2 =	vadd.s32 $0x8B2, v0;
	v1 =	vld [tilespmem:s30+$0x6A50];
	_ =	sdelay $0x4  }
0x100: {  	[tilespmem:v2+s29+$0xA400] =	vst.idx.msk $0xffff, v1  }
0x101: {  	v2 =	vadd.s32 $0x33, v0;
	v1 =	vld [tilespmem:s30+$0x6A60];
	_ =	sdelay $0x4  }
0x102: {  	[tilespmem:v2+s29+$0xA400] =	vst.idx.msk $0xffff, v1  }
0x103: {  	v2 =	vadd.s32 $0x8B3, v0;
	v1 =	vld [tilespmem:s30+$0x6A70];
	_ =	sdelay $0x4  }
0x104: {  	[tilespmem:v2+s29+$0xA400] =	vst.idx.msk $0xffff, v1  }
0x105: {  	v2 =	vadd.s32 $0x34, v0;
	v1 =	vld [tilespmem:s30+$0x6A80];
	_ =	sdelay $0x4  }
0x106: {  	[tilespmem:v2+s29+$0xA400] =	vst.idx.msk $0xffff, v1  }
0x107: {  	v2 =	vadd.s32 $0x8B4, v0;
	v1 =	vld [tilespmem:s30+$0x6A90];
	_ =	sdelay $0x4  }
0x108: {  	[tilespmem:v2+s29+$0xA400] =	vst.idx.msk $0xffff, v1  }
0x109: {  	v2 =	vadd.s32 $0x35, v0;
	v1 =	vld [tilespmem:s30+$0x6AA0];
	_ =	sdelay $0x4  }
0x10a: {  	[tilespmem:v2+s29+$0xA400] =	vst.idx.msk $0xffff, v1  }
0x10b: {  	v2 =	vadd.s32 $0x8B5, v0;
	v1 =	vld [tilespmem:s30+$0x6AB0];
	_ =	sdelay $0x4  }
0x10c: {  	[tilespmem:v2+s29+$0xA400] =	vst.idx.msk $0xffff, v1  }
0x10d: {  	v2 =	vadd.s32 $0x36, v0;
	v1 =	vld [tilespmem:s30+$0x6AC0];
	_ =	sdelay $0x4  }
0x10e: {  	[tilespmem:v2+s29+$0xA400] =	vst.idx.msk $0xffff, v1  }
0x10f: {  	v2 =	vadd.s32 $0x8B6, v0;
	v1 =	vld [tilespmem:s30+$0x6AD0];
	_ =	sdelay $0x4  }
0x110: {  	[tilespmem:v2+s29+$0xA400] =	vst.idx.msk $0xffff, v1  }
0x111: {  	v2 =	vadd.s32 $0x37, v0;
	v1 =	vld [tilespmem:s30+$0x6AE0];
	_ =	sdelay $0x4  }
0x112: {  	[tilespmem:v2+s29+$0xA400] =	vst.idx.msk $0xffff, v1  }
0x113: {  	v2 =	vadd.s32 $0x8B7, v0;
	v1 =	vld [tilespmem:s30+$0x6AF0];
	_ =	sdelay $0x4  }
0x114: {  	[tilespmem:v2+s29+$0xA400] =	vst.idx.msk $0xffff, v1  }
0x115: {  	v2 =	vadd.s32 $0x38, v0;
	v1 =	vld [tilespmem:s30+$0x6B00];
	_ =	sdelay $0x4  }
0x116: {  	[tilespmem:v2+s29+$0xA400] =	vst.idx.msk $0xffff, v1  }
0x117: {  	v2 =	vadd.s32 $0x8B8, v0;
	v1 =	vld [tilespmem:s30+$0x6B10];
	_ =	sdelay $0x4  }
0x118: {  	[tilespmem:v2+s29+$0xA400] =	vst.idx.msk $0xffff, v1  }
0x119: {  	v2 =	vadd.s32 $0x39, v0;
	v1 =	vld [tilespmem:s30+$0x6B20];
	_ =	sdelay $0x4  }
0x11a: {  	[tilespmem:v2+s29+$0xA400] =	vst.idx.msk $0xffff, v1  }
0x11b: {  	v2 =	vadd.s32 $0x8B9, v0;
	v1 =	vld [tilespmem:s30+$0x6B30];
	_ =	sdelay $0x4  }
0x11c: {  	[tilespmem:v2+s29+$0xA400] =	vst.idx.msk $0xffff, v1  }
0x11d: {  	v2 =	vadd.s32 $0x3A, v0;
	v1 =	vld [tilespmem:s30+$0x6B40];
	_ =	sdelay $0x4  }
0x11e: {  	[tilespmem:v2+s29+$0xA400] =	vst.idx.msk $0xffff, v1  }
0x11f: {  	v2 =	vadd.s32 $0x8BA, v0;
	v1 =	vld [tilespmem:s30+$0x6B50];
	_ =	sdelay $0x4  }
0x120: {  	[tilespmem:v2+s29+$0xA400] =	vst.idx.msk $0xffff, v1  }
0x121: {  	v2 =	vadd.s32 $0x3B, v0;
	v1 =	vld [tilespmem:s30+$0x6B60];
	_ =	sdelay $0x4  }
0x122: {  	[tilespmem:v2+s29+$0xA400] =	vst.idx.msk $0xffff, v1  }
0x123: {  	v2 =	vadd.s32 $0x8BB, v0;
	v1 =	vld [tilespmem:s30+$0x6B70];
	_ =	sdelay $0x4  }
0x124: {  	[tilespmem:v2+s29+$0xA400] =	vst.idx.msk $0xffff, v1  }
0x125: {  	v2 =	vadd.s32 $0x3C, v0;
	v1 =	vld [tilespmem:s30+$0x6B80];
	_ =	sdelay $0x4  }
0x126: {  	[tilespmem:v2+s29+$0xA400] =	vst.idx.msk $0xffff, v1  }
0x127: {  	v2 =	vadd.s32 $0x8BC, v0;
	v1 =	vld [tilespmem:s30+$0x6B90];
	_ =	sdelay $0x4  }
0x128: {  	[tilespmem:v2+s29+$0xA400] =	vst.idx.msk $0xffff, v1  }
0x129: {  	v2 =	vadd.s32 $0x3D, v0;
	v1 =	vld [tilespmem:s30+$0x6BA0];
	_ =	sdelay $0x4  }
0x12a: {  	[tilespmem:v2+s29+$0xA400] =	vst.idx.msk $0xffff, v1  }
0x12b: {  	v2 =	vadd.s32 $0x8BD, v0;
	v1 =	vld [tilespmem:s30+$0x6BB0];
	_ =	sdelay $0x4  }
0x12c: {  	[tilespmem:v2+s29+$0xA400] =	vst.idx.msk $0xffff, v1  }
0x12d: {  	v2 =	vadd.s32 $0x3E, v0;
	v1 =	vld [tilespmem:s30+$0x6BC0];
	_ =	sdelay $0x4  }
0x12e: {  	[tilespmem:v2+s29+$0xA400] =	vst.idx.msk $0xffff, v1  }
0x12f: {  	v2 =	vadd.s32 $0x8BE, v0;
	v1 =	vld [tilespmem:s30+$0x6BD0];
	_ =	sdelay $0x4  }
0x130: {  	[tilespmem:v2+s29+$0xA400] =	vst.idx.msk $0xffff, v1  }
0x131: {  	v2 =	vadd.s32 $0x3F, v0;
	v1 =	vld [tilespmem:s30+$0x6BE0];
	_ =	sdelay $0x4  }
0x132: {  	[tilespmem:v2+s29+$0xA400] =	vst.idx.msk $0xffff, v1  }
0x133: {  	v2 =	vadd.s32 $0x8BF, v0;
	v1 =	vld [tilespmem:s30+$0x6BF0];
	_ =	sdelay $0x4  }
0x134: {  	[tilespmem:v2+s29+$0xA400] =	vst.idx.msk $0xffff, v1  }
0x135: {  	v2 =	vadd.s32 $0x40, v0;
	v1 =	vld [tilespmem:s30+$0x6C00];
	_ =	sdelay $0x4  }
0x136: {  	[tilespmem:v2+s29+$0xA400] =	vst.idx.msk $0xffff, v1  }
0x137: {  	v2 =	vadd.s32 $0x8C0, v0;
	v1 =	vld [tilespmem:s30+$0x6C10];
	_ =	sdelay $0x4  }
0x138: {  	[tilespmem:v2+s29+$0xA400] =	vst.idx.msk $0xffff, v1  }
0x139: {  	v2 =	vadd.s32 $0x41, v0;
	v1 =	vld [tilespmem:s30+$0x6C20];
	_ =	sdelay $0x4  }
0x13a: {  	[tilespmem:v2+s29+$0xA400] =	vst.idx.msk $0xffff, v1  }
0x13b: {  	v2 =	vadd.s32 $0x8C1, v0;
	v1 =	vld [tilespmem:s30+$0x6C30];
	_ =	sdelay $0x4  }
0x13c: {  	[tilespmem:v2+s29+$0xA400] =	vst.idx.msk $0xffff, v1  }
0x13d: {  	v2 =	vadd.s32 $0x42, v0;
	v1 =	vld [tilespmem:s30+$0x6C40];
	_ =	sdelay $0x4  }
0x13e: {  	[tilespmem:v2+s29+$0xA400] =	vst.idx.msk $0xffff, v1  }
0x13f: {  	v2 =	vadd.s32 $0x8C2, v0;
	v1 =	vld [tilespmem:s30+$0x6C50];
	_ =	sdelay $0x4  }
0x140: {  	[tilespmem:v2+s29+$0xA400] =	vst.idx.msk $0xffff, v1  }
0x141: {  	v2 =	vadd.s32 $0x43, v0;
	v1 =	vld [tilespmem:s30+$0x6C60];
	_ =	sdelay $0x4  }
0x142: {  	[tilespmem:v2+s29+$0xA400] =	vst.idx.msk $0xffff, v1  }
0x143: {  	v2 =	vadd.s32 $0x8C3, v0;
	v1 =	vld [tilespmem:s30+$0x6C70];
	_ =	sdelay $0x4  }
0x144: {  	[tilespmem:v2+s29+$0xA400] =	vst.idx.msk $0xffff, v1  }
0x145: {  	v2 =	vadd.s32 $0x44, v0;
	v1 =	vld [tilespmem:s30+$0x6C80];
	_ =	sdelay $0x4  }
0x146: {  	[tilespmem:v2+s29+$0xA400] =	vst.idx.msk $0xffff, v1  }
0x147: {  	v2 =	vadd.s32 $0x8C4, v0;
	v1 =	vld [tilespmem:s30+$0x6C90];
	_ =	sdelay $0x4  }
0x148: {  	[tilespmem:v2+s29+$0xA400] =	vst.idx.msk $0xffff, v1  }
0x149: {  	v2 =	vadd.s32 $0x45, v0;
	v1 =	vld [tilespmem:s30+$0x6CA0];
	_ =	sdelay $0x4  }
0x14a: {  	[tilespmem:v2+s29+$0xA400] =	vst.idx.msk $0xffff, v1  }
0x14b: {  	v2 =	vadd.s32 $0x8C5, v0;
	v1 =	vld [tilespmem:s30+$0x6CB0];
	_ =	sdelay $0x4  }
0x14c: {  	[tilespmem:v2+s29+$0xA400] =	vst.idx.msk $0xffff, v1  }
0x14d: {  	v2 =	vadd.s32 $0x46, v0;
	v1 =	vld [tilespmem:s30+$0x6CC0];
	_ =	sdelay $0x4  }
0x14e: {  	[tilespmem:v2+s29+$0xA400] =	vst.idx.msk $0xffff, v1  }
0x14f: {  	v2 =	vadd.s32 $0x8C6, v0;
	v1 =	vld [tilespmem:s30+$0x6CD0];
	_ =	sdelay $0x4  }
0x150: {  	[tilespmem:v2+s29+$0xA400] =	vst.idx.msk $0xffff, v1  }
0x151: {  	v2 =	vadd.s32 $0x47, v0;
	v1 =	vld [tilespmem:s30+$0x6CE0];
	_ =	sdelay $0x4  }
0x152: {  	[tilespmem:v2+s29+$0xA400] =	vst.idx.msk $0xffff, v1  }
0x153: {  	v2 =	vadd.s32 $0x8C7, v0;
	v1 =	vld [tilespmem:s30+$0x6CF0];
	_ =	sdelay $0x4  }
0x154: {  	[tilespmem:v2+s29+$0xA400] =	vst.idx.msk $0xffff, v1  }
0x155: {  	v2 =	vadd.s32 $0x48, v0;
	v1 =	vld [tilespmem:s30+$0x6D00];
	_ =	sdelay $0x4  }
0x156: {  	[tilespmem:v2+s29+$0xA400] =	vst.idx.msk $0xffff, v1  }
0x157: {  	v2 =	vadd.s32 $0x8C8, v0;
	v1 =	vld [tilespmem:s30+$0x6D10];
	_ =	sdelay $0x4  }
0x158: {  	[tilespmem:v2+s29+$0xA400] =	vst.idx.msk $0xffff, v1  }
0x159: {  	v2 =	vadd.s32 $0x49, v0;
	v1 =	vld [tilespmem:s30+$0x6D20];
	_ =	sdelay $0x4  }
0x15a: {  	[tilespmem:v2+s29+$0xA400] =	vst.idx.msk $0xffff, v1  }
0x15b: {  	v2 =	vadd.s32 $0x8C9, v0;
	v1 =	vld [tilespmem:s30+$0x6D30];
	_ =	sdelay $0x4  }
0x15c: {  	[tilespmem:v2+s29+$0xA400] =	vst.idx.msk $0xffff, v1  }
0x15d: {  	v2 =	vadd.s32 $0x4A, v0;
	v1 =	vld [tilespmem:s30+$0x6D40];
	_ =	sdelay $0x4  }
0x15e: {  	[tilespmem:v2+s29+$0xA400] =	vst.idx.msk $0xffff, v1  }
0x15f: {  	v2 =	vadd.s32 $0x8CA, v0;
	v1 =	vld [tilespmem:s30+$0x6D50];
	_ =	sdelay $0x4  }
0x160: {  	[tilespmem:v2+s29+$0xA400] =	vst.idx.msk $0xffff, v1  }
0x161: {  	v2 =	vadd.s32 $0x4B, v0;
	v1 =	vld [tilespmem:s30+$0x6D60];
	_ =	sdelay $0x4  }
0x162: {  	[tilespmem:v2+s29+$0xA400] =	vst.idx.msk $0xffff, v1  }
0x163: {  	v2 =	vadd.s32 $0x8CB, v0;
	v1 =	vld [tilespmem:s30+$0x6D70];
	_ =	sdelay $0x4  }
0x164: {  	[tilespmem:v2+s29+$0xA400] =	vst.idx.msk $0xffff, v1  }
0x165: {  	v2 =	vadd.s32 $0x4C, v0;
	v1 =	vld [tilespmem:s30+$0x6D80];
	_ =	sdelay $0x4  }
0x166: {  	[tilespmem:v2+s29+$0xA400] =	vst.idx.msk $0xffff, v1  }
0x167: {  	v2 =	vadd.s32 $0x8CC, v0;
	v1 =	vld [tilespmem:s30+$0x6D90];
	_ =	sdelay $0x4  }
0x168: {  	[tilespmem:v2+s29+$0xA400] =	vst.idx.msk $0xffff, v1  }
0x169: {  	v2 =	vadd.s32 $0x4D, v0;
	v1 =	vld [tilespmem:s30+$0x6DA0];
	_ =	sdelay $0x4  }
0x16a: {  	[tilespmem:v2+s29+$0xA400] =	vst.idx.msk $0xffff, v1  }
0x16b: {  	v2 =	vadd.s32 $0x8CD, v0;
	v1 =	vld [tilespmem:s30+$0x6DB0];
	_ =	sdelay $0x4  }
0x16c: {  	[tilespmem:v2+s29+$0xA400] =	vst.idx.msk $0xffff, v1  }
0x16d: {  	v2 =	vadd.s32 $0x4E, v0;
	v1 =	vld [tilespmem:s30+$0x6DC0];
	_ =	sdelay $0x4  }
0x16e: {  	[tilespmem:v2+s29+$0xA400] =	vst.idx.msk $0xffff, v1  }
0x16f: {  	v2 =	vadd.s32 $0x8CE, v0;
	v1 =	vld [tilespmem:s30+$0x6DD0];
	_ =	sdelay $0x4  }
0x170: {  	[tilespmem:v2+s29+$0xA400] =	vst.idx.msk $0xffff, v1  }
0x171: {  	v2 =	vadd.s32 $0x4F, v0;
	v1 =	vld [tilespmem:s30+$0x6DE0];
	_ =	sdelay $0x4  }
0x172: {  	[tilespmem:v2+s29+$0xA400] =	vst.idx.msk $0xffff, v1  }
0x173: {  	v2 =	vadd.s32 $0x8CF, v0;
	v1 =	vld [tilespmem:s30+$0x6DF0];
	_ =	sdelay $0x4  }
0x174: {  	[tilespmem:v2+s29+$0xA400] =	vst.idx.msk $0xffff, v1  }
0x175: {  	v2 =	vadd.s32 $0x50, v0;
	v1 =	vld [tilespmem:s30+$0x6E00];
	_ =	sdelay $0x4  }
0x176: {  	[tilespmem:v2+s29+$0xA400] =	vst.idx.msk $0xffff, v1  }
0x177: {  	v2 =	vadd.s32 $0x8D0, v0;
	v1 =	vld [tilespmem:s30+$0x6E10];
	_ =	sdelay $0x4  }
0x178: {  	[tilespmem:v2+s29+$0xA400] =	vst.idx.msk $0xffff, v1  }
0x179: {  	v2 =	vadd.s32 $0x51, v0;
	v1 =	vld [tilespmem:s30+$0x6E20];
	_ =	sdelay $0x4  }
0x17a: {  	[tilespmem:v2+s29+$0xA400] =	vst.idx.msk $0xffff, v1  }
0x17b: {  	v2 =	vadd.s32 $0x8D1, v0;
	v1 =	vld [tilespmem:s30+$0x6E30];
	_ =	sdelay $0x4  }
0x17c: {  	[tilespmem:v2+s29+$0xA400] =	vst.idx.msk $0xffff, v1  }
0x17d: {  	v2 =	vadd.s32 $0x52, v0;
	v1 =	vld [tilespmem:s30+$0x6E40];
	_ =	sdelay $0x4  }
0x17e: {  	[tilespmem:v2+s29+$0xA400] =	vst.idx.msk $0xffff, v1  }
0x17f: {  	v2 =	vadd.s32 $0x8D2, v0;
	v1 =	vld [tilespmem:s30+$0x6E50];
	_ =	sdelay $0x4  }
0x180: {  	[tilespmem:v2+s29+$0xA400] =	vst.idx.msk $0xffff, v1  }
0x181: {  	v2 =	vadd.s32 $0x53, v0;
	v1 =	vld [tilespmem:s30+$0x6E60];
	_ =	sdelay $0x4  }
0x182: {  	[tilespmem:v2+s29+$0xA400] =	vst.idx.msk $0xffff, v1  }
0x183: {  	v2 =	vadd.s32 $0x8D3, v0;
	v1 =	vld [tilespmem:s30+$0x6E70];
	_ =	sdelay $0x4  }
0x184: {  	[tilespmem:v2+s29+$0xA400] =	vst.idx.msk $0xffff, v1  }
0x185: {  	v2 =	vadd.s32 $0x54, v0;
	v1 =	vld [tilespmem:s30+$0x6E80];
	_ =	sdelay $0x4  }
0x186: {  	[tilespmem:v2+s29+$0xA400] =	vst.idx.msk $0xffff, v1  }
0x187: {  	v2 =	vadd.s32 $0x8D4, v0;
	v1 =	vld [tilespmem:s30+$0x6E90];
	_ =	sdelay $0x4  }
0x188: {  	[tilespmem:v2+s29+$0xA400] =	vst.idx.msk $0xffff, v1  }
0x189: {  	v2 =	vadd.s32 $0x55, v0;
	v1 =	vld [tilespmem:s30+$0x6EA0];
	_ =	sdelay $0x4  }
0x18a: {  	[tilespmem:v2+s29+$0xA400] =	vst.idx.msk $0xffff, v1  }
0x18b: {  	v2 =	vadd.s32 $0x8D5, v0;
	v1 =	vld [tilespmem:s30+$0x6EB0];
	_ =	sdelay $0x4  }
0x18c: {  	[tilespmem:v2+s29+$0xA400] =	vst.idx.msk $0xffff, v1  }
0x18d: {  	v2 =	vadd.s32 $0x56, v0;
	v1 =	vld [tilespmem:s30+$0x6EC0];
	_ =	sdelay $0x4  }
0x18e: {  	[tilespmem:v2+s29+$0xA400] =	vst.idx.msk $0xffff, v1  }
0x18f: {  	v2 =	vadd.s32 $0x8D6, v0;
	v1 =	vld [tilespmem:s30+$0x6ED0];
	_ =	sdelay $0x4  }
0x190: {  	[tilespmem:v2+s29+$0xA400] =	vst.idx.msk $0xffff, v1  }
0x191: {  	v2 =	vadd.s32 $0x57, v0;
	v1 =	vld [tilespmem:s30+$0x6EE0];
	_ =	sdelay $0x4  }
0x192: {  	[tilespmem:v2+s29+$0xA400] =	vst.idx.msk $0xffff, v1  }
0x193: {  	v2 =	vadd.s32 $0x8D7, v0;
	v1 =	vld [tilespmem:s30+$0x6EF0];
	_ =	sdelay $0x4  }
0x194: {  	[tilespmem:v2+s29+$0xA400] =	vst.idx.msk $0xffff, v1  }
0x195: {  	v2 =	vadd.s32 $0x58, v0;
	v1 =	vld [tilespmem:s30+$0x6F00];
	_ =	sdelay $0x4  }
0x196: {  	[tilespmem:v2+s29+$0xA400] =	vst.idx.msk $0xffff, v1  }
0x197: {  	v2 =	vadd.s32 $0x8D8, v0;
	v1 =	vld [tilespmem:s30+$0x6F10];
	_ =	sdelay $0x4  }
0x198: {  	[tilespmem:v2+s29+$0xA400] =	vst.idx.msk $0xffff, v1  }
0x199: {  	v2 =	vadd.s32 $0x59, v0;
	v1 =	vld [tilespmem:s30+$0x6F20];
	_ =	sdelay $0x4  }
0x19a: {  	[tilespmem:v2+s29+$0xA400] =	vst.idx.msk $0xffff, v1  }
0x19b: {  	v2 =	vadd.s32 $0x8D9, v0;
	v1 =	vld [tilespmem:s30+$0x6F30];
	_ =	sdelay $0x4  }
0x19c: {  	[tilespmem:v2+s29+$0xA400] =	vst.idx.msk $0xffff, v1  }
0x19d: {  	v2 =	vadd.s32 $0x5A, v0;
	v1 =	vld [tilespmem:s30+$0x6F40];
	_ =	sdelay $0x4  }
0x19e: {  	[tilespmem:v2+s29+$0xA400] =	vst.idx.msk $0xffff, v1  }
0x19f: {  	v2 =	vadd.s32 $0x8DA, v0;
	v1 =	vld [tilespmem:s30+$0x6F50];
	_ =	sdelay $0x4  }
0x1a0: {  	[tilespmem:v2+s29+$0xA400] =	vst.idx.msk $0xffff, v1  }
0x1a1: {  	v2 =	vadd.s32 $0x5B, v0;
	v1 =	vld [tilespmem:s30+$0x6F60];
	_ =	sdelay $0x4  }
0x1a2: {  	[tilespmem:v2+s29+$0xA400] =	vst.idx.msk $0xffff, v1  }
0x1a3: {  	v2 =	vadd.s32 $0x8DB, v0;
	v1 =	vld [tilespmem:s30+$0x6F70];
	_ =	sdelay $0x4  }
0x1a4: {  	[tilespmem:v2+s29+$0xA400] =	vst.idx.msk $0xffff, v1  }
0x1a5: {  	v2 =	vadd.s32 $0x5C, v0;
	v1 =	vld [tilespmem:s30+$0x6F80];
	_ =	sdelay $0x4  }
0x1a6: {  	[tilespmem:v2+s29+$0xA400] =	vst.idx.msk $0xffff, v1  }
0x1a7: {  	v2 =	vadd.s32 $0x8DC, v0;
	v1 =	vld [tilespmem:s30+$0x6F90];
	_ =	sdelay $0x4  }
0x1a8: {  	[tilespmem:v2+s29+$0xA400] =	vst.idx.msk $0xffff, v1  }
0x1a9: {  	v2 =	vadd.s32 $0x5D, v0;
	v1 =	vld [tilespmem:s30+$0x6FA0];
	_ =	sdelay $0x4  }
0x1aa: {  	[tilespmem:v2+s29+$0xA400] =	vst.idx.msk $0xffff, v1  }
0x1ab: {  	v2 =	vadd.s32 $0x8DD, v0;
	v1 =	vld [tilespmem:s30+$0x6FB0];
	_ =	sdelay $0x4  }
0x1ac: {  	[tilespmem:v2+s29+$0xA400] =	vst.idx.msk $0xffff, v1  }
0x1ad: {  	v2 =	vadd.s32 $0x5E, v0;
	v1 =	vld [tilespmem:s30+$0x6FC0];
	_ =	sdelay $0x4  }
0x1ae: {  	[tilespmem:v2+s29+$0xA400] =	vst.idx.msk $0xffff, v1  }
0x1af: {  	v2 =	vadd.s32 $0x8DE, v0;
	v1 =	vld [tilespmem:s30+$0x6FD0];
	_ =	sdelay $0x4  }
0x1b0: {  	[tilespmem:v2+s29+$0xA400] =	vst.idx.msk $0xffff, v1  }
0x1b1: {  	v2 =	vadd.s32 $0x5F, v0;
	v1 =	vld [tilespmem:s30+$0x6FE0];
	_ =	sdelay $0x4  }
0x1b2: {  	[tilespmem:v2+s29+$0xA400] =	vst.idx.msk $0xffff, v1  }
0x1b3: {  	v2 =	vadd.s32 $0x8DF, v0;
	v1 =	vld [tilespmem:s30+$0x6FF0];
	_ =	sdelay $0x4  }
0x1b4: {  	[tilespmem:v2+s29+$0xA400] =	vst.idx.msk $0xffff, v1  }
0x1b5: {  	v2 =	vadd.s32 $0x60, v0;
	v1 =	vld [tilespmem:s30+$0x7000];
	_ =	sdelay $0x4  }
0x1b6: {  	[tilespmem:v2+s29+$0xA400] =	vst.idx.msk $0xffff, v1  }
0x1b7: {  	v2 =	vadd.s32 $0x8E0, v0;
	v1 =	vld [tilespmem:s30+$0x7010];
	_ =	sdelay $0x4  }
0x1b8: {  	[tilespmem:v2+s29+$0xA400] =	vst.idx.msk $0xffff, v1  }
0x1b9: {  	v2 =	vadd.s32 $0x61, v0;
	v1 =	vld [tilespmem:s30+$0x7020];
	_ =	sdelay $0x4  }
0x1ba: {  	[tilespmem:v2+s29+$0xA400] =	vst.idx.msk $0xffff, v1  }
0x1bb: {  	v2 =	vadd.s32 $0x8E1, v0;
	v1 =	vld [tilespmem:s30+$0x7030];
	_ =	sdelay $0x4  }
0x1bc: {  	[tilespmem:v2+s29+$0xA400] =	vst.idx.msk $0xffff, v1  }
0x1bd: {  	v2 =	vadd.s32 $0x62, v0;
	v1 =	vld [tilespmem:s30+$0x7040];
	_ =	sdelay $0x4  }
0x1be: {  	[tilespmem:v2+s29+$0xA400] =	vst.idx.msk $0xffff, v1  }
0x1bf: {  	v2 =	vadd.s32 $0x8E2, v0;
	v1 =	vld [tilespmem:s30+$0x7050];
	_ =	sdelay $0x4  }
0x1c0: {  	[tilespmem:v2+s29+$0xA400] =	vst.idx.msk $0xffff, v1  }
0x1c1: {  	v2 =	vadd.s32 $0x63, v0;
	v1 =	vld [tilespmem:s30+$0x7060];
	_ =	sdelay $0x4  }
0x1c2: {  	[tilespmem:v2+s29+$0xA400] =	vst.idx.msk $0xffff, v1  }
0x1c3: {  	v2 =	vadd.s32 $0x8E3, v0;
	v1 =	vld [tilespmem:s30+$0x7070];
	_ =	sdelay $0x4  }
0x1c4: {  	[tilespmem:v2+s29+$0xA400] =	vst.idx.msk $0xffff, v1  }
0x1c5: {  	v2 =	vadd.s32 $0x64, v0;
	v1 =	vld [tilespmem:s30+$0x7080];
	_ =	sdelay $0x4  }
0x1c6: {  	[tilespmem:v2+s29+$0xA400] =	vst.idx.msk $0xffff, v1  }
0x1c7: {  	v2 =	vadd.s32 $0x8E4, v0;
	v1 =	vld [tilespmem:s30+$0x7090];
	_ =	sdelay $0x4  }
0x1c8: {  	[tilespmem:v2+s29+$0xA400] =	vst.idx.msk $0xffff, v1  }
0x1c9: {  	v2 =	vadd.s32 $0x65, v0;
	v1 =	vld [tilespmem:s30+$0x70A0];
	_ =	sdelay $0x4  }
0x1ca: {  	[tilespmem:v2+s29+$0xA400] =	vst.idx.msk $0xffff, v1  }
0x1cb: {  	v2 =	vadd.s32 $0x8E5, v0;
	v1 =	vld [tilespmem:s30+$0x70B0];
	_ =	sdelay $0x4  }
0x1cc: {  	[tilespmem:v2+s29+$0xA400] =	vst.idx.msk $0xffff, v1  }
0x1cd: {  	v2 =	vadd.s32 $0x66, v0;
	v1 =	vld [tilespmem:s30+$0x70C0];
	_ =	sdelay $0x4  }
0x1ce: {  	[tilespmem:v2+s29+$0xA400] =	vst.idx.msk $0xffff, v1  }
0x1cf: {  	v2 =	vadd.s32 $0x8E6, v0;
	v1 =	vld [tilespmem:s30+$0x70D0];
	_ =	sdelay $0x4  }
0x1d0: {  	[tilespmem:v2+s29+$0xA400] =	vst.idx.msk $0xffff, v1  }
0x1d1: {  	v2 =	vadd.s32 $0x67, v0;
	v1 =	vld [tilespmem:s30+$0x70E0];
	_ =	sdelay $0x4  }
0x1d2: {  	[tilespmem:v2+s29+$0xA400] =	vst.idx.msk $0xffff, v1  }
0x1d3: {  	v2 =	vadd.s32 $0x8E7, v0;
	v1 =	vld [tilespmem:s30+$0x70F0];
	_ =	sdelay $0x4  }
0x1d4: {  	[tilespmem:v2+s29+$0xA400] =	vst.idx.msk $0xffff, v1  }
0x1d5: {  	v2 =	vadd.s32 $0x68, v0;
	v1 =	vld [tilespmem:s30+$0x7100];
	_ =	sdelay $0x4  }
0x1d6: {  	[tilespmem:v2+s29+$0xA400] =	vst.idx.msk $0xffff, v1  }
0x1d7: {  	v2 =	vadd.s32 $0x8E8, v0;
	v1 =	vld [tilespmem:s30+$0x7110];
	_ =	sdelay $0x4  }
0x1d8: {  	[tilespmem:v2+s29+$0xA400] =	vst.idx.msk $0xffff, v1  }
0x1d9: {  	v2 =	vadd.s32 $0x69, v0;
	v1 =	vld [tilespmem:s30+$0x7120];
	_ =	sdelay $0x4  }
0x1da: {  	[tilespmem:v2+s29+$0xA400] =	vst.idx.msk $0xffff, v1  }
0x1db: {  	v2 =	vadd.s32 $0x8E9, v0;
	v1 =	vld [tilespmem:s30+$0x7130];
	_ =	sdelay $0x4  }
0x1dc: {  	[tilespmem:v2+s29+$0xA400] =	vst.idx.msk $0xffff, v1  }
0x1dd: {  	v2 =	vadd.s32 $0x6A, v0;
	v1 =	vld [tilespmem:s30+$0x7140];
	_ =	sdelay $0x4  }
0x1de: {  	[tilespmem:v2+s29+$0xA400] =	vst.idx.msk $0xffff, v1  }
0x1df: {  	v2 =	vadd.s32 $0x8EA, v0;
	v1 =	vld [tilespmem:s30+$0x7150];
	_ =	sdelay $0x4  }
0x1e0: {  	[tilespmem:v2+s29+$0xA400] =	vst.idx.msk $0xffff, v1  }
0x1e1: {  	v2 =	vadd.s32 $0x6B, v0;
	v1 =	vld [tilespmem:s30+$0x7160];
	_ =	sdelay $0x4  }
0x1e2: {  	[tilespmem:v2+s29+$0xA400] =	vst.idx.msk $0xffff, v1  }
0x1e3: {  	v2 =	vadd.s32 $0x8EB, v0;
	v1 =	vld [tilespmem:s30+$0x7170];
	_ =	sdelay $0x4  }
0x1e4: {  	[tilespmem:v2+s29+$0xA400] =	vst.idx.msk $0xffff, v1  }
0x1e5: {  	v2 =	vadd.s32 $0x6C, v0;
	v1 =	vld [tilespmem:s30+$0x7180];
	_ =	sdelay $0x4  }
0x1e6: {  	[tilespmem:v2+s29+$0xA400] =	vst.idx.msk $0xffff, v1  }
0x1e7: {  	v2 =	vadd.s32 $0x8EC, v0;
	v1 =	vld [tilespmem:s30+$0x7190];
	_ =	sdelay $0x4  }
0x1e8: {  	[tilespmem:v2+s29+$0xA400] =	vst.idx.msk $0xffff, v1  }
0x1e9: {  	v2 =	vadd.s32 $0x6D, v0;
	v1 =	vld [tilespmem:s30+$0x71A0];
	_ =	sdelay $0x4  }
0x1ea: {  	[tilespmem:v2+s29+$0xA400] =	vst.idx.msk $0xffff, v1  }
0x1eb: {  	v2 =	vadd.s32 $0x8ED, v0;
	v1 =	vld [tilespmem:s30+$0x71B0];
	_ =	sdelay $0x4  }
0x1ec: {  	[tilespmem:v2+s29+$0xA400] =	vst.idx.msk $0xffff, v1  }
0x1ed: {  	v2 =	vadd.s32 $0x6E, v0;
	v1 =	vld [tilespmem:s30+$0x71C0];
	_ =	sdelay $0x4  }
0x1ee: {  	[tilespmem:v2+s29+$0xA400] =	vst.idx.msk $0xffff, v1  }
0x1ef: {  	v2 =	vadd.s32 $0x8EE, v0;
	v1 =	vld [tilespmem:s30+$0x71D0];
	_ =	sdelay $0x4  }
0x1f0: {  	[tilespmem:v2+s29+$0xA400] =	vst.idx.msk $0xffff, v1  }
0x1f1: {  	v2 =	vadd.s32 $0x6F, v0;
	v1 =	vld [tilespmem:s30+$0x71E0];
	_ =	sdelay $0x4  }
0x1f2: {  	[tilespmem:v2+s29+$0xA400] =	vst.idx.msk $0xffff, v1  }
0x1f3: {  	v2 =	vadd.s32 $0x8EF, v0;
	v1 =	vld [tilespmem:s30+$0x71F0];
	_ =	sdelay $0x4  }
0x1f4: {  	[tilespmem:v2+s29+$0xA400] =	vst.idx.msk $0xffff, v1  }
0x1f5: {  	v2 =	vadd.s32 $0x70, v0;
	v1 =	vld [tilespmem:s30+$0x7200];
	_ =	sdelay $0x4  }
0x1f6: {  	[tilespmem:v2+s29+$0xA400] =	vst.idx.msk $0xffff, v1  }
0x1f7: {  	v2 =	vadd.s32 $0x8F0, v0;
	v1 =	vld [tilespmem:s30+$0x7210];
	_ =	sdelay $0x4  }
0x1f8: {  	[tilespmem:v2+s29+$0xA400] =	vst.idx.msk $0xffff, v1  }
0x1f9: {  	v2 =	vadd.s32 $0x71, v0;
	v1 =	vld [tilespmem:s30+$0x7220];
	_ =	sdelay $0x4  }
0x1fa: {  	[tilespmem:v2+s29+$0xA400] =	vst.idx.msk $0xffff, v1  }
0x1fb: {  	v2 =	vadd.s32 $0x8F1, v0;
	v1 =	vld [tilespmem:s30+$0x7230];
	_ =	sdelay $0x4  }
0x1fc: {  	[tilespmem:v2+s29+$0xA400] =	vst.idx.msk $0xffff, v1  }
0x1fd: {  	v2 =	vadd.s32 $0x72, v0;
	v1 =	vld [tilespmem:s30+$0x7240];
	_ =	sdelay $0x4  }
0x1fe: {  	[tilespmem:v2+s29+$0xA400] =	vst.idx.msk $0xffff, v1  }
0x1ff: {  	v2 =	vadd.s32 $0x8F2, v0;
	v1 =	vld [tilespmem:s30+$0x7250];
	_ =	sdelay $0x4  }
0x200: {  	[tilespmem:v2+s29+$0xA400] =	vst.idx.msk $0xffff, v1  }
0x201: {  	v2 =	vadd.s32 $0x73, v0;
	v1 =	vld [tilespmem:s30+$0x7260];
	_ =	sdelay $0x4  }
0x202: {  	[tilespmem:v2+s29+$0xA400] =	vst.idx.msk $0xffff, v1  }
0x203: {  	v2 =	vadd.s32 $0x8F3, v0;
	v1 =	vld [tilespmem:s30+$0x7270];
	_ =	sdelay $0x4  }
0x204: {  	[tilespmem:v2+s29+$0xA400] =	vst.idx.msk $0xffff, v1  }
0x205: {  	v2 =	vadd.s32 $0x74, v0;
	v1 =	vld [tilespmem:s30+$0x7280];
	_ =	sdelay $0x4  }
0x206: {  	[tilespmem:v2+s29+$0xA400] =	vst.idx.msk $0xffff, v1  }
0x207: {  	v2 =	vadd.s32 $0x8F4, v0;
	v1 =	vld [tilespmem:s30+$0x7290];
	_ =	sdelay $0x4  }
0x208: {  	[tilespmem:v2+s29+$0xA400] =	vst.idx.msk $0xffff, v1  }
0x209: {  	v2 =	vadd.s32 $0x75, v0;
	v1 =	vld [tilespmem:s30+$0x72A0];
	_ =	sdelay $0x4  }
0x20a: {  	[tilespmem:v2+s29+$0xA400] =	vst.idx.msk $0xffff, v1  }
0x20b: {  	v2 =	vadd.s32 $0x8F5, v0;
	v1 =	vld [tilespmem:s30+$0x72B0];
	_ =	sdelay $0x4  }
0x20c: {  	[tilespmem:v2+s29+$0xA400] =	vst.idx.msk $0xffff, v1  }
0x20d: {  	v2 =	vadd.s32 $0x76, v0;
	v1 =	vld [tilespmem:s30+$0x72C0];
	_ =	sdelay $0x4  }
0x20e: {  	[tilespmem:v2+s29+$0xA400] =	vst.idx.msk $0xffff, v1  }
0x20f: {  	v2 =	vadd.s32 $0x8F6, v0;
	v1 =	vld [tilespmem:s30+$0x72D0];
	_ =	sdelay $0x4  }
0x210: {  	[tilespmem:v2+s29+$0xA400] =	vst.idx.msk $0xffff, v1  }
0x211: {  	v2 =	vadd.s32 $0x77, v0;
	v1 =	vld [tilespmem:s30+$0x72E0];
	_ =	sdelay $0x4  }
0x212: {  	[tilespmem:v2+s29+$0xA400] =	vst.idx.msk $0xffff, v1  }
0x213: {  	v2 =	vadd.s32 $0x8F7, v0;
	v1 =	vld [tilespmem:s30+$0x72F0];
	_ =	sdelay $0x4  }
0x214: {  	[tilespmem:v2+s29+$0xA400] =	vst.idx.msk $0xffff, v1  }
0x215: {  	v2 =	vadd.s32 $0x78, v0;
	v1 =	vld [tilespmem:s30+$0x7300];
	_ =	sdelay $0x4  }
0x216: {  	[tilespmem:v2+s29+$0xA400] =	vst.idx.msk $0xffff, v1  }
0x217: {  	v2 =	vadd.s32 $0x8F8, v0;
	v1 =	vld [tilespmem:s30+$0x7310];
	_ =	sdelay $0x4  }
0x218: {  	[tilespmem:v2+s29+$0xA400] =	vst.idx.msk $0xffff, v1  }
0x219: {  	v2 =	vadd.s32 $0x79, v0;
	v1 =	vld [tilespmem:s30+$0x7320];
	_ =	sdelay $0x4  }
0x21a: {  	[tilespmem:v2+s29+$0xA400] =	vst.idx.msk $0xffff, v1  }
0x21b: {  	v2 =	vadd.s32 $0x8F9, v0;
	v1 =	vld [tilespmem:s30+$0x7330];
	_ =	sdelay $0x4  }
0x21c: {  	[tilespmem:v2+s29+$0xA400] =	vst.idx.msk $0xffff, v1  }
0x21d: {  	v2 =	vadd.s32 $0x7A, v0;
	v1 =	vld [tilespmem:s30+$0x7340];
	_ =	sdelay $0x4  }
0x21e: {  	[tilespmem:v2+s29+$0xA400] =	vst.idx.msk $0xffff, v1  }
0x21f: {  	v2 =	vadd.s32 $0x8FA, v0;
	v1 =	vld [tilespmem:s30+$0x7350];
	_ =	sdelay $0x4  }
0x220: {  	[tilespmem:v2+s29+$0xA400] =	vst.idx.msk $0xffff, v1  }
0x221: {  	v2 =	vadd.s32 $0x7B, v0;
	v1 =	vld [tilespmem:s30+$0x7360];
	_ =	sdelay $0x4  }
0x222: {  	[tilespmem:v2+s29+$0xA400] =	vst.idx.msk $0xffff, v1  }
0x223: {  	v2 =	vadd.s32 $0x8FB, v0;
	v1 =	vld [tilespmem:s30+$0x7370];
	_ =	sdelay $0x4  }
0x224: {  	[tilespmem:v2+s29+$0xA400] =	vst.idx.msk $0xffff, v1  }
0x225: {  	v2 =	vadd.s32 $0x7C, v0;
	v1 =	vld [tilespmem:s30+$0x7380];
	_ =	sdelay $0x4  }
0x226: {  	[tilespmem:v2+s29+$0xA400] =	vst.idx.msk $0xffff, v1  }
0x227: {  	v2 =	vadd.s32 $0x8FC, v0;
	v1 =	vld [tilespmem:s30+$0x7390];
	_ =	sdelay $0x4  }
0x228: {  	[tilespmem:v2+s29+$0xA400] =	vst.idx.msk $0xffff, v1  }
0x229: {  	v2 =	vadd.s32 $0x7D, v0;
	v1 =	vld [tilespmem:s30+$0x73A0];
	_ =	sdelay $0x4  }
0x22a: {  	[tilespmem:v2+s29+$0xA400] =	vst.idx.msk $0xffff, v1  }
0x22b: {  	v2 =	vadd.s32 $0x8FD, v0;
	v1 =	vld [tilespmem:s30+$0x73B0];
	_ =	sdelay $0x4  }
0x22c: {  	[tilespmem:v2+s29+$0xA400] =	vst.idx.msk $0xffff, v1  }
0x22d: {  	v2 =	vadd.s32 $0x7E, v0;
	v1 =	vld [tilespmem:s30+$0x73C0];
	_ =	sdelay $0x4  }
0x22e: {  	[tilespmem:v2+s29+$0xA400] =	vst.idx.msk $0xffff, v1  }
0x22f: {  	v2 =	vadd.s32 $0x8FE, v0;
	v1 =	vld [tilespmem:s30+$0x73D0];
	_ =	sdelay $0x4  }
0x230: {  	[tilespmem:v2+s29+$0xA400] =	vst.idx.msk $0xffff, v1  }
0x231: {  	v2 =	vadd.s32 $0x7F, v0;
	v1 =	vld [tilespmem:s30+$0x73E0];
	_ =	sdelay $0x4  }
0x232: {  	[tilespmem:v2+s29+$0xA400] =	vst.idx.msk $0xffff, v1  }
0x233: {  	v2 =	vadd.s32 $0x8FF, v0;
	v1 =	vld [tilespmem:s30+$0x73F0];
	_ =	sdelay $0x2  }
0x234: {  	s1 =	sand.u32 $0xFFF0000, s24;
	s31 =	sand.u32 $0x3F80, s25  }
0x235: {  	s30 =	sor.u32 s31, s1  }
0x236: {  	s0 =	sadd.s32 $0xA400, s29;
	s1 =	sadd.s32 s2, s30;
	[tilespmem:v2+s29+$0xA400] =	vst.idx.msk $0xffff, v1  }
0x237: {  	[hbm4b:s1+s3] =	stream.linear.scatter [tilespmem:s0], [sflag:s28], $0x80, $0x38;
	[tilespmem:$0xC600] =	vst v63  }
0x238: {  	s31 =	sadd.s32 $0xA488, s29;
	s0 =	sadd.s32 $0x10, s1  }
0x239: {  	[hbm4b:s0+s3] =	stream.linear.scatter [tilespmem:s31], [sflag:s28], $0x80, $0x38;
	[tilespmem:$0xC600] =	vst v63  }
0x23a: {  	s0 =	sadd.s32 $0xA510, s29;
	s31 =	sadd.s32 $0x20, s1  }
0x23b: {  	[hbm4b:s31+s3] =	stream.linear.scatter [tilespmem:s0], [sflag:s28], $0x80, $0x38;
	[tilespmem:$0xC600] =	vst v63  }
0x23c: {  	s0 =	sadd.s32 $0xA598, s29;
	s31 =	sadd.s32 $0x30, s1  }
0x23d: {  	[hbm4b:s31+s3] =	stream.linear.scatter [tilespmem:s0], [sflag:s28], $0x80, $0x38;
	[tilespmem:$0xC600] =	vst v63  }
0x23e: {  	s0 =	sadd.s32 $0xA620, s29;
	s31 =	sadd.s32 $0x40, s1  }
0x23f: {  	[hbm4b:s31+s3] =	stream.linear.scatter [tilespmem:s0], [sflag:s28], $0x80, $0x38;
	[tilespmem:$0xC600] =	vst v63  }
0x240: {  	s0 =	sadd.s32 $0xA6A8, s29;
	s31 =	sadd.s32 $0x50, s1  }
0x241: {  	[hbm4b:s31+s3] =	stream.linear.scatter [tilespmem:s0], [sflag:s28], $0x80, $0x38;
	[tilespmem:$0xC600] =	vst v63  }
0x242: {  	s0 =	sadd.s32 $0xA730, s29;
	s31 =	sadd.s32 $0x60, s1  }
0x243: {  	[hbm4b:s31+s3] =	stream.linear.scatter [tilespmem:s0], [sflag:s28], $0x80, $0x38;
	[tilespmem:$0xC600] =	vst v63  }
0x244: {  	s1 =	sadd.s32 $0x70, s1;
	s31 =	sadd.s32 $0xA7B8, s29  }
0x245: {  	[hbm4b:s1+s3] =	stream.linear.scatter [tilespmem:s31], [sflag:s28], $0x80, $0x38;
	[tilespmem:$0xC600] =	vst v63  }
0x246: {  	s0 =	sadd.s32 s30, s6;
	s31 =	sadd.s32 $0xA840, s29  }
0x247: {  	[hbm4b:s0+s3] =	stream.linear.scatter [tilespmem:s31], [sflag:s28], $0x80, $0x38;
	[tilespmem:$0xC600] =	vst v63  }
0x248: {  	s1 =	sadd.s32 $0xA8C8, s29;
	s31 =	sadd.s32 $0x10, s0  }
0x249: {  	[hbm4b:s31+s3] =	stream.linear.scatter [tilespmem:s1], [sflag:s28], $0x80, $0x38;
	[tilespmem:$0xC600] =	vst v63  }
0x24a: {  	s1 =	sadd.s32 $0xA950, s29;
	s31 =	sadd.s32 $0x20, s0  }
0x24b: {  	[hbm4b:s31+s3] =	stream.linear.scatter [tilespmem:s1], [sflag:s28], $0x80, $0x38;
	[tilespmem:$0xC600] =	vst v63  }
0x24c: {  	s1 =	sadd.s32 $0xA9D8, s29;
	s31 =	sadd.s32 $0x30, s0  }
0x24d: {  	[hbm4b:s31+s3] =	stream.linear.scatter [tilespmem:s1], [sflag:s28], $0x80, $0x38;
	[tilespmem:$0xC600] =	vst v63  }
0x24e: {  	s1 =	sadd.s32 $0xAA60, s29;
	s31 =	sadd.s32 $0x40, s0  }
0x24f: {  	[hbm4b:s31+s3] =	stream.linear.scatter [tilespmem:s1], [sflag:s28], $0x80, $0x38;
	[tilespmem:$0xC600] =	vst v63  }
0x250: {  	s1 =	sadd.s32 $0xAAE8, s29;
	s31 =	sadd.s32 $0x50, s0  }
0x251: {  	[hbm4b:s31+s3] =	stream.linear.scatter [tilespmem:s1], [sflag:s28], $0x80, $0x38;
	[tilespmem:$0xC600] =	vst v63  }
0x252: {  	s1 =	sadd.s32 $0xAB70, s29;
	s31 =	sadd.s32 $0x60, s0  }
0x253: {  	[hbm4b:s31+s3] =	stream.linear.scatter [tilespmem:s1], [sflag:s28], $0x80, $0x38;
	[tilespmem:$0xC600] =	vst v63  }
0x254: {  	s0 =	sadd.s32 $0x70, s0;
	s31 =	sadd.s32 $0xABF8, s29  }
0x255: {  	[hbm4b:s0+s3] =	stream.linear.scatter [tilespmem:s31], [sflag:s28], $0x80, $0x38;
	[tilespmem:$0xC600] =	vst v63  }
0x256: {  	s0 =	sadd.s32 s30, s7;
	s31 =	sadd.s32 $0xAC80, s29  }
0x257: {  	[hbm4b:s0+s3] =	stream.linear.scatter [tilespmem:s31], [sflag:s28], $0x80, $0x38;
	[tilespmem:$0xC600] =	vst v63  }
0x258: {  	s1 =	sadd.s32 $0xAD08, s29;
	s31 =	sadd.s32 $0x10, s0  }
0x259: {  	[hbm4b:s31+s3] =	stream.linear.scatter [tilespmem:s1], [sflag:s28], $0x80, $0x38;
	[tilespmem:$0xC600] =	vst v63  }
0x25a: {  	s1 =	sadd.s32 $0xAD90, s29;
	s31 =	sadd.s32 $0x20, s0  }
0x25b: {  	[hbm4b:s31+s3] =	stream.linear.scatter [tilespmem:s1], [sflag:s28], $0x80, $0x38;
	[tilespmem:$0xC600] =	vst v63  }
0x25c: {  	s1 =	sadd.s32 $0xAE18, s29;
	s31 =	sadd.s32 $0x30, s0  }
0x25d: {  	[hbm4b:s31+s3] =	stream.linear.scatter [tilespmem:s1], [sflag:s28], $0x80, $0x38;
	[tilespmem:$0xC600] =	vst v63  }
0x25e: {  	s1 =	sadd.s32 $0xAEA0, s29;
	s31 =	sadd.s32 $0x40, s0  }
0x25f: {  	[hbm4b:s31+s3] =	stream.linear.scatter [tilespmem:s1], [sflag:s28], $0x80, $0x38;
	[tilespmem:$0xC600] =	vst v63  }
0x260: {  	s1 =	sadd.s32 $0xAF28, s29;
	s31 =	sadd.s32 $0x50, s0  }
0x261: {  	[hbm4b:s31+s3] =	stream.linear.scatter [tilespmem:s1], [sflag:s28], $0x80, $0x38;
	[tilespmem:$0xC600] =	vst v63  }
0x262: {  	s1 =	sadd.s32 $0xAFB0, s29;
	s31 =	sadd.s32 $0x60, s0  }
0x263: {  	[hbm4b:s31+s3] =	stream.linear.scatter [tilespmem:s1], [sflag:s28], $0x80, $0x38;
	[tilespmem:$0xC600] =	vst v63  }
0x264: {  	s0 =	sadd.s32 $0x70, s0;
	s31 =	sadd.s32 $0xB038, s29  }
0x265: {  	[hbm4b:s0+s3] =	stream.linear.scatter [tilespmem:s31], [sflag:s28], $0x80, $0x38;
	[tilespmem:$0xC600] =	vst v63  }
0x266: {  	s0 =	sadd.s32 s30, s8;
	s30 =	sadd.s32 $0xB0C0, s29  }
0x267: {  	[hbm4b:s0+s3] =	stream.linear.scatter [tilespmem:s30], [sflag:s28], $0x80, $0x38;
	[tilespmem:$0xC600] =	vst v63  }
0x268: {  	s31 =	sadd.s32 $0xB148, s29;
	s30 =	sadd.s32 $0x10, s0  }
0x269: {  	[hbm4b:s30+s3] =	stream.linear.scatter [tilespmem:s31], [sflag:s28], $0x80, $0x38;
	[tilespmem:$0xC600] =	vst v63  }
0x26a: {  	s1 =	sadd.s32 $0xB1D0, s29;
	s31 =	sadd.s32 $0x20, s0  }
0x26b: {  	[hbm4b:s31+s3] =	stream.linear.scatter [tilespmem:s1], [sflag:s28], $0x80, $0x38;
	[tilespmem:$0xC600] =	vst v63  }
0x26c: {  	s1 =	sadd.s32 $0xB258, s29;
	s31 =	sadd.s32 $0x30, s0  }
0x26d: {  	[hbm4b:s31+s3] =	stream.linear.scatter [tilespmem:s1], [sflag:s28], $0x80, $0x38;
	[tilespmem:$0xC600] =	vst v63  }
0x26e: {  	s26 =	sadd.s32 $0x1, s26;
	s1 =	sadd.s32 $0xB2E0, s29;
	s31 =	sadd.s32 $0x40, s0  }
0x26f: {  	[hbm4b:s31+s3] =	stream.linear.scatter [tilespmem:s1], [sflag:s28], $0x80, $0x38;
	[tilespmem:$0xC600] =	vst v63  }
0x270: {  	p0 =	sne.s32 s26, $0xC8;
	s1 =	sadd.s32 $0xB368, s29;
	s31 =	sadd.s32 $0x50, s0  }
0x271: {  	[hbm4b:s31+s3] =	stream.linear.scatter [tilespmem:s1], [sflag:s28], $0x80, $0x38;
	[tilespmem:$0xC600] =	vst v63  }
.Ltmp0:
0x272: {  	s25 =	sadd.s32 $0x80, s25;
	s24 =	sadd.s32 $0x200, s24;
	(pc) =	sbr.rel @p0 .LBB2_2-.Ltmp0, $4  }
0x273: {  	s22 =	sadd.s32 $0x1000, s22;
	s1 =	sadd.s32 $0xB3F0, s29;
	s31 =	sadd.s32 $0x60, s0  }
0x274: {  	[hbm4b:s31+s3] =	stream.linear.scatter [tilespmem:s1], [sflag:s28], $0x80, $0x38;
	[tilespmem:$0xC600] =	vst v63  }
0x275: {  	s23 =	sadd.s32 $0x80, s23;
	s0 =	sadd.s32 $0x70, s0;
	s31 =	sadd.s32 $0xB478, s29  }
0x276: {  	[hbm4b:s0+s3] =	stream.linear.scatter [tilespmem:s31], [sflag:s28], $0x80, $0x38;
	[tilespmem:$0xC600] =	vst v63  }
0x277: {  	_ =	swait.ge [sflag:s19], $0x400  }
0x278: {  	[sflag:s19] =	ssyncset.done $0x0  }
0x279: {  	[sflag:s19] =	ssyncadd.s32 $0xFFFFFC00  }
0x27a: {  	_ =	swait.ge [sflag:s19], $0x400  }
0x27b: {  	[sflag:s19] =	ssyncset.done $0x0  }
0x27c: {  	[sflag:s19] =	ssyncadd.s32 $0xFFFFFC00  }
0x27d: {  	_ =	swait.ge [sflag:s19], $0x400  }
0x27e: {  	[sflag:s19] =	ssyncset.done $0x0  }
0x27f: {  	[sflag:s19] =	ssyncadd.s32 $0xFFFFFC00  }
0x280: {  	_ =	swait.ge [sflag:s19], $0x400  }
0x281: {  	[sflag:s19] =	ssyncset.done $0x0  }
0x282: {  	[sflag:s19] =	ssyncadd.s32 $0xFFFFFC00  }
0x283: {  	_ =	swait.ge [sflag:s20], $0x400  }
0x284: {  	[sflag:s20] =	ssyncset.done $0x0  }
0x285: {  	[sflag:s20] =	ssyncadd.s32 $0xFFFFFC00  }
0x286: {  	_ =	swait.ge [sflag:s20], $0x400  }
0x287: {  	[sflag:s20] =	ssyncset.done $0x0  }
0x288: {  	s21 =	sadd.s32 $0x1, s21;
	[sflag:s20] =	ssyncadd.s32 $0xFFFFFC00  }
0x289: {  	p0 =	sne.s32 s21, s9;
	_ =	swait.ge [sflag:s20], $0x400  }
.Ltmp1:
0x28a: {  	[sflag:s20] =	ssyncset.done $0x0;
	(pc) =	sbr.rel @p0 .LBB2_1-.Ltmp1, $4  }
0x28b: {  	[sflag:s20] =	ssyncadd.s32 $0xFFFFFC00  }
0x28c: {  	_ =	swait.ge [sflag:s20], $0x400  }
0x28d: {  	[sflag:s20] =	ssyncset.done $0x0  }
0x28e: {  	[sflag:s20] =	ssyncadd.s32 $0xFFFFFC00  }
0x28f: {  	_ =	sfence.sel $0x180000  }
0x290: {  	[bflag:$0x0] =	sbarrier.arrive $0xFFFF  }
0x291: {  	_ =	strace $0x90000047  }
0x292: {  	s0 =	stileid.u32;
	[bflag:$0x2] =	sbarrier.arrive $0xFFFF  }
0x293: {  	p0 =	sne.s32 s0, $0x0;
	s0 =	rddreg [dreg:$0x2]  }
0x294: {  	s0 =	sadd.s32 @!p0 $0x100000, s0  }
0x295: {  	[sflag:s0] =	ssyncadd.tile.s32 @!p0 $0x1;
	_ =	shalt  }
.Lfunc_end2:
_tile_overlayer_lowered:
.L_overlay_start_2:
0x296: {  	(tag) =	ssettag $0x2  }
0x297: {  	s0 =	rddreg [dreg:$0x0];
	s2 =	stileid.u32  }
0x298: {  	s1 =	rddreg [dreg:$0x1];
	p0 =	sne.s32 s2, $0x0  }
0x299: {  	s3 =	rddreg [dreg:$0x2];
	[bflag:$0x3] =	sbarrier.arrive $0xFFFF;
	s2 =	simm.s32 @!p0 $0x1C04  }
0x29a: {  	[timem:s3], [sflag:s2] =	dma.local @!p0 [hbm:s0], s1  }
0x29b: {  	s0 =	simm.s32 @!p0 $0x4  }
0x29c: {  	_ =	swait.ge @!p0 [sflag:s0], s1  }
0x29d: {  	s1 =	ssub.s32 @!p0 $0x0, s1;
	[sflag:s0] =	ssyncset.done @!p0 $0x0  }
0x29e: {  	[sflag:s0] =	ssyncadd.s32 @!p0 s1  }
0x29f: {  	[bflag:$0x3] =	sbarrier.arrive $0xFFFF  }
0x2a0: {  	_ =	shalt  }

</sc_bundles>
